<compile_context>
chip_gen: v7x
topology: tpu7x:2x2x1
jax: 0.10.2.dev20260603
libtpu: 0.0.44.dev20260713+nightly
codegen_flags: <defaults>
</compile_context>

<pallas_src>
import functools

import jax
import jax.numpy as jnp
from jax import lax
from jax.experimental import pallas as pl
from jax.experimental.pallas import tpu as pltpu
from jax.experimental.pallas import tpu_sc as plsc

N = 10000
R = 24
D = 256
DH = 128
E = 160000
B = 65536

NC = 2
NS = 16
CH = 128

EPT = 10240
E_PAD = NS * EPT
NCHUNK = EPT // CH
HR_ROWS = (R + 1) * N
DEG_PER_TILE = 16000
DEG_SZ = NS * DEG_PER_TILE
CHD = 2000
AGG_ROWS = N + 64
RPT = 640
RBLK = 40
QPT = B // (NC * NS)
DCH = 64
DQCHUNK = QPT // DCH

_MESH = plsc.VectorSubcoreMesh(core_axis_name="c", subcore_axis_name="s")


def _mm_body(x_ref, w_ref, o_ref):
    o_ref[...] = jnp.dot(x_ref[...], w_ref[0],
                         preferred_element_type=jnp.float32)


def _transform(x, w_big):
    MB = 2000
    nb = N // MB
    return pl.pallas_call(
        _mm_body,
        grid=(nb, R + 1, NC),
        in_specs=[
            pl.BlockSpec((MB, D), lambda i, r, c: (i, 0)),
            pl.BlockSpec((1, D, DH), lambda i, r, c: (r, 0, c)),
        ],
        out_specs=pl.BlockSpec(
            (MB, DH), lambda i, r, c: (c * (R + 1) * nb + r * nb + i, 0)),
        out_shape=jax.ShapeDtypeStruct((NC * HR_ROWS, DH), jnp.float32),
    )(x, w_big)


def _pdeg_body(t_dst, t_rel, inv_out, deg_s, relb, dstb, keyb, onesb, degb,
               s_load, sem):
    cid = lax.axis_index("c")
    tid = lax.axis_index("s")
    ebase = tid * EPT

    def _zero(k, carry):
        degb[pl.ds(k * 16, 16)] = jnp.zeros((16,), jnp.float32)
        return carry
    lax.fori_loop(0, CHD // 16, _zero, 0)
    def _zcp(k, carry):
        pltpu.sync_copy(degb,
                        deg_s.at[pl.ds(tid * DEG_PER_TILE + k * CHD, CHD)])
        return carry
    lax.fori_loop(0, DEG_PER_TILE // CHD, _zcp, 0)
    for i in range(CH // 16):
        onesb[pl.ds(i * 16, 16)] = jnp.full((16,), 1.0, jnp.float32)
    plsc.subcore_barrier()

    def _fire_loads(j, slot):
        base = ebase + j * CH
        pltpu.async_copy(t_rel.at[pl.ds(base, CH)], relb.at[slot], s_load)
        pltpu.async_copy(t_dst.at[pl.ds(base, CH)], dstb.at[slot], s_load)

    def _wait_loads(slot):
        pltpu.make_async_copy(t_rel.at[pl.ds(0, CH)], relb.at[slot],
                              s_load).wait()
        pltpu.make_async_copy(t_dst.at[pl.ds(0, CH)], dstb.at[slot],
                              s_load).wait()

    def _keys(slot):
        for i in range(CH // 16):
            s = pl.ds(i * 16, 16)
            keyb[slot, s] = relb[slot, s] * N + dstb[slot, s]

    def _wait_scat(slot):
        pltpu.make_async_copy(onesb, deg_s.at[keyb.at[slot]], sem).wait()

    _fire_loads(0, 0)
    _wait_loads(0)
    _keys(0)
    _fire_loads(1, 1)

    def _deg_step(j, carry):
        slot = lax.rem(j, 2)
        nslot = lax.rem(j + 1, 2)
        @pl.when(j + 1 < NCHUNK)
        def _prep():
            @pl.when(j >= 1)
            def _drain():
                _wait_scat(nslot)
            _wait_loads(nslot)
            _keys(nslot)
            @pl.when(j + 2 < NCHUNK)
            def _pref():
                _fire_loads(j + 2, slot)
        pltpu.async_copy(onesb, deg_s.at[keyb.at[slot]], sem, add=True)
        return carry
    lax.fori_loop(0, NCHUNK, _deg_step, 0)
    _wait_scat(0)
    _wait_scat(1)
    plsc.subcore_barrier()

    @pl.when(cid == 0)
    def _write():
        def _invchunk(k, carry):
            off = tid * DEG_PER_TILE + k * CHD
            pltpu.sync_copy(deg_s.at[pl.ds(off, CHD)], degb)
            def _inv(kk, c2):
                v = degb[pl.ds(kk * 16, 16)]
                degb[pl.ds(kk * 16, 16)] = 1.0 / jnp.maximum(v, 1.0)
                return c2
            lax.fori_loop(0, CHD // 16, _inv, 0)
            pltpu.sync_copy(degb, inv_out.at[pl.ds(off, CHD)])
            return carry
        lax.fori_loop(0, DEG_PER_TILE // CHD, _invchunk, 0)


def _degcount(td, tr):
    fn = functools.partial(
        pl.kernel,
        out_type=jax.ShapeDtypeStruct((DEG_SZ,), jnp.float32),
        mesh=_MESH,
        scratch_types=[
            pltpu.VMEM_SHARED((DEG_SZ,), jnp.float32),
            pltpu.VMEM((2, CH), jnp.int32),
            pltpu.VMEM((2, CH), jnp.int32),
            pltpu.VMEM((2, CH), jnp.int32),
            pltpu.VMEM((CH,), jnp.float32),
            pltpu.VMEM((CHD,), jnp.float32),
            pltpu.SemaphoreType.DMA,
            pltpu.SemaphoreType.DMA,
        ],
        compiler_params=pltpu.CompilerParams(needs_layout_passes=False),
    )(_pdeg_body)
    return fn(td, tr)


def _pmsg_body(hr, t_src, t_dst, t_rel, invdeg, h_out,
               agg_s, relb, srcb, dstb, keyb, hidxb, dsc, normb, rowsb, hbuf,
               s_load, s_norm, s_rows, s_scat):
    cid = lax.axis_index("c")
    tid = lax.axis_index("s")
    c_off = cid * HR_ROWS
    ebase = tid * EPT

    nblk = jnp.where(tid == NS - 1, (N - (NS - 1) * RPT) // RBLK, RPT // RBLK)
    def _init_blk(k, carry):
        r0 = tid * RPT + k * RBLK
        pltpu.sync_copy(hr.at[pl.ds(c_off + R * N + r0, RBLK)], hbuf)
        pltpu.sync_copy(hbuf, agg_s.at[pl.ds(r0, RBLK)])
        return carry
    lax.fori_loop(0, nblk, _init_blk, 0)
    plsc.subcore_barrier()

    def _fire_loads(j, slot):
        base = ebase + j * CH
        pltpu.async_copy(t_rel.at[pl.ds(base, CH)], relb.at[slot], s_load)
        pltpu.async_copy(t_dst.at[pl.ds(base, CH)], dstb.at[slot], s_load)
        pltpu.async_copy(t_src.at[pl.ds(base, CH)], srcb.at[slot], s_load)

    def _wait_loads(slot):
        pltpu.make_async_copy(t_rel.at[pl.ds(0, CH)], relb.at[slot],
                              s_load).wait()
        pltpu.make_async_copy(t_dst.at[pl.ds(0, CH)], dstb.at[slot],
                              s_load).wait()
        pltpu.make_async_copy(t_src.at[pl.ds(0, CH)], srcb.at[slot],
                              s_load).wait()

    def _keys(slot):
        for i in range(CH // 16):
            s = pl.ds(i * 16, 16)
            rv = relb[slot, s]
            sv = srcb[slot, s]
            keyb[slot, s] = rv * N + dstb[slot, s]
            hidxb[slot, s] = rv * N + sv + c_off
            dsc[slot, s] = dstb[slot, s]

    def _fire_gathers(slot):
        pltpu.async_copy(invdeg.at[keyb.at[slot]], normb.at[slot], s_norm)
        pltpu.async_copy(hr.at[hidxb.at[slot]], rowsb.at[slot], s_rows)

    def _wait_gathers(slot):
        pltpu.make_async_copy(invdeg.at[keyb.at[slot]], normb.at[slot],
                              s_norm).wait()
        pltpu.make_async_copy(hr.at[hidxb.at[slot]], rowsb.at[slot],
                              s_rows).wait()

    def _scale(slot):
        def _row(i, c2):
            nv = plsc.load_gather(
                normb, [jnp.zeros((16,), jnp.int32) + slot,
                        jnp.zeros((16,), jnp.int32) + i])
            for jj in range(DH // 16):
                s = pl.ds(jj * 16, 16)
                rowsb[slot, i, s] = rowsb[slot, i, s] * nv
            return c2
        lax.fori_loop(0, CH, _row, 0)

    def _fire_scatter(slot):
        pltpu.async_copy(rowsb.at[slot], agg_s.at[dsc.at[slot]], s_scat,
                         add=True)

    def _wait_scatter(slot):
        pltpu.make_async_copy(rowsb.at[slot], agg_s.at[dsc.at[slot]],
                              s_scat).wait()

    _fire_loads(0, 0)
    _wait_loads(0)
    _keys(0)
    _fire_gathers(0)
    _fire_loads(1, 1)

    def _step(j, carry):
        slot = lax.rem(j, 2)
        nslot = lax.rem(j + 1, 2)
        @pl.when(j + 1 < NCHUNK)
        def _prep():
            @pl.when(j >= 1)
            def _drain():
                _wait_scatter(nslot)
            _wait_loads(nslot)
            _keys(nslot)
            _fire_gathers(nslot)
            @pl.when(j + 2 < NCHUNK)
            def _pref():
                _fire_loads(j + 2, slot)
        _wait_gathers(slot)
        _scale(slot)
        _fire_scatter(slot)
        return carry
    lax.fori_loop(0, NCHUNK, _step, 0)
    _wait_scatter(0)
    _wait_scatter(1)
    plsc.subcore_barrier()

    def _out_blk(k, carry):
        r0 = tid * RPT + k * RBLK
        pltpu.sync_copy(agg_s.at[pl.ds(r0, RBLK)], hbuf)
        def _relu_row(i, carry2):
            for jj in range(DH // 16):
                v = hbuf[i, pl.ds(jj * 16, 16)]
                hbuf[i, pl.ds(jj * 16, 16)] = jnp.maximum(v, 0.0)
            return carry2
        lax.fori_loop(0, RBLK, _relu_row, 0)
        pltpu.sync_copy(hbuf, h_out.at[pl.ds(cid * N + r0, RBLK)])
        return carry
    lax.fori_loop(0, nblk, _out_blk, 0)


def _msg(hr, ts, td, tr, invdeg):
    fn = functools.partial(
        pl.kernel,
        out_type=jax.ShapeDtypeStruct((NC * N, DH), jnp.float32),
        mesh=_MESH,
        scratch_types=[
            pltpu.VMEM_SHARED((AGG_ROWS, DH), jnp.float32),
            pltpu.VMEM((2, CH), jnp.int32),
            pltpu.VMEM((2, CH), jnp.int32),
            pltpu.VMEM((2, CH), jnp.int32),
            pltpu.VMEM((2, CH), jnp.int32),
            pltpu.VMEM((2, CH), jnp.int32),
            pltpu.VMEM((2, CH), jnp.int32),
            pltpu.VMEM((2, CH), jnp.float32),
            pltpu.VMEM((2, CH, DH), jnp.float32),
            pltpu.VMEM((RBLK, DH), jnp.float32),
            pltpu.SemaphoreType.DMA,
            pltpu.SemaphoreType.DMA,
            pltpu.SemaphoreType.DMA,
            pltpu.SemaphoreType.DMA,
        ],
        compiler_params=pltpu.CompilerParams(needs_layout_passes=False),
    )(_pmsg_body)
    return fn(hr, ts, td, tr, invdeg)


def _p3_body(h, qs, qo, qr, rel_flat, scores,
             qsb, qob, qrb, idx1b, idx2b, s0b, s1b, o0b, o1b, relv, scoreb,
             s_gat):
    cid = lax.axis_index("c")
    tid = lax.axis_index("s")
    wid = tid * NC + cid
    qbase = wid * QPT
    lane = lax.broadcasted_iota(jnp.int32, (16,), 0)
    pltpu.sync_copy(rel_flat, relv)

    def _load_and_fire(j, slot):
        base = qbase + j * DCH
        pltpu.sync_copy(qs.at[pl.ds(base, DCH)], qsb.at[slot])
        pltpu.sync_copy(qo.at[pl.ds(base, DCH)], qob.at[slot])
        pltpu.sync_copy(qr.at[pl.ds(base, DCH)], qrb.at[slot])
        for i in range(DCH // 16):
            s = pl.ds(i * 16, 16)
            idx1b[slot, s] = qsb[slot, s] + N
            idx2b[slot, s] = qob[slot, s] + N
        pltpu.async_copy(h.at[qsb.at[slot]], s0b.at[slot], s_gat)
        pltpu.async_copy(h.at[qob.at[slot]], o0b.at[slot], s_gat)
        pltpu.async_copy(h.at[idx1b.at[slot]], s1b.at[slot], s_gat)
        pltpu.async_copy(h.at[idx2b.at[slot]], o1b.at[slot], s_gat)

    def _wait_gathers(slot):
        pltpu.make_async_copy(h.at[qsb.at[slot]], s0b.at[slot], s_gat).wait()
        pltpu.make_async_copy(h.at[qob.at[slot]], o0b.at[slot], s_gat).wait()
        pltpu.make_async_copy(h.at[idx1b.at[slot]], s1b.at[slot],
                              s_gat).wait()
        pltpu.make_async_copy(h.at[idx2b.at[slot]], o1b.at[slot],
                              s_gat).wait()

    def _compute(j, slot):
        def _group(g, carry2):
            def _q16(q16, svec):
                q = g * 16 + q16
                rq = plsc.load_gather(
                    qrb, [jnp.zeros((16,), jnp.int32) + slot,
                          jnp.zeros((16,), jnp.int32) + q])
                rbase = rq * D
                acc = jnp.zeros((16,), jnp.float32)
                for jj in range(DH // 16):
                    rv = plsc.load_gather(relv, [rbase + jj * 16 + lane])
                    acc = acc + (s0b[slot, q, pl.ds(jj * 16, 16)]
                                 * o0b[slot, q, pl.ds(jj * 16, 16)] * rv)
                for jj in range(DH // 16):
                    rv = plsc.load_gather(relv, [rbase + DH + jj * 16 + lane])
                    acc = acc + (s1b[slot, q, pl.ds(jj * 16, 16)]
                                 * o1b[slot, q, pl.ds(jj * 16, 16)] * rv)
                sc = jnp.sum(acc)
                return jnp.where(lane == q16, sc, svec)
            svec = lax.fori_loop(0, 16, _q16, jnp.zeros((16,), jnp.float32))
            scoreb[slot, pl.ds(g * 16, 16)] = svec
            return carry2
        lax.fori_loop(0, DCH // 16, _group, 0)
        pltpu.sync_copy(scoreb.at[slot],
                        scores.at[pl.ds(qbase + j * DCH, DCH)])

    _load_and_fire(0, 0)
    _load_and_fire(1, 1)

    def _step(j, carry):
        slot = lax.rem(j, 2)
        _wait_gathers(slot)
        _compute(j, slot)
        @pl.when(j + 2 < DQCHUNK)
        def _next():
            _load_and_fire(j + 2, slot)
        return carry
    lax.fori_loop(0, DQCHUNK, _step, 0)


def _decode(h, qs, qo, qr, rel_flat):
    fn = functools.partial(
        pl.kernel,
        out_type=jax.ShapeDtypeStruct((B,), jnp.float32),
        mesh=_MESH,
        scratch_types=[
            pltpu.VMEM((2, DCH), jnp.int32),
            pltpu.VMEM((2, DCH), jnp.int32),
            pltpu.VMEM((2, DCH), jnp.int32),
            pltpu.VMEM((2, DCH), jnp.int32),
            pltpu.VMEM((2, DCH), jnp.int32),
            pltpu.VMEM((2, DCH, DH), jnp.float32),
            pltpu.VMEM((2, DCH, DH), jnp.float32),
            pltpu.VMEM((2, DCH, DH), jnp.float32),
            pltpu.VMEM((2, DCH, DH), jnp.float32),
            pltpu.VMEM((R * D,), jnp.float32),
            pltpu.VMEM((2, DCH), jnp.float32),
            pltpu.SemaphoreType.DMA,
        ],
        compiler_params=pltpu.CompilerParams(needs_layout_passes=False),
    )(_p3_body)
    return fn(h, qs, qo, qr, rel_flat)


def kernel(triples, train_triples, node_emb, W_rel, W_self, rel_emb):
    qs = triples[:, 0].astype(jnp.int32)
    qo = triples[:, 1].astype(jnp.int32)
    qr = triples[:, 2].astype(jnp.int32)
    ts = train_triples[:, 0].astype(jnp.int32)
    td = train_triples[:, 1].astype(jnp.int32)
    tr = train_triples[:, 2].astype(jnp.int32)
    pad = E_PAD - E
    k = jnp.arange(pad, dtype=jnp.int32)
    ts = jnp.concatenate([ts, k % N])
    td = jnp.concatenate([td, N + (k % 64)])
    tr = jnp.concatenate([tr, jnp.full((pad,), R, jnp.int32)])

    w_big = jnp.concatenate([W_rel, W_self[None]], axis=0)
    invdeg = _degcount(td, tr)
    hr = _transform(node_emb, w_big)
    h = _msg(hr, ts, td, tr, invdeg)
    scores = _decode(h, qs, qo, qr, rel_emb.reshape(-1))
    return scores.reshape(B, 1)

# --- scband reference (transcript-rebuilt; emitter-appended) ---
"""Pipeline reference for scband-unsupervised-rgcn-88948772700843 (READ-ONLY COPY).

The authoritative reference and input builder live on the scoring server;
editing this copy changes nothing except your own understanding.
"""

import jax, jax.numpy as jnp
import numpy as np

NUM_NODES = 10000
NUM_RELATIONS = 24
EMBED = 256
NUM_TRAIN_TRIPLES = 160000
BATCH_TRIPLES = 65536


def setup_inputs(seed: int = 0) -> dict:
    key = jax.random.key(seed)
    ks = jax.random.split(key, 10)
    # query triples: columns are (subject, object, relation)
    qs = jax.random.randint(ks[0], (BATCH_TRIPLES,), 0, NUM_NODES)
    qo = jax.random.randint(ks[1], (BATCH_TRIPLES,), 0, NUM_NODES)
    qr = jax.random.randint(ks[2], (BATCH_TRIPLES,), 0, NUM_RELATIONS)
    triples = jnp.stack([qs, qo, qr], axis=1)
    # train graph triples used by the R-GCN encoder: (src, dst, relation)
    ts = jax.random.randint(ks[3], (NUM_TRAIN_TRIPLES,), 0, NUM_NODES)
    td = jax.random.randint(ks[4], (NUM_TRAIN_TRIPLES,), 0, NUM_NODES)
    tr = jax.random.randint(ks[5], (NUM_TRAIN_TRIPLES,), 0, NUM_RELATIONS)
    train_triples = jnp.stack([ts, td, tr], axis=1)
    # learned parameters (xavier-style scaling)
    node_emb = jax.random.normal(ks[6], (NUM_NODES, EMBED), dtype=jnp.float32) * (2.0 / (NUM_NODES + EMBED)) ** 0.5
    W_rel = jax.random.normal(ks[7], (NUM_RELATIONS, EMBED, EMBED), dtype=jnp.float32) * (1.0 / EMBED) ** 0.5
    W_self = jax.random.normal(ks[8], (EMBED, EMBED), dtype=jnp.float32) * (1.0 / EMBED) ** 0.5
    rel_emb = jax.random.normal(ks[9], (NUM_RELATIONS, EMBED), dtype=jnp.float32) * (2.0 / (NUM_RELATIONS + EMBED)) ** 0.5
    return {"triples": triples, "train_triples": train_triples, "node_emb": node_emb,
            "W_rel": W_rel, "W_self": W_self, "rel_emb": rel_emb}


def _rgcn_encode(node_emb, W_rel, W_self, train_triples):
    # TensorRelationalGraphConvolution: per-relation transform + degree-normalized
    # relational message passing + self-loop, ReLU nonlinearity (standard R-GCN layer).
    src = train_triples[:, 0]
    dst = train_triples[:, 1]
    rel = train_triples[:, 2]
    # c_{i,r} normalization: in-degree per (relation, dst-node)
    deg = jnp.zeros((NUM_RELATIONS, NUM_NODES), dtype=node_emb.dtype).at[rel, dst].add(1.0)
    inv_deg = 1.0 / jnp.maximum(deg, 1.0)
    norm = inv_deg[rel, dst]  # [E]
    # transform all node features under every relation: [R, N, d]
    Hr = jnp.einsum('nd,rde->rne', node_emb, W_rel)
    msgs = Hr[rel, src] * norm[:, None]  # [E, d]
    agg = jnp.zeros((NUM_NODES, EMBED), dtype=node_emb.dtype).at[dst].add(msgs)
    return jax.nn.relu(agg + node_emb @ W_self)


def reference(triples, train_triples, node_emb, W_rel, W_self, rel_emb):
    # encoder: full-graph R-GCN, then gather rows for subjects / objects
    H = _rgcn_encode(node_emb, W_rel, W_self, train_triples)
    subject_embeddings = H[triples[:, 0]]  # dropout(p=0) is identity
    object_embeddings = H[triples[:, 1]]
    # DistMult decoder
    relation_embeddings = rel_emb[triples[:, 2]]
    scores = (subject_embeddings * relation_embeddings * object_embeddings).sum(axis=1, keepdims=True)
    return scores

if __name__ == "__main__":
    import jax
    _d = setup_inputs()
    print(jax.jit(kernel)(*tuple(_d.values())))

</pallas_src>

<mosaic_0001>
#map = affine_map<(d0, d1) -> (0)>
module attributes {stable_mosaic.version = 14 : i64} {
  func.func @_pdeg_body(%arg0: i32, %arg1: i32, %arg2: memref<163840xi32, #tpu.memory_space<hbm>>, %arg3: memref<163840xi32, #tpu.memory_space<hbm>>, %arg4: memref<256000xf32, #tpu.memory_space<hbm>>, %arg5: memref<256000xf32, #tpu.memory_space<vmem_shared>>, %arg6: memref<2x128xi32, #tpu.memory_space<vmem>>, %arg7: memref<2x128xi32, #tpu.memory_space<vmem>>, %arg8: memref<2x128xi32, #tpu.memory_space<vmem>>, %arg9: memref<128xf32, #tpu.memory_space<vmem>>, %arg10: memref<2000xf32, #tpu.memory_space<vmem>>, %arg11: memref<!tpu.dma_semaphore, #tpu.memory_space<semaphore_mem>>, %arg12: memref<!tpu.dma_semaphore, #tpu.memory_space<semaphore_mem>>) attributes {dimension_semantics = [#tpu.dimension_semantics<core_parallel>, #tpu.dimension_semantics<subcore_parallel>], iteration_bounds = array<i64: 2, 16>, scalar_prefetch = 0 : i64, scratch_operands = 8 : i64, tpu.core_type = #tpu.core_type<sc_vector_subcore>, window_params = [{transform_indices = #map}, {transform_indices = #map}, {transform_indices = #map}]} {
    %mul3A = arith.constant 10240 : i32
    %mul3A_0 = arith.muli %arg1, %mul3A : i32
    %scan3A = arith.constant 0 : i32
    %scan3A_1 = arith.constant 0 : i32
    %scan3A_2 = arith.constant 125 : i32
    %scan3A_3 = arith.addi %scan3A_1, %scan3A_2 : i32
    %scan3A_4 = arith.constant 1 : i32
    scf.for %scan3A_249 = %scan3A_1 to %scan3A_3 step %scan3A_4  : i32 {
      %broadcast_in_dim3A_250 = arith.constant 0.000000e+00 : f32
      %broadcast_in_dim3A_251 = vector.broadcast %broadcast_in_dim3A_250 : f32 to vector<16xf32>
      %mul3A_252 = arith.constant 16 : i32
      %mul3A_253 = arith.muli %scan3A_249, %mul3A_252 : i32
      %swap3A_254 = arith.index_cast %mul3A_253 : i32 to index
      %swap3A_255 = tpu.vector_load %arg10[%swap3A_254] {strides = array<i32>} : memref<2000xf32, #tpu.memory_space<vmem>>, vector<16xf32>,
      tpu.vector_store %arg10[%swap3A_254], %broadcast_in_dim3A_251 {strides = array<i32>} : memref<2000xf32, #tpu.memory_space<vmem>>, vector<16xf32>,
    }
    %scan3A_5 = arith.constant 125 : i32
    %scan3A_6 = arith.constant 0 : i32
    %scan3A_7 = arith.constant 0 : i32
    %scan3A_8 = arith.constant 8 : i32
    %scan3A_9 = arith.addi %scan3A_7, %scan3A_8 : i32
    %scan3A_10 = arith.constant 1 : i32
    scf.for %scan3A_249 = %scan3A_7 to %scan3A_9 step %scan3A_10  : i32 {
      %mul3A_250 = arith.constant 16000 : i32
      %mul3A_251 = arith.muli %arg1, %mul3A_250 : i32
      %mul3A_252 = arith.constant 2000 : i32
      %mul3A_253 = arith.muli %scan3A_249, %mul3A_252 : i32
      %add3A_254 = arith.addi %mul3A_251, %mul3A_253 : i32
      "tpu.region"() ({
        %run_scoped3A = tpu.sem_alloc : memref<!tpu.dma_semaphore, #tpu.memory_space<semaphore_mem>>
        %dma_start3A_255 = tpu.memref_slice %arg5[%add3A_254] : memref<256000xf32, #tpu.memory_space<vmem_shared>> -> memref<2000xf32, #tpu.memory_space<vmem_shared>>
        %dma_start3A_256 = tpu.memref_slice %arg5[%add3A_254] : memref<256000xf32, #tpu.memory_space<vmem_shared>> -> memref<2000xf32, #tpu.memory_space<vmem_shared>>
        tpu.enqueue_dma source(%arg10 : memref<2000xf32, #tpu.memory_space<vmem>>) target(%dma_start3A_256 : memref<2000xf32, #tpu.memory_space<vmem_shared>>) target_semaphore(%run_scoped3A : memref<!tpu.dma_semaphore, #tpu.memory_space<semaphore_mem>>)
        %dma_wait3A_257 = tpu.memref_slice %arg5[%add3A_254] : memref<256000xf32, #tpu.memory_space<vmem_shared>> -> memref<2000xf32, #tpu.memory_space<vmem_shared>>
        %dma_wait3A_258 = tpu.memref_slice %arg5[%add3A_254] : memref<256000xf32, #tpu.memory_space<vmem_shared>> -> memref<2000xf32, #tpu.memory_space<vmem_shared>>
        tpu.wait_dma2 semaphore(%run_scoped3A : memref<!tpu.dma_semaphore, #tpu.memory_space<semaphore_mem>>) src(%arg10 : memref<2000xf32, #tpu.memory_space<vmem>>) dst(%dma_wait3A_258 : memref<2000xf32, #tpu.memory_space<vmem_shared>>)
        tpu.yield
      }) : () -> ()
    }
    %scan3A_11 = arith.constant 8 : i32
    %broadcast_in_dim3A = arith.constant 1.000000e+00 : f32
    %broadcast_in_dim3A_12 = vector.broadcast %broadcast_in_dim3A : f32 to vector<16xf32>
    %swap3A = arith.constant 0 : index
    %swap3A_13 = tpu.vector_load %arg9[%swap3A] {strides = array<i32>} : memref<128xf32, #tpu.memory_space<vmem>>, vector<16xf32>,
    tpu.vector_store %arg9[%swap3A], %broadcast_in_dim3A_12 {strides = array<i32>} : memref<128xf32, #tpu.memory_space<vmem>>, vector<16xf32>,
    %broadcast_in_dim3A_14 = arith.constant 1.000000e+00 : f32
    %broadcast_in_dim3A_15 = vector.broadcast %broadcast_in_dim3A_14 : f32 to vector<16xf32>
    %swap3A_16 = arith.constant 16 : index
    %swap3A_17 = tpu.vector_load %arg9[%swap3A_16] {strides = array<i32>} : memref<128xf32, #tpu.memory_space<vmem>>, vector<16xf32>,
    tpu.vector_store %arg9[%swap3A_16], %broadcast_in_dim3A_15 {strides = array<i32>} : memref<128xf32, #tpu.memory_space<vmem>>, vector<16xf32>,
    %broadcast_in_dim3A_18 = arith.constant 1.000000e+00 : f32
    %broadcast_in_dim3A_19 = vector.broadcast %broadcast_in_dim3A_18 : f32 to vector<16xf32>
    %swap3A_20 = arith.constant 32 : index
    %swap3A_21 = tpu.vector_load %arg9[%swap3A_20] {strides = array<i32>} : memref<128xf32, #tpu.memory_space<vmem>>, vector<16xf32>,
    tpu.vector_store %arg9[%swap3A_20], %broadcast_in_dim3A_19 {strides = array<i32>} : memref<128xf32, #tpu.memory_space<vmem>>, vector<16xf32>,
    %broadcast_in_dim3A_22 = arith.constant 1.000000e+00 : f32
    %broadcast_in_dim3A_23 = vector.broadcast %broadcast_in_dim3A_22 : f32 to vector<16xf32>
    %swap3A_24 = arith.constant 48 : index
    %swap3A_25 = tpu.vector_load %arg9[%swap3A_24] {strides = array<i32>} : memref<128xf32, #tpu.memory_space<vmem>>, vector<16xf32>,
    tpu.vector_store %arg9[%swap3A_24], %broadcast_in_dim3A_23 {strides = array<i32>} : memref<128xf32, #tpu.memory_space<vmem>>, vector<16xf32>,
    %broadcast_in_dim3A_26 = arith.constant 1.000000e+00 : f32
    %broadcast_in_dim3A_27 = vector.broadcast %broadcast_in_dim3A_26 : f32 to vector<16xf32>
    %swap3A_28 = arith.constant 64 : index
    %swap3A_29 = tpu.vector_load %arg9[%swap3A_28] {strides = array<i32>} : memref<128xf32, #tpu.memory_space<vmem>>, vector<16xf32>,
    tpu.vector_store %arg9[%swap3A_28], %broadcast_in_dim3A_27 {strides = array<i32>} : memref<128xf32, #tpu.memory_space<vmem>>, vector<16xf32>,
    %broadcast_in_dim3A_30 = arith.constant 1.000000e+00 : f32
    %broadcast_in_dim3A_31 = vector.broadcast %broadcast_in_dim3A_30 : f32 to vector<16xf32>
    %swap3A_32 = arith.constant 80 : index
    %swap3A_33 = tpu.vector_load %arg9[%swap3A_32] {strides = array<i32>} : memref<128xf32, #tpu.memory_space<vmem>>, vector<16xf32>,
    tpu.vector_store %arg9[%swap3A_32], %broadcast_in_dim3A_31 {strides = array<i32>} : memref<128xf32, #tpu.memory_space<vmem>>, vector<16xf32>,
    %broadcast_in_dim3A_34 = arith.constant 1.000000e+00 : f32
    %broadcast_in_dim3A_35 = vector.broadcast %broadcast_in_dim3A_34 : f32 to vector<16xf32>
    %swap3A_36 = arith.constant 96 : index
    %swap3A_37 = tpu.vector_load %arg9[%swap3A_36] {strides = array<i32>} : memref<128xf32, #tpu.memory_space<vmem>>, vector<16xf32>,
    tpu.vector_store %arg9[%swap3A_36], %broadcast_in_dim3A_35 {strides = array<i32>} : memref<128xf32, #tpu.memory_space<vmem>>, vector<16xf32>,
    %broadcast_in_dim3A_38 = arith.constant 1.000000e+00 : f32
    %broadcast_in_dim3A_39 = vector.broadcast %broadcast_in_dim3A_38 : f32 to vector<16xf32>
    %swap3A_40 = arith.constant 112 : index
    %swap3A_41 = tpu.vector_load %arg9[%swap3A_40] {strides = array<i32>} : memref<128xf32, #tpu.memory_space<vmem>>, vector<16xf32>,
    tpu.vector_store %arg9[%swap3A_40], %broadcast_in_dim3A_39 {strides = array<i32>} : memref<128xf32, #tpu.memory_space<vmem>>, vector<16xf32>,
    %barrier3A = arith.constant 0 : index
    tpu.barrier barrier_id(%barrier3A)
    %add3A = arith.constant 0 : i32
    %add3A_42 = arith.addi %mul3A_0, %add3A : i32
    %dma_start3A = arith.constant 0 : i32
    %dma_start3A_43 = arith.constant 0 : i32
    %dma_start3A_44 = tpu.memref_slice %arg6[%dma_start3A, %dma_start3A_43] : memref<2x128xi32, #tpu.memory_space<vmem>> -> memref<1x128xi32, #tpu.memory_space<vmem>>
    %dma_start3A_45 = tpu.memref_squeeze %dma_start3A_44 : memref<1x128xi32, #tpu.memory_space<vmem>> -> memref<128xi32, #tpu.memory_space<vmem>>
    %dma_start3A_46 = tpu.memref_slice %arg3[%add3A_42] : memref<163840xi32, #tpu.memory_space<hbm>> -> memref<128xi32, #tpu.memory_space<hbm>>
    %dma_start3A_47 = arith.constant 0 : i32
    %dma_start3A_48 = tpu.memref_slice %arg6[%dma_start3A, %dma_start3A_47] : memref<2x128xi32, #tpu.memory_space<vmem>> -> memref<1x128xi32, #tpu.memory_space<vmem>>
    %dma_start3A_49 = tpu.memref_squeeze %dma_start3A_48 : memref<1x128xi32, #tpu.memory_space<vmem>> -> memref<128xi32, #tpu.memory_space<vmem>>
    %dma_start3A_50 = tpu.memref_slice %arg3[%add3A_42] : memref<163840xi32, #tpu.memory_space<hbm>> -> memref<128xi32, #tpu.memory_space<hbm>>
    tpu.enqueue_dma source(%dma_start3A_50 : memref<128xi32, #tpu.memory_space<hbm>>) target(%dma_start3A_49 : memref<128xi32, #tpu.memory_space<vmem>>) target_semaphore(%arg11 : memref<!tpu.dma_semaphore, #tpu.memory_space<semaphore_mem>>)
    %dma_start3A_51 = arith.constant 0 : i32
    %dma_start3A_52 = arith.constant 0 : i32
    %dma_start3A_53 = tpu.memref_slice %arg7[%dma_start3A_51, %dma_start3A_52] : memref<2x128xi32, #tpu.memory_space<vmem>> -> memref<1x128xi32, #tpu.memory_space<vmem>>
    %dma_start3A_54 = tpu.memref_squeeze %dma_start3A_53 : memref<1x128xi32, #tpu.memory_space<vmem>> -> memref<128xi32, #tpu.memory_space<vmem>>
    %dma_start3A_55 = tpu.memref_slice %arg2[%add3A_42] : memref<163840xi32, #tpu.memory_space<hbm>> -> memref<128xi32, #tpu.memory_space<hbm>>
    %dma_start3A_56 = arith.constant 0 : i32
    %dma_start3A_57 = tpu.memref_slice %arg7[%dma_start3A_51, %dma_start3A_56] : memref<2x128xi32, #tpu.memory_space<vmem>> -> memref<1x128xi32, #tpu.memory_space<vmem>>
    %dma_start3A_58 = tpu.memref_squeeze %dma_start3A_57 : memref<1x128xi32, #tpu.memory_space<vmem>> -> memref<128xi32, #tpu.memory_space<vmem>>
    %dma_start3A_59 = tpu.memref_slice %arg2[%add3A_42] : memref<163840xi32, #tpu.memory_space<hbm>> -> memref<128xi32, #tpu.memory_space<hbm>>
    tpu.enqueue_dma source(%dma_start3A_59 : memref<128xi32, #tpu.memory_space<hbm>>) target(%dma_start3A_58 : memref<128xi32, #tpu.memory_space<vmem>>) target_semaphore(%arg11 : memref<!tpu.dma_semaphore, #tpu.memory_space<semaphore_mem>>)
    %dma_wait3A = arith.constant 0 : i32
    %dma_wait3A_60 = arith.constant 0 : i32
    %dma_wait3A_61 = tpu.memref_slice %arg6[%dma_wait3A, %dma_wait3A_60] : memref<2x128xi32, #tpu.memory_space<vmem>> -> memref<1x128xi32, #tpu.memory_space<vmem>>
    %dma_wait3A_62 = tpu.memref_squeeze %dma_wait3A_61 : memref<1x128xi32, #tpu.memory_space<vmem>> -> memref<128xi32, #tpu.memory_space<vmem>>
    %dma_wait3A_63 = arith.constant 0 : i32
    %dma_wait3A_64 = tpu.memref_slice %arg3[%dma_wait3A_63] : memref<163840xi32, #tpu.memory_space<hbm>> -> memref<128xi32, #tpu.memory_space<hbm>>
    %dma_wait3A_65 = arith.constant 0 : i32
    %dma_wait3A_66 = tpu.memref_slice %arg6[%dma_wait3A, %dma_wait3A_65] : memref<2x128xi32, #tpu.memory_space<vmem>> -> memref<1x128xi32, #tpu.memory_space<vmem>>
    %dma_wait3A_67 = tpu.memref_squeeze %dma_wait3A_66 : memref<1x128xi32, #tpu.memory_space<vmem>> -> memref<128xi32, #tpu.memory_space<vmem>>
    %dma_wait3A_68 = arith.constant 0 : i32
    %dma_wait3A_69 = tpu.memref_slice %arg3[%dma_wait3A_68] : memref<163840xi32, #tpu.memory_space<hbm>> -> memref<128xi32, #tpu.memory_space<hbm>>
    tpu.wait_dma2 semaphore(%arg11 : memref<!tpu.dma_semaphore, #tpu.memory_space<semaphore_mem>>) src(%dma_wait3A_69 : memref<128xi32, #tpu.memory_space<hbm>>) dst(%dma_wait3A_67 : memref<128xi32, #tpu.memory_space<vmem>>)
    %dma_wait3A_70 = arith.constant 0 : i32
    %dma_wait3A_71 = arith.constant 0 : i32
    %dma_wait3A_72 = tpu.memref_slice %arg7[%dma_wait3A_70, %dma_wait3A_71] : memref<2x128xi32, #tpu.memory_space<vmem>> -> memref<1x128xi32, #tpu.memory_space<vmem>>
    %dma_wait3A_73 = tpu.memref_squeeze %dma_wait3A_72 : memref<1x128xi32, #tpu.memory_space<vmem>> -> memref<128xi32, #tpu.memory_space<vmem>>
    %dma_wait3A_74 = arith.constant 0 : i32
    %dma_wait3A_75 = tpu.memref_slice %arg2[%dma_wait3A_74] : memref<163840xi32, #tpu.memory_space<hbm>> -> memref<128xi32, #tpu.memory_space<hbm>>
    %dma_wait3A_76 = arith.constant 0 : i32
    %dma_wait3A_77 = tpu.memref_slice %arg7[%dma_wait3A_70, %dma_wait3A_76] : memref<2x128xi32, #tpu.memory_space<vmem>> -> memref<1x128xi32, #tpu.memory_space<vmem>>
    %dma_wait3A_78 = tpu.memref_squeeze %dma_wait3A_77 : memref<1x128xi32, #tpu.memory_space<vmem>> -> memref<128xi32, #tpu.memory_space<vmem>>
    %dma_wait3A_79 = arith.constant 0 : i32
    %dma_wait3A_80 = tpu.memref_slice %arg2[%dma_wait3A_79] : memref<163840xi32, #tpu.memory_space<hbm>> -> memref<128xi32, #tpu.memory_space<hbm>>
    tpu.wait_dma2 semaphore(%arg11 : memref<!tpu.dma_semaphore, #tpu.memory_space<semaphore_mem>>) src(%dma_wait3A_80 : memref<128xi32, #tpu.memory_space<hbm>>) dst(%dma_wait3A_78 : memref<128xi32, #tpu.memory_space<vmem>>)
    %get3A = arith.constant 0 : i32
    %get3A_81 = arith.index_cast %get3A : i32 to index
    %get3A_82 = arith.constant 0 : index
    %get3A_83 = tpu.vector_load %arg6[%get3A_81, %get3A_82] {strides = array<i32>} : memref<2x128xi32, #tpu.memory_space<vmem>>, vector<16xi32>,
    %mul3A_84 = arith.constant 10000 : i32
    %mul3A_85 = vector.broadcast %mul3A_84 : i32 to vector<16xi32>
    %mul3A_86 = arith.muli %get3A_83, %mul3A_85 : vector<16xi32>
    %get3A_87 = arith.constant 0 : i32
    %get3A_88 = arith.index_cast %get3A_87 : i32 to index
    %get3A_89 = arith.constant 0 : index
    %get3A_90 = tpu.vector_load %arg7[%get3A_88, %get3A_89] {strides = array<i32>} : memref<2x128xi32, #tpu.memory_space<vmem>>, vector<16xi32>,
    %add3A_91 = arith.addi %mul3A_86, %get3A_90 : vector<16xi32>
    %swap3A_92 = arith.constant 0 : i32
    %swap3A_93 = arith.index_cast %swap3A_92 : i32 to index
    %swap3A_94 = arith.constant 0 : index
    %swap3A_95 = tpu.vector_load %arg8[%swap3A_93, %swap3A_94] {strides = array<i32>} : memref<2x128xi32, #tpu.memory_space<vmem>>, vector<16xi32>,
    tpu.vector_store %arg8[%swap3A_93, %swap3A_94], %add3A_91 {strides = array<i32>} : memref<2x128xi32, #tpu.memory_space<vmem>>, vector<16xi32>,
    %get3A_96 = arith.constant 0 : i32
    %get3A_97 = arith.index_cast %get3A_96 : i32 to index
    %get3A_98 = arith.constant 16 : index
    %get3A_99 = tpu.vector_load %arg6[%get3A_97, %get3A_98] {strides = array<i32>} : memref<2x128xi32, #tpu.memory_space<vmem>>, vector<16xi32>,
    %mul3A_100 = arith.constant 10000 : i32
    %mul3A_101 = vector.broadcast %mul3A_100 : i32 to vector<16xi32>
    %mul3A_102 = arith.muli %get3A_99, %mul3A_101 : vector<16xi32>
    %get3A_103 = arith.constant 0 : i32
    %get3A_104 = arith.index_cast %get3A_103 : i32 to index
    %get3A_105 = arith.constant 16 : index
    %get3A_106 = tpu.vector_load %arg7[%get3A_104, %get3A_105] {strides = array<i32>} : memref<2x128xi32, #tpu.memory_space<vmem>>, vector<16xi32>,
    %add3A_107 = arith.addi %mul3A_102, %get3A_106 : vector<16xi32>
    %swap3A_108 = arith.constant 0 : i32
    %swap3A_109 = arith.index_cast %swap3A_108 : i32 to index
    %swap3A_110 = arith.constant 16 : index
    %swap3A_111 = tpu.vector_load %arg8[%swap3A_109, %swap3A_110] {strides = array<i32>} : memref<2x128xi32, #tpu.memory_space<vmem>>, vector<16xi32>,
    tpu.vector_store %arg8[%swap3A_109, %swap3A_110], %add3A_107 {strides = array<i32>} : memref<2x128xi32, #tpu.memory_space<vmem>>, vector<16xi32>,
    %get3A_112 = arith.constant 0 : i32
    %get3A_113 = arith.index_cast %get3A_112 : i32 to index
    %get3A_114 = arith.constant 32 : index
    %get3A_115 = tpu.vector_load %arg6[%get3A_113, %get3A_114] {strides = array<i32>} : memref<2x128xi32, #tpu.memory_space<vmem>>, vector<16xi32>,
    %mul3A_116 = arith.constant 10000 : i32
    %mul3A_117 = vector.broadcast %mul3A_116 : i32 to vector<16xi32>
    %mul3A_118 = arith.muli %get3A_115, %mul3A_117 : vector<16xi32>
    %get3A_119 = arith.constant 0 : i32
    %get3A_120 = arith.index_cast %get3A_119 : i32 to index
    %get3A_121 = arith.constant 32 : index
    %get3A_122 = tpu.vector_load %arg7[%get3A_120, %get3A_121] {strides = array<i32>} : memref<2x128xi32, #tpu.memory_space<vmem>>, vector<16xi32>,
    %add3A_123 = arith.addi %mul3A_118, %get3A_122 : vector<16xi32>
    %swap3A_124 = arith.constant 0 : i32
    %swap3A_125 = arith.index_cast %swap3A_124 : i32 to index
    %swap3A_126 = arith.constant 32 : index
    %swap3A_127 = tpu.vector_load %arg8[%swap3A_125, %swap3A_126] {strides = array<i32>} : memref<2x128xi32, #tpu.memory_space<vmem>>, vector<16xi32>,
    tpu.vector_store %arg8[%swap3A_125, %swap3A_126], %add3A_123 {strides = array<i32>} : memref<2x128xi32, #tpu.memory_space<vmem>>, vector<16xi32>,
    %get3A_128 = arith.constant 0 : i32
    %get3A_129 = arith.index_cast %get3A_128 : i32 to index
    %get3A_130 = arith.constant 48 : index
    %get3A_131 = tpu.vector_load %arg6[%get3A_129, %get3A_130] {strides = array<i32>} : memref<2x128xi32, #tpu.memory_space<vmem>>, vector<16xi32>,
    %mul3A_132 = arith.constant 10000 : i32
    %mul3A_133 = vector.broadcast %mul3A_132 : i32 to vector<16xi32>
    %mul3A_134 = arith.muli %get3A_131, %mul3A_133 : vector<16xi32>
    %get3A_135 = arith.constant 0 : i32
    %get3A_136 = arith.index_cast %get3A_135 : i32 to index
    %get3A_137 = arith.constant 48 : index
    %get3A_138 = tpu.vector_load %arg7[%get3A_136, %get3A_137] {strides = array<i32>} : memref<2x128xi32, #tpu.memory_space<vmem>>, vector<16xi32>,
    %add3A_139 = arith.addi %mul3A_134, %get3A_138 : vector<16xi32>
    %swap3A_140 = arith.constant 0 : i32
    %swap3A_141 = arith.index_cast %swap3A_140 : i32 to index
    %swap3A_142 = arith.constant 48 : index
    %swap3A_143 = tpu.vector_load %arg8[%swap3A_141, %swap3A_142] {strides = array<i32>} : memref<2x128xi32, #tpu.memory_space<vmem>>, vector<16xi32>,
    tpu.vector_store %arg8[%swap3A_141, %swap3A_142], %add3A_139 {strides = array<i32>} : memref<2x128xi32, #tpu.memory_space<vmem>>, vector<16xi32>,
    %get3A_144 = arith.constant 0 : i32
    %get3A_145 = arith.index_cast %get3A_144 : i32 to index
    %get3A_146 = arith.constant 64 : index
    %get3A_147 = tpu.vector_load %arg6[%get3A_145, %get3A_146] {strides = array<i32>} : memref<2x128xi32, #tpu.memory_space<vmem>>, vector<16xi32>,
    %mul3A_148 = arith.constant 10000 : i32
    %mul3A_149 = vector.broadcast %mul3A_148 : i32 to vector<16xi32>
    %mul3A_150 = arith.muli %get3A_147, %mul3A_149 : vector<16xi32>
    %get3A_151 = arith.constant 0 : i32
    %get3A_152 = arith.index_cast %get3A_151 : i32 to index
    %get3A_153 = arith.constant 64 : index
    %get3A_154 = tpu.vector_load %arg7[%get3A_152, %get3A_153] {strides = array<i32>} : memref<2x128xi32, #tpu.memory_space<vmem>>, vector<16xi32>,
    %add3A_155 = arith.addi %mul3A_150, %get3A_154 : vector<16xi32>
    %swap3A_156 = arith.constant 0 : i32
    %swap3A_157 = arith.index_cast %swap3A_156 : i32 to index
    %swap3A_158 = arith.constant 64 : index
    %swap3A_159 = tpu.vector_load %arg8[%swap3A_157, %swap3A_158] {strides = array<i32>} : memref<2x128xi32, #tpu.memory_space<vmem>>, vector<16xi32>,
    tpu.vector_store %arg8[%swap3A_157, %swap3A_158], %add3A_155 {strides = array<i32>} : memref<2x128xi32, #tpu.memory_space<vmem>>, vector<16xi32>,
    %get3A_160 = arith.constant 0 : i32
    %get3A_161 = arith.index_cast %get3A_160 : i32 to index
    %get3A_162 = arith.constant 80 : index
    %get3A_163 = tpu.vector_load %arg6[%get3A_161, %get3A_162] {strides = array<i32>} : memref<2x128xi32, #tpu.memory_space<vmem>>, vector<16xi32>,
    %mul3A_164 = arith.constant 10000 : i32
    %mul3A_165 = vector.broadcast %mul3A_164 : i32 to vector<16xi32>
    %mul3A_166 = arith.muli %get3A_163, %mul3A_165 : vector<16xi32>
    %get3A_167 = arith.constant 0 : i32
    %get3A_168 = arith.index_cast %get3A_167 : i32 to index
    %get3A_169 = arith.constant 80 : index
    %get3A_170 = tpu.vector_load %arg7[%get3A_168, %get3A_169] {strides = array<i32>} : memref<2x128xi32, #tpu.memory_space<vmem>>, vector<16xi32>,
    %add3A_171 = arith.addi %mul3A_166, %get3A_170 : vector<16xi32>
    %swap3A_172 = arith.constant 0 : i32
    %swap3A_173 = arith.index_cast %swap3A_172 : i32 to index
    %swap3A_174 = arith.constant 80 : index
    %swap3A_175 = tpu.vector_load %arg8[%swap3A_173, %swap3A_174] {strides = array<i32>} : memref<2x128xi32, #tpu.memory_space<vmem>>, vector<16xi32>,
    tpu.vector_store %arg8[%swap3A_173, %swap3A_174], %add3A_171 {strides = array<i32>} : memref<2x128xi32, #tpu.memory_space<vmem>>, vector<16xi32>,
    %get3A_176 = arith.constant 0 : i32
    %get3A_177 = arith.index_cast %get3A_176 : i32 to index
    %get3A_178 = arith.constant 96 : index
    %get3A_179 = tpu.vector_load %arg6[%get3A_177, %get3A_178] {strides = array<i32>} : memref<2x128xi32, #tpu.memory_space<vmem>>, vector<16xi32>,
    %mul3A_180 = arith.constant 10000 : i32
    %mul3A_181 = vector.broadcast %mul3A_180 : i32 to vector<16xi32>
    %mul3A_182 = arith.muli %get3A_179, %mul3A_181 : vector<16xi32>
    %get3A_183 = arith.constant 0 : i32
    %get3A_184 = arith.index_cast %get3A_183 : i32 to index
    %get3A_185 = arith.constant 96 : index
    %get3A_186 = tpu.vector_load %arg7[%get3A_184, %get3A_185] {strides = array<i32>} : memref<2x128xi32, #tpu.memory_space<vmem>>, vector<16xi32>,
    %add3A_187 = arith.addi %mul3A_182, %get3A_186 : vector<16xi32>
    %swap3A_188 = arith.constant 0 : i32
    %swap3A_189 = arith.index_cast %swap3A_188 : i32 to index
    %swap3A_190 = arith.constant 96 : index
    %swap3A_191 = tpu.vector_load %arg8[%swap3A_189, %swap3A_190] {strides = array<i32>} : memref<2x128xi32, #tpu.memory_space<vmem>>, vector<16xi32>,
    tpu.vector_store %arg8[%swap3A_189, %swap3A_190], %add3A_187 {strides = array<i32>} : memref<2x128xi32, #tpu.memory_space<vmem>>, vector<16xi32>,
    %get3A_192 = arith.constant 0 : i32
    %get3A_193 = arith.index_cast %get3A_192 : i32 to index
    %get3A_194 = arith.constant 112 : index
    %get3A_195 = tpu.vector_load %arg6[%get3A_193, %get3A_194] {strides = array<i32>} : memref<2x128xi32, #tpu.memory_space<vmem>>, vector<16xi32>,
    %mul3A_196 = arith.constant 10000 : i32
    %mul3A_197 = vector.broadcast %mul3A_196 : i32 to vector<16xi32>
    %mul3A_198 = arith.muli %get3A_195, %mul3A_197 : vector<16xi32>
    %get3A_199 = arith.constant 0 : i32
    %get3A_200 = arith.index_cast %get3A_199 : i32 to index
    %get3A_201 = arith.constant 112 : index
    %get3A_202 = tpu.vector_load %arg7[%get3A_200, %get3A_201] {strides = array<i32>} : memref<2x128xi32, #tpu.memory_space<vmem>>, vector<16xi32>,
    %add3A_203 = arith.addi %mul3A_198, %get3A_202 : vector<16xi32>
    %swap3A_204 = arith.constant 0 : i32
    %swap3A_205 = arith.index_cast %swap3A_204 : i32 to index
    %swap3A_206 = arith.constant 112 : index
    %swap3A_207 = tpu.vector_load %arg8[%swap3A_205, %swap3A_206] {strides = array<i32>} : memref<2x128xi32, #tpu.memory_space<vmem>>, vector<16xi32>,
    tpu.vector_store %arg8[%swap3A_205, %swap3A_206], %add3A_203 {strides = array<i32>} : memref<2x128xi32, #tpu.memory_space<vmem>>, vector<16xi32>,
    %add3A_208 = arith.constant 128 : i32
    %add3A_209 = arith.addi %mul3A_0, %add3A_208 : i32
    %dma_start3A_210 = arith.constant 1 : i32
    %dma_start3A_211 = arith.constant 0 : i32
    %dma_start3A_212 = tpu.memref_slice %arg6[%dma_start3A_210, %dma_start3A_211] : memref<2x128xi32, #tpu.memory_space<vmem>> -> memref<1x128xi32, #tpu.memory_space<vmem>>
    %dma_start3A_213 = tpu.memref_squeeze %dma_start3A_212 : memref<1x128xi32, #tpu.memory_space<vmem>> -> memref<128xi32, #tpu.memory_space<vmem>>
    %dma_start3A_214 = tpu.memref_slice %arg3[%add3A_209] : memref<163840xi32, #tpu.memory_space<hbm>> -> memref<128xi32, #tpu.memory_space<hbm>>
    %dma_start3A_215 = arith.constant 0 : i32
    %dma_start3A_216 = tpu.memref_slice %arg6[%dma_start3A_210, %dma_start3A_215] : memref<2x128xi32, #tpu.memory_space<vmem>> -> memref<1x128xi32, #tpu.memory_space<vmem>>
    %dma_start3A_217 = tpu.memref_squeeze %dma_start3A_216 : memref<1x128xi32, #tpu.memory_space<vmem>> -> memref<128xi32, #tpu.memory_space<vmem>>
    %dma_start3A_218 = tpu.memref_slice %arg3[%add3A_209] : memref<163840xi32, #tpu.memory_space<hbm>> -> memref<128xi32, #tpu.memory_space<hbm>>
    tpu.enqueue_dma source(%dma_start3A_218 : memref<128xi32, #tpu.memory_space<hbm>>) target(%dma_start3A_217 : memref<128xi32, #tpu.memory_space<vmem>>) target_semaphore(%arg11 : memref<!tpu.dma_semaphore, #tpu.memory_space<semaphore_mem>>)
    %dma_start3A_219 = arith.constant 1 : i32
    %dma_start3A_220 = arith.constant 0 : i32
    %dma_start3A_221 = tpu.memref_slice %arg7[%dma_start3A_219, %dma_start3A_220] : memref<2x128xi32, #tpu.memory_space<vmem>> -> memref<1x128xi32, #tpu.memory_space<vmem>>
    %dma_start3A_222 = tpu.memref_squeeze %dma_start3A_221 : memref<1x128xi32, #tpu.memory_space<vmem>> -> memref<128xi32, #tpu.memory_space<vmem>>
    %dma_start3A_223 = tpu.memref_slice %arg2[%add3A_209] : memref<163840xi32, #tpu.memory_space<hbm>> -> memref<128xi32, #tpu.memory_space<hbm>>
    %dma_start3A_224 = arith.constant 0 : i32
    %dma_start3A_225 = tpu.memref_slice %arg7[%dma_start3A_219, %dma_start3A_224] : memref<2x128xi32, #tpu.memory_space<vmem>> -> memref<1x128xi32, #tpu.memory_space<vmem>>
    %dma_start3A_226 = tpu.memref_squeeze %dma_start3A_225 : memref<1x128xi32, #tpu.memory_space<vmem>> -> memref<128xi32, #tpu.memory_space<vmem>>
    %dma_start3A_227 = tpu.memref_slice %arg2[%add3A_209] : memref<163840xi32, #tpu.memory_space<hbm>> -> memref<128xi32, #tpu.memory_space<hbm>>
    tpu.enqueue_dma source(%dma_start3A_227 : memref<128xi32, #tpu.memory_space<hbm>>) target(%dma_start3A_226 : memref<128xi32, #tpu.memory_space<vmem>>) target_semaphore(%arg11 : memref<!tpu.dma_semaphore, #tpu.memory_space<semaphore_mem>>)
    %scan3A_228 = arith.constant 0 : i32
    %scan3A_229 = arith.constant 0 : i32
    %scan3A_230 = arith.constant 80 : i32
    %scan3A_231 = arith.addi %scan3A_229, %scan3A_230 : i32
    %scan3A_232 = arith.constant 1 : i32
    scf.for %scan3A_249 = %scan3A_229 to %scan3A_231 step %scan3A_232  : i32 {
      %rem3A = arith.constant 2 : i32
      %rem3A_250 = arith.remsi %scan3A_249, %rem3A : i32
      %add3A_251 = arith.constant 1 : i32
      %add3A_252 = arith.addi %scan3A_249, %add3A_251 : i32
      %rem3A_253 = arith.constant 2 : i32
      %rem3A_254 = arith.remsi %add3A_252, %rem3A_253 : i32
      %add3A_255 = arith.constant 1 : i32
      %add3A_256 = arith.addi %scan3A_249, %add3A_255 : i32
      %lt3A = arith.constant 80 : i32
      %lt3A_257 = arith.cmpi slt, %add3A_256, %lt3A : i32
      %convert_element_type3A_258 = arith.extui %lt3A_257 : i1 to i32
      %cond3A_259 = arith.constant 0 : i32
      %cond3A_260 = arith.cmpi ne, %convert_element_type3A_258, %cond3A_259 : i32
      scf.if %cond3A_260 {
        %ge3A = arith.constant 1 : i32
        %ge3A_266 = arith.cmpi sge, %scan3A_249, %ge3A : i32
        %convert_element_type3A_267 = arith.extui %ge3A_266 : i1 to i32
        %cond3A_268 = arith.constant 0 : i32
        %cond3A_269 = arith.cmpi ne, %convert_element_type3A_267, %cond3A_268 : i32
        scf.if %cond3A_269 {
          %dma_wait3A_401 = arith.constant 0 : i32
          %dma_wait3A_402 = tpu.memref_slice %arg8[%rem3A_254, %dma_wait3A_401] : memref<2x128xi32, #tpu.memory_space<vmem>> -> memref<1x128xi32, #tpu.memory_space<vmem>>
          %dma_wait3A_403 = tpu.memref_squeeze %dma_wait3A_402 : memref<1x128xi32, #tpu.memory_space<vmem>> -> memref<128xi32, #tpu.memory_space<vmem>>
          %dma_wait3A_404 = arith.constant 0 : i32
          %dma_wait3A_405 = tpu.memref_slice %arg5[%dma_wait3A_404] : memref<256000xf32, #tpu.memory_space<vmem_shared>> -> memref<256000xf32, #tpu.memory_space<vmem_shared>>
          tpu.wait_indirect_dma semaphore(%arg12 : memref<!tpu.dma_semaphore, #tpu.memory_space<semaphore_mem>>) src(%arg9 : memref<128xf32, #tpu.memory_space<vmem>>) dst(%dma_wait3A_405 : memref<256000xf32, #tpu.memory_space<vmem_shared>>)
        } else {
        }
        %dma_wait3A_270 = arith.constant 0 : i32
        %dma_wait3A_271 = tpu.memref_slice %arg6[%rem3A_254, %dma_wait3A_270] : memref<2x128xi32, #tpu.memory_space<vmem>> -> memref<1x128xi32, #tpu.memory_space<vmem>>
        %dma_wait3A_272 = tpu.memref_squeeze %dma_wait3A_271 : memref<1x128xi32, #tpu.memory_space<vmem>> -> memref<128xi32, #tpu.memory_space<vmem>>
        %dma_wait3A_273 = arith.constant 0 : i32
        %dma_wait3A_274 = tpu.memref_slice %arg3[%dma_wait3A_273] : memref<163840xi32, #tpu.memory_space<hbm>> -> memref<128xi32, #tpu.memory_space<hbm>>
        %dma_wait3A_275 = arith.constant 0 : i32
        %dma_wait3A_276 = tpu.memref_slice %arg6[%rem3A_254, %dma_wait3A_275] : memref<2x128xi32, #tpu.memory_space<vmem>> -> memref<1x128xi32, #tpu.memory_space<vmem>>
        %dma_wait3A_277 = tpu.memref_squeeze %dma_wait3A_276 : memref<1x128xi32, #tpu.memory_space<vmem>> -> memref<128xi32, #tpu.memory_space<vmem>>
        %dma_wait3A_278 = arith.constant 0 : i32
        %dma_wait3A_279 = tpu.memref_slice %arg3[%dma_wait3A_278] : memref<163840xi32, #tpu.memory_space<hbm>> -> memref<128xi32, #tpu.memory_space<hbm>>
        tpu.wait_dma2 semaphore(%arg11 : memref<!tpu.dma_semaphore, #tpu.memory_space<semaphore_mem>>) src(%dma_wait3A_279 : memref<128xi32, #tpu.memory_space<hbm>>) dst(%dma_wait3A_277 : memref<128xi32, #tpu.memory_space<vmem>>)
        %dma_wait3A_280 = arith.constant 0 : i32
        %dma_wait3A_281 = tpu.memref_slice %arg7[%rem3A_254, %dma_wait3A_280] : memref<2x128xi32, #tpu.memory_space<vmem>> -> memref<1x128xi32, #tpu.memory_space<vmem>>
        %dma_wait3A_282 = tpu.memref_squeeze %dma_wait3A_281 : memref<1x128xi32, #tpu.memory_space<vmem>> -> memref<128xi32, #tpu.memory_space<vmem>>
        %dma_wait3A_283 = arith.constant 0 : i32
        %dma_wait3A_284 = tpu.memref_slice %arg2[%dma_wait3A_283] : memref<163840xi32, #tpu.memory_space<hbm>> -> memref<128xi32, #tpu.memory_space<hbm>>
        %dma_wait3A_285 = arith.constant 0 : i32
        %dma_wait3A_286 = tpu.memref_slice %arg7[%rem3A_254, %dma_wait3A_285] : memref<2x128xi32, #tpu.memory_space<vmem>> -> memref<1x128xi32, #tpu.memory_space<vmem>>
        %dma_wait3A_287 = tpu.memref_squeeze %dma_wait3A_286 : memref<1x128xi32, #tpu.memory_space<vmem>> -> memref<128xi32, #tpu.memory_space<vmem>>
        %dma_wait3A_288 = arith.constant 0 : i32
        %dma_wait3A_289 = tpu.memref_slice %arg2[%dma_wait3A_288] : memref<163840xi32, #tpu.memory_space<hbm>> -> memref<128xi32, #tpu.memory_space<hbm>>
        tpu.wait_dma2 semaphore(%arg11 : memref<!tpu.dma_semaphore, #tpu.memory_space<semaphore_mem>>) src(%dma_wait3A_289 : memref<128xi32, #tpu.memory_space<hbm>>) dst(%dma_wait3A_287 : memref<128xi32, #tpu.memory_space<vmem>>)
        %get3A_290 = arith.index_cast %rem3A_254 : i32 to index
        %get3A_291 = arith.constant 0 : index
        %get3A_292 = tpu.vector_load %arg6[%get3A_290, %get3A_291] {strides = array<i32>} : memref<2x128xi32, #tpu.memory_space<vmem>>, vector<16xi32>,
        %mul3A_293 = arith.constant 10000 : i32
        %mul3A_294 = vector.broadcast %mul3A_293 : i32 to vector<16xi32>
        %mul3A_295 = arith.muli %get3A_292, %mul3A_294 : vector<16xi32>
        %get3A_296 = arith.index_cast %rem3A_254 : i32 to index
        %get3A_297 = arith.constant 0 : index
        %get3A_298 = tpu.vector_load %arg7[%get3A_296, %get3A_297] {strides = array<i32>} : memref<2x128xi32, #tpu.memory_space<vmem>>, vector<16xi32>,
        %add3A_299 = arith.addi %mul3A_295, %get3A_298 : vector<16xi32>
        %swap3A_300 = arith.index_cast %rem3A_254 : i32 to index
        %swap3A_301 = arith.constant 0 : index
        %swap3A_302 = tpu.vector_load %arg8[%swap3A_300, %swap3A_301] {strides = array<i32>} : memref<2x128xi32, #tpu.memory_space<vmem>>, vector<16xi32>,
        tpu.vector_store %arg8[%swap3A_300, %swap3A_301], %add3A_299 {strides = array<i32>} : memref<2x128xi32, #tpu.memory_space<vmem>>, vector<16xi32>,
        %get3A_303 = arith.index_cast %rem3A_254 : i32 to index
        %get3A_304 = arith.constant 16 : index
        %get3A_305 = tpu.vector_load %arg6[%get3A_303, %get3A_304] {strides = array<i32>} : memref<2x128xi32, #tpu.memory_space<vmem>>, vector<16xi32>,
        %mul3A_306 = arith.constant 10000 : i32
        %mul3A_307 = vector.broadcast %mul3A_306 : i32 to vector<16xi32>
        %mul3A_308 = arith.muli %get3A_305, %mul3A_307 : vector<16xi32>
        %get3A_309 = arith.index_cast %rem3A_254 : i32 to index
        %get3A_310 = arith.constant 16 : index
        %get3A_311 = tpu.vector_load %arg7[%get3A_309, %get3A_310] {strides = array<i32>} : memref<2x128xi32, #tpu.memory_space<vmem>>, vector<16xi32>,
        %add3A_312 = arith.addi %mul3A_308, %get3A_311 : vector<16xi32>
        %swap3A_313 = arith.index_cast %rem3A_254 : i32 to index
        %swap3A_314 = arith.constant 16 : index
        %swap3A_315 = tpu.vector_load %arg8[%swap3A_313, %swap3A_314] {strides = array<i32>} : memref<2x128xi32, #tpu.memory_space<vmem>>, vector<16xi32>,
        tpu.vector_store %arg8[%swap3A_313, %swap3A_314], %add3A_312 {strides = array<i32>} : memref<2x128xi32, #tpu.memory_space<vmem>>, vector<16xi32>,
        %get3A_316 = arith.index_cast %rem3A_254 : i32 to index
        %get3A_317 = arith.constant 32 : index
        %get3A_318 = tpu.vector_load %arg6[%get3A_316, %get3A_317] {strides = array<i32>} : memref<2x128xi32, #tpu.memory_space<vmem>>, vector<16xi32>,
        %mul3A_319 = arith.constant 10000 : i32
        %mul3A_320 = vector.broadcast %mul3A_319 : i32 to vector<16xi32>
        %mul3A_321 = arith.muli %get3A_318, %mul3A_320 : vector<16xi32>
        %get3A_322 = arith.index_cast %rem3A_254 : i32 to index
        %get3A_323 = arith.constant 32 : index
        %get3A_324 = tpu.vector_load %arg7[%get3A_322, %get3A_323] {strides = array<i32>} : memref<2x128xi32, #tpu.memory_space<vmem>>, vector<16xi32>,
        %add3A_325 = arith.addi %mul3A_321, %get3A_324 : vector<16xi32>
        %swap3A_326 = arith.index_cast %rem3A_254 : i32 to index
        %swap3A_327 = arith.constant 32 : index
        %swap3A_328 = tpu.vector_load %arg8[%swap3A_326, %swap3A_327] {strides = array<i32>} : memref<2x128xi32, #tpu.memory_space<vmem>>, vector<16xi32>,
        tpu.vector_store %arg8[%swap3A_326, %swap3A_327], %add3A_325 {strides = array<i32>} : memref<2x128xi32, #tpu.memory_space<vmem>>, vector<16xi32>,
        %get3A_329 = arith.index_cast %rem3A_254 : i32 to index
        %get3A_330 = arith.constant 48 : index
        %get3A_331 = tpu.vector_load %arg6[%get3A_329, %get3A_330] {strides = array<i32>} : memref<2x128xi32, #tpu.memory_space<vmem>>, vector<16xi32>,
        %mul3A_332 = arith.constant 10000 : i32
        %mul3A_333 = vector.broadcast %mul3A_332 : i32 to vector<16xi32>
        %mul3A_334 = arith.muli %get3A_331, %mul3A_333 : vector<16xi32>
        %get3A_335 = arith.index_cast %rem3A_254 : i32 to index
        %get3A_336 = arith.constant 48 : index
        %get3A_337 = tpu.vector_load %arg7[%get3A_335, %get3A_336] {strides = array<i32>} : memref<2x128xi32, #tpu.memory_space<vmem>>, vector<16xi32>,
        %add3A_338 = arith.addi %mul3A_334, %get3A_337 : vector<16xi32>
        %swap3A_339 = arith.index_cast %rem3A_254 : i32 to index
        %swap3A_340 = arith.constant 48 : index
        %swap3A_341 = tpu.vector_load %arg8[%swap3A_339, %swap3A_340] {strides = array<i32>} : memref<2x128xi32, #tpu.memory_space<vmem>>, vector<16xi32>,
        tpu.vector_store %arg8[%swap3A_339, %swap3A_340], %add3A_338 {strides = array<i32>} : memref<2x128xi32, #tpu.memory_space<vmem>>, vector<16xi32>,
        %get3A_342 = arith.index_cast %rem3A_254 : i32 to index
        %get3A_343 = arith.constant 64 : index
        %get3A_344 = tpu.vector_load %arg6[%get3A_342, %get3A_343] {strides = array<i32>} : memref<2x128xi32, #tpu.memory_space<vmem>>, vector<16xi32>,
        %mul3A_345 = arith.constant 10000 : i32
        %mul3A_346 = vector.broadcast %mul3A_345 : i32 to vector<16xi32>
        %mul3A_347 = arith.muli %get3A_344, %mul3A_346 : vector<16xi32>
        %get3A_348 = arith.index_cast %rem3A_254 : i32 to index
        %get3A_349 = arith.constant 64 : index
        %get3A_350 = tpu.vector_load %arg7[%get3A_348, %get3A_349] {strides = array<i32>} : memref<2x128xi32, #tpu.memory_space<vmem>>, vector<16xi32>,
        %add3A_351 = arith.addi %mul3A_347, %get3A_350 : vector<16xi32>
        %swap3A_352 = arith.index_cast %rem3A_254 : i32 to index
        %swap3A_353 = arith.constant 64 : index
        %swap3A_354 = tpu.vector_load %arg8[%swap3A_352, %swap3A_353] {strides = array<i32>} : memref<2x128xi32, #tpu.memory_space<vmem>>, vector<16xi32>,
        tpu.vector_store %arg8[%swap3A_352, %swap3A_353], %add3A_351 {strides = array<i32>} : memref<2x128xi32, #tpu.memory_space<vmem>>, vector<16xi32>,
        %get3A_355 = arith.index_cast %rem3A_254 : i32 to index
        %get3A_356 = arith.constant 80 : index
        %get3A_357 = tpu.vector_load %arg6[%get3A_355, %get3A_356] {strides = array<i32>} : memref<2x128xi32, #tpu.memory_space<vmem>>, vector<16xi32>,
        %mul3A_358 = arith.constant 10000 : i32
        %mul3A_359 = vector.broadcast %mul3A_358 : i32 to vector<16xi32>
        %mul3A_360 = arith.muli %get3A_357, %mul3A_359 : vector<16xi32>
        %get3A_361 = arith.index_cast %rem3A_254 : i32 to index
        %get3A_362 = arith.constant 80 : index
        %get3A_363 = tpu.vector_load %arg7[%get3A_361, %get3A_362] {strides = array<i32>} : memref<2x128xi32, #tpu.memory_space<vmem>>, vector<16xi32>,
        %add3A_364 = arith.addi %mul3A_360, %get3A_363 : vector<16xi32>
        %swap3A_365 = arith.index_cast %rem3A_254 : i32 to index
        %swap3A_366 = arith.constant 80 : index
        %swap3A_367 = tpu.vector_load %arg8[%swap3A_365, %swap3A_366] {strides = array<i32>} : memref<2x128xi32, #tpu.memory_space<vmem>>, vector<16xi32>,
        tpu.vector_store %arg8[%swap3A_365, %swap3A_366], %add3A_364 {strides = array<i32>} : memref<2x128xi32, #tpu.memory_space<vmem>>, vector<16xi32>,
        %get3A_368 = arith.index_cast %rem3A_254 : i32 to index
        %get3A_369 = arith.constant 96 : index
        %get3A_370 = tpu.vector_load %arg6[%get3A_368, %get3A_369] {strides = array<i32>} : memref<2x128xi32, #tpu.memory_space<vmem>>, vector<16xi32>,
        %mul3A_371 = arith.constant 10000 : i32
        %mul3A_372 = vector.broadcast %mul3A_371 : i32 to vector<16xi32>
        %mul3A_373 = arith.muli %get3A_370, %mul3A_372 : vector<16xi32>
        %get3A_374 = arith.index_cast %rem3A_254 : i32 to index
        %get3A_375 = arith.constant 96 : index
        %get3A_376 = tpu.vector_load %arg7[%get3A_374, %get3A_375] {strides = array<i32>} : memref<2x128xi32, #tpu.memory_space<vmem>>, vector<16xi32>,
        %add3A_377 = arith.addi %mul3A_373, %get3A_376 : vector<16xi32>
        %swap3A_378 = arith.index_cast %rem3A_254 : i32 to index
        %swap3A_379 = arith.constant 96 : index
        %swap3A_380 = tpu.vector_load %arg8[%swap3A_378, %swap3A_379] {strides = array<i32>} : memref<2x128xi32, #tpu.memory_space<vmem>>, vector<16xi32>,
        tpu.vector_store %arg8[%swap3A_378, %swap3A_379], %add3A_377 {strides = array<i32>} : memref<2x128xi32, #tpu.memory_space<vmem>>, vector<16xi32>,
        %get3A_381 = arith.index_cast %rem3A_254 : i32 to index
        %get3A_382 = arith.constant 112 : index
        %get3A_383 = tpu.vector_load %arg6[%get3A_381, %get3A_382] {strides = array<i32>} : memref<2x128xi32, #tpu.memory_space<vmem>>, vector<16xi32>,
        %mul3A_384 = arith.constant 10000 : i32
        %mul3A_385 = vector.broadcast %mul3A_384 : i32 to vector<16xi32>
        %mul3A_386 = arith.muli %get3A_383, %mul3A_385 : vector<16xi32>
        %get3A_387 = arith.index_cast %rem3A_254 : i32 to index
        %get3A_388 = arith.constant 112 : index
        %get3A_389 = tpu.vector_load %arg7[%get3A_387, %get3A_388] {strides = array<i32>} : memref<2x128xi32, #tpu.memory_space<vmem>>, vector<16xi32>,
        %add3A_390 = arith.addi %mul3A_386, %get3A_389 : vector<16xi32>
        %swap3A_391 = arith.index_cast %rem3A_254 : i32 to index
        %swap3A_392 = arith.constant 112 : index
        %swap3A_393 = tpu.vector_load %arg8[%swap3A_391, %swap3A_392] {strides = array<i32>} : memref<2x128xi32, #tpu.memory_space<vmem>>, vector<16xi32>,
        tpu.vector_store %arg8[%swap3A_391, %swap3A_392], %add3A_390 {strides = array<i32>} : memref<2x128xi32, #tpu.memory_space<vmem>>, vector<16xi32>,
        %add3A_394 = arith.constant 2 : i32
        %add3A_395 = arith.addi %scan3A_249, %add3A_394 : i32
        %lt3A_396 = arith.constant 80 : i32
        %lt3A_397 = arith.cmpi slt, %add3A_395, %lt3A_396 : i32
        %convert_element_type3A_398 = arith.extui %lt3A_397 : i1 to i32
        %cond3A_399 = arith.constant 0 : i32
        %cond3A_400 = arith.cmpi ne, %convert_element_type3A_398, %cond3A_399 : i32
        scf.if %cond3A_400 {
          %add3A_401 = arith.constant 2 : i32
          %add3A_402 = arith.addi %scan3A_249, %add3A_401 : i32
          %mul3A_403 = arith.constant 128 : i32
          %mul3A_404 = arith.muli %add3A_402, %mul3A_403 : i32
          %add3A_405 = arith.addi %mul3A_0, %mul3A_404 : i32
          %dma_start3A_406 = arith.constant 0 : i32
          %dma_start3A_407 = tpu.memref_slice %arg6[%rem3A_250, %dma_start3A_406] : memref<2x128xi32, #tpu.memory_space<vmem>> -> memref<1x128xi32, #tpu.memory_space<vmem>>
          %dma_start3A_408 = tpu.memref_squeeze %dma_start3A_407 : memref<1x128xi32, #tpu.memory_space<vmem>> -> memref<128xi32, #tpu.memory_space<vmem>>
          %dma_start3A_409 = tpu.memref_slice %arg3[%add3A_405] : memref<163840xi32, #tpu.memory_space<hbm>> -> memref<128xi32, #tpu.memory_space<hbm>>
          %dma_start3A_410 = arith.constant 0 : i32
          %dma_start3A_411 = tpu.memref_slice %arg6[%rem3A_250, %dma_start3A_410] : memref<2x128xi32, #tpu.memory_space<vmem>> -> memref<1x128xi32, #tpu.memory_space<vmem>>
          %dma_start3A_412 = tpu.memref_squeeze %dma_start3A_411 : memref<1x128xi32, #tpu.memory_space<vmem>> -> memref<128xi32, #tpu.memory_space<vmem>>
          %dma_start3A_413 = tpu.memref_slice %arg3[%add3A_405] : memref<163840xi32, #tpu.memory_space<hbm>> -> memref<128xi32, #tpu.memory_space<hbm>>
          tpu.enqueue_dma source(%dma_start3A_413 : memref<128xi32, #tpu.memory_space<hbm>>) target(%dma_start3A_412 : memref<128xi32, #tpu.memory_space<vmem>>) target_semaphore(%arg11 : memref<!tpu.dma_semaphore, #tpu.memory_space<semaphore_mem>>)
          %dma_start3A_414 = arith.constant 0 : i32
          %dma_start3A_415 = tpu.memref_slice %arg7[%rem3A_250, %dma_start3A_414] : memref<2x128xi32, #tpu.memory_space<vmem>> -> memref<1x128xi32, #tpu.memory_space<vmem>>
          %dma_start3A_416 = tpu.memref_squeeze %dma_start3A_415 : memref<1x128xi32, #tpu.memory_space<vmem>> -> memref<128xi32, #tpu.memory_space<vmem>>
          %dma_start3A_417 = tpu.memref_slice %arg2[%add3A_405] : memref<163840xi32, #tpu.memory_space<hbm>> -> memref<128xi32, #tpu.memory_space<hbm>>
          %dma_start3A_418 = arith.constant 0 : i32
          %dma_start3A_419 = tpu.memref_slice %arg7[%rem3A_250, %dma_start3A_418] : memref<2x128xi32, #tpu.memory_space<vmem>> -> memref<1x128xi32, #tpu.memory_space<vmem>>
          %dma_start3A_420 = tpu.memref_squeeze %dma_start3A_419 : memref<1x128xi32, #tpu.memory_space<vmem>> -> memref<128xi32, #tpu.memory_space<vmem>>
          %dma_start3A_421 = tpu.memref_slice %arg2[%add3A_405] : memref<163840xi32, #tpu.memory_space<hbm>> -> memref<128xi32, #tpu.memory_space<hbm>>
          tpu.enqueue_dma source(%dma_start3A_421 : memref<128xi32, #tpu.memory_space<hbm>>) target(%dma_start3A_420 : memref<128xi32, #tpu.memory_space<vmem>>) target_semaphore(%arg11 : memref<!tpu.dma_semaphore, #tpu.memory_space<semaphore_mem>>)
        } else {
        }
      } else {
      }
      %dma_start3A_261 = arith.constant 0 : i32
      %dma_start3A_262 = tpu.memref_slice %arg8[%rem3A_250, %dma_start3A_261] : memref<2x128xi32, #tpu.memory_space<vmem>> -> memref<1x128xi32, #tpu.memory_space<vmem>>
      %dma_start3A_263 = tpu.memref_squeeze %dma_start3A_262 : memref<1x128xi32, #tpu.memory_space<vmem>> -> memref<128xi32, #tpu.memory_space<vmem>>
      %dma_start3A_264 = arith.constant 0 : i32
      %dma_start3A_265 = tpu.memref_slice %arg5[%dma_start3A_264] : memref<256000xf32, #tpu.memory_space<vmem_shared>> -> memref<256000xf32, #tpu.memory_space<vmem_shared>>
      tpu.enqueue_indirect_dma source(%arg9 : memref<128xf32, #tpu.memory_space<vmem>>) target(%dma_start3A_265 : memref<256000xf32, #tpu.memory_space<vmem_shared>>) offsets(%dma_start3A_263 : memref<128xi32, #tpu.memory_space<vmem>>) semaphore(%arg12 : memref<!tpu.dma_semaphore, #tpu.memory_space<semaphore_mem>>) {add = true}
    }
    %scan3A_233 = arith.constant 80 : i32
    %dma_wait3A_234 = arith.constant 0 : i32
    %dma_wait3A_235 = arith.constant 0 : i32
    %dma_wait3A_236 = tpu.memref_slice %arg8[%dma_wait3A_234, %dma_wait3A_235] : memref<2x128xi32, #tpu.memory_space<vmem>> -> memref<1x128xi32, #tpu.memory_space<vmem>>
    %dma_wait3A_237 = tpu.memref_squeeze %dma_wait3A_236 : memref<1x128xi32, #tpu.memory_space<vmem>> -> memref<128xi32, #tpu.memory_space<vmem>>
    %dma_wait3A_238 = arith.constant 0 : i32
    %dma_wait3A_239 = tpu.memref_slice %arg5[%dma_wait3A_238] : memref<256000xf32, #tpu.memory_space<vmem_shared>> -> memref<256000xf32, #tpu.memory_space<vmem_shared>>
    tpu.wait_indirect_dma semaphore(%arg12 : memref<!tpu.dma_semaphore, #tpu.memory_space<semaphore_mem>>) src(%arg9 : memref<128xf32, #tpu.memory_space<vmem>>) dst(%dma_wait3A_239 : memref<256000xf32, #tpu.memory_space<vmem_shared>>)
    %dma_wait3A_240 = arith.constant 1 : i32
    %dma_wait3A_241 = arith.constant 0 : i32
    %dma_wait3A_242 = tpu.memref_slice %arg8[%dma_wait3A_240, %dma_wait3A_241] : memref<2x128xi32, #tpu.memory_space<vmem>> -> memref<1x128xi32, #tpu.memory_space<vmem>>
    %dma_wait3A_243 = tpu.memref_squeeze %dma_wait3A_242 : memref<1x128xi32, #tpu.memory_space<vmem>> -> memref<128xi32, #tpu.memory_space<vmem>>
    %dma_wait3A_244 = arith.constant 0 : i32
    %dma_wait3A_245 = tpu.memref_slice %arg5[%dma_wait3A_244] : memref<256000xf32, #tpu.memory_space<vmem_shared>> -> memref<256000xf32, #tpu.memory_space<vmem_shared>>
    tpu.wait_indirect_dma semaphore(%arg12 : memref<!tpu.dma_semaphore, #tpu.memory_space<semaphore_mem>>) src(%arg9 : memref<128xf32, #tpu.memory_space<vmem>>) dst(%dma_wait3A_245 : memref<256000xf32, #tpu.memory_space<vmem_shared>>)
    %barrier3A_246 = arith.constant 0 : index
    tpu.barrier barrier_id(%barrier3A_246)
    %eq3A = arith.constant 0 : i32
    %eq3A_247 = arith.cmpi eq, %arg0, %eq3A : i32
    %convert_element_type3A = arith.extui %eq3A_247 : i1 to i32
    %cond3A = arith.constant 0 : i32
    %cond3A_248 = arith.cmpi ne, %convert_element_type3A, %cond3A : i32
    scf.if %cond3A_248 {
      %scan3A_249 = arith.constant 0 : i32
      %scan3A_250 = arith.constant 0 : i32
      %scan3A_251 = arith.constant 8 : i32
      %scan3A_252 = arith.addi %scan3A_250, %scan3A_251 : i32
      %scan3A_253 = arith.constant 1 : i32
      scf.for %scan3A_255 = %scan3A_250 to %scan3A_252 step %scan3A_253  : i32 {
        %mul3A_256 = arith.constant 16000 : i32
        %mul3A_257 = arith.muli %arg1, %mul3A_256 : i32
        %mul3A_258 = arith.constant 2000 : i32
        %mul3A_259 = arith.muli %scan3A_255, %mul3A_258 : i32
        %add3A_260 = arith.addi %mul3A_257, %mul3A_259 : i32
        "tpu.region"() ({
          %run_scoped3A = tpu.sem_alloc : memref<!tpu.dma_semaphore, #tpu.memory_space<semaphore_mem>>
          %dma_start3A_267 = tpu.memref_slice %arg5[%add3A_260] : memref<256000xf32, #tpu.memory_space<vmem_shared>> -> memref<2000xf32, #tpu.memory_space<vmem_shared>>
          %dma_start3A_268 = tpu.memref_slice %arg5[%add3A_260] : memref<256000xf32, #tpu.memory_space<vmem_shared>> -> memref<2000xf32, #tpu.memory_space<vmem_shared>>
          tpu.enqueue_dma source(%dma_start3A_268 : memref<2000xf32, #tpu.memory_space<vmem_shared>>) target(%arg10 : memref<2000xf32, #tpu.memory_space<vmem>>) target_semaphore(%run_scoped3A : memref<!tpu.dma_semaphore, #tpu.memory_space<semaphore_mem>>)
          %dma_wait3A_269 = tpu.memref_slice %arg5[%add3A_260] : memref<256000xf32, #tpu.memory_space<vmem_shared>> -> memref<2000xf32, #tpu.memory_space<vmem_shared>>
          %dma_wait3A_270 = tpu.memref_slice %arg5[%add3A_260] : memref<256000xf32, #tpu.memory_space<vmem_shared>> -> memref<2000xf32, #tpu.memory_space<vmem_shared>>
          tpu.wait_dma2 semaphore(%run_scoped3A : memref<!tpu.dma_semaphore, #tpu.memory_space<semaphore_mem>>) src(%dma_wait3A_270 : memref<2000xf32, #tpu.memory_space<vmem_shared>>) dst(%arg10 : memref<2000xf32, #tpu.memory_space<vmem>>)
          tpu.yield
        }) : () -> ()
        %scan3A_261 = arith.constant 0 : i32
        %scan3A_262 = arith.constant 0 : i32
        %scan3A_263 = arith.constant 125 : i32
        %scan3A_264 = arith.addi %scan3A_262, %scan3A_263 : i32
        %scan3A_265 = arith.constant 1 : i32
        scf.for %scan3A_267 = %scan3A_262 to %scan3A_264 step %scan3A_265  : i32 {
          %mul3A_268 = arith.constant 16 : i32
          %mul3A_269 = arith.muli %scan3A_267, %mul3A_268 : i32
          %get3A_270 = arith.index_cast %mul3A_269 : i32 to index
          %get3A_271 = tpu.vector_load %arg10[%get3A_270] {strides = array<i32>} : memref<2000xf32, #tpu.memory_space<vmem>>, vector<16xf32>,
          %max3A = arith.constant 1.000000e+00 : f32
          %max3A_272 = vector.broadcast %max3A : f32 to vector<16xf32>
          %max3A_273 = arith.maximumf %get3A_271, %max3A_272 : vector<16xf32>
          %div3A = arith.constant 1.000000e+00 : f32
          %div3A_274 = vector.broadcast %div3A : f32 to vector<16xf32>
          %div3A_275 = arith.divf %div3A_274, %max3A_273 : vector<16xf32>
          %mul3A_276 = arith.constant 16 : i32
          %mul3A_277 = arith.muli %scan3A_267, %mul3A_276 : i32
          %swap3A_278 = arith.index_cast %mul3A_277 : i32 to index
          %swap3A_279 = tpu.vector_load %arg10[%swap3A_278] {strides = array<i32>} : memref<2000xf32, #tpu.memory_space<vmem>>, vector<16xf32>,
          tpu.vector_store %arg10[%swap3A_278], %div3A_275 {strides = array<i32>} : memref<2000xf32, #tpu.memory_space<vmem>>, vector<16xf32>,
        }
        %scan3A_266 = arith.constant 125 : i32
        "tpu.region"() ({
          %run_scoped3A = tpu.sem_alloc : memref<!tpu.dma_semaphore, #tpu.memory_space<semaphore_mem>>
          %dma_start3A_267 = tpu.memref_slice %arg4[%add3A_260] : memref<256000xf32, #tpu.memory_space<hbm>> -> memref<2000xf32, #tpu.memory_space<hbm>>
          %dma_start3A_268 = tpu.memref_slice %arg4[%add3A_260] : memref<256000xf32, #tpu.memory_space<hbm>> -> memref<2000xf32, #tpu.memory_space<hbm>>
          tpu.enqueue_dma source(%arg10 : memref<2000xf32, #tpu.memory_space<vmem>>) target(%dma_start3A_268 : memref<2000xf32, #tpu.memory_space<hbm>>) target_semaphore(%run_scoped3A : memref<!tpu.dma_semaphore, #tpu.memory_space<semaphore_mem>>)
          %dma_wait3A_269 = tpu.memref_slice %arg4[%add3A_260] : memref<256000xf32, #tpu.memory_space<hbm>> -> memref<2000xf32, #tpu.memory_space<hbm>>
          %dma_wait3A_270 = tpu.memref_slice %arg4[%add3A_260] : memref<256000xf32, #tpu.memory_space<hbm>> -> memref<2000xf32, #tpu.memory_space<hbm>>
          tpu.wait_dma2 semaphore(%run_scoped3A : memref<!tpu.dma_semaphore, #tpu.memory_space<semaphore_mem>>) src(%arg10 : memref<2000xf32, #tpu.memory_space<vmem>>) dst(%dma_wait3A_270 : memref<2000xf32, #tpu.memory_space<hbm>>)
          tpu.yield
        }) : () -> ()
      }
      %scan3A_254 = arith.constant 8 : i32
    } else {
    }
    return
  }
}

#map = affine_map<(d0, d1) -> (0, 0)>
#map1 = affine_map<(d0, d1) -> (0)>
module attributes {stable_mosaic.version = 14 : i64} {
  func.func @_p3_body(%arg0: i32, %arg1: i32, %arg2: memref<20000x128xf32, #tpu.memory_space<hbm>>, %arg3: memref<65536xi32, #tpu.memory_space<hbm>>, %arg4: memref<65536xi32, #tpu.memory_space<hbm>>, %arg5: memref<65536xi32, #tpu.memory_space<hbm>>, %arg6: memref<6144xf32, #tpu.memory_space<hbm>>, %arg7: memref<65536xf32, #tpu.memory_space<hbm>>, %arg8: memref<2x64xi32, #tpu.memory_space<vmem>>, %arg9: memref<2x64xi32, #tpu.memory_space<vmem>>, %arg10: memref<2x64xi32, #tpu.memory_space<vmem>>, %arg11: memref<2x64xi32, #tpu.memory_space<vmem>>, %arg12: memref<2x64xi32, #tpu.memory_space<vmem>>, %arg13: memref<2x64x128xf32, #tpu.memory_space<vmem>>, %arg14: memref<2x64x128xf32, #tpu.memory_space<vmem>>, %arg15: memref<2x64x128xf32, #tpu.memory_space<vmem>>, %arg16: memref<2x64x128xf32, #tpu.memory_space<vmem>>, %arg17: memref<6144xf32, #tpu.memory_space<vmem>>, %arg18: memref<2x64xf32, #tpu.memory_space<vmem>>, %arg19: memref<!tpu.dma_semaphore, #tpu.memory_space<semaphore_mem>>) attributes {dimension_semantics = [#tpu.dimension_semantics<core_parallel>, #tpu.dimension_semantics<subcore_parallel>], iteration_bounds = array<i64: 2, 16>, scalar_prefetch = 0 : i64, scratch_operands = 12 : i64, tpu.core_type = #tpu.core_type<sc_vector_subcore>, window_params = [{transform_indices = #map}, {transform_indices = #map1}, {transform_indices = #map1}, {transform_indices = #map1}, {transform_indices = #map1}, {transform_indices = #map1}]} {
    %mul3A = arith.constant 2 : i32
    %mul3A_0 = arith.muli %arg1, %mul3A : i32
    %add3A = arith.addi %mul3A_0, %arg0 : i32
    %mul3A_1 = arith.constant 2048 : i32
    %mul3A_2 = arith.muli %add3A, %mul3A_1 : i32
    %iota3A = tpu.iota {dimensions = array<i32: 0>} : vector<16xi32>
    "tpu.region"() ({
      %run_scoped3A_286 = tpu.sem_alloc : memref<!tpu.dma_semaphore, #tpu.memory_space<semaphore_mem>>
      tpu.enqueue_dma source(%arg6 : memref<6144xf32, #tpu.memory_space<hbm>>) target(%arg17 : memref<6144xf32, #tpu.memory_space<vmem>>) target_semaphore(%run_scoped3A_286 : memref<!tpu.dma_semaphore, #tpu.memory_space<semaphore_mem>>)
      tpu.wait_dma2 semaphore(%run_scoped3A_286 : memref<!tpu.dma_semaphore, #tpu.memory_space<semaphore_mem>>) src(%arg6 : memref<6144xf32, #tpu.memory_space<hbm>>) dst(%arg17 : memref<6144xf32, #tpu.memory_space<vmem>>)
      tpu.yield
    }) : () -> ()
    %add3A_3 = arith.constant 0 : i32
    %add3A_4 = arith.addi %mul3A_2, %add3A_3 : i32
    %run_scoped3A = arith.constant 0 : i32
    "tpu.region"() ({
      %run_scoped3A_286 = tpu.sem_alloc : memref<!tpu.dma_semaphore, #tpu.memory_space<semaphore_mem>>
      %dma_start3A_287 = arith.constant 0 : i32
      %dma_start3A_288 = tpu.memref_slice %arg8[%run_scoped3A, %dma_start3A_287] : memref<2x64xi32, #tpu.memory_space<vmem>> -> memref<1x64xi32, #tpu.memory_space<vmem>>
      %dma_start3A_289 = tpu.memref_squeeze %dma_start3A_288 : memref<1x64xi32, #tpu.memory_space<vmem>> -> memref<64xi32, #tpu.memory_space<vmem>>
      %dma_start3A_290 = tpu.memref_slice %arg3[%add3A_4] : memref<65536xi32, #tpu.memory_space<hbm>> -> memref<64xi32, #tpu.memory_space<hbm>>
      %dma_start3A_291 = arith.constant 0 : i32
      %dma_start3A_292 = tpu.memref_slice %arg8[%run_scoped3A, %dma_start3A_291] : memref<2x64xi32, #tpu.memory_space<vmem>> -> memref<1x64xi32, #tpu.memory_space<vmem>>
      %dma_start3A_293 = tpu.memref_squeeze %dma_start3A_292 : memref<1x64xi32, #tpu.memory_space<vmem>> -> memref<64xi32, #tpu.memory_space<vmem>>
      %dma_start3A_294 = tpu.memref_slice %arg3[%add3A_4] : memref<65536xi32, #tpu.memory_space<hbm>> -> memref<64xi32, #tpu.memory_space<hbm>>
      tpu.enqueue_dma source(%dma_start3A_294 : memref<64xi32, #tpu.memory_space<hbm>>) target(%dma_start3A_293 : memref<64xi32, #tpu.memory_space<vmem>>) target_semaphore(%run_scoped3A_286 : memref<!tpu.dma_semaphore, #tpu.memory_space<semaphore_mem>>)
      %dma_wait3A = arith.constant 0 : i32
      %dma_wait3A_295 = tpu.memref_slice %arg8[%run_scoped3A, %dma_wait3A] : memref<2x64xi32, #tpu.memory_space<vmem>> -> memref<1x64xi32, #tpu.memory_space<vmem>>
      %dma_wait3A_296 = tpu.memref_squeeze %dma_wait3A_295 : memref<1x64xi32, #tpu.memory_space<vmem>> -> memref<64xi32, #tpu.memory_space<vmem>>
      %dma_wait3A_297 = tpu.memref_slice %arg3[%add3A_4] : memref<65536xi32, #tpu.memory_space<hbm>> -> memref<64xi32, #tpu.memory_space<hbm>>
      %dma_wait3A_298 = arith.constant 0 : i32
      %dma_wait3A_299 = tpu.memref_slice %arg8[%run_scoped3A, %dma_wait3A_298] : memref<2x64xi32, #tpu.memory_space<vmem>> -> memref<1x64xi32, #tpu.memory_space<vmem>>
      %dma_wait3A_300 = tpu.memref_squeeze %dma_wait3A_299 : memref<1x64xi32, #tpu.memory_space<vmem>> -> memref<64xi32, #tpu.memory_space<vmem>>
      %dma_wait3A_301 = tpu.memref_slice %arg3[%add3A_4] : memref<65536xi32, #tpu.memory_space<hbm>> -> memref<64xi32, #tpu.memory_space<hbm>>
      tpu.wait_dma2 semaphore(%run_scoped3A_286 : memref<!tpu.dma_semaphore, #tpu.memory_space<semaphore_mem>>) src(%dma_wait3A_301 : memref<64xi32, #tpu.memory_space<hbm>>) dst(%dma_wait3A_300 : memref<64xi32, #tpu.memory_space<vmem>>)
      tpu.yield
    }) : () -> ()
    %run_scoped3A_5 = arith.constant 0 : i32
    "tpu.region"() ({
      %run_scoped3A_286 = tpu.sem_alloc : memref<!tpu.dma_semaphore, #tpu.memory_space<semaphore_mem>>
      %dma_start3A_287 = arith.constant 0 : i32
      %dma_start3A_288 = tpu.memref_slice %arg9[%run_scoped3A_5, %dma_start3A_287] : memref<2x64xi32, #tpu.memory_space<vmem>> -> memref<1x64xi32, #tpu.memory_space<vmem>>
      %dma_start3A_289 = tpu.memref_squeeze %dma_start3A_288 : memref<1x64xi32, #tpu.memory_space<vmem>> -> memref<64xi32, #tpu.memory_space<vmem>>
      %dma_start3A_290 = tpu.memref_slice %arg4[%add3A_4] : memref<65536xi32, #tpu.memory_space<hbm>> -> memref<64xi32, #tpu.memory_space<hbm>>
      %dma_start3A_291 = arith.constant 0 : i32
      %dma_start3A_292 = tpu.memref_slice %arg9[%run_scoped3A_5, %dma_start3A_291] : memref<2x64xi32, #tpu.memory_space<vmem>> -> memref<1x64xi32, #tpu.memory_space<vmem>>
      %dma_start3A_293 = tpu.memref_squeeze %dma_start3A_292 : memref<1x64xi32, #tpu.memory_space<vmem>> -> memref<64xi32, #tpu.memory_space<vmem>>
      %dma_start3A_294 = tpu.memref_slice %arg4[%add3A_4] : memref<65536xi32, #tpu.memory_space<hbm>> -> memref<64xi32, #tpu.memory_space<hbm>>
      tpu.enqueue_dma source(%dma_start3A_294 : memref<64xi32, #tpu.memory_space<hbm>>) target(%dma_start3A_293 : memref<64xi32, #tpu.memory_space<vmem>>) target_semaphore(%run_scoped3A_286 : memref<!tpu.dma_semaphore, #tpu.memory_space<semaphore_mem>>)
      %dma_wait3A = arith.constant 0 : i32
      %dma_wait3A_295 = tpu.memref_slice %arg9[%run_scoped3A_5, %dma_wait3A] : memref<2x64xi32, #tpu.memory_space<vmem>> -> memref<1x64xi32, #tpu.memory_space<vmem>>
      %dma_wait3A_296 = tpu.memref_squeeze %dma_wait3A_295 : memref<1x64xi32, #tpu.memory_space<vmem>> -> memref<64xi32, #tpu.memory_space<vmem>>
      %dma_wait3A_297 = tpu.memref_slice %arg4[%add3A_4] : memref<65536xi32, #tpu.memory_space<hbm>> -> memref<64xi32, #tpu.memory_space<hbm>>
      %dma_wait3A_298 = arith.constant 0 : i32
      %dma_wait3A_299 = tpu.memref_slice %arg9[%run_scoped3A_5, %dma_wait3A_298] : memref<2x64xi32, #tpu.memory_space<vmem>> -> memref<1x64xi32, #tpu.memory_space<vmem>>
      %dma_wait3A_300 = tpu.memref_squeeze %dma_wait3A_299 : memref<1x64xi32, #tpu.memory_space<vmem>> -> memref<64xi32, #tpu.memory_space<vmem>>
      %dma_wait3A_301 = tpu.memref_slice %arg4[%add3A_4] : memref<65536xi32, #tpu.memory_space<hbm>> -> memref<64xi32, #tpu.memory_space<hbm>>
      tpu.wait_dma2 semaphore(%run_scoped3A_286 : memref<!tpu.dma_semaphore, #tpu.memory_space<semaphore_mem>>) src(%dma_wait3A_301 : memref<64xi32, #tpu.memory_space<hbm>>) dst(%dma_wait3A_300 : memref<64xi32, #tpu.memory_space<vmem>>)
      tpu.yield
    }) : () -> ()
    %run_scoped3A_6 = arith.constant 0 : i32
    "tpu.region"() ({
      %run_scoped3A_286 = tpu.sem_alloc : memref<!tpu.dma_semaphore, #tpu.memory_space<semaphore_mem>>
      %dma_start3A_287 = arith.constant 0 : i32
      %dma_start3A_288 = tpu.memref_slice %arg10[%run_scoped3A_6, %dma_start3A_287] : memref<2x64xi32, #tpu.memory_space<vmem>> -> memref<1x64xi32, #tpu.memory_space<vmem>>
      %dma_start3A_289 = tpu.memref_squeeze %dma_start3A_288 : memref<1x64xi32, #tpu.memory_space<vmem>> -> memref<64xi32, #tpu.memory_space<vmem>>
      %dma_start3A_290 = tpu.memref_slice %arg5[%add3A_4] : memref<65536xi32, #tpu.memory_space<hbm>> -> memref<64xi32, #tpu.memory_space<hbm>>
      %dma_start3A_291 = arith.constant 0 : i32
      %dma_start3A_292 = tpu.memref_slice %arg10[%run_scoped3A_6, %dma_start3A_291] : memref<2x64xi32, #tpu.memory_space<vmem>> -> memref<1x64xi32, #tpu.memory_space<vmem>>
      %dma_start3A_293 = tpu.memref_squeeze %dma_start3A_292 : memref<1x64xi32, #tpu.memory_space<vmem>> -> memref<64xi32, #tpu.memory_space<vmem>>
      %dma_start3A_294 = tpu.memref_slice %arg5[%add3A_4] : memref<65536xi32, #tpu.memory_space<hbm>> -> memref<64xi32, #tpu.memory_space<hbm>>
      tpu.enqueue_dma source(%dma_start3A_294 : memref<64xi32, #tpu.memory_space<hbm>>) target(%dma_start3A_293 : memref<64xi32, #tpu.memory_space<vmem>>) target_semaphore(%run_scoped3A_286 : memref<!tpu.dma_semaphore, #tpu.memory_space<semaphore_mem>>)
      %dma_wait3A = arith.constant 0 : i32
      %dma_wait3A_295 = tpu.memref_slice %arg10[%run_scoped3A_6, %dma_wait3A] : memref<2x64xi32, #tpu.memory_space<vmem>> -> memref<1x64xi32, #tpu.memory_space<vmem>>
      %dma_wait3A_296 = tpu.memref_squeeze %dma_wait3A_295 : memref<1x64xi32, #tpu.memory_space<vmem>> -> memref<64xi32, #tpu.memory_space<vmem>>
      %dma_wait3A_297 = tpu.memref_slice %arg5[%add3A_4] : memref<65536xi32, #tpu.memory_space<hbm>> -> memref<64xi32, #tpu.memory_space<hbm>>
      %dma_wait3A_298 = arith.constant 0 : i32
      %dma_wait3A_299 = tpu.memref_slice %arg10[%run_scoped3A_6, %dma_wait3A_298] : memref<2x64xi32, #tpu.memory_space<vmem>> -> memref<1x64xi32, #tpu.memory_space<vmem>>
      %dma_wait3A_300 = tpu.memref_squeeze %dma_wait3A_299 : memref<1x64xi32, #tpu.memory_space<vmem>> -> memref<64xi32, #tpu.memory_space<vmem>>
      %dma_wait3A_301 = tpu.memref_slice %arg5[%add3A_4] : memref<65536xi32, #tpu.memory_space<hbm>> -> memref<64xi32, #tpu.memory_space<hbm>>
      tpu.wait_dma2 semaphore(%run_scoped3A_286 : memref<!tpu.dma_semaphore, #tpu.memory_space<semaphore_mem>>) src(%dma_wait3A_301 : memref<64xi32, #tpu.memory_space<hbm>>) dst(%dma_wait3A_300 : memref<64xi32, #tpu.memory_space<vmem>>)
      tpu.yield
    }) : () -> ()
    %get3A = arith.constant 0 : i32
    %get3A_7 = arith.index_cast %get3A : i32 to index
    %get3A_8 = arith.constant 0 : index
    %get3A_9 = tpu.vector_load %arg8[%get3A_7, %get3A_8] {strides = array<i32>} : memref<2x64xi32, #tpu.memory_space<vmem>>, vector<16xi32>,
    %add3A_10 = arith.constant 10000 : i32
    %add3A_11 = vector.broadcast %add3A_10 : i32 to vector<16xi32>
    %add3A_12 = arith.addi %get3A_9, %add3A_11 : vector<16xi32>
    %swap3A = arith.constant 0 : i32
    %swap3A_13 = arith.index_cast %swap3A : i32 to index
    %swap3A_14 = arith.constant 0 : index
    %swap3A_15 = tpu.vector_load %arg11[%swap3A_13, %swap3A_14] {strides = array<i32>} : memref<2x64xi32, #tpu.memory_space<vmem>>, vector<16xi32>,
    tpu.vector_store %arg11[%swap3A_13, %swap3A_14], %add3A_12 {strides = array<i32>} : memref<2x64xi32, #tpu.memory_space<vmem>>, vector<16xi32>,
    %get3A_16 = arith.constant 0 : i32
    %get3A_17 = arith.index_cast %get3A_16 : i32 to index
    %get3A_18 = arith.constant 0 : index
    %get3A_19 = tpu.vector_load %arg9[%get3A_17, %get3A_18] {strides = array<i32>} : memref<2x64xi32, #tpu.memory_space<vmem>>, vector<16xi32>,
    %add3A_20 = arith.constant 10000 : i32
    %add3A_21 = vector.broadcast %add3A_20 : i32 to vector<16xi32>
    %add3A_22 = arith.addi %get3A_19, %add3A_21 : vector<16xi32>
    %swap3A_23 = arith.constant 0 : i32
    %swap3A_24 = arith.index_cast %swap3A_23 : i32 to index
    %swap3A_25 = arith.constant 0 : index
    %swap3A_26 = tpu.vector_load %arg12[%swap3A_24, %swap3A_25] {strides = array<i32>} : memref<2x64xi32, #tpu.memory_space<vmem>>, vector<16xi32>,
    tpu.vector_store %arg12[%swap3A_24, %swap3A_25], %add3A_22 {strides = array<i32>} : memref<2x64xi32, #tpu.memory_space<vmem>>, vector<16xi32>,
    %get3A_27 = arith.constant 0 : i32
    %get3A_28 = arith.index_cast %get3A_27 : i32 to index
    %get3A_29 = arith.constant 16 : index
    %get3A_30 = tpu.vector_load %arg8[%get3A_28, %get3A_29] {strides = array<i32>} : memref<2x64xi32, #tpu.memory_space<vmem>>, vector<16xi32>,
    %add3A_31 = arith.constant 10000 : i32
    %add3A_32 = vector.broadcast %add3A_31 : i32 to vector<16xi32>
    %add3A_33 = arith.addi %get3A_30, %add3A_32 : vector<16xi32>
    %swap3A_34 = arith.constant 0 : i32
    %swap3A_35 = arith.index_cast %swap3A_34 : i32 to index
    %swap3A_36 = arith.constant 16 : index
    %swap3A_37 = tpu.vector_load %arg11[%swap3A_35, %swap3A_36] {strides = array<i32>} : memref<2x64xi32, #tpu.memory_space<vmem>>, vector<16xi32>,
    tpu.vector_store %arg11[%swap3A_35, %swap3A_36], %add3A_33 {strides = array<i32>} : memref<2x64xi32, #tpu.memory_space<vmem>>, vector<16xi32>,
    %get3A_38 = arith.constant 0 : i32
    %get3A_39 = arith.index_cast %get3A_38 : i32 to index
    %get3A_40 = arith.constant 16 : index
    %get3A_41 = tpu.vector_load %arg9[%get3A_39, %get3A_40] {strides = array<i32>} : memref<2x64xi32, #tpu.memory_space<vmem>>, vector<16xi32>,
    %add3A_42 = arith.constant 10000 : i32
    %add3A_43 = vector.broadcast %add3A_42 : i32 to vector<16xi32>
    %add3A_44 = arith.addi %get3A_41, %add3A_43 : vector<16xi32>
    %swap3A_45 = arith.constant 0 : i32
    %swap3A_46 = arith.index_cast %swap3A_45 : i32 to index
    %swap3A_47 = arith.constant 16 : index
    %swap3A_48 = tpu.vector_load %arg12[%swap3A_46, %swap3A_47] {strides = array<i32>} : memref<2x64xi32, #tpu.memory_space<vmem>>, vector<16xi32>,
    tpu.vector_store %arg12[%swap3A_46, %swap3A_47], %add3A_44 {strides = array<i32>} : memref<2x64xi32, #tpu.memory_space<vmem>>, vector<16xi32>,
    %get3A_49 = arith.constant 0 : i32
    %get3A_50 = arith.index_cast %get3A_49 : i32 to index
    %get3A_51 = arith.constant 32 : index
    %get3A_52 = tpu.vector_load %arg8[%get3A_50, %get3A_51] {strides = array<i32>} : memref<2x64xi32, #tpu.memory_space<vmem>>, vector<16xi32>,
    %add3A_53 = arith.constant 10000 : i32
    %add3A_54 = vector.broadcast %add3A_53 : i32 to vector<16xi32>
    %add3A_55 = arith.addi %get3A_52, %add3A_54 : vector<16xi32>
    %swap3A_56 = arith.constant 0 : i32
    %swap3A_57 = arith.index_cast %swap3A_56 : i32 to index
    %swap3A_58 = arith.constant 32 : index
    %swap3A_59 = tpu.vector_load %arg11[%swap3A_57, %swap3A_58] {strides = array<i32>} : memref<2x64xi32, #tpu.memory_space<vmem>>, vector<16xi32>,
    tpu.vector_store %arg11[%swap3A_57, %swap3A_58], %add3A_55 {strides = array<i32>} : memref<2x64xi32, #tpu.memory_space<vmem>>, vector<16xi32>,
    %get3A_60 = arith.constant 0 : i32
    %get3A_61 = arith.index_cast %get3A_60 : i32 to index
    %get3A_62 = arith.constant 32 : index
    %get3A_63 = tpu.vector_load %arg9[%get3A_61, %get3A_62] {strides = array<i32>} : memref<2x64xi32, #tpu.memory_space<vmem>>, vector<16xi32>,
    %add3A_64 = arith.constant 10000 : i32
    %add3A_65 = vector.broadcast %add3A_64 : i32 to vector<16xi32>
    %add3A_66 = arith.addi %get3A_63, %add3A_65 : vector<16xi32>
    %swap3A_67 = arith.constant 0 : i32
    %swap3A_68 = arith.index_cast %swap3A_67 : i32 to index
    %swap3A_69 = arith.constant 32 : index
    %swap3A_70 = tpu.vector_load %arg12[%swap3A_68, %swap3A_69] {strides = array<i32>} : memref<2x64xi32, #tpu.memory_space<vmem>>, vector<16xi32>,
    tpu.vector_store %arg12[%swap3A_68, %swap3A_69], %add3A_66 {strides = array<i32>} : memref<2x64xi32, #tpu.memory_space<vmem>>, vector<16xi32>,
    %get3A_71 = arith.constant 0 : i32
    %get3A_72 = arith.index_cast %get3A_71 : i32 to index
    %get3A_73 = arith.constant 48 : index
    %get3A_74 = tpu.vector_load %arg8[%get3A_72, %get3A_73] {strides = array<i32>} : memref<2x64xi32, #tpu.memory_space<vmem>>, vector<16xi32>,
    %add3A_75 = arith.constant 10000 : i32
    %add3A_76 = vector.broadcast %add3A_75 : i32 to vector<16xi32>
    %add3A_77 = arith.addi %get3A_74, %add3A_76 : vector<16xi32>
    %swap3A_78 = arith.constant 0 : i32
    %swap3A_79 = arith.index_cast %swap3A_78 : i32 to index
    %swap3A_80 = arith.constant 48 : index
    %swap3A_81 = tpu.vector_load %arg11[%swap3A_79, %swap3A_80] {strides = array<i32>} : memref<2x64xi32, #tpu.memory_space<vmem>>, vector<16xi32>,
    tpu.vector_store %arg11[%swap3A_79, %swap3A_80], %add3A_77 {strides = array<i32>} : memref<2x64xi32, #tpu.memory_space<vmem>>, vector<16xi32>,
    %get3A_82 = arith.constant 0 : i32
    %get3A_83 = arith.index_cast %get3A_82 : i32 to index
    %get3A_84 = arith.constant 48 : index
    %get3A_85 = tpu.vector_load %arg9[%get3A_83, %get3A_84] {strides = array<i32>} : memref<2x64xi32, #tpu.memory_space<vmem>>, vector<16xi32>,
    %add3A_86 = arith.constant 10000 : i32
    %add3A_87 = vector.broadcast %add3A_86 : i32 to vector<16xi32>
    %add3A_88 = arith.addi %get3A_85, %add3A_87 : vector<16xi32>
    %swap3A_89 = arith.constant 0 : i32
    %swap3A_90 = arith.index_cast %swap3A_89 : i32 to index
    %swap3A_91 = arith.constant 48 : index
    %swap3A_92 = tpu.vector_load %arg12[%swap3A_90, %swap3A_91] {strides = array<i32>} : memref<2x64xi32, #tpu.memory_space<vmem>>, vector<16xi32>,
    tpu.vector_store %arg12[%swap3A_90, %swap3A_91], %add3A_88 {strides = array<i32>} : memref<2x64xi32, #tpu.memory_space<vmem>>, vector<16xi32>,
    %dma_start3A = arith.constant 0 : i32
    %dma_start3A_93 = arith.constant 0 : i32
    %dma_start3A_94 = arith.constant 0 : i32
    %dma_start3A_95 = arith.constant 0 : i32
    %dma_start3A_96 = tpu.memref_slice %arg13[%dma_start3A_93, %dma_start3A_94, %dma_start3A_95] : memref<2x64x128xf32, #tpu.memory_space<vmem>> -> memref<1x64x128xf32, #tpu.memory_space<vmem>>
    %dma_start3A_97 = tpu.memref_squeeze %dma_start3A_96 : memref<1x64x128xf32, #tpu.memory_space<vmem>> -> memref<64x128xf32, #tpu.memory_space<vmem>>
    %dma_start3A_98 = arith.constant 0 : i32
    %dma_start3A_99 = tpu.memref_slice %arg8[%dma_start3A, %dma_start3A_98] : memref<2x64xi32, #tpu.memory_space<vmem>> -> memref<1x64xi32, #tpu.memory_space<vmem>>
    %dma_start3A_100 = tpu.memref_squeeze %dma_start3A_99 : memref<1x64xi32, #tpu.memory_space<vmem>> -> memref<64xi32, #tpu.memory_space<vmem>>
    %dma_start3A_101 = arith.constant 0 : i32
    %dma_start3A_102 = arith.constant 0 : i32
    %dma_start3A_103 = tpu.memref_slice %arg2[%dma_start3A_101, %dma_start3A_102] : memref<20000x128xf32, #tpu.memory_space<hbm>> -> memref<20000x128xf32, #tpu.memory_space<hbm>>
    tpu.enqueue_indirect_dma source(%dma_start3A_103 : memref<20000x128xf32, #tpu.memory_space<hbm>>) target(%dma_start3A_97 : memref<64x128xf32, #tpu.memory_space<vmem>>) offsets(%dma_start3A_100 : memref<64xi32, #tpu.memory_space<vmem>>) semaphore(%arg19 : memref<!tpu.dma_semaphore, #tpu.memory_space<semaphore_mem>>)
    %dma_start3A_104 = arith.constant 0 : i32
    %dma_start3A_105 = arith.constant 0 : i32
    %dma_start3A_106 = arith.constant 0 : i32
    %dma_start3A_107 = arith.constant 0 : i32
    %dma_start3A_108 = tpu.memref_slice %arg15[%dma_start3A_105, %dma_start3A_106, %dma_start3A_107] : memref<2x64x128xf32, #tpu.memory_space<vmem>> -> memref<1x64x128xf32, #tpu.memory_space<vmem>>
    %dma_start3A_109 = tpu.memref_squeeze %dma_start3A_108 : memref<1x64x128xf32, #tpu.memory_space<vmem>> -> memref<64x128xf32, #tpu.memory_space<vmem>>
    %dma_start3A_110 = arith.constant 0 : i32
    %dma_start3A_111 = tpu.memref_slice %arg9[%dma_start3A_104, %dma_start3A_110] : memref<2x64xi32, #tpu.memory_space<vmem>> -> memref<1x64xi32, #tpu.memory_space<vmem>>
    %dma_start3A_112 = tpu.memref_squeeze %dma_start3A_111 : memref<1x64xi32, #tpu.memory_space<vmem>> -> memref<64xi32, #tpu.memory_space<vmem>>
    %dma_start3A_113 = arith.constant 0 : i32
    %dma_start3A_114 = arith.constant 0 : i32
    %dma_start3A_115 = tpu.memref_slice %arg2[%dma_start3A_113, %dma_start3A_114] : memref<20000x128xf32, #tpu.memory_space<hbm>> -> memref<20000x128xf32, #tpu.memory_space<hbm>>
    tpu.enqueue_indirect_dma source(%dma_start3A_115 : memref<20000x128xf32, #tpu.memory_space<hbm>>) target(%dma_start3A_109 : memref<64x128xf32, #tpu.memory_space<vmem>>) offsets(%dma_start3A_112 : memref<64xi32, #tpu.memory_space<vmem>>) semaphore(%arg19 : memref<!tpu.dma_semaphore, #tpu.memory_space<semaphore_mem>>)
    %dma_start3A_116 = arith.constant 0 : i32
    %dma_start3A_117 = arith.constant 0 : i32
    %dma_start3A_118 = arith.constant 0 : i32
    %dma_start3A_119 = arith.constant 0 : i32
    %dma_start3A_120 = tpu.memref_slice %arg14[%dma_start3A_117, %dma_start3A_118, %dma_start3A_119] : memref<2x64x128xf32, #tpu.memory_space<vmem>> -> memref<1x64x128xf32, #tpu.memory_space<vmem>>
    %dma_start3A_121 = tpu.memref_squeeze %dma_start3A_120 : memref<1x64x128xf32, #tpu.memory_space<vmem>> -> memref<64x128xf32, #tpu.memory_space<vmem>>
    %dma_start3A_122 = arith.constant 0 : i32
    %dma_start3A_123 = tpu.memref_slice %arg11[%dma_start3A_116, %dma_start3A_122] : memref<2x64xi32, #tpu.memory_space<vmem>> -> memref<1x64xi32, #tpu.memory_space<vmem>>
    %dma_start3A_124 = tpu.memref_squeeze %dma_start3A_123 : memref<1x64xi32, #tpu.memory_space<vmem>> -> memref<64xi32, #tpu.memory_space<vmem>>
    %dma_start3A_125 = arith.constant 0 : i32
    %dma_start3A_126 = arith.constant 0 : i32
    %dma_start3A_127 = tpu.memref_slice %arg2[%dma_start3A_125, %dma_start3A_126] : memref<20000x128xf32, #tpu.memory_space<hbm>> -> memref<20000x128xf32, #tpu.memory_space<hbm>>
    tpu.enqueue_indirect_dma source(%dma_start3A_127 : memref<20000x128xf32, #tpu.memory_space<hbm>>) target(%dma_start3A_121 : memref<64x128xf32, #tpu.memory_space<vmem>>) offsets(%dma_start3A_124 : memref<64xi32, #tpu.memory_space<vmem>>) semaphore(%arg19 : memref<!tpu.dma_semaphore, #tpu.memory_space<semaphore_mem>>)
    %dma_start3A_128 = arith.constant 0 : i32
    %dma_start3A_129 = arith.constant 0 : i32
    %dma_start3A_130 = arith.constant 0 : i32
    %dma_start3A_131 = arith.constant 0 : i32
    %dma_start3A_132 = tpu.memref_slice %arg16[%dma_start3A_129, %dma_start3A_130, %dma_start3A_131] : memref<2x64x128xf32, #tpu.memory_space<vmem>> -> memref<1x64x128xf32, #tpu.memory_space<vmem>>
    %dma_start3A_133 = tpu.memref_squeeze %dma_start3A_132 : memref<1x64x128xf32, #tpu.memory_space<vmem>> -> memref<64x128xf32, #tpu.memory_space<vmem>>
    %dma_start3A_134 = arith.constant 0 : i32
    %dma_start3A_135 = tpu.memref_slice %arg12[%dma_start3A_128, %dma_start3A_134] : memref<2x64xi32, #tpu.memory_space<vmem>> -> memref<1x64xi32, #tpu.memory_space<vmem>>
    %dma_start3A_136 = tpu.memref_squeeze %dma_start3A_135 : memref<1x64xi32, #tpu.memory_space<vmem>> -> memref<64xi32, #tpu.memory_space<vmem>>
    %dma_start3A_137 = arith.constant 0 : i32
    %dma_start3A_138 = arith.constant 0 : i32
    %dma_start3A_139 = tpu.memref_slice %arg2[%dma_start3A_137, %dma_start3A_138] : memref<20000x128xf32, #tpu.memory_space<hbm>> -> memref<20000x128xf32, #tpu.memory_space<hbm>>
    tpu.enqueue_indirect_dma source(%dma_start3A_139 : memref<20000x128xf32, #tpu.memory_space<hbm>>) target(%dma_start3A_133 : memref<64x128xf32, #tpu.memory_space<vmem>>) offsets(%dma_start3A_136 : memref<64xi32, #tpu.memory_space<vmem>>) semaphore(%arg19 : memref<!tpu.dma_semaphore, #tpu.memory_space<semaphore_mem>>)
    %add3A_140 = arith.constant 64 : i32
    %add3A_141 = arith.addi %mul3A_2, %add3A_140 : i32
    %run_scoped3A_142 = arith.constant 1 : i32
    "tpu.region"() ({
      %run_scoped3A_286 = tpu.sem_alloc : memref<!tpu.dma_semaphore, #tpu.memory_space<semaphore_mem>>
      %dma_start3A_287 = arith.constant 0 : i32
      %dma_start3A_288 = tpu.memref_slice %arg8[%run_scoped3A_142, %dma_start3A_287] : memref<2x64xi32, #tpu.memory_space<vmem>> -> memref<1x64xi32, #tpu.memory_space<vmem>>
      %dma_start3A_289 = tpu.memref_squeeze %dma_start3A_288 : memref<1x64xi32, #tpu.memory_space<vmem>> -> memref<64xi32, #tpu.memory_space<vmem>>
      %dma_start3A_290 = tpu.memref_slice %arg3[%add3A_141] : memref<65536xi32, #tpu.memory_space<hbm>> -> memref<64xi32, #tpu.memory_space<hbm>>
      %dma_start3A_291 = arith.constant 0 : i32
      %dma_start3A_292 = tpu.memref_slice %arg8[%run_scoped3A_142, %dma_start3A_291] : memref<2x64xi32, #tpu.memory_space<vmem>> -> memref<1x64xi32, #tpu.memory_space<vmem>>
      %dma_start3A_293 = tpu.memref_squeeze %dma_start3A_292 : memref<1x64xi32, #tpu.memory_space<vmem>> -> memref<64xi32, #tpu.memory_space<vmem>>
      %dma_start3A_294 = tpu.memref_slice %arg3[%add3A_141] : memref<65536xi32, #tpu.memory_space<hbm>> -> memref<64xi32, #tpu.memory_space<hbm>>
      tpu.enqueue_dma source(%dma_start3A_294 : memref<64xi32, #tpu.memory_space<hbm>>) target(%dma_start3A_293 : memref<64xi32, #tpu.memory_space<vmem>>) target_semaphore(%run_scoped3A_286 : memref<!tpu.dma_semaphore, #tpu.memory_space<semaphore_mem>>)
      %dma_wait3A = arith.constant 0 : i32
      %dma_wait3A_295 = tpu.memref_slice %arg8[%run_scoped3A_142, %dma_wait3A] : memref<2x64xi32, #tpu.memory_space<vmem>> -> memref<1x64xi32, #tpu.memory_space<vmem>>
      %dma_wait3A_296 = tpu.memref_squeeze %dma_wait3A_295 : memref<1x64xi32, #tpu.memory_space<vmem>> -> memref<64xi32, #tpu.memory_space<vmem>>
      %dma_wait3A_297 = tpu.memref_slice %arg3[%add3A_141] : memref<65536xi32, #tpu.memory_space<hbm>> -> memref<64xi32, #tpu.memory_space<hbm>>
      %dma_wait3A_298 = arith.constant 0 : i32
      %dma_wait3A_299 = tpu.memref_slice %arg8[%run_scoped3A_142, %dma_wait3A_298] : memref<2x64xi32, #tpu.memory_space<vmem>> -> memref<1x64xi32, #tpu.memory_space<vmem>>
      %dma_wait3A_300 = tpu.memref_squeeze %dma_wait3A_299 : memref<1x64xi32, #tpu.memory_space<vmem>> -> memref<64xi32, #tpu.memory_space<vmem>>
      %dma_wait3A_301 = tpu.memref_slice %arg3[%add3A_141] : memref<65536xi32, #tpu.memory_space<hbm>> -> memref<64xi32, #tpu.memory_space<hbm>>
      tpu.wait_dma2 semaphore(%run_scoped3A_286 : memref<!tpu.dma_semaphore, #tpu.memory_space<semaphore_mem>>) src(%dma_wait3A_301 : memref<64xi32, #tpu.memory_space<hbm>>) dst(%dma_wait3A_300 : memref<64xi32, #tpu.memory_space<vmem>>)
      tpu.yield
    }) : () -> ()
    %run_scoped3A_143 = arith.constant 1 : i32
    "tpu.region"() ({
      %run_scoped3A_286 = tpu.sem_alloc : memref<!tpu.dma_semaphore, #tpu.memory_space<semaphore_mem>>
      %dma_start3A_287 = arith.constant 0 : i32
      %dma_start3A_288 = tpu.memref_slice %arg9[%run_scoped3A_143, %dma_start3A_287] : memref<2x64xi32, #tpu.memory_space<vmem>> -> memref<1x64xi32, #tpu.memory_space<vmem>>
      %dma_start3A_289 = tpu.memref_squeeze %dma_start3A_288 : memref<1x64xi32, #tpu.memory_space<vmem>> -> memref<64xi32, #tpu.memory_space<vmem>>
      %dma_start3A_290 = tpu.memref_slice %arg4[%add3A_141] : memref<65536xi32, #tpu.memory_space<hbm>> -> memref<64xi32, #tpu.memory_space<hbm>>
      %dma_start3A_291 = arith.constant 0 : i32
      %dma_start3A_292 = tpu.memref_slice %arg9[%run_scoped3A_143, %dma_start3A_291] : memref<2x64xi32, #tpu.memory_space<vmem>> -> memref<1x64xi32, #tpu.memory_space<vmem>>
      %dma_start3A_293 = tpu.memref_squeeze %dma_start3A_292 : memref<1x64xi32, #tpu.memory_space<vmem>> -> memref<64xi32, #tpu.memory_space<vmem>>
      %dma_start3A_294 = tpu.memref_slice %arg4[%add3A_141] : memref<65536xi32, #tpu.memory_space<hbm>> -> memref<64xi32, #tpu.memory_space<hbm>>
      tpu.enqueue_dma source(%dma_start3A_294 : memref<64xi32, #tpu.memory_space<hbm>>) target(%dma_start3A_293 : memref<64xi32, #tpu.memory_space<vmem>>) target_semaphore(%run_scoped3A_286 : memref<!tpu.dma_semaphore, #tpu.memory_space<semaphore_mem>>)
      %dma_wait3A = arith.constant 0 : i32
      %dma_wait3A_295 = tpu.memref_slice %arg9[%run_scoped3A_143, %dma_wait3A] : memref<2x64xi32, #tpu.memory_space<vmem>> -> memref<1x64xi32, #tpu.memory_space<vmem>>
      %dma_wait3A_296 = tpu.memref_squeeze %dma_wait3A_295 : memref<1x64xi32, #tpu.memory_space<vmem>> -> memref<64xi32, #tpu.memory_space<vmem>>
      %dma_wait3A_297 = tpu.memref_slice %arg4[%add3A_141] : memref<65536xi32, #tpu.memory_space<hbm>> -> memref<64xi32, #tpu.memory_space<hbm>>
      %dma_wait3A_298 = arith.constant 0 : i32
      %dma_wait3A_299 = tpu.memref_slice %arg9[%run_scoped3A_143, %dma_wait3A_298] : memref<2x64xi32, #tpu.memory_space<vmem>> -> memref<1x64xi32, #tpu.memory_space<vmem>>
      %dma_wait3A_300 = tpu.memref_squeeze %dma_wait3A_299 : memref<1x64xi32, #tpu.memory_space<vmem>> -> memref<64xi32, #tpu.memory_space<vmem>>
      %dma_wait3A_301 = tpu.memref_slice %arg4[%add3A_141] : memref<65536xi32, #tpu.memory_space<hbm>> -> memref<64xi32, #tpu.memory_space<hbm>>
      tpu.wait_dma2 semaphore(%run_scoped3A_286 : memref<!tpu.dma_semaphore, #tpu.memory_space<semaphore_mem>>) src(%dma_wait3A_301 : memref<64xi32, #tpu.memory_space<hbm>>) dst(%dma_wait3A_300 : memref<64xi32, #tpu.memory_space<vmem>>)
      tpu.yield
    }) : () -> ()
    %run_scoped3A_144 = arith.constant 1 : i32
    "tpu.region"() ({
      %run_scoped3A_286 = tpu.sem_alloc : memref<!tpu.dma_semaphore, #tpu.memory_space<semaphore_mem>>
      %dma_start3A_287 = arith.constant 0 : i32
      %dma_start3A_288 = tpu.memref_slice %arg10[%run_scoped3A_144, %dma_start3A_287] : memref<2x64xi32, #tpu.memory_space<vmem>> -> memref<1x64xi32, #tpu.memory_space<vmem>>
      %dma_start3A_289 = tpu.memref_squeeze %dma_start3A_288 : memref<1x64xi32, #tpu.memory_space<vmem>> -> memref<64xi32, #tpu.memory_space<vmem>>
      %dma_start3A_290 = tpu.memref_slice %arg5[%add3A_141] : memref<65536xi32, #tpu.memory_space<hbm>> -> memref<64xi32, #tpu.memory_space<hbm>>
      %dma_start3A_291 = arith.constant 0 : i32
      %dma_start3A_292 = tpu.memref_slice %arg10[%run_scoped3A_144, %dma_start3A_291] : memref<2x64xi32, #tpu.memory_space<vmem>> -> memref<1x64xi32, #tpu.memory_space<vmem>>
      %dma_start3A_293 = tpu.memref_squeeze %dma_start3A_292 : memref<1x64xi32, #tpu.memory_space<vmem>> -> memref<64xi32, #tpu.memory_space<vmem>>
      %dma_start3A_294 = tpu.memref_slice %arg5[%add3A_141] : memref<65536xi32, #tpu.memory_space<hbm>> -> memref<64xi32, #tpu.memory_space<hbm>>
      tpu.enqueue_dma source(%dma_start3A_294 : memref<64xi32, #tpu.memory_space<hbm>>) target(%dma_start3A_293 : memref<64xi32, #tpu.memory_space<vmem>>) target_semaphore(%run_scoped3A_286 : memref<!tpu.dma_semaphore, #tpu.memory_space<semaphore_mem>>)
      %dma_wait3A = arith.constant 0 : i32
      %dma_wait3A_295 = tpu.memref_slice %arg10[%run_scoped3A_144, %dma_wait3A] : memref<2x64xi32, #tpu.memory_space<vmem>> -> memref<1x64xi32, #tpu.memory_space<vmem>>
      %dma_wait3A_296 = tpu.memref_squeeze %dma_wait3A_295 : memref<1x64xi32, #tpu.memory_space<vmem>> -> memref<64xi32, #tpu.memory_space<vmem>>
      %dma_wait3A_297 = tpu.memref_slice %arg5[%add3A_141] : memref<65536xi32, #tpu.memory_space<hbm>> -> memref<64xi32, #tpu.memory_space<hbm>>
      %dma_wait3A_298 = arith.constant 0 : i32
      %dma_wait3A_299 = tpu.memref_slice %arg10[%run_scoped3A_144, %dma_wait3A_298] : memref<2x64xi32, #tpu.memory_space<vmem>> -> memref<1x64xi32, #tpu.memory_space<vmem>>
      %dma_wait3A_300 = tpu.memref_squeeze %dma_wait3A_299 : memref<1x64xi32, #tpu.memory_space<vmem>> -> memref<64xi32, #tpu.memory_space<vmem>>
      %dma_wait3A_301 = tpu.memref_slice %arg5[%add3A_141] : memref<65536xi32, #tpu.memory_space<hbm>> -> memref<64xi32, #tpu.memory_space<hbm>>
      tpu.wait_dma2 semaphore(%run_scoped3A_286 : memref<!tpu.dma_semaphore, #tpu.memory_space<semaphore_mem>>) src(%dma_wait3A_301 : memref<64xi32, #tpu.memory_space<hbm>>) dst(%dma_wait3A_300 : memref<64xi32, #tpu.memory_space<vmem>>)
      tpu.yield
    }) : () -> ()
    %get3A_145 = arith.constant 1 : i32
    %get3A_146 = arith.index_cast %get3A_145 : i32 to index
    %get3A_147 = arith.constant 0 : index
    %get3A_148 = tpu.vector_load %arg8[%get3A_146, %get3A_147] {strides = array<i32>} : memref<2x64xi32, #tpu.memory_space<vmem>>, vector<16xi32>,
    %add3A_149 = arith.constant 10000 : i32
    %add3A_150 = vector.broadcast %add3A_149 : i32 to vector<16xi32>
    %add3A_151 = arith.addi %get3A_148, %add3A_150 : vector<16xi32>
    %swap3A_152 = arith.constant 1 : i32
    %swap3A_153 = arith.index_cast %swap3A_152 : i32 to index
    %swap3A_154 = arith.constant 0 : index
    %swap3A_155 = tpu.vector_load %arg11[%swap3A_153, %swap3A_154] {strides = array<i32>} : memref<2x64xi32, #tpu.memory_space<vmem>>, vector<16xi32>,
    tpu.vector_store %arg11[%swap3A_153, %swap3A_154], %add3A_151 {strides = array<i32>} : memref<2x64xi32, #tpu.memory_space<vmem>>, vector<16xi32>,
    %get3A_156 = arith.constant 1 : i32
    %get3A_157 = arith.index_cast %get3A_156 : i32 to index
    %get3A_158 = arith.constant 0 : index
    %get3A_159 = tpu.vector_load %arg9[%get3A_157, %get3A_158] {strides = array<i32>} : memref<2x64xi32, #tpu.memory_space<vmem>>, vector<16xi32>,
    %add3A_160 = arith.constant 10000 : i32
    %add3A_161 = vector.broadcast %add3A_160 : i32 to vector<16xi32>
    %add3A_162 = arith.addi %get3A_159, %add3A_161 : vector<16xi32>
    %swap3A_163 = arith.constant 1 : i32
    %swap3A_164 = arith.index_cast %swap3A_163 : i32 to index
    %swap3A_165 = arith.constant 0 : index
    %swap3A_166 = tpu.vector_load %arg12[%swap3A_164, %swap3A_165] {strides = array<i32>} : memref<2x64xi32, #tpu.memory_space<vmem>>, vector<16xi32>,
    tpu.vector_store %arg12[%swap3A_164, %swap3A_165], %add3A_162 {strides = array<i32>} : memref<2x64xi32, #tpu.memory_space<vmem>>, vector<16xi32>,
    %get3A_167 = arith.constant 1 : i32
    %get3A_168 = arith.index_cast %get3A_167 : i32 to index
    %get3A_169 = arith.constant 16 : index
    %get3A_170 = tpu.vector_load %arg8[%get3A_168, %get3A_169] {strides = array<i32>} : memref<2x64xi32, #tpu.memory_space<vmem>>, vector<16xi32>,
    %add3A_171 = arith.constant 10000 : i32
    %add3A_172 = vector.broadcast %add3A_171 : i32 to vector<16xi32>
    %add3A_173 = arith.addi %get3A_170, %add3A_172 : vector<16xi32>
    %swap3A_174 = arith.constant 1 : i32
    %swap3A_175 = arith.index_cast %swap3A_174 : i32 to index
    %swap3A_176 = arith.constant 16 : index
    %swap3A_177 = tpu.vector_load %arg11[%swap3A_175, %swap3A_176] {strides = array<i32>} : memref<2x64xi32, #tpu.memory_space<vmem>>, vector<16xi32>,
    tpu.vector_store %arg11[%swap3A_175, %swap3A_176], %add3A_173 {strides = array<i32>} : memref<2x64xi32, #tpu.memory_space<vmem>>, vector<16xi32>,
    %get3A_178 = arith.constant 1 : i32
    %get3A_179 = arith.index_cast %get3A_178 : i32 to index
    %get3A_180 = arith.constant 16 : index
    %get3A_181 = tpu.vector_load %arg9[%get3A_179, %get3A_180] {strides = array<i32>} : memref<2x64xi32, #tpu.memory_space<vmem>>, vector<16xi32>,
    %add3A_182 = arith.constant 10000 : i32
    %add3A_183 = vector.broadcast %add3A_182 : i32 to vector<16xi32>
    %add3A_184 = arith.addi %get3A_181, %add3A_183 : vector<16xi32>
    %swap3A_185 = arith.constant 1 : i32
    %swap3A_186 = arith.index_cast %swap3A_185 : i32 to index
    %swap3A_187 = arith.constant 16 : index
    %swap3A_188 = tpu.vector_load %arg12[%swap3A_186, %swap3A_187] {strides = array<i32>} : memref<2x64xi32, #tpu.memory_space<vmem>>, vector<16xi32>,
    tpu.vector_store %arg12[%swap3A_186, %swap3A_187], %add3A_184 {strides = array<i32>} : memref<2x64xi32, #tpu.memory_space<vmem>>, vector<16xi32>,
    %get3A_189 = arith.constant 1 : i32
    %get3A_190 = arith.index_cast %get3A_189 : i32 to index
    %get3A_191 = arith.constant 32 : index
    %get3A_192 = tpu.vector_load %arg8[%get3A_190, %get3A_191] {strides = array<i32>} : memref<2x64xi32, #tpu.memory_space<vmem>>, vector<16xi32>,
    %add3A_193 = arith.constant 10000 : i32
    %add3A_194 = vector.broadcast %add3A_193 : i32 to vector<16xi32>
    %add3A_195 = arith.addi %get3A_192, %add3A_194 : vector<16xi32>
    %swap3A_196 = arith.constant 1 : i32
    %swap3A_197 = arith.index_cast %swap3A_196 : i32 to index
    %swap3A_198 = arith.constant 32 : index
    %swap3A_199 = tpu.vector_load %arg11[%swap3A_197, %swap3A_198] {strides = array<i32>} : memref<2x64xi32, #tpu.memory_space<vmem>>, vector<16xi32>,
    tpu.vector_store %arg11[%swap3A_197, %swap3A_198], %add3A_195 {strides = array<i32>} : memref<2x64xi32, #tpu.memory_space<vmem>>, vector<16xi32>,
    %get3A_200 = arith.constant 1 : i32
    %get3A_201 = arith.index_cast %get3A_200 : i32 to index
    %get3A_202 = arith.constant 32 : index
    %get3A_203 = tpu.vector_load %arg9[%get3A_201, %get3A_202] {strides = array<i32>} : memref<2x64xi32, #tpu.memory_space<vmem>>, vector<16xi32>,
    %add3A_204 = arith.constant 10000 : i32
    %add3A_205 = vector.broadcast %add3A_204 : i32 to vector<16xi32>
    %add3A_206 = arith.addi %get3A_203, %add3A_205 : vector<16xi32>
    %swap3A_207 = arith.constant 1 : i32
    %swap3A_208 = arith.index_cast %swap3A_207 : i32 to index
    %swap3A_209 = arith.constant 32 : index
    %swap3A_210 = tpu.vector_load %arg12[%swap3A_208, %swap3A_209] {strides = array<i32>} : memref<2x64xi32, #tpu.memory_space<vmem>>, vector<16xi32>,
    tpu.vector_store %arg12[%swap3A_208, %swap3A_209], %add3A_206 {strides = array<i32>} : memref<2x64xi32, #tpu.memory_space<vmem>>, vector<16xi32>,
    %get3A_211 = arith.constant 1 : i32
    %get3A_212 = arith.index_cast %get3A_211 : i32 to index
    %get3A_213 = arith.constant 48 : index
    %get3A_214 = tpu.vector_load %arg8[%get3A_212, %get3A_213] {strides = array<i32>} : memref<2x64xi32, #tpu.memory_space<vmem>>, vector<16xi32>,
    %add3A_215 = arith.constant 10000 : i32
    %add3A_216 = vector.broadcast %add3A_215 : i32 to vector<16xi32>
    %add3A_217 = arith.addi %get3A_214, %add3A_216 : vector<16xi32>
    %swap3A_218 = arith.constant 1 : i32
    %swap3A_219 = arith.index_cast %swap3A_218 : i32 to index
    %swap3A_220 = arith.constant 48 : index
    %swap3A_221 = tpu.vector_load %arg11[%swap3A_219, %swap3A_220] {strides = array<i32>} : memref<2x64xi32, #tpu.memory_space<vmem>>, vector<16xi32>,
    tpu.vector_store %arg11[%swap3A_219, %swap3A_220], %add3A_217 {strides = array<i32>} : memref<2x64xi32, #tpu.memory_space<vmem>>, vector<16xi32>,
    %get3A_222 = arith.constant 1 : i32
    %get3A_223 = arith.index_cast %get3A_222 : i32 to index
    %get3A_224 = arith.constant 48 : index
    %get3A_225 = tpu.vector_load %arg9[%get3A_223, %get3A_224] {strides = array<i32>} : memref<2x64xi32, #tpu.memory_space<vmem>>, vector<16xi32>,
    %add3A_226 = arith.constant 10000 : i32
    %add3A_227 = vector.broadcast %add3A_226 : i32 to vector<16xi32>
    %add3A_228 = arith.addi %get3A_225, %add3A_227 : vector<16xi32>
    %swap3A_229 = arith.constant 1 : i32
    %swap3A_230 = arith.index_cast %swap3A_229 : i32 to index
    %swap3A_231 = arith.constant 48 : index
    %swap3A_232 = tpu.vector_load %arg12[%swap3A_230, %swap3A_231] {strides = array<i32>} : memref<2x64xi32, #tpu.memory_space<vmem>>, vector<16xi32>,
    tpu.vector_store %arg12[%swap3A_230, %swap3A_231], %add3A_228 {strides = array<i32>} : memref<2x64xi32, #tpu.memory_space<vmem>>, vector<16xi32>,
    %dma_start3A_233 = arith.constant 1 : i32
    %dma_start3A_234 = arith.constant 1 : i32
    %dma_start3A_235 = arith.constant 0 : i32
    %dma_start3A_236 = arith.constant 0 : i32
    %dma_start3A_237 = tpu.memref_slice %arg13[%dma_start3A_234, %dma_start3A_235, %dma_start3A_236] : memref<2x64x128xf32, #tpu.memory_space<vmem>> -> memref<1x64x128xf32, #tpu.memory_space<vmem>>
    %dma_start3A_238 = tpu.memref_squeeze %dma_start3A_237 : memref<1x64x128xf32, #tpu.memory_space<vmem>> -> memref<64x128xf32, #tpu.memory_space<vmem>>
    %dma_start3A_239 = arith.constant 0 : i32
    %dma_start3A_240 = tpu.memref_slice %arg8[%dma_start3A_233, %dma_start3A_239] : memref<2x64xi32, #tpu.memory_space<vmem>> -> memref<1x64xi32, #tpu.memory_space<vmem>>
    %dma_start3A_241 = tpu.memref_squeeze %dma_start3A_240 : memref<1x64xi32, #tpu.memory_space<vmem>> -> memref<64xi32, #tpu.memory_space<vmem>>
    %dma_start3A_242 = arith.constant 0 : i32
    %dma_start3A_243 = arith.constant 0 : i32
    %dma_start3A_244 = tpu.memref_slice %arg2[%dma_start3A_242, %dma_start3A_243] : memref<20000x128xf32, #tpu.memory_space<hbm>> -> memref<20000x128xf32, #tpu.memory_space<hbm>>
    tpu.enqueue_indirect_dma source(%dma_start3A_244 : memref<20000x128xf32, #tpu.memory_space<hbm>>) target(%dma_start3A_238 : memref<64x128xf32, #tpu.memory_space<vmem>>) offsets(%dma_start3A_241 : memref<64xi32, #tpu.memory_space<vmem>>) semaphore(%arg19 : memref<!tpu.dma_semaphore, #tpu.memory_space<semaphore_mem>>)
    %dma_start3A_245 = arith.constant 1 : i32
    %dma_start3A_246 = arith.constant 1 : i32
    %dma_start3A_247 = arith.constant 0 : i32
    %dma_start3A_248 = arith.constant 0 : i32
    %dma_start3A_249 = tpu.memref_slice %arg15[%dma_start3A_246, %dma_start3A_247, %dma_start3A_248] : memref<2x64x128xf32, #tpu.memory_space<vmem>> -> memref<1x64x128xf32, #tpu.memory_space<vmem>>
    %dma_start3A_250 = tpu.memref_squeeze %dma_start3A_249 : memref<1x64x128xf32, #tpu.memory_space<vmem>> -> memref<64x128xf32, #tpu.memory_space<vmem>>
    %dma_start3A_251 = arith.constant 0 : i32
    %dma_start3A_252 = tpu.memref_slice %arg9[%dma_start3A_245, %dma_start3A_251] : memref<2x64xi32, #tpu.memory_space<vmem>> -> memref<1x64xi32, #tpu.memory_space<vmem>>
    %dma_start3A_253 = tpu.memref_squeeze %dma_start3A_252 : memref<1x64xi32, #tpu.memory_space<vmem>> -> memref<64xi32, #tpu.memory_space<vmem>>
    %dma_start3A_254 = arith.constant 0 : i32
    %dma_start3A_255 = arith.constant 0 : i32
    %dma_start3A_256 = tpu.memref_slice %arg2[%dma_start3A_254, %dma_start3A_255] : memref<20000x128xf32, #tpu.memory_space<hbm>> -> memref<20000x128xf32, #tpu.memory_space<hbm>>
    tpu.enqueue_indirect_dma source(%dma_start3A_256 : memref<20000x128xf32, #tpu.memory_space<hbm>>) target(%dma_start3A_250 : memref<64x128xf32, #tpu.memory_space<vmem>>) offsets(%dma_start3A_253 : memref<64xi32, #tpu.memory_space<vmem>>) semaphore(%arg19 : memref<!tpu.dma_semaphore, #tpu.memory_space<semaphore_mem>>)
    %dma_start3A_257 = arith.constant 1 : i32
    %dma_start3A_258 = arith.constant 1 : i32
    %dma_start3A_259 = arith.constant 0 : i32
    %dma_start3A_260 = arith.constant 0 : i32
    %dma_start3A_261 = tpu.memref_slice %arg14[%dma_start3A_258, %dma_start3A_259, %dma_start3A_260] : memref<2x64x128xf32, #tpu.memory_space<vmem>> -> memref<1x64x128xf32, #tpu.memory_space<vmem>>
    %dma_start3A_262 = tpu.memref_squeeze %dma_start3A_261 : memref<1x64x128xf32, #tpu.memory_space<vmem>> -> memref<64x128xf32, #tpu.memory_space<vmem>>
    %dma_start3A_263 = arith.constant 0 : i32
    %dma_start3A_264 = tpu.memref_slice %arg11[%dma_start3A_257, %dma_start3A_263] : memref<2x64xi32, #tpu.memory_space<vmem>> -> memref<1x64xi32, #tpu.memory_space<vmem>>
    %dma_start3A_265 = tpu.memref_squeeze %dma_start3A_264 : memref<1x64xi32, #tpu.memory_space<vmem>> -> memref<64xi32, #tpu.memory_space<vmem>>
    %dma_start3A_266 = arith.constant 0 : i32
    %dma_start3A_267 = arith.constant 0 : i32
    %dma_start3A_268 = tpu.memref_slice %arg2[%dma_start3A_266, %dma_start3A_267] : memref<20000x128xf32, #tpu.memory_space<hbm>> -> memref<20000x128xf32, #tpu.memory_space<hbm>>
    tpu.enqueue_indirect_dma source(%dma_start3A_268 : memref<20000x128xf32, #tpu.memory_space<hbm>>) target(%dma_start3A_262 : memref<64x128xf32, #tpu.memory_space<vmem>>) offsets(%dma_start3A_265 : memref<64xi32, #tpu.memory_space<vmem>>) semaphore(%arg19 : memref<!tpu.dma_semaphore, #tpu.memory_space<semaphore_mem>>)
    %dma_start3A_269 = arith.constant 1 : i32
    %dma_start3A_270 = arith.constant 1 : i32
    %dma_start3A_271 = arith.constant 0 : i32
    %dma_start3A_272 = arith.constant 0 : i32
    %dma_start3A_273 = tpu.memref_slice %arg16[%dma_start3A_270, %dma_start3A_271, %dma_start3A_272] : memref<2x64x128xf32, #tpu.memory_space<vmem>> -> memref<1x64x128xf32, #tpu.memory_space<vmem>>
    %dma_start3A_274 = tpu.memref_squeeze %dma_start3A_273 : memref<1x64x128xf32, #tpu.memory_space<vmem>> -> memref<64x128xf32, #tpu.memory_space<vmem>>
    %dma_start3A_275 = arith.constant 0 : i32
    %dma_start3A_276 = tpu.memref_slice %arg12[%dma_start3A_269, %dma_start3A_275] : memref<2x64xi32, #tpu.memory_space<vmem>> -> memref<1x64xi32, #tpu.memory_space<vmem>>
    %dma_start3A_277 = tpu.memref_squeeze %dma_start3A_276 : memref<1x64xi32, #tpu.memory_space<vmem>> -> memref<64xi32, #tpu.memory_space<vmem>>
    %dma_start3A_278 = arith.constant 0 : i32
    %dma_start3A_279 = arith.constant 0 : i32
    %dma_start3A_280 = tpu.memref_slice %arg2[%dma_start3A_278, %dma_start3A_279] : memref<20000x128xf32, #tpu.memory_space<hbm>> -> memref<20000x128xf32, #tpu.memory_space<hbm>>
    tpu.enqueue_indirect_dma source(%dma_start3A_280 : memref<20000x128xf32, #tpu.memory_space<hbm>>) target(%dma_start3A_274 : memref<64x128xf32, #tpu.memory_space<vmem>>) offsets(%dma_start3A_277 : memref<64xi32, #tpu.memory_space<vmem>>) semaphore(%arg19 : memref<!tpu.dma_semaphore, #tpu.memory_space<semaphore_mem>>)
    %scan3A = arith.constant 0 : i32
    %scan3A_281 = arith.constant 0 : i32
    %scan3A_282 = arith.constant 32 : i32
    %scan3A_283 = arith.addi %scan3A_281, %scan3A_282 : i32
    %scan3A_284 = arith.constant 1 : i32
    scf.for %scan3A_286 = %scan3A_281 to %scan3A_283 step %scan3A_284  : i32 {
      %rem3A = arith.constant 2 : i32
      %rem3A_287 = arith.remsi %scan3A_286, %rem3A : i32
      %dma_wait3A = arith.constant 0 : i32
      %dma_wait3A_288 = arith.constant 0 : i32
      %dma_wait3A_289 = tpu.memref_slice %arg13[%rem3A_287, %dma_wait3A, %dma_wait3A_288] : memref<2x64x128xf32, #tpu.memory_space<vmem>> -> memref<1x64x128xf32, #tpu.memory_space<vmem>>
      %dma_wait3A_290 = tpu.memref_squeeze %dma_wait3A_289 : memref<1x64x128xf32, #tpu.memory_space<vmem>> -> memref<64x128xf32, #tpu.memory_space<vmem>>
      %dma_wait3A_291 = arith.constant 0 : i32
      %dma_wait3A_292 = tpu.memref_slice %arg8[%rem3A_287, %dma_wait3A_291] : memref<2x64xi32, #tpu.memory_space<vmem>> -> memref<1x64xi32, #tpu.memory_space<vmem>>
      %dma_wait3A_293 = tpu.memref_squeeze %dma_wait3A_292 : memref<1x64xi32, #tpu.memory_space<vmem>> -> memref<64xi32, #tpu.memory_space<vmem>>
      %dma_wait3A_294 = arith.constant 0 : i32
      %dma_wait3A_295 = arith.constant 0 : i32
      %dma_wait3A_296 = tpu.memref_slice %arg2[%dma_wait3A_294, %dma_wait3A_295] : memref<20000x128xf32, #tpu.memory_space<hbm>> -> memref<20000x128xf32, #tpu.memory_space<hbm>>
      tpu.wait_indirect_dma semaphore(%arg19 : memref<!tpu.dma_semaphore, #tpu.memory_space<semaphore_mem>>) src(%dma_wait3A_296 : memref<20000x128xf32, #tpu.memory_space<hbm>>) dst(%dma_wait3A_290 : memref<64x128xf32, #tpu.memory_space<vmem>>)
      %dma_wait3A_297 = arith.constant 0 : i32
      %dma_wait3A_298 = arith.constant 0 : i32
      %dma_wait3A_299 = tpu.memref_slice %arg15[%rem3A_287, %dma_wait3A_297, %dma_wait3A_298] : memref<2x64x128xf32, #tpu.memory_space<vmem>> -> memref<1x64x128xf32, #tpu.memory_space<vmem>>
      %dma_wait3A_300 = tpu.memref_squeeze %dma_wait3A_299 : memref<1x64x128xf32, #tpu.memory_space<vmem>> -> memref<64x128xf32, #tpu.memory_space<vmem>>
      %dma_wait3A_301 = arith.constant 0 : i32
      %dma_wait3A_302 = tpu.memref_slice %arg9[%rem3A_287, %dma_wait3A_301] : memref<2x64xi32, #tpu.memory_space<vmem>> -> memref<1x64xi32, #tpu.memory_space<vmem>>
      %dma_wait3A_303 = tpu.memref_squeeze %dma_wait3A_302 : memref<1x64xi32, #tpu.memory_space<vmem>> -> memref<64xi32, #tpu.memory_space<vmem>>
      %dma_wait3A_304 = arith.constant 0 : i32
      %dma_wait3A_305 = arith.constant 0 : i32
      %dma_wait3A_306 = tpu.memref_slice %arg2[%dma_wait3A_304, %dma_wait3A_305] : memref<20000x128xf32, #tpu.memory_space<hbm>> -> memref<20000x128xf32, #tpu.memory_space<hbm>>
      tpu.wait_indirect_dma semaphore(%arg19 : memref<!tpu.dma_semaphore, #tpu.memory_space<semaphore_mem>>) src(%dma_wait3A_306 : memref<20000x128xf32, #tpu.memory_space<hbm>>) dst(%dma_wait3A_300 : memref<64x128xf32, #tpu.memory_space<vmem>>)
      %dma_wait3A_307 = arith.constant 0 : i32
      %dma_wait3A_308 = arith.constant 0 : i32
      %dma_wait3A_309 = tpu.memref_slice %arg14[%rem3A_287, %dma_wait3A_307, %dma_wait3A_308] : memref<2x64x128xf32, #tpu.memory_space<vmem>> -> memref<1x64x128xf32, #tpu.memory_space<vmem>>
      %dma_wait3A_310 = tpu.memref_squeeze %dma_wait3A_309 : memref<1x64x128xf32, #tpu.memory_space<vmem>> -> memref<64x128xf32, #tpu.memory_space<vmem>>
      %dma_wait3A_311 = arith.constant 0 : i32
      %dma_wait3A_312 = tpu.memref_slice %arg11[%rem3A_287, %dma_wait3A_311] : memref<2x64xi32, #tpu.memory_space<vmem>> -> memref<1x64xi32, #tpu.memory_space<vmem>>
      %dma_wait3A_313 = tpu.memref_squeeze %dma_wait3A_312 : memref<1x64xi32, #tpu.memory_space<vmem>> -> memref<64xi32, #tpu.memory_space<vmem>>
      %dma_wait3A_314 = arith.constant 0 : i32
      %dma_wait3A_315 = arith.constant 0 : i32
      %dma_wait3A_316 = tpu.memref_slice %arg2[%dma_wait3A_314, %dma_wait3A_315] : memref<20000x128xf32, #tpu.memory_space<hbm>> -> memref<20000x128xf32, #tpu.memory_space<hbm>>
      tpu.wait_indirect_dma semaphore(%arg19 : memref<!tpu.dma_semaphore, #tpu.memory_space<semaphore_mem>>) src(%dma_wait3A_316 : memref<20000x128xf32, #tpu.memory_space<hbm>>) dst(%dma_wait3A_310 : memref<64x128xf32, #tpu.memory_space<vmem>>)
      %dma_wait3A_317 = arith.constant 0 : i32
      %dma_wait3A_318 = arith.constant 0 : i32
      %dma_wait3A_319 = tpu.memref_slice %arg16[%rem3A_287, %dma_wait3A_317, %dma_wait3A_318] : memref<2x64x128xf32, #tpu.memory_space<vmem>> -> memref<1x64x128xf32, #tpu.memory_space<vmem>>
      %dma_wait3A_320 = tpu.memref_squeeze %dma_wait3A_319 : memref<1x64x128xf32, #tpu.memory_space<vmem>> -> memref<64x128xf32, #tpu.memory_space<vmem>>
      %dma_wait3A_321 = arith.constant 0 : i32
      %dma_wait3A_322 = tpu.memref_slice %arg12[%rem3A_287, %dma_wait3A_321] : memref<2x64xi32, #tpu.memory_space<vmem>> -> memref<1x64xi32, #tpu.memory_space<vmem>>
      %dma_wait3A_323 = tpu.memref_squeeze %dma_wait3A_322 : memref<1x64xi32, #tpu.memory_space<vmem>> -> memref<64xi32, #tpu.memory_space<vmem>>
      %dma_wait3A_324 = arith.constant 0 : i32
      %dma_wait3A_325 = arith.constant 0 : i32
      %dma_wait3A_326 = tpu.memref_slice %arg2[%dma_wait3A_324, %dma_wait3A_325] : memref<20000x128xf32, #tpu.memory_space<hbm>> -> memref<20000x128xf32, #tpu.memory_space<hbm>>
      tpu.wait_indirect_dma semaphore(%arg19 : memref<!tpu.dma_semaphore, #tpu.memory_space<semaphore_mem>>) src(%dma_wait3A_326 : memref<20000x128xf32, #tpu.memory_space<hbm>>) dst(%dma_wait3A_320 : memref<64x128xf32, #tpu.memory_space<vmem>>)
      %scan3A_327 = arith.constant 0 : i32
      %scan3A_328 = arith.constant 0 : i32
      %scan3A_329 = arith.constant 4 : i32
      %scan3A_330 = arith.addi %scan3A_328, %scan3A_329 : i32
      %scan3A_331 = arith.constant 1 : i32
      scf.for %scan3A_340 = %scan3A_328 to %scan3A_330 step %scan3A_331  : i32 {
        %broadcast_in_dim3A = arith.constant 0.000000e+00 : f32
        %broadcast_in_dim3A_341 = vector.broadcast %broadcast_in_dim3A : f32 to vector<16xf32>
        %scan3A_342 = arith.constant 0 : i32
        %scan3A_343 = arith.constant 16 : i32
        %scan3A_344 = arith.addi %scan3A_342, %scan3A_343 : i32
        %scan3A_345 = arith.constant 1 : i32
        %scan3A_346 = scf.for %scan3A_353 = %scan3A_342 to %scan3A_344 step %scan3A_345 iter_args(%scan3A_354 = %broadcast_in_dim3A_341) -> (vector<16xf32>)  : i32 {
          %mul3A_355 = arith.constant 16 : i32
          %mul3A_356 = arith.muli %scan3A_340, %mul3A_355 : i32
          %add3A_357 = arith.addi %mul3A_356, %scan3A_353 : i32
          %broadcast_in_dim3A_358 = arith.constant 0 : i32
          %broadcast_in_dim3A_359 = vector.broadcast %broadcast_in_dim3A_358 : i32 to vector<16xi32>
          %add3A_360 = vector.broadcast %rem3A_287 : i32 to vector<16xi32>
          %add3A_361 = arith.addi %broadcast_in_dim3A_359, %add3A_360 : vector<16xi32>
          %broadcast_in_dim3A_362 = arith.constant 0 : i32
          %broadcast_in_dim3A_363 = vector.broadcast %broadcast_in_dim3A_362 : i32 to vector<16xi32>
          %add3A_364 = vector.broadcast %add3A_357 : i32 to vector<16xi32>
          %add3A_365 = arith.addi %broadcast_in_dim3A_363, %add3A_364 : vector<16xi32>
          %gather3A = tpu.vector_load_idx %arg10[%add3A_361, %add3A_365] : memref<2x64xi32, #tpu.memory_space<vmem>>[vector<16xi32>, vector<16xi32>], vector<16xi32>,
          %mul3A_366 = arith.constant 256 : i32
          %mul3A_367 = vector.broadcast %mul3A_366 : i32 to vector<16xi32>
          %mul3A_368 = arith.muli %gather3A, %mul3A_367 : vector<16xi32>
          %broadcast_in_dim3A_369 = arith.constant 0.000000e+00 : f32
          %broadcast_in_dim3A_370 = vector.broadcast %broadcast_in_dim3A_369 : f32 to vector<16xf32>
          %add3A_371 = arith.constant 0 : i32
          %add3A_372 = vector.broadcast %add3A_371 : i32 to vector<16xi32>
          %add3A_373 = arith.addi %mul3A_368, %add3A_372 : vector<16xi32>
          %add3A_374 = arith.addi %add3A_373, %iota3A : vector<16xi32>
          %gather3A_375 = tpu.vector_load_idx %arg17[%add3A_374] : memref<6144xf32, #tpu.memory_space<vmem>>[vector<16xi32>], vector<16xf32>,
          %get3A_376 = arith.index_cast %rem3A_287 : i32 to index
          %get3A_377 = arith.index_cast %add3A_357 : i32 to index
          %get3A_378 = arith.constant 0 : index
          %get3A_379 = tpu.vector_load %arg13[%get3A_376, %get3A_377, %get3A_378] {strides = array<i32>} : memref<2x64x128xf32, #tpu.memory_space<vmem>>, vector<16xf32>,
          %get3A_380 = arith.index_cast %rem3A_287 : i32 to index
          %get3A_381 = arith.index_cast %add3A_357 : i32 to index
          %get3A_382 = arith.constant 0 : index
          %get3A_383 = tpu.vector_load %arg15[%get3A_380, %get3A_381, %get3A_382] {strides = array<i32>} : memref<2x64x128xf32, #tpu.memory_space<vmem>>, vector<16xf32>,
          %mul3A_384 = arith.mulf %get3A_379, %get3A_383 : vector<16xf32>
          %mul3A_385 = arith.mulf %mul3A_384, %gather3A_375 : vector<16xf32>
          %add3A_386 = arith.addf %broadcast_in_dim3A_370, %mul3A_385 : vector<16xf32>
          %add3A_387 = arith.constant 16 : i32
          %add3A_388 = vector.broadcast %add3A_387 : i32 to vector<16xi32>
          %add3A_389 = arith.addi %mul3A_368, %add3A_388 : vector<16xi32>
          %add3A_390 = arith.addi %add3A_389, %iota3A : vector<16xi32>
          %gather3A_391 = tpu.vector_load_idx %arg17[%add3A_390] : memref<6144xf32, #tpu.memory_space<vmem>>[vector<16xi32>], vector<16xf32>,
          %get3A_392 = arith.index_cast %rem3A_287 : i32 to index
          %get3A_393 = arith.index_cast %add3A_357 : i32 to index
          %get3A_394 = arith.constant 16 : index
          %get3A_395 = tpu.vector_load %arg13[%get3A_392, %get3A_393, %get3A_394] {strides = array<i32>} : memref<2x64x128xf32, #tpu.memory_space<vmem>>, vector<16xf32>,
          %get3A_396 = arith.index_cast %rem3A_287 : i32 to index
          %get3A_397 = arith.index_cast %add3A_357 : i32 to index
          %get3A_398 = arith.constant 16 : index
          %get3A_399 = tpu.vector_load %arg15[%get3A_396, %get3A_397, %get3A_398] {strides = array<i32>} : memref<2x64x128xf32, #tpu.memory_space<vmem>>, vector<16xf32>,
          %mul3A_400 = arith.mulf %get3A_395, %get3A_399 : vector<16xf32>
          %mul3A_401 = arith.mulf %mul3A_400, %gather3A_391 : vector<16xf32>
          %add3A_402 = arith.addf %add3A_386, %mul3A_401 : vector<16xf32>
          %add3A_403 = arith.constant 32 : i32
          %add3A_404 = vector.broadcast %add3A_403 : i32 to vector<16xi32>
          %add3A_405 = arith.addi %mul3A_368, %add3A_404 : vector<16xi32>
          %add3A_406 = arith.addi %add3A_405, %iota3A : vector<16xi32>
          %gather3A_407 = tpu.vector_load_idx %arg17[%add3A_406] : memref<6144xf32, #tpu.memory_space<vmem>>[vector<16xi32>], vector<16xf32>,
          %get3A_408 = arith.index_cast %rem3A_287 : i32 to index
          %get3A_409 = arith.index_cast %add3A_357 : i32 to index
          %get3A_410 = arith.constant 32 : index
          %get3A_411 = tpu.vector_load %arg13[%get3A_408, %get3A_409, %get3A_410] {strides = array<i32>} : memref<2x64x128xf32, #tpu.memory_space<vmem>>, vector<16xf32>,
          %get3A_412 = arith.index_cast %rem3A_287 : i32 to index
          %get3A_413 = arith.index_cast %add3A_357 : i32 to index
          %get3A_414 = arith.constant 32 : index
          %get3A_415 = tpu.vector_load %arg15[%get3A_412, %get3A_413, %get3A_414] {strides = array<i32>} : memref<2x64x128xf32, #tpu.memory_space<vmem>>, vector<16xf32>,
          %mul3A_416 = arith.mulf %get3A_411, %get3A_415 : vector<16xf32>
          %mul3A_417 = arith.mulf %mul3A_416, %gather3A_407 : vector<16xf32>
          %add3A_418 = arith.addf %add3A_402, %mul3A_417 : vector<16xf32>
          %add3A_419 = arith.constant 48 : i32
          %add3A_420 = vector.broadcast %add3A_419 : i32 to vector<16xi32>
          %add3A_421 = arith.addi %mul3A_368, %add3A_420 : vector<16xi32>
          %add3A_422 = arith.addi %add3A_421, %iota3A : vector<16xi32>
          %gather3A_423 = tpu.vector_load_idx %arg17[%add3A_422] : memref<6144xf32, #tpu.memory_space<vmem>>[vector<16xi32>], vector<16xf32>,
          %get3A_424 = arith.index_cast %rem3A_287 : i32 to index
          %get3A_425 = arith.index_cast %add3A_357 : i32 to index
          %get3A_426 = arith.constant 48 : index
          %get3A_427 = tpu.vector_load %arg13[%get3A_424, %get3A_425, %get3A_426] {strides = array<i32>} : memref<2x64x128xf32, #tpu.memory_space<vmem>>, vector<16xf32>,
          %get3A_428 = arith.index_cast %rem3A_287 : i32 to index
          %get3A_429 = arith.index_cast %add3A_357 : i32 to index
          %get3A_430 = arith.constant 48 : index
          %get3A_431 = tpu.vector_load %arg15[%get3A_428, %get3A_429, %get3A_430] {strides = array<i32>} : memref<2x64x128xf32, #tpu.memory_space<vmem>>, vector<16xf32>,
          %mul3A_432 = arith.mulf %get3A_427, %get3A_431 : vector<16xf32>
          %mul3A_433 = arith.mulf %mul3A_432, %gather3A_423 : vector<16xf32>
          %add3A_434 = arith.addf %add3A_418, %mul3A_433 : vector<16xf32>
          %add3A_435 = arith.constant 64 : i32
          %add3A_436 = vector.broadcast %add3A_435 : i32 to vector<16xi32>
          %add3A_437 = arith.addi %mul3A_368, %add3A_436 : vector<16xi32>
          %add3A_438 = arith.addi %add3A_437, %iota3A : vector<16xi32>
          %gather3A_439 = tpu.vector_load_idx %arg17[%add3A_438] : memref<6144xf32, #tpu.memory_space<vmem>>[vector<16xi32>], vector<16xf32>,
          %get3A_440 = arith.index_cast %rem3A_287 : i32 to index
          %get3A_441 = arith.index_cast %add3A_357 : i32 to index
          %get3A_442 = arith.constant 64 : index
          %get3A_443 = tpu.vector_load %arg13[%get3A_440, %get3A_441, %get3A_442] {strides = array<i32>} : memref<2x64x128xf32, #tpu.memory_space<vmem>>, vector<16xf32>,
          %get3A_444 = arith.index_cast %rem3A_287 : i32 to index
          %get3A_445 = arith.index_cast %add3A_357 : i32 to index
          %get3A_446 = arith.constant 64 : index
          %get3A_447 = tpu.vector_load %arg15[%get3A_444, %get3A_445, %get3A_446] {strides = array<i32>} : memref<2x64x128xf32, #tpu.memory_space<vmem>>, vector<16xf32>,
          %mul3A_448 = arith.mulf %get3A_443, %get3A_447 : vector<16xf32>
          %mul3A_449 = arith.mulf %mul3A_448, %gather3A_439 : vector<16xf32>
          %add3A_450 = arith.addf %add3A_434, %mul3A_449 : vector<16xf32>
          %add3A_451 = arith.constant 80 : i32
          %add3A_452 = vector.broadcast %add3A_451 : i32 to vector<16xi32>
          %add3A_453 = arith.addi %mul3A_368, %add3A_452 : vector<16xi32>
          %add3A_454 = arith.addi %add3A_453, %iota3A : vector<16xi32>
          %gather3A_455 = tpu.vector_load_idx %arg17[%add3A_454] : memref<6144xf32, #tpu.memory_space<vmem>>[vector<16xi32>], vector<16xf32>,
          %get3A_456 = arith.index_cast %rem3A_287 : i32 to index
          %get3A_457 = arith.index_cast %add3A_357 : i32 to index
          %get3A_458 = arith.constant 80 : index
          %get3A_459 = tpu.vector_load %arg13[%get3A_456, %get3A_457, %get3A_458] {strides = array<i32>} : memref<2x64x128xf32, #tpu.memory_space<vmem>>, vector<16xf32>,
          %get3A_460 = arith.index_cast %rem3A_287 : i32 to index
          %get3A_461 = arith.index_cast %add3A_357 : i32 to index
          %get3A_462 = arith.constant 80 : index
          %get3A_463 = tpu.vector_load %arg15[%get3A_460, %get3A_461, %get3A_462] {strides = array<i32>} : memref<2x64x128xf32, #tpu.memory_space<vmem>>, vector<16xf32>,
          %mul3A_464 = arith.mulf %get3A_459, %get3A_463 : vector<16xf32>
          %mul3A_465 = arith.mulf %mul3A_464, %gather3A_455 : vector<16xf32>
          %add3A_466 = arith.addf %add3A_450, %mul3A_465 : vector<16xf32>
          %add3A_467 = arith.constant 96 : i32
          %add3A_468 = vector.broadcast %add3A_467 : i32 to vector<16xi32>
          %add3A_469 = arith.addi %mul3A_368, %add3A_468 : vector<16xi32>
          %add3A_470 = arith.addi %add3A_469, %iota3A : vector<16xi32>
          %gather3A_471 = tpu.vector_load_idx %arg17[%add3A_470] : memref<6144xf32, #tpu.memory_space<vmem>>[vector<16xi32>], vector<16xf32>,
          %get3A_472 = arith.index_cast %rem3A_287 : i32 to index
          %get3A_473 = arith.index_cast %add3A_357 : i32 to index
          %get3A_474 = arith.constant 96 : index
          %get3A_475 = tpu.vector_load %arg13[%get3A_472, %get3A_473, %get3A_474] {strides = array<i32>} : memref<2x64x128xf32, #tpu.memory_space<vmem>>, vector<16xf32>,
          %get3A_476 = arith.index_cast %rem3A_287 : i32 to index
          %get3A_477 = arith.index_cast %add3A_357 : i32 to index
          %get3A_478 = arith.constant 96 : index
          %get3A_479 = tpu.vector_load %arg15[%get3A_476, %get3A_477, %get3A_478] {strides = array<i32>} : memref<2x64x128xf32, #tpu.memory_space<vmem>>, vector<16xf32>,
          %mul3A_480 = arith.mulf %get3A_475, %get3A_479 : vector<16xf32>
          %mul3A_481 = arith.mulf %mul3A_480, %gather3A_471 : vector<16xf32>
          %add3A_482 = arith.addf %add3A_466, %mul3A_481 : vector<16xf32>
          %add3A_483 = arith.constant 112 : i32
          %add3A_484 = vector.broadcast %add3A_483 : i32 to vector<16xi32>
          %add3A_485 = arith.addi %mul3A_368, %add3A_484 : vector<16xi32>
          %add3A_486 = arith.addi %add3A_485, %iota3A : vector<16xi32>
          %gather3A_487 = tpu.vector_load_idx %arg17[%add3A_486] : memref<6144xf32, #tpu.memory_space<vmem>>[vector<16xi32>], vector<16xf32>,
          %get3A_488 = arith.index_cast %rem3A_287 : i32 to index
          %get3A_489 = arith.index_cast %add3A_357 : i32 to index
          %get3A_490 = arith.constant 112 : index
          %get3A_491 = tpu.vector_load %arg13[%get3A_488, %get3A_489, %get3A_490] {strides = array<i32>} : memref<2x64x128xf32, #tpu.memory_space<vmem>>, vector<16xf32>,
          %get3A_492 = arith.index_cast %rem3A_287 : i32 to index
          %get3A_493 = arith.index_cast %add3A_357 : i32 to index
          %get3A_494 = arith.constant 112 : index
          %get3A_495 = tpu.vector_load %arg15[%get3A_492, %get3A_493, %get3A_494] {strides = array<i32>} : memref<2x64x128xf32, #tpu.memory_space<vmem>>, vector<16xf32>,
          %mul3A_496 = arith.mulf %get3A_491, %get3A_495 : vector<16xf32>
          %mul3A_497 = arith.mulf %mul3A_496, %gather3A_487 : vector<16xf32>
          %add3A_498 = arith.addf %add3A_482, %mul3A_497 : vector<16xf32>
          %add3A_499 = arith.constant 128 : i32
          %add3A_500 = vector.broadcast %add3A_499 : i32 to vector<16xi32>
          %add3A_501 = arith.addi %mul3A_368, %add3A_500 : vector<16xi32>
          %add3A_502 = arith.constant 0 : i32
          %add3A_503 = vector.broadcast %add3A_502 : i32 to vector<16xi32>
          %add3A_504 = arith.addi %add3A_501, %add3A_503 : vector<16xi32>
          %add3A_505 = arith.addi %add3A_504, %iota3A : vector<16xi32>
          %gather3A_506 = tpu.vector_load_idx %arg17[%add3A_505] : memref<6144xf32, #tpu.memory_space<vmem>>[vector<16xi32>], vector<16xf32>,
          %get3A_507 = arith.index_cast %rem3A_287 : i32 to index
          %get3A_508 = arith.index_cast %add3A_357 : i32 to index
          %get3A_509 = arith.constant 0 : index
          %get3A_510 = tpu.vector_load %arg14[%get3A_507, %get3A_508, %get3A_509] {strides = array<i32>} : memref<2x64x128xf32, #tpu.memory_space<vmem>>, vector<16xf32>,
          %get3A_511 = arith.index_cast %rem3A_287 : i32 to index
          %get3A_512 = arith.index_cast %add3A_357 : i32 to index
          %get3A_513 = arith.constant 0 : index
          %get3A_514 = tpu.vector_load %arg16[%get3A_511, %get3A_512, %get3A_513] {strides = array<i32>} : memref<2x64x128xf32, #tpu.memory_space<vmem>>, vector<16xf32>,
          %mul3A_515 = arith.mulf %get3A_510, %get3A_514 : vector<16xf32>
          %mul3A_516 = arith.mulf %mul3A_515, %gather3A_506 : vector<16xf32>
          %add3A_517 = arith.addf %add3A_498, %mul3A_516 : vector<16xf32>
          %add3A_518 = arith.constant 128 : i32
          %add3A_519 = vector.broadcast %add3A_518 : i32 to vector<16xi32>
          %add3A_520 = arith.addi %mul3A_368, %add3A_519 : vector<16xi32>
          %add3A_521 = arith.constant 16 : i32
          %add3A_522 = vector.broadcast %add3A_521 : i32 to vector<16xi32>
          %add3A_523 = arith.addi %add3A_520, %add3A_522 : vector<16xi32>
          %add3A_524 = arith.addi %add3A_523, %iota3A : vector<16xi32>
          %gather3A_525 = tpu.vector_load_idx %arg17[%add3A_524] : memref<6144xf32, #tpu.memory_space<vmem>>[vector<16xi32>], vector<16xf32>,
          %get3A_526 = arith.index_cast %rem3A_287 : i32 to index
          %get3A_527 = arith.index_cast %add3A_357 : i32 to index
          %get3A_528 = arith.constant 16 : index
          %get3A_529 = tpu.vector_load %arg14[%get3A_526, %get3A_527, %get3A_528] {strides = array<i32>} : memref<2x64x128xf32, #tpu.memory_space<vmem>>, vector<16xf32>,
          %get3A_530 = arith.index_cast %rem3A_287 : i32 to index
          %get3A_531 = arith.index_cast %add3A_357 : i32 to index
          %get3A_532 = arith.constant 16 : index
          %get3A_533 = tpu.vector_load %arg16[%get3A_530, %get3A_531, %get3A_532] {strides = array<i32>} : memref<2x64x128xf32, #tpu.memory_space<vmem>>, vector<16xf32>,
          %mul3A_534 = arith.mulf %get3A_529, %get3A_533 : vector<16xf32>
          %mul3A_535 = arith.mulf %mul3A_534, %gather3A_525 : vector<16xf32>
          %add3A_536 = arith.addf %add3A_517, %mul3A_535 : vector<16xf32>
          %add3A_537 = arith.constant 128 : i32
          %add3A_538 = vector.broadcast %add3A_537 : i32 to vector<16xi32>
          %add3A_539 = arith.addi %mul3A_368, %add3A_538 : vector<16xi32>
          %add3A_540 = arith.constant 32 : i32
          %add3A_541 = vector.broadcast %add3A_540 : i32 to vector<16xi32>
          %add3A_542 = arith.addi %add3A_539, %add3A_541 : vector<16xi32>
          %add3A_543 = arith.addi %add3A_542, %iota3A : vector<16xi32>
          %gather3A_544 = tpu.vector_load_idx %arg17[%add3A_543] : memref<6144xf32, #tpu.memory_space<vmem>>[vector<16xi32>], vector<16xf32>,
          %get3A_545 = arith.index_cast %rem3A_287 : i32 to index
          %get3A_546 = arith.index_cast %add3A_357 : i32 to index
          %get3A_547 = arith.constant 32 : index
          %get3A_548 = tpu.vector_load %arg14[%get3A_545, %get3A_546, %get3A_547] {strides = array<i32>} : memref<2x64x128xf32, #tpu.memory_space<vmem>>, vector<16xf32>,
          %get3A_549 = arith.index_cast %rem3A_287 : i32 to index
          %get3A_550 = arith.index_cast %add3A_357 : i32 to index
          %get3A_551 = arith.constant 32 : index
          %get3A_552 = tpu.vector_load %arg16[%get3A_549, %get3A_550, %get3A_551] {strides = array<i32>} : memref<2x64x128xf32, #tpu.memory_space<vmem>>, vector<16xf32>,
          %mul3A_553 = arith.mulf %get3A_548, %get3A_552 : vector<16xf32>
          %mul3A_554 = arith.mulf %mul3A_553, %gather3A_544 : vector<16xf32>
          %add3A_555 = arith.addf %add3A_536, %mul3A_554 : vector<16xf32>
          %add3A_556 = arith.constant 128 : i32
          %add3A_557 = vector.broadcast %add3A_556 : i32 to vector<16xi32>
          %add3A_558 = arith.addi %mul3A_368, %add3A_557 : vector<16xi32>
          %add3A_559 = arith.constant 48 : i32
          %add3A_560 = vector.broadcast %add3A_559 : i32 to vector<16xi32>
          %add3A_561 = arith.addi %add3A_558, %add3A_560 : vector<16xi32>
          %add3A_562 = arith.addi %add3A_561, %iota3A : vector<16xi32>
          %gather3A_563 = tpu.vector_load_idx %arg17[%add3A_562] : memref<6144xf32, #tpu.memory_space<vmem>>[vector<16xi32>], vector<16xf32>,
          %get3A_564 = arith.index_cast %rem3A_287 : i32 to index
          %get3A_565 = arith.index_cast %add3A_357 : i32 to index
          %get3A_566 = arith.constant 48 : index
          %get3A_567 = tpu.vector_load %arg14[%get3A_564, %get3A_565, %get3A_566] {strides = array<i32>} : memref<2x64x128xf32, #tpu.memory_space<vmem>>, vector<16xf32>,
          %get3A_568 = arith.index_cast %rem3A_287 : i32 to index
          %get3A_569 = arith.index_cast %add3A_357 : i32 to index
          %get3A_570 = arith.constant 48 : index
          %get3A_571 = tpu.vector_load %arg16[%get3A_568, %get3A_569, %get3A_570] {strides = array<i32>} : memref<2x64x128xf32, #tpu.memory_space<vmem>>, vector<16xf32>,
          %mul3A_572 = arith.mulf %get3A_567, %get3A_571 : vector<16xf32>
          %mul3A_573 = arith.mulf %mul3A_572, %gather3A_563 : vector<16xf32>
          %add3A_574 = arith.addf %add3A_555, %mul3A_573 : vector<16xf32>
          %add3A_575 = arith.constant 128 : i32
          %add3A_576 = vector.broadcast %add3A_575 : i32 to vector<16xi32>
          %add3A_577 = arith.addi %mul3A_368, %add3A_576 : vector<16xi32>
          %add3A_578 = arith.constant 64 : i32
          %add3A_579 = vector.broadcast %add3A_578 : i32 to vector<16xi32>
          %add3A_580 = arith.addi %add3A_577, %add3A_579 : vector<16xi32>
          %add3A_581 = arith.addi %add3A_580, %iota3A : vector<16xi32>
          %gather3A_582 = tpu.vector_load_idx %arg17[%add3A_581] : memref<6144xf32, #tpu.memory_space<vmem>>[vector<16xi32>], vector<16xf32>,
          %get3A_583 = arith.index_cast %rem3A_287 : i32 to index
          %get3A_584 = arith.index_cast %add3A_357 : i32 to index
          %get3A_585 = arith.constant 64 : index
          %get3A_586 = tpu.vector_load %arg14[%get3A_583, %get3A_584, %get3A_585] {strides = array<i32>} : memref<2x64x128xf32, #tpu.memory_space<vmem>>, vector<16xf32>,
          %get3A_587 = arith.index_cast %rem3A_287 : i32 to index
          %get3A_588 = arith.index_cast %add3A_357 : i32 to index
          %get3A_589 = arith.constant 64 : index
          %get3A_590 = tpu.vector_load %arg16[%get3A_587, %get3A_588, %get3A_589] {strides = array<i32>} : memref<2x64x128xf32, #tpu.memory_space<vmem>>, vector<16xf32>,
          %mul3A_591 = arith.mulf %get3A_586, %get3A_590 : vector<16xf32>
          %mul3A_592 = arith.mulf %mul3A_591, %gather3A_582 : vector<16xf32>
          %add3A_593 = arith.addf %add3A_574, %mul3A_592 : vector<16xf32>
          %add3A_594 = arith.constant 128 : i32
          %add3A_595 = vector.broadcast %add3A_594 : i32 to vector<16xi32>
          %add3A_596 = arith.addi %mul3A_368, %add3A_595 : vector<16xi32>
          %add3A_597 = arith.constant 80 : i32
          %add3A_598 = vector.broadcast %add3A_597 : i32 to vector<16xi32>
          %add3A_599 = arith.addi %add3A_596, %add3A_598 : vector<16xi32>
          %add3A_600 = arith.addi %add3A_599, %iota3A : vector<16xi32>
          %gather3A_601 = tpu.vector_load_idx %arg17[%add3A_600] : memref<6144xf32, #tpu.memory_space<vmem>>[vector<16xi32>], vector<16xf32>,
          %get3A_602 = arith.index_cast %rem3A_287 : i32 to index
          %get3A_603 = arith.index_cast %add3A_357 : i32 to index
          %get3A_604 = arith.constant 80 : index
          %get3A_605 = tpu.vector_load %arg14[%get3A_602, %get3A_603, %get3A_604] {strides = array<i32>} : memref<2x64x128xf32, #tpu.memory_space<vmem>>, vector<16xf32>,
          %get3A_606 = arith.index_cast %rem3A_287 : i32 to index
          %get3A_607 = arith.index_cast %add3A_357 : i32 to index
          %get3A_608 = arith.constant 80 : index
          %get3A_609 = tpu.vector_load %arg16[%get3A_606, %get3A_607, %get3A_608] {strides = array<i32>} : memref<2x64x128xf32, #tpu.memory_space<vmem>>, vector<16xf32>,
          %mul3A_610 = arith.mulf %get3A_605, %get3A_609 : vector<16xf32>
          %mul3A_611 = arith.mulf %mul3A_610, %gather3A_601 : vector<16xf32>
          %add3A_612 = arith.addf %add3A_593, %mul3A_611 : vector<16xf32>
          %add3A_613 = arith.constant 128 : i32
          %add3A_614 = vector.broadcast %add3A_613 : i32 to vector<16xi32>
          %add3A_615 = arith.addi %mul3A_368, %add3A_614 : vector<16xi32>
          %add3A_616 = arith.constant 96 : i32
          %add3A_617 = vector.broadcast %add3A_616 : i32 to vector<16xi32>
          %add3A_618 = arith.addi %add3A_615, %add3A_617 : vector<16xi32>
          %add3A_619 = arith.addi %add3A_618, %iota3A : vector<16xi32>
          %gather3A_620 = tpu.vector_load_idx %arg17[%add3A_619] : memref<6144xf32, #tpu.memory_space<vmem>>[vector<16xi32>], vector<16xf32>,
          %get3A_621 = arith.index_cast %rem3A_287 : i32 to index
          %get3A_622 = arith.index_cast %add3A_357 : i32 to index
          %get3A_623 = arith.constant 96 : index
          %get3A_624 = tpu.vector_load %arg14[%get3A_621, %get3A_622, %get3A_623] {strides = array<i32>} : memref<2x64x128xf32, #tpu.memory_space<vmem>>, vector<16xf32>,
          %get3A_625 = arith.index_cast %rem3A_287 : i32 to index
          %get3A_626 = arith.index_cast %add3A_357 : i32 to index
          %get3A_627 = arith.constant 96 : index
          %get3A_628 = tpu.vector_load %arg16[%get3A_625, %get3A_626, %get3A_627] {strides = array<i32>} : memref<2x64x128xf32, #tpu.memory_space<vmem>>, vector<16xf32>,
          %mul3A_629 = arith.mulf %get3A_624, %get3A_628 : vector<16xf32>
          %mul3A_630 = arith.mulf %mul3A_629, %gather3A_620 : vector<16xf32>
          %add3A_631 = arith.addf %add3A_612, %mul3A_630 : vector<16xf32>
          %add3A_632 = arith.constant 128 : i32
          %add3A_633 = vector.broadcast %add3A_632 : i32 to vector<16xi32>
          %add3A_634 = arith.addi %mul3A_368, %add3A_633 : vector<16xi32>
          %add3A_635 = arith.constant 112 : i32
          %add3A_636 = vector.broadcast %add3A_635 : i32 to vector<16xi32>
          %add3A_637 = arith.addi %add3A_634, %add3A_636 : vector<16xi32>
          %add3A_638 = arith.addi %add3A_637, %iota3A : vector<16xi32>
          %gather3A_639 = tpu.vector_load_idx %arg17[%add3A_638] : memref<6144xf32, #tpu.memory_space<vmem>>[vector<16xi32>], vector<16xf32>,
          %get3A_640 = arith.index_cast %rem3A_287 : i32 to index
          %get3A_641 = arith.index_cast %add3A_357 : i32 to index
          %get3A_642 = arith.constant 112 : index
          %get3A_643 = tpu.vector_load %arg14[%get3A_640, %get3A_641, %get3A_642] {strides = array<i32>} : memref<2x64x128xf32, #tpu.memory_space<vmem>>, vector<16xf32>,
          %get3A_644 = arith.index_cast %rem3A_287 : i32 to index
          %get3A_645 = arith.index_cast %add3A_357 : i32 to index
          %get3A_646 = arith.constant 112 : index
          %get3A_647 = tpu.vector_load %arg16[%get3A_644, %get3A_645, %get3A_646] {strides = array<i32>} : memref<2x64x128xf32, #tpu.memory_space<vmem>>, vector<16xf32>,
          %mul3A_648 = arith.mulf %get3A_643, %get3A_647 : vector<16xf32>
          %mul3A_649 = arith.mulf %mul3A_648, %gather3A_639 : vector<16xf32>
          %add3A_650 = arith.addf %add3A_631, %mul3A_649 : vector<16xf32>
          %reduce_sum3A = arith.constant true
          %reduce_sum3A_651 = vector.broadcast %reduce_sum3A : i1 to vector<16xi1>
          %reduce_sum3A_652 = tpu.scan <sum>, %add3A_650 masked %reduce_sum3A_651 : vector<16xf32>, vector<16xi1> -> vector<16xf32>
          %reduce_sum3A_653 = vector.extract %reduce_sum3A_652[15] : f32 from vector<16xf32>
          %eq3A = vector.broadcast %scan3A_353 : i32 to vector<16xi32>
          %eq3A_654 = arith.cmpi eq, %iota3A, %eq3A : vector<16xi32>
          %broadcast_in_dim3A_655 = vector.broadcast %reduce_sum3A_653 : f32 to vector<16xf32>
          %select_n3A = arith.select %eq3A_654, %broadcast_in_dim3A_655, %scan3A_354 : vector<16xi1>, vector<16xf32>
          scf.yield %select_n3A : vector<16xf32>
        }
        %scan3A_347 = arith.constant 16 : i32
        %mul3A_348 = arith.constant 16 : i32
        %mul3A_349 = arith.muli %scan3A_340, %mul3A_348 : i32
        %swap3A_350 = arith.index_cast %rem3A_287 : i32 to index
        %swap3A_351 = arith.index_cast %mul3A_349 : i32 to index
        %swap3A_352 = tpu.vector_load %arg18[%swap3A_350, %swap3A_351] {strides = array<i32>} : memref<2x64xf32, #tpu.memory_space<vmem>>, vector<16xf32>,
        tpu.vector_store %arg18[%swap3A_350, %swap3A_351], %scan3A_346 {strides = array<i32>} : memref<2x64xf32, #tpu.memory_space<vmem>>, vector<16xf32>,
      }
      %scan3A_332 = arith.constant 4 : i32
      %mul3A_333 = arith.constant 64 : i32
      %mul3A_334 = arith.muli %scan3A_286, %mul3A_333 : i32
      %add3A_335 = arith.addi %mul3A_2, %mul3A_334 : i32
      "tpu.region"() ({
        %run_scoped3A_340 = tpu.sem_alloc : memref<!tpu.dma_semaphore, #tpu.memory_space<semaphore_mem>>
        %dma_start3A_341 = arith.constant 0 : i32
        %dma_start3A_342 = tpu.memref_slice %arg18[%rem3A_287, %dma_start3A_341] : memref<2x64xf32, #tpu.memory_space<vmem>> -> memref<1x64xf32, #tpu.memory_space<vmem>>
        %dma_start3A_343 = tpu.memref_squeeze %dma_start3A_342 : memref<1x64xf32, #tpu.memory_space<vmem>> -> memref<64xf32, #tpu.memory_space<vmem>>
        %dma_start3A_344 = tpu.memref_slice %arg7[%add3A_335] : memref<65536xf32, #tpu.memory_space<hbm>> -> memref<64xf32, #tpu.memory_space<hbm>>
        %dma_start3A_345 = tpu.memref_slice %arg7[%add3A_335] : memref<65536xf32, #tpu.memory_space<hbm>> -> memref<64xf32, #tpu.memory_space<hbm>>
        %dma_start3A_346 = arith.constant 0 : i32
        %dma_start3A_347 = tpu.memref_slice %arg18[%rem3A_287, %dma_start3A_346] : memref<2x64xf32, #tpu.memory_space<vmem>> -> memref<1x64xf32, #tpu.memory_space<vmem>>
        %dma_start3A_348 = tpu.memref_squeeze %dma_start3A_347 : memref<1x64xf32, #tpu.memory_space<vmem>> -> memref<64xf32, #tpu.memory_space<vmem>>
        tpu.enqueue_dma source(%dma_start3A_348 : memref<64xf32, #tpu.memory_space<vmem>>) target(%dma_start3A_345 : memref<64xf32, #tpu.memory_space<hbm>>) target_semaphore(%run_scoped3A_340 : memref<!tpu.dma_semaphore, #tpu.memory_space<semaphore_mem>>)
        %dma_wait3A_349 = arith.constant 0 : i32
        %dma_wait3A_350 = tpu.memref_slice %arg18[%rem3A_287, %dma_wait3A_349] : memref<2x64xf32, #tpu.memory_space<vmem>> -> memref<1x64xf32, #tpu.memory_space<vmem>>
        %dma_wait3A_351 = tpu.memref_squeeze %dma_wait3A_350 : memref<1x64xf32, #tpu.memory_space<vmem>> -> memref<64xf32, #tpu.memory_space<vmem>>
        %dma_wait3A_352 = tpu.memref_slice %arg7[%add3A_335] : memref<65536xf32, #tpu.memory_space<hbm>> -> memref<64xf32, #tpu.memory_space<hbm>>
        %dma_wait3A_353 = tpu.memref_slice %arg7[%add3A_335] : memref<65536xf32, #tpu.memory_space<hbm>> -> memref<64xf32, #tpu.memory_space<hbm>>
        %dma_wait3A_354 = arith.constant 0 : i32
        %dma_wait3A_355 = tpu.memref_slice %arg18[%rem3A_287, %dma_wait3A_354] : memref<2x64xf32, #tpu.memory_space<vmem>> -> memref<1x64xf32, #tpu.memory_space<vmem>>
        %dma_wait3A_356 = tpu.memref_squeeze %dma_wait3A_355 : memref<1x64xf32, #tpu.memory_space<vmem>> -> memref<64xf32, #tpu.memory_space<vmem>>
        tpu.wait_dma2 semaphore(%run_scoped3A_340 : memref<!tpu.dma_semaphore, #tpu.memory_space<semaphore_mem>>) src(%dma_wait3A_356 : memref<64xf32, #tpu.memory_space<vmem>>) dst(%dma_wait3A_353 : memref<64xf32, #tpu.memory_space<hbm>>)
        tpu.yield
      }) : () -> ()
      %add3A_336 = arith.constant 2 : i32
      %add3A_337 = arith.addi %scan3A_286, %add3A_336 : i32
      %lt3A = arith.constant 32 : i32
      %lt3A_338 = arith.cmpi slt, %add3A_337, %lt3A : i32
      %convert_element_type3A = arith.extui %lt3A_338 : i1 to i32
      %cond3A = arith.constant 0 : i32
      %cond3A_339 = arith.cmpi ne, %convert_element_type3A, %cond3A : i32
      scf.if %cond3A_339 {
        %add3A_340 = arith.constant 2 : i32
        %add3A_341 = arith.addi %scan3A_286, %add3A_340 : i32
        %mul3A_342 = arith.constant 64 : i32
        %mul3A_343 = arith.muli %add3A_341, %mul3A_342 : i32
        %add3A_344 = arith.addi %mul3A_2, %mul3A_343 : i32
        "tpu.region"() ({
          %run_scoped3A_457 = tpu.sem_alloc : memref<!tpu.dma_semaphore, #tpu.memory_space<semaphore_mem>>
          %dma_start3A_458 = arith.constant 0 : i32
          %dma_start3A_459 = tpu.memref_slice %arg8[%rem3A_287, %dma_start3A_458] : memref<2x64xi32, #tpu.memory_space<vmem>> -> memref<1x64xi32, #tpu.memory_space<vmem>>
          %dma_start3A_460 = tpu.memref_squeeze %dma_start3A_459 : memref<1x64xi32, #tpu.memory_space<vmem>> -> memref<64xi32, #tpu.memory_space<vmem>>
          %dma_start3A_461 = tpu.memref_slice %arg3[%add3A_344] : memref<65536xi32, #tpu.memory_space<hbm>> -> memref<64xi32, #tpu.memory_space<hbm>>
          %dma_start3A_462 = arith.constant 0 : i32
          %dma_start3A_463 = tpu.memref_slice %arg8[%rem3A_287, %dma_start3A_462] : memref<2x64xi32, #tpu.memory_space<vmem>> -> memref<1x64xi32, #tpu.memory_space<vmem>>
          %dma_start3A_464 = tpu.memref_squeeze %dma_start3A_463 : memref<1x64xi32, #tpu.memory_space<vmem>> -> memref<64xi32, #tpu.memory_space<vmem>>
          %dma_start3A_465 = tpu.memref_slice %arg3[%add3A_344] : memref<65536xi32, #tpu.memory_space<hbm>> -> memref<64xi32, #tpu.memory_space<hbm>>
          tpu.enqueue_dma source(%dma_start3A_465 : memref<64xi32, #tpu.memory_space<hbm>>) target(%dma_start3A_464 : memref<64xi32, #tpu.memory_space<vmem>>) target_semaphore(%run_scoped3A_457 : memref<!tpu.dma_semaphore, #tpu.memory_space<semaphore_mem>>)
          %dma_wait3A_466 = arith.constant 0 : i32
          %dma_wait3A_467 = tpu.memref_slice %arg8[%rem3A_287, %dma_wait3A_466] : memref<2x64xi32, #tpu.memory_space<vmem>> -> memref<1x64xi32, #tpu.memory_space<vmem>>
          %dma_wait3A_468 = tpu.memref_squeeze %dma_wait3A_467 : memref<1x64xi32, #tpu.memory_space<vmem>> -> memref<64xi32, #tpu.memory_space<vmem>>
          %dma_wait3A_469 = tpu.memref_slice %arg3[%add3A_344] : memref<65536xi32, #tpu.memory_space<hbm>> -> memref<64xi32, #tpu.memory_space<hbm>>
          %dma_wait3A_470 = arith.constant 0 : i32
          %dma_wait3A_471 = tpu.memref_slice %arg8[%rem3A_287, %dma_wait3A_470] : memref<2x64xi32, #tpu.memory_space<vmem>> -> memref<1x64xi32, #tpu.memory_space<vmem>>
          %dma_wait3A_472 = tpu.memref_squeeze %dma_wait3A_471 : memref<1x64xi32, #tpu.memory_space<vmem>> -> memref<64xi32, #tpu.memory_space<vmem>>
          %dma_wait3A_473 = tpu.memref_slice %arg3[%add3A_344] : memref<65536xi32, #tpu.memory_space<hbm>> -> memref<64xi32, #tpu.memory_space<hbm>>
          tpu.wait_dma2 semaphore(%run_scoped3A_457 : memref<!tpu.dma_semaphore, #tpu.memory_space<semaphore_mem>>) src(%dma_wait3A_473 : memref<64xi32, #tpu.memory_space<hbm>>) dst(%dma_wait3A_472 : memref<64xi32, #tpu.memory_space<vmem>>)
          tpu.yield
        }) : () -> ()
        "tpu.region"() ({
          %run_scoped3A_457 = tpu.sem_alloc : memref<!tpu.dma_semaphore, #tpu.memory_space<semaphore_mem>>
          %dma_start3A_458 = arith.constant 0 : i32
          %dma_start3A_459 = tpu.memref_slice %arg9[%rem3A_287, %dma_start3A_458] : memref<2x64xi32, #tpu.memory_space<vmem>> -> memref<1x64xi32, #tpu.memory_space<vmem>>
          %dma_start3A_460 = tpu.memref_squeeze %dma_start3A_459 : memref<1x64xi32, #tpu.memory_space<vmem>> -> memref<64xi32, #tpu.memory_space<vmem>>
          %dma_start3A_461 = tpu.memref_slice %arg4[%add3A_344] : memref<65536xi32, #tpu.memory_space<hbm>> -> memref<64xi32, #tpu.memory_space<hbm>>
          %dma_start3A_462 = arith.constant 0 : i32
          %dma_start3A_463 = tpu.memref_slice %arg9[%rem3A_287, %dma_start3A_462] : memref<2x64xi32, #tpu.memory_space<vmem>> -> memref<1x64xi32, #tpu.memory_space<vmem>>
          %dma_start3A_464 = tpu.memref_squeeze %dma_start3A_463 : memref<1x64xi32, #tpu.memory_space<vmem>> -> memref<64xi32, #tpu.memory_space<vmem>>
          %dma_start3A_465 = tpu.memref_slice %arg4[%add3A_344] : memref<65536xi32, #tpu.memory_space<hbm>> -> memref<64xi32, #tpu.memory_space<hbm>>
          tpu.enqueue_dma source(%dma_start3A_465 : memref<64xi32, #tpu.memory_space<hbm>>) target(%dma_start3A_464 : memref<64xi32, #tpu.memory_space<vmem>>) target_semaphore(%run_scoped3A_457 : memref<!tpu.dma_semaphore, #tpu.memory_space<semaphore_mem>>)
          %dma_wait3A_466 = arith.constant 0 : i32
          %dma_wait3A_467 = tpu.memref_slice %arg9[%rem3A_287, %dma_wait3A_466] : memref<2x64xi32, #tpu.memory_space<vmem>> -> memref<1x64xi32, #tpu.memory_space<vmem>>
          %dma_wait3A_468 = tpu.memref_squeeze %dma_wait3A_467 : memref<1x64xi32, #tpu.memory_space<vmem>> -> memref<64xi32, #tpu.memory_space<vmem>>
          %dma_wait3A_469 = tpu.memref_slice %arg4[%add3A_344] : memref<65536xi32, #tpu.memory_space<hbm>> -> memref<64xi32, #tpu.memory_space<hbm>>
          %dma_wait3A_470 = arith.constant 0 : i32
          %dma_wait3A_471 = tpu.memref_slice %arg9[%rem3A_287, %dma_wait3A_470] : memref<2x64xi32, #tpu.memory_space<vmem>> -> memref<1x64xi32, #tpu.memory_space<vmem>>
          %dma_wait3A_472 = tpu.memref_squeeze %dma_wait3A_471 : memref<1x64xi32, #tpu.memory_space<vmem>> -> memref<64xi32, #tpu.memory_space<vmem>>
          %dma_wait3A_473 = tpu.memref_slice %arg4[%add3A_344] : memref<65536xi32, #tpu.memory_space<hbm>> -> memref<64xi32, #tpu.memory_space<hbm>>
          tpu.wait_dma2 semaphore(%run_scoped3A_457 : memref<!tpu.dma_semaphore, #tpu.memory_space<semaphore_mem>>) src(%dma_wait3A_473 : memref<64xi32, #tpu.memory_space<hbm>>) dst(%dma_wait3A_472 : memref<64xi32, #tpu.memory_space<vmem>>)
          tpu.yield
        }) : () -> ()
        "tpu.region"() ({
          %run_scoped3A_457 = tpu.sem_alloc : memref<!tpu.dma_semaphore, #tpu.memory_space<semaphore_mem>>
          %dma_start3A_458 = arith.constant 0 : i32
          %dma_start3A_459 = tpu.memref_slice %arg10[%rem3A_287, %dma_start3A_458] : memref<2x64xi32, #tpu.memory_space<vmem>> -> memref<1x64xi32, #tpu.memory_space<vmem>>
          %dma_start3A_460 = tpu.memref_squeeze %dma_start3A_459 : memref<1x64xi32, #tpu.memory_space<vmem>> -> memref<64xi32, #tpu.memory_space<vmem>>
          %dma_start3A_461 = tpu.memref_slice %arg5[%add3A_344] : memref<65536xi32, #tpu.memory_space<hbm>> -> memref<64xi32, #tpu.memory_space<hbm>>
          %dma_start3A_462 = arith.constant 0 : i32
          %dma_start3A_463 = tpu.memref_slice %arg10[%rem3A_287, %dma_start3A_462] : memref<2x64xi32, #tpu.memory_space<vmem>> -> memref<1x64xi32, #tpu.memory_space<vmem>>
          %dma_start3A_464 = tpu.memref_squeeze %dma_start3A_463 : memref<1x64xi32, #tpu.memory_space<vmem>> -> memref<64xi32, #tpu.memory_space<vmem>>
          %dma_start3A_465 = tpu.memref_slice %arg5[%add3A_344] : memref<65536xi32, #tpu.memory_space<hbm>> -> memref<64xi32, #tpu.memory_space<hbm>>
          tpu.enqueue_dma source(%dma_start3A_465 : memref<64xi32, #tpu.memory_space<hbm>>) target(%dma_start3A_464 : memref<64xi32, #tpu.memory_space<vmem>>) target_semaphore(%run_scoped3A_457 : memref<!tpu.dma_semaphore, #tpu.memory_space<semaphore_mem>>)
          %dma_wait3A_466 = arith.constant 0 : i32
          %dma_wait3A_467 = tpu.memref_slice %arg10[%rem3A_287, %dma_wait3A_466] : memref<2x64xi32, #tpu.memory_space<vmem>> -> memref<1x64xi32, #tpu.memory_space<vmem>>
          %dma_wait3A_468 = tpu.memref_squeeze %dma_wait3A_467 : memref<1x64xi32, #tpu.memory_space<vmem>> -> memref<64xi32, #tpu.memory_space<vmem>>
          %dma_wait3A_469 = tpu.memref_slice %arg5[%add3A_344] : memref<65536xi32, #tpu.memory_space<hbm>> -> memref<64xi32, #tpu.memory_space<hbm>>
          %dma_wait3A_470 = arith.constant 0 : i32
          %dma_wait3A_471 = tpu.memref_slice %arg10[%rem3A_287, %dma_wait3A_470] : memref<2x64xi32, #tpu.memory_space<vmem>> -> memref<1x64xi32, #tpu.memory_space<vmem>>
          %dma_wait3A_472 = tpu.memref_squeeze %dma_wait3A_471 : memref<1x64xi32, #tpu.memory_space<vmem>> -> memref<64xi32, #tpu.memory_space<vmem>>
          %dma_wait3A_473 = tpu.memref_slice %arg5[%add3A_344] : memref<65536xi32, #tpu.memory_space<hbm>> -> memref<64xi32, #tpu.memory_space<hbm>>
          tpu.wait_dma2 semaphore(%run_scoped3A_457 : memref<!tpu.dma_semaphore, #tpu.memory_space<semaphore_mem>>) src(%dma_wait3A_473 : memref<64xi32, #tpu.memory_space<hbm>>) dst(%dma_wait3A_472 : memref<64xi32, #tpu.memory_space<vmem>>)
          tpu.yield
        }) : () -> ()
        %get3A_345 = arith.index_cast %rem3A_287 : i32 to index
        %get3A_346 = arith.constant 0 : index
        %get3A_347 = tpu.vector_load %arg8[%get3A_345, %get3A_346] {strides = array<i32>} : memref<2x64xi32, #tpu.memory_space<vmem>>, vector<16xi32>,
        %add3A_348 = arith.constant 10000 : i32
        %add3A_349 = vector.broadcast %add3A_348 : i32 to vector<16xi32>
        %add3A_350 = arith.addi %get3A_347, %add3A_349 : vector<16xi32>
        %swap3A_351 = arith.index_cast %rem3A_287 : i32 to index
        %swap3A_352 = arith.constant 0 : index
        %swap3A_353 = tpu.vector_load %arg11[%swap3A_351, %swap3A_352] {strides = array<i32>} : memref<2x64xi32, #tpu.memory_space<vmem>>, vector<16xi32>,
        tpu.vector_store %arg11[%swap3A_351, %swap3A_352], %add3A_350 {strides = array<i32>} : memref<2x64xi32, #tpu.memory_space<vmem>>, vector<16xi32>,
        %get3A_354 = arith.index_cast %rem3A_287 : i32 to index
        %get3A_355 = arith.constant 0 : index
        %get3A_356 = tpu.vector_load %arg9[%get3A_354, %get3A_355] {strides = array<i32>} : memref<2x64xi32, #tpu.memory_space<vmem>>, vector<16xi32>,
        %add3A_357 = arith.constant 10000 : i32
        %add3A_358 = vector.broadcast %add3A_357 : i32 to vector<16xi32>
        %add3A_359 = arith.addi %get3A_356, %add3A_358 : vector<16xi32>
        %swap3A_360 = arith.index_cast %rem3A_287 : i32 to index
        %swap3A_361 = arith.constant 0 : index
        %swap3A_362 = tpu.vector_load %arg12[%swap3A_360, %swap3A_361] {strides = array<i32>} : memref<2x64xi32, #tpu.memory_space<vmem>>, vector<16xi32>,
        tpu.vector_store %arg12[%swap3A_360, %swap3A_361], %add3A_359 {strides = array<i32>} : memref<2x64xi32, #tpu.memory_space<vmem>>, vector<16xi32>,
        %get3A_363 = arith.index_cast %rem3A_287 : i32 to index
        %get3A_364 = arith.constant 16 : index
        %get3A_365 = tpu.vector_load %arg8[%get3A_363, %get3A_364] {strides = array<i32>} : memref<2x64xi32, #tpu.memory_space<vmem>>, vector<16xi32>,
        %add3A_366 = arith.constant 10000 : i32
        %add3A_367 = vector.broadcast %add3A_366 : i32 to vector<16xi32>
        %add3A_368 = arith.addi %get3A_365, %add3A_367 : vector<16xi32>
        %swap3A_369 = arith.index_cast %rem3A_287 : i32 to index
        %swap3A_370 = arith.constant 16 : index
        %swap3A_371 = tpu.vector_load %arg11[%swap3A_369, %swap3A_370] {strides = array<i32>} : memref<2x64xi32, #tpu.memory_space<vmem>>, vector<16xi32>,
        tpu.vector_store %arg11[%swap3A_369, %swap3A_370], %add3A_368 {strides = array<i32>} : memref<2x64xi32, #tpu.memory_space<vmem>>, vector<16xi32>,
        %get3A_372 = arith.index_cast %rem3A_287 : i32 to index
        %get3A_373 = arith.constant 16 : index
        %get3A_374 = tpu.vector_load %arg9[%get3A_372, %get3A_373] {strides = array<i32>} : memref<2x64xi32, #tpu.memory_space<vmem>>, vector<16xi32>,
        %add3A_375 = arith.constant 10000 : i32
        %add3A_376 = vector.broadcast %add3A_375 : i32 to vector<16xi32>
        %add3A_377 = arith.addi %get3A_374, %add3A_376 : vector<16xi32>
        %swap3A_378 = arith.index_cast %rem3A_287 : i32 to index
        %swap3A_379 = arith.constant 16 : index
        %swap3A_380 = tpu.vector_load %arg12[%swap3A_378, %swap3A_379] {strides = array<i32>} : memref<2x64xi32, #tpu.memory_space<vmem>>, vector<16xi32>,
        tpu.vector_store %arg12[%swap3A_378, %swap3A_379], %add3A_377 {strides = array<i32>} : memref<2x64xi32, #tpu.memory_space<vmem>>, vector<16xi32>,
        %get3A_381 = arith.index_cast %rem3A_287 : i32 to index
        %get3A_382 = arith.constant 32 : index
        %get3A_383 = tpu.vector_load %arg8[%get3A_381, %get3A_382] {strides = array<i32>} : memref<2x64xi32, #tpu.memory_space<vmem>>, vector<16xi32>,
        %add3A_384 = arith.constant 10000 : i32
        %add3A_385 = vector.broadcast %add3A_384 : i32 to vector<16xi32>
        %add3A_386 = arith.addi %get3A_383, %add3A_385 : vector<16xi32>
        %swap3A_387 = arith.index_cast %rem3A_287 : i32 to index
        %swap3A_388 = arith.constant 32 : index
        %swap3A_389 = tpu.vector_load %arg11[%swap3A_387, %swap3A_388] {strides = array<i32>} : memref<2x64xi32, #tpu.memory_space<vmem>>, vector<16xi32>,
        tpu.vector_store %arg11[%swap3A_387, %swap3A_388], %add3A_386 {strides = array<i32>} : memref<2x64xi32, #tpu.memory_space<vmem>>, vector<16xi32>,
        %get3A_390 = arith.index_cast %rem3A_287 : i32 to index
        %get3A_391 = arith.constant 32 : index
        %get3A_392 = tpu.vector_load %arg9[%get3A_390, %get3A_391] {strides = array<i32>} : memref<2x64xi32, #tpu.memory_space<vmem>>, vector<16xi32>,
        %add3A_393 = arith.constant 10000 : i32
        %add3A_394 = vector.broadcast %add3A_393 : i32 to vector<16xi32>
        %add3A_395 = arith.addi %get3A_392, %add3A_394 : vector<16xi32>
        %swap3A_396 = arith.index_cast %rem3A_287 : i32 to index
        %swap3A_397 = arith.constant 32 : index
        %swap3A_398 = tpu.vector_load %arg12[%swap3A_396, %swap3A_397] {strides = array<i32>} : memref<2x64xi32, #tpu.memory_space<vmem>>, vector<16xi32>,
        tpu.vector_store %arg12[%swap3A_396, %swap3A_397], %add3A_395 {strides = array<i32>} : memref<2x64xi32, #tpu.memory_space<vmem>>, vector<16xi32>,
        %get3A_399 = arith.index_cast %rem3A_287 : i32 to index
        %get3A_400 = arith.constant 48 : index
        %get3A_401 = tpu.vector_load %arg8[%get3A_399, %get3A_400] {strides = array<i32>} : memref<2x64xi32, #tpu.memory_space<vmem>>, vector<16xi32>,
        %add3A_402 = arith.constant 10000 : i32
        %add3A_403 = vector.broadcast %add3A_402 : i32 to vector<16xi32>
        %add3A_404 = arith.addi %get3A_401, %add3A_403 : vector<16xi32>
        %swap3A_405 = arith.index_cast %rem3A_287 : i32 to index
        %swap3A_406 = arith.constant 48 : index
        %swap3A_407 = tpu.vector_load %arg11[%swap3A_405, %swap3A_406] {strides = array<i32>} : memref<2x64xi32, #tpu.memory_space<vmem>>, vector<16xi32>,
        tpu.vector_store %arg11[%swap3A_405, %swap3A_406], %add3A_404 {strides = array<i32>} : memref<2x64xi32, #tpu.memory_space<vmem>>, vector<16xi32>,
        %get3A_408 = arith.index_cast %rem3A_287 : i32 to index
        %get3A_409 = arith.constant 48 : index
        %get3A_410 = tpu.vector_load %arg9[%get3A_408, %get3A_409] {strides = array<i32>} : memref<2x64xi32, #tpu.memory_space<vmem>>, vector<16xi32>,
        %add3A_411 = arith.constant 10000 : i32
        %add3A_412 = vector.broadcast %add3A_411 : i32 to vector<16xi32>
        %add3A_413 = arith.addi %get3A_410, %add3A_412 : vector<16xi32>
        %swap3A_414 = arith.index_cast %rem3A_287 : i32 to index
        %swap3A_415 = arith.constant 48 : index
        %swap3A_416 = tpu.vector_load %arg12[%swap3A_414, %swap3A_415] {strides = array<i32>} : memref<2x64xi32, #tpu.memory_space<vmem>>, vector<16xi32>,
        tpu.vector_store %arg12[%swap3A_414, %swap3A_415], %add3A_413 {strides = array<i32>} : memref<2x64xi32, #tpu.memory_space<vmem>>, vector<16xi32>,
        %dma_start3A_417 = arith.constant 0 : i32
        %dma_start3A_418 = arith.constant 0 : i32
        %dma_start3A_419 = tpu.memref_slice %arg13[%rem3A_287, %dma_start3A_417, %dma_start3A_418] : memref<2x64x128xf32, #tpu.memory_space<vmem>> -> memref<1x64x128xf32, #tpu.memory_space<vmem>>
        %dma_start3A_420 = tpu.memref_squeeze %dma_start3A_419 : memref<1x64x128xf32, #tpu.memory_space<vmem>> -> memref<64x128xf32, #tpu.memory_space<vmem>>
        %dma_start3A_421 = arith.constant 0 : i32
        %dma_start3A_422 = tpu.memref_slice %arg8[%rem3A_287, %dma_start3A_421] : memref<2x64xi32, #tpu.memory_space<vmem>> -> memref<1x64xi32, #tpu.memory_space<vmem>>
        %dma_start3A_423 = tpu.memref_squeeze %dma_start3A_422 : memref<1x64xi32, #tpu.memory_space<vmem>> -> memref<64xi32, #tpu.memory_space<vmem>>
        %dma_start3A_424 = arith.constant 0 : i32
        %dma_start3A_425 = arith.constant 0 : i32
        %dma_start3A_426 = tpu.memref_slice %arg2[%dma_start3A_424, %dma_start3A_425] : memref<20000x128xf32, #tpu.memory_space<hbm>> -> memref<20000x128xf32, #tpu.memory_space<hbm>>
        tpu.enqueue_indirect_dma source(%dma_start3A_426 : memref<20000x128xf32, #tpu.memory_space<hbm>>) target(%dma_start3A_420 : memref<64x128xf32, #tpu.memory_space<vmem>>) offsets(%dma_start3A_423 : memref<64xi32, #tpu.memory_space<vmem>>) semaphore(%arg19 : memref<!tpu.dma_semaphore, #tpu.memory_space<semaphore_mem>>)
        %dma_start3A_427 = arith.constant 0 : i32
        %dma_start3A_428 = arith.constant 0 : i32
        %dma_start3A_429 = tpu.memref_slice %arg15[%rem3A_287, %dma_start3A_427, %dma_start3A_428] : memref<2x64x128xf32, #tpu.memory_space<vmem>> -> memref<1x64x128xf32, #tpu.memory_space<vmem>>
        %dma_start3A_430 = tpu.memref_squeeze %dma_start3A_429 : memref<1x64x128xf32, #tpu.memory_space<vmem>> -> memref<64x128xf32, #tpu.memory_space<vmem>>
        %dma_start3A_431 = arith.constant 0 : i32
        %dma_start3A_432 = tpu.memref_slice %arg9[%rem3A_287, %dma_start3A_431] : memref<2x64xi32, #tpu.memory_space<vmem>> -> memref<1x64xi32, #tpu.memory_space<vmem>>
        %dma_start3A_433 = tpu.memref_squeeze %dma_start3A_432 : memref<1x64xi32, #tpu.memory_space<vmem>> -> memref<64xi32, #tpu.memory_space<vmem>>
        %dma_start3A_434 = arith.constant 0 : i32
        %dma_start3A_435 = arith.constant 0 : i32
        %dma_start3A_436 = tpu.memref_slice %arg2[%dma_start3A_434, %dma_start3A_435] : memref<20000x128xf32, #tpu.memory_space<hbm>> -> memref<20000x128xf32, #tpu.memory_space<hbm>>
        tpu.enqueue_indirect_dma source(%dma_start3A_436 : memref<20000x128xf32, #tpu.memory_space<hbm>>) target(%dma_start3A_430 : memref<64x128xf32, #tpu.memory_space<vmem>>) offsets(%dma_start3A_433 : memref<64xi32, #tpu.memory_space<vmem>>) semaphore(%arg19 : memref<!tpu.dma_semaphore, #tpu.memory_space<semaphore_mem>>)
        %dma_start3A_437 = arith.constant 0 : i32
        %dma_start3A_438 = arith.constant 0 : i32
        %dma_start3A_439 = tpu.memref_slice %arg14[%rem3A_287, %dma_start3A_437, %dma_start3A_438] : memref<2x64x128xf32, #tpu.memory_space<vmem>> -> memref<1x64x128xf32, #tpu.memory_space<vmem>>
        %dma_start3A_440 = tpu.memref_squeeze %dma_start3A_439 : memref<1x64x128xf32, #tpu.memory_space<vmem>> -> memref<64x128xf32, #tpu.memory_space<vmem>>
        %dma_start3A_441 = arith.constant 0 : i32
        %dma_start3A_442 = tpu.memref_slice %arg11[%rem3A_287, %dma_start3A_441] : memref<2x64xi32, #tpu.memory_space<vmem>> -> memref<1x64xi32, #tpu.memory_space<vmem>>
        %dma_start3A_443 = tpu.memref_squeeze %dma_start3A_442 : memref<1x64xi32, #tpu.memory_space<vmem>> -> memref<64xi32, #tpu.memory_space<vmem>>
        %dma_start3A_444 = arith.constant 0 : i32
        %dma_start3A_445 = arith.constant 0 : i32
        %dma_start3A_446 = tpu.memref_slice %arg2[%dma_start3A_444, %dma_start3A_445] : memref<20000x128xf32, #tpu.memory_space<hbm>> -> memref<20000x128xf32, #tpu.memory_space<hbm>>
        tpu.enqueue_indirect_dma source(%dma_start3A_446 : memref<20000x128xf32, #tpu.memory_space<hbm>>) target(%dma_start3A_440 : memref<64x128xf32, #tpu.memory_space<vmem>>) offsets(%dma_start3A_443 : memref<64xi32, #tpu.memory_space<vmem>>) semaphore(%arg19 : memref<!tpu.dma_semaphore, #tpu.memory_space<semaphore_mem>>)
        %dma_start3A_447 = arith.constant 0 : i32
        %dma_start3A_448 = arith.constant 0 : i32
        %dma_start3A_449 = tpu.memref_slice %arg16[%rem3A_287, %dma_start3A_447, %dma_start3A_448] : memref<2x64x128xf32, #tpu.memory_space<vmem>> -> memref<1x64x128xf32, #tpu.memory_space<vmem>>
        %dma_start3A_450 = tpu.memref_squeeze %dma_start3A_449 : memref<1x64x128xf32, #tpu.memory_space<vmem>> -> memref<64x128xf32, #tpu.memory_space<vmem>>
        %dma_start3A_451 = arith.constant 0 : i32
        %dma_start3A_452 = tpu.memref_slice %arg12[%rem3A_287, %dma_start3A_451] : memref<2x64xi32, #tpu.memory_space<vmem>> -> memref<1x64xi32, #tpu.memory_space<vmem>>
        %dma_start3A_453 = tpu.memref_squeeze %dma_start3A_452 : memref<1x64xi32, #tpu.memory_space<vmem>> -> memref<64xi32, #tpu.memory_space<vmem>>
        %dma_start3A_454 = arith.constant 0 : i32
        %dma_start3A_455 = arith.constant 0 : i32
        %dma_start3A_456 = tpu.memref_slice %arg2[%dma_start3A_454, %dma_start3A_455] : memref<20000x128xf32, #tpu.memory_space<hbm>> -> memref<20000x128xf32, #tpu.memory_space<hbm>>
        tpu.enqueue_indirect_dma source(%dma_start3A_456 : memref<20000x128xf32, #tpu.memory_space<hbm>>) target(%dma_start3A_450 : memref<64x128xf32, #tpu.memory_space<vmem>>) offsets(%dma_start3A_453 : memref<64xi32, #tpu.memory_space<vmem>>) semaphore(%arg19 : memref<!tpu.dma_semaphore, #tpu.memory_space<semaphore_mem>>)
      } else {
      }
    }
    %scan3A_285 = arith.constant 32 : i32
    return
  }
}

#map = affine_map<(d0, d1) -> (0, 0)>
#map1 = affine_map<(d0, d1) -> (0)>
module attributes {stable_mosaic.version = 14 : i64} {
  func.func @_pmsg_body(%arg0: i32, %arg1: i32, %arg2: memref<500000x128xf32, #tpu.memory_space<hbm>>, %arg3: memref<163840xi32, #tpu.memory_space<hbm>>, %arg4: memref<163840xi32, #tpu.memory_space<hbm>>, %arg5: memref<163840xi32, #tpu.memory_space<hbm>>, %arg6: memref<256000xf32, #tpu.memory_space<hbm>>, %arg7: memref<20000x128xf32, #tpu.memory_space<hbm>>, %arg8: memref<10064x128xf32, #tpu.memory_space<vmem_shared>>, %arg9: memref<2x128xi32, #tpu.memory_space<vmem>>, %arg10: memref<2x128xi32, #tpu.memory_space<vmem>>, %arg11: memref<2x128xi32, #tpu.memory_space<vmem>>, %arg12: memref<2x128xi32, #tpu.memory_space<vmem>>, %arg13: memref<2x128xi32, #tpu.memory_space<vmem>>, %arg14: memref<2x128xi32, #tpu.memory_space<vmem>>, %arg15: memref<2x128xf32, #tpu.memory_space<vmem>>, %arg16: memref<2x128x128xf32, #tpu.memory_space<vmem>>, %arg17: memref<40x128xf32, #tpu.memory_space<vmem>>, %arg18: memref<!tpu.dma_semaphore, #tpu.memory_space<semaphore_mem>>, %arg19: memref<!tpu.dma_semaphore, #tpu.memory_space<semaphore_mem>>, %arg20: memref<!tpu.dma_semaphore, #tpu.memory_space<semaphore_mem>>, %arg21: memref<!tpu.dma_semaphore, #tpu.memory_space<semaphore_mem>>) attributes {dimension_semantics = [#tpu.dimension_semantics<core_parallel>, #tpu.dimension_semantics<subcore_parallel>], iteration_bounds = array<i64: 2, 16>, scalar_prefetch = 0 : i64, scratch_operands = 14 : i64, tpu.core_type = #tpu.core_type<sc_vector_subcore>, window_params = [{transform_indices = #map}, {transform_indices = #map1}, {transform_indices = #map1}, {transform_indices = #map1}, {transform_indices = #map1}, {transform_indices = #map}]} {
    %mul3A = arith.constant 250000 : i32
    %mul3A_0 = arith.muli %arg0, %mul3A : i32
    %mul3A_1 = arith.constant 10240 : i32
    %mul3A_2 = arith.muli %arg1, %mul3A_1 : i32
    %eq3A = arith.constant 15 : i32
    %eq3A_3 = arith.cmpi eq, %arg1, %eq3A : i32
    %jit3A = arith.constant 10 : i32
    %jit3A_4 = arith.constant 16 : i32
    %select_n3A = arith.select %eq3A_3, %jit3A, %jit3A_4 : i32
    %while3A = arith.constant 0 : i32
    %while3A_5 = arith.constant 0 : i32
    %while3A_6 = arith.subi %select_n3A, %while3A_5 : i32
    %while3A_7 = arith.addi %while3A_5, %while3A_6 : i32
    %while3A_8 = arith.constant 1 : i32
    %while3A_9 = arith.divsi %while3A_6, %while3A_8 : i32
    %while3A_10 = arith.muli %while3A_9, %while3A_8 : i32
    %while3A_11 = arith.addi %while3A_5, %while3A_10 : i32
    %while3A_12 = arith.constant 1 : i32
    scf.for %while3A_466 = %while3A_5 to %while3A_11 step %while3A_12  : i32 {
      %mul3A_467 = arith.constant 640 : i32
      %mul3A_468 = arith.muli %arg1, %mul3A_467 : i32
      %mul3A_469 = arith.constant 40 : i32
      %mul3A_470 = arith.muli %while3A_466, %mul3A_469 : i32
      %add3A_471 = arith.addi %mul3A_468, %mul3A_470 : i32
      %add3A_472 = arith.constant 240000 : i32
      %add3A_473 = arith.addi %mul3A_0, %add3A_472 : i32
      %add3A_474 = arith.addi %add3A_473, %add3A_471 : i32
      "tpu.region"() ({
        %run_scoped3A = tpu.sem_alloc : memref<!tpu.dma_semaphore, #tpu.memory_space<semaphore_mem>>
        %dma_start3A_475 = arith.constant 0 : i32
        %dma_start3A_476 = tpu.memref_slice %arg2[%add3A_474, %dma_start3A_475] : memref<500000x128xf32, #tpu.memory_space<hbm>> -> memref<40x128xf32, #tpu.memory_space<hbm>>
        %dma_start3A_477 = arith.constant 0 : i32
        %dma_start3A_478 = tpu.memref_slice %arg2[%add3A_474, %dma_start3A_477] : memref<500000x128xf32, #tpu.memory_space<hbm>> -> memref<40x128xf32, #tpu.memory_space<hbm>>
        tpu.enqueue_dma source(%dma_start3A_478 : memref<40x128xf32, #tpu.memory_space<hbm>>) target(%arg17 : memref<40x128xf32, #tpu.memory_space<vmem>>) target_semaphore(%run_scoped3A : memref<!tpu.dma_semaphore, #tpu.memory_space<semaphore_mem>>)
        %dma_wait3A_479 = arith.constant 0 : i32
        %dma_wait3A_480 = tpu.memref_slice %arg2[%add3A_474, %dma_wait3A_479] : memref<500000x128xf32, #tpu.memory_space<hbm>> -> memref<40x128xf32, #tpu.memory_space<hbm>>
        %dma_wait3A_481 = arith.constant 0 : i32
        %dma_wait3A_482 = tpu.memref_slice %arg2[%add3A_474, %dma_wait3A_481] : memref<500000x128xf32, #tpu.memory_space<hbm>> -> memref<40x128xf32, #tpu.memory_space<hbm>>
        tpu.wait_dma2 semaphore(%run_scoped3A : memref<!tpu.dma_semaphore, #tpu.memory_space<semaphore_mem>>) src(%dma_wait3A_482 : memref<40x128xf32, #tpu.memory_space<hbm>>) dst(%arg17 : memref<40x128xf32, #tpu.memory_space<vmem>>)
        tpu.yield
      }) : () -> ()
      "tpu.region"() ({
        %run_scoped3A = tpu.sem_alloc : memref<!tpu.dma_semaphore, #tpu.memory_space<semaphore_mem>>
        %dma_start3A_475 = arith.constant 0 : i32
        %dma_start3A_476 = tpu.memref_slice %arg8[%add3A_471, %dma_start3A_475] : memref<10064x128xf32, #tpu.memory_space<vmem_shared>> -> memref<40x128xf32, #tpu.memory_space<vmem_shared>>
        %dma_start3A_477 = arith.constant 0 : i32
        %dma_start3A_478 = tpu.memref_slice %arg8[%add3A_471, %dma_start3A_477] : memref<10064x128xf32, #tpu.memory_space<vmem_shared>> -> memref<40x128xf32, #tpu.memory_space<vmem_shared>>
        tpu.enqueue_dma source(%arg17 : memref<40x128xf32, #tpu.memory_space<vmem>>) target(%dma_start3A_478 : memref<40x128xf32, #tpu.memory_space<vmem_shared>>) target_semaphore(%run_scoped3A : memref<!tpu.dma_semaphore, #tpu.memory_space<semaphore_mem>>)
        %dma_wait3A_479 = arith.constant 0 : i32
        %dma_wait3A_480 = tpu.memref_slice %arg8[%add3A_471, %dma_wait3A_479] : memref<10064x128xf32, #tpu.memory_space<vmem_shared>> -> memref<40x128xf32, #tpu.memory_space<vmem_shared>>
        %dma_wait3A_481 = arith.constant 0 : i32
        %dma_wait3A_482 = tpu.memref_slice %arg8[%add3A_471, %dma_wait3A_481] : memref<10064x128xf32, #tpu.memory_space<vmem_shared>> -> memref<40x128xf32, #tpu.memory_space<vmem_shared>>
        tpu.wait_dma2 semaphore(%run_scoped3A : memref<!tpu.dma_semaphore, #tpu.memory_space<semaphore_mem>>) src(%arg17 : memref<40x128xf32, #tpu.memory_space<vmem>>) dst(%dma_wait3A_482 : memref<40x128xf32, #tpu.memory_space<vmem_shared>>)
        tpu.yield
      }) : () -> ()
    }
    %while3A_13 = arith.constant 1 : i32
    scf.for %while3A_466 = %while3A_11 to %while3A_7 step %while3A_13  : i32 {
      %mul3A_467 = arith.constant 640 : i32
      %mul3A_468 = arith.muli %arg1, %mul3A_467 : i32
      %mul3A_469 = arith.constant 40 : i32
      %mul3A_470 = arith.muli %while3A_466, %mul3A_469 : i32
      %add3A_471 = arith.addi %mul3A_468, %mul3A_470 : i32
      %add3A_472 = arith.constant 240000 : i32
      %add3A_473 = arith.addi %mul3A_0, %add3A_472 : i32
      %add3A_474 = arith.addi %add3A_473, %add3A_471 : i32
      "tpu.region"() ({
        %run_scoped3A = tpu.sem_alloc : memref<!tpu.dma_semaphore, #tpu.memory_space<semaphore_mem>>
        %dma_start3A_475 = arith.constant 0 : i32
        %dma_start3A_476 = tpu.memref_slice %arg2[%add3A_474, %dma_start3A_475] : memref<500000x128xf32, #tpu.memory_space<hbm>> -> memref<40x128xf32, #tpu.memory_space<hbm>>
        %dma_start3A_477 = arith.constant 0 : i32
        %dma_start3A_478 = tpu.memref_slice %arg2[%add3A_474, %dma_start3A_477] : memref<500000x128xf32, #tpu.memory_space<hbm>> -> memref<40x128xf32, #tpu.memory_space<hbm>>
        tpu.enqueue_dma source(%dma_start3A_478 : memref<40x128xf32, #tpu.memory_space<hbm>>) target(%arg17 : memref<40x128xf32, #tpu.memory_space<vmem>>) target_semaphore(%run_scoped3A : memref<!tpu.dma_semaphore, #tpu.memory_space<semaphore_mem>>)
        %dma_wait3A_479 = arith.constant 0 : i32
        %dma_wait3A_480 = tpu.memref_slice %arg2[%add3A_474, %dma_wait3A_479] : memref<500000x128xf32, #tpu.memory_space<hbm>> -> memref<40x128xf32, #tpu.memory_space<hbm>>
        %dma_wait3A_481 = arith.constant 0 : i32
        %dma_wait3A_482 = tpu.memref_slice %arg2[%add3A_474, %dma_wait3A_481] : memref<500000x128xf32, #tpu.memory_space<hbm>> -> memref<40x128xf32, #tpu.memory_space<hbm>>
        tpu.wait_dma2 semaphore(%run_scoped3A : memref<!tpu.dma_semaphore, #tpu.memory_space<semaphore_mem>>) src(%dma_wait3A_482 : memref<40x128xf32, #tpu.memory_space<hbm>>) dst(%arg17 : memref<40x128xf32, #tpu.memory_space<vmem>>)
        tpu.yield
      }) : () -> ()
      "tpu.region"() ({
        %run_scoped3A = tpu.sem_alloc : memref<!tpu.dma_semaphore, #tpu.memory_space<semaphore_mem>>
        %dma_start3A_475 = arith.constant 0 : i32
        %dma_start3A_476 = tpu.memref_slice %arg8[%add3A_471, %dma_start3A_475] : memref<10064x128xf32, #tpu.memory_space<vmem_shared>> -> memref<40x128xf32, #tpu.memory_space<vmem_shared>>
        %dma_start3A_477 = arith.constant 0 : i32
        %dma_start3A_478 = tpu.memref_slice %arg8[%add3A_471, %dma_start3A_477] : memref<10064x128xf32, #tpu.memory_space<vmem_shared>> -> memref<40x128xf32, #tpu.memory_space<vmem_shared>>
        tpu.enqueue_dma source(%arg17 : memref<40x128xf32, #tpu.memory_space<vmem>>) target(%dma_start3A_478 : memref<40x128xf32, #tpu.memory_space<vmem_shared>>) target_semaphore(%run_scoped3A : memref<!tpu.dma_semaphore, #tpu.memory_space<semaphore_mem>>)
        %dma_wait3A_479 = arith.constant 0 : i32
        %dma_wait3A_480 = tpu.memref_slice %arg8[%add3A_471, %dma_wait3A_479] : memref<10064x128xf32, #tpu.memory_space<vmem_shared>> -> memref<40x128xf32, #tpu.memory_space<vmem_shared>>
        %dma_wait3A_481 = arith.constant 0 : i32
        %dma_wait3A_482 = tpu.memref_slice %arg8[%add3A_471, %dma_wait3A_481] : memref<10064x128xf32, #tpu.memory_space<vmem_shared>> -> memref<40x128xf32, #tpu.memory_space<vmem_shared>>
        tpu.wait_dma2 semaphore(%run_scoped3A : memref<!tpu.dma_semaphore, #tpu.memory_space<semaphore_mem>>) src(%arg17 : memref<40x128xf32, #tpu.memory_space<vmem>>) dst(%dma_wait3A_482 : memref<40x128xf32, #tpu.memory_space<vmem_shared>>)
        tpu.yield
      }) : () -> ()
    }
    %barrier3A = arith.constant 0 : index
    tpu.barrier barrier_id(%barrier3A)
    %add3A = arith.constant 0 : i32
    %add3A_14 = arith.addi %mul3A_2, %add3A : i32
    %dma_start3A = arith.constant 0 : i32
    %dma_start3A_15 = arith.constant 0 : i32
    %dma_start3A_16 = tpu.memref_slice %arg9[%dma_start3A, %dma_start3A_15] : memref<2x128xi32, #tpu.memory_space<vmem>> -> memref<1x128xi32, #tpu.memory_space<vmem>>
    %dma_start3A_17 = tpu.memref_squeeze %dma_start3A_16 : memref<1x128xi32, #tpu.memory_space<vmem>> -> memref<128xi32, #tpu.memory_space<vmem>>
    %dma_start3A_18 = tpu.memref_slice %arg5[%add3A_14] : memref<163840xi32, #tpu.memory_space<hbm>> -> memref<128xi32, #tpu.memory_space<hbm>>
    %dma_start3A_19 = arith.constant 0 : i32
    %dma_start3A_20 = tpu.memref_slice %arg9[%dma_start3A, %dma_start3A_19] : memref<2x128xi32, #tpu.memory_space<vmem>> -> memref<1x128xi32, #tpu.memory_space<vmem>>
    %dma_start3A_21 = tpu.memref_squeeze %dma_start3A_20 : memref<1x128xi32, #tpu.memory_space<vmem>> -> memref<128xi32, #tpu.memory_space<vmem>>
    %dma_start3A_22 = tpu.memref_slice %arg5[%add3A_14] : memref<163840xi32, #tpu.memory_space<hbm>> -> memref<128xi32, #tpu.memory_space<hbm>>
    tpu.enqueue_dma source(%dma_start3A_22 : memref<128xi32, #tpu.memory_space<hbm>>) target(%dma_start3A_21 : memref<128xi32, #tpu.memory_space<vmem>>) target_semaphore(%arg18 : memref<!tpu.dma_semaphore, #tpu.memory_space<semaphore_mem>>)
    %dma_start3A_23 = arith.constant 0 : i32
    %dma_start3A_24 = arith.constant 0 : i32
    %dma_start3A_25 = tpu.memref_slice %arg11[%dma_start3A_23, %dma_start3A_24] : memref<2x128xi32, #tpu.memory_space<vmem>> -> memref<1x128xi32, #tpu.memory_space<vmem>>
    %dma_start3A_26 = tpu.memref_squeeze %dma_start3A_25 : memref<1x128xi32, #tpu.memory_space<vmem>> -> memref<128xi32, #tpu.memory_space<vmem>>
    %dma_start3A_27 = tpu.memref_slice %arg4[%add3A_14] : memref<163840xi32, #tpu.memory_space<hbm>> -> memref<128xi32, #tpu.memory_space<hbm>>
    %dma_start3A_28 = arith.constant 0 : i32
    %dma_start3A_29 = tpu.memref_slice %arg11[%dma_start3A_23, %dma_start3A_28] : memref<2x128xi32, #tpu.memory_space<vmem>> -> memref<1x128xi32, #tpu.memory_space<vmem>>
    %dma_start3A_30 = tpu.memref_squeeze %dma_start3A_29 : memref<1x128xi32, #tpu.memory_space<vmem>> -> memref<128xi32, #tpu.memory_space<vmem>>
    %dma_start3A_31 = tpu.memref_slice %arg4[%add3A_14] : memref<163840xi32, #tpu.memory_space<hbm>> -> memref<128xi32, #tpu.memory_space<hbm>>
    tpu.enqueue_dma source(%dma_start3A_31 : memref<128xi32, #tpu.memory_space<hbm>>) target(%dma_start3A_30 : memref<128xi32, #tpu.memory_space<vmem>>) target_semaphore(%arg18 : memref<!tpu.dma_semaphore, #tpu.memory_space<semaphore_mem>>)
    %dma_start3A_32 = arith.constant 0 : i32
    %dma_start3A_33 = arith.constant 0 : i32
    %dma_start3A_34 = tpu.memref_slice %arg10[%dma_start3A_32, %dma_start3A_33] : memref<2x128xi32, #tpu.memory_space<vmem>> -> memref<1x128xi32, #tpu.memory_space<vmem>>
    %dma_start3A_35 = tpu.memref_squeeze %dma_start3A_34 : memref<1x128xi32, #tpu.memory_space<vmem>> -> memref<128xi32, #tpu.memory_space<vmem>>
    %dma_start3A_36 = tpu.memref_slice %arg3[%add3A_14] : memref<163840xi32, #tpu.memory_space<hbm>> -> memref<128xi32, #tpu.memory_space<hbm>>
    %dma_start3A_37 = arith.constant 0 : i32
    %dma_start3A_38 = tpu.memref_slice %arg10[%dma_start3A_32, %dma_start3A_37] : memref<2x128xi32, #tpu.memory_space<vmem>> -> memref<1x128xi32, #tpu.memory_space<vmem>>
    %dma_start3A_39 = tpu.memref_squeeze %dma_start3A_38 : memref<1x128xi32, #tpu.memory_space<vmem>> -> memref<128xi32, #tpu.memory_space<vmem>>
    %dma_start3A_40 = tpu.memref_slice %arg3[%add3A_14] : memref<163840xi32, #tpu.memory_space<hbm>> -> memref<128xi32, #tpu.memory_space<hbm>>
    tpu.enqueue_dma source(%dma_start3A_40 : memref<128xi32, #tpu.memory_space<hbm>>) target(%dma_start3A_39 : memref<128xi32, #tpu.memory_space<vmem>>) target_semaphore(%arg18 : memref<!tpu.dma_semaphore, #tpu.memory_space<semaphore_mem>>)
    %dma_wait3A = arith.constant 0 : i32
    %dma_wait3A_41 = arith.constant 0 : i32
    %dma_wait3A_42 = tpu.memref_slice %arg9[%dma_wait3A, %dma_wait3A_41] : memref<2x128xi32, #tpu.memory_space<vmem>> -> memref<1x128xi32, #tpu.memory_space<vmem>>
    %dma_wait3A_43 = tpu.memref_squeeze %dma_wait3A_42 : memref<1x128xi32, #tpu.memory_space<vmem>> -> memref<128xi32, #tpu.memory_space<vmem>>
    %dma_wait3A_44 = arith.constant 0 : i32
    %dma_wait3A_45 = tpu.memref_slice %arg5[%dma_wait3A_44] : memref<163840xi32, #tpu.memory_space<hbm>> -> memref<128xi32, #tpu.memory_space<hbm>>
    %dma_wait3A_46 = arith.constant 0 : i32
    %dma_wait3A_47 = tpu.memref_slice %arg9[%dma_wait3A, %dma_wait3A_46] : memref<2x128xi32, #tpu.memory_space<vmem>> -> memref<1x128xi32, #tpu.memory_space<vmem>>
    %dma_wait3A_48 = tpu.memref_squeeze %dma_wait3A_47 : memref<1x128xi32, #tpu.memory_space<vmem>> -> memref<128xi32, #tpu.memory_space<vmem>>
    %dma_wait3A_49 = arith.constant 0 : i32
    %dma_wait3A_50 = tpu.memref_slice %arg5[%dma_wait3A_49] : memref<163840xi32, #tpu.memory_space<hbm>> -> memref<128xi32, #tpu.memory_space<hbm>>
    tpu.wait_dma2 semaphore(%arg18 : memref<!tpu.dma_semaphore, #tpu.memory_space<semaphore_mem>>) src(%dma_wait3A_50 : memref<128xi32, #tpu.memory_space<hbm>>) dst(%dma_wait3A_48 : memref<128xi32, #tpu.memory_space<vmem>>)
    %dma_wait3A_51 = arith.constant 0 : i32
    %dma_wait3A_52 = arith.constant 0 : i32
    %dma_wait3A_53 = tpu.memref_slice %arg11[%dma_wait3A_51, %dma_wait3A_52] : memref<2x128xi32, #tpu.memory_space<vmem>> -> memref<1x128xi32, #tpu.memory_space<vmem>>
    %dma_wait3A_54 = tpu.memref_squeeze %dma_wait3A_53 : memref<1x128xi32, #tpu.memory_space<vmem>> -> memref<128xi32, #tpu.memory_space<vmem>>
    %dma_wait3A_55 = arith.constant 0 : i32
    %dma_wait3A_56 = tpu.memref_slice %arg4[%dma_wait3A_55] : memref<163840xi32, #tpu.memory_space<hbm>> -> memref<128xi32, #tpu.memory_space<hbm>>
    %dma_wait3A_57 = arith.constant 0 : i32
    %dma_wait3A_58 = tpu.memref_slice %arg11[%dma_wait3A_51, %dma_wait3A_57] : memref<2x128xi32, #tpu.memory_space<vmem>> -> memref<1x128xi32, #tpu.memory_space<vmem>>
    %dma_wait3A_59 = tpu.memref_squeeze %dma_wait3A_58 : memref<1x128xi32, #tpu.memory_space<vmem>> -> memref<128xi32, #tpu.memory_space<vmem>>
    %dma_wait3A_60 = arith.constant 0 : i32
    %dma_wait3A_61 = tpu.memref_slice %arg4[%dma_wait3A_60] : memref<163840xi32, #tpu.memory_space<hbm>> -> memref<128xi32, #tpu.memory_space<hbm>>
    tpu.wait_dma2 semaphore(%arg18 : memref<!tpu.dma_semaphore, #tpu.memory_space<semaphore_mem>>) src(%dma_wait3A_61 : memref<128xi32, #tpu.memory_space<hbm>>) dst(%dma_wait3A_59 : memref<128xi32, #tpu.memory_space<vmem>>)
    %dma_wait3A_62 = arith.constant 0 : i32
    %dma_wait3A_63 = arith.constant 0 : i32
    %dma_wait3A_64 = tpu.memref_slice %arg10[%dma_wait3A_62, %dma_wait3A_63] : memref<2x128xi32, #tpu.memory_space<vmem>> -> memref<1x128xi32, #tpu.memory_space<vmem>>
    %dma_wait3A_65 = tpu.memref_squeeze %dma_wait3A_64 : memref<1x128xi32, #tpu.memory_space<vmem>> -> memref<128xi32, #tpu.memory_space<vmem>>
    %dma_wait3A_66 = arith.constant 0 : i32
    %dma_wait3A_67 = tpu.memref_slice %arg3[%dma_wait3A_66] : memref<163840xi32, #tpu.memory_space<hbm>> -> memref<128xi32, #tpu.memory_space<hbm>>
    %dma_wait3A_68 = arith.constant 0 : i32
    %dma_wait3A_69 = tpu.memref_slice %arg10[%dma_wait3A_62, %dma_wait3A_68] : memref<2x128xi32, #tpu.memory_space<vmem>> -> memref<1x128xi32, #tpu.memory_space<vmem>>
    %dma_wait3A_70 = tpu.memref_squeeze %dma_wait3A_69 : memref<1x128xi32, #tpu.memory_space<vmem>> -> memref<128xi32, #tpu.memory_space<vmem>>
    %dma_wait3A_71 = arith.constant 0 : i32
    %dma_wait3A_72 = tpu.memref_slice %arg3[%dma_wait3A_71] : memref<163840xi32, #tpu.memory_space<hbm>> -> memref<128xi32, #tpu.memory_space<hbm>>
    tpu.wait_dma2 semaphore(%arg18 : memref<!tpu.dma_semaphore, #tpu.memory_space<semaphore_mem>>) src(%dma_wait3A_72 : memref<128xi32, #tpu.memory_space<hbm>>) dst(%dma_wait3A_70 : memref<128xi32, #tpu.memory_space<vmem>>)
    %get3A = arith.constant 0 : i32
    %get3A_73 = arith.index_cast %get3A : i32 to index
    %get3A_74 = arith.constant 0 : index
    %get3A_75 = tpu.vector_load %arg9[%get3A_73, %get3A_74] {strides = array<i32>} : memref<2x128xi32, #tpu.memory_space<vmem>>, vector<16xi32>,
    %get3A_76 = arith.constant 0 : i32
    %get3A_77 = arith.index_cast %get3A_76 : i32 to index
    %get3A_78 = arith.constant 0 : index
    %get3A_79 = tpu.vector_load %arg10[%get3A_77, %get3A_78] {strides = array<i32>} : memref<2x128xi32, #tpu.memory_space<vmem>>, vector<16xi32>,
    %mul3A_80 = arith.constant 10000 : i32
    %mul3A_81 = vector.broadcast %mul3A_80 : i32 to vector<16xi32>
    %mul3A_82 = arith.muli %get3A_75, %mul3A_81 : vector<16xi32>
    %get3A_83 = arith.constant 0 : i32
    %get3A_84 = arith.index_cast %get3A_83 : i32 to index
    %get3A_85 = arith.constant 0 : index
    %get3A_86 = tpu.vector_load %arg11[%get3A_84, %get3A_85] {strides = array<i32>} : memref<2x128xi32, #tpu.memory_space<vmem>>, vector<16xi32>,
    %add3A_87 = arith.addi %mul3A_82, %get3A_86 : vector<16xi32>
    %swap3A = arith.constant 0 : i32
    %swap3A_88 = arith.index_cast %swap3A : i32 to index
    %swap3A_89 = arith.constant 0 : index
    %swap3A_90 = tpu.vector_load %arg12[%swap3A_88, %swap3A_89] {strides = array<i32>} : memref<2x128xi32, #tpu.memory_space<vmem>>, vector<16xi32>,
    tpu.vector_store %arg12[%swap3A_88, %swap3A_89], %add3A_87 {strides = array<i32>} : memref<2x128xi32, #tpu.memory_space<vmem>>, vector<16xi32>,
    %mul3A_91 = arith.constant 10000 : i32
    %mul3A_92 = vector.broadcast %mul3A_91 : i32 to vector<16xi32>
    %mul3A_93 = arith.muli %get3A_75, %mul3A_92 : vector<16xi32>
    %add3A_94 = arith.addi %mul3A_93, %get3A_79 : vector<16xi32>
    %add3A_95 = vector.broadcast %mul3A_0 : i32 to vector<16xi32>
    %add3A_96 = arith.addi %add3A_94, %add3A_95 : vector<16xi32>
    %swap3A_97 = arith.constant 0 : i32
    %swap3A_98 = arith.index_cast %swap3A_97 : i32 to index
    %swap3A_99 = arith.constant 0 : index
    %swap3A_100 = tpu.vector_load %arg13[%swap3A_98, %swap3A_99] {strides = array<i32>} : memref<2x128xi32, #tpu.memory_space<vmem>>, vector<16xi32>,
    tpu.vector_store %arg13[%swap3A_98, %swap3A_99], %add3A_96 {strides = array<i32>} : memref<2x128xi32, #tpu.memory_space<vmem>>, vector<16xi32>,
    %get3A_101 = arith.constant 0 : i32
    %get3A_102 = arith.index_cast %get3A_101 : i32 to index
    %get3A_103 = arith.constant 0 : index
    %get3A_104 = tpu.vector_load %arg11[%get3A_102, %get3A_103] {strides = array<i32>} : memref<2x128xi32, #tpu.memory_space<vmem>>, vector<16xi32>,
    %swap3A_105 = arith.constant 0 : i32
    %swap3A_106 = arith.index_cast %swap3A_105 : i32 to index
    %swap3A_107 = arith.constant 0 : index
    %swap3A_108 = tpu.vector_load %arg14[%swap3A_106, %swap3A_107] {strides = array<i32>} : memref<2x128xi32, #tpu.memory_space<vmem>>, vector<16xi32>,
    tpu.vector_store %arg14[%swap3A_106, %swap3A_107], %get3A_104 {strides = array<i32>} : memref<2x128xi32, #tpu.memory_space<vmem>>, vector<16xi32>,
    %get3A_109 = arith.constant 0 : i32
    %get3A_110 = arith.index_cast %get3A_109 : i32 to index
    %get3A_111 = arith.constant 16 : index
    %get3A_112 = tpu.vector_load %arg9[%get3A_110, %get3A_111] {strides = array<i32>} : memref<2x128xi32, #tpu.memory_space<vmem>>, vector<16xi32>,
    %get3A_113 = arith.constant 0 : i32
    %get3A_114 = arith.index_cast %get3A_113 : i32 to index
    %get3A_115 = arith.constant 16 : index
    %get3A_116 = tpu.vector_load %arg10[%get3A_114, %get3A_115] {strides = array<i32>} : memref<2x128xi32, #tpu.memory_space<vmem>>, vector<16xi32>,
    %mul3A_117 = arith.constant 10000 : i32
    %mul3A_118 = vector.broadcast %mul3A_117 : i32 to vector<16xi32>
    %mul3A_119 = arith.muli %get3A_112, %mul3A_118 : vector<16xi32>
    %get3A_120 = arith.constant 0 : i32
    %get3A_121 = arith.index_cast %get3A_120 : i32 to index
    %get3A_122 = arith.constant 16 : index
    %get3A_123 = tpu.vector_load %arg11[%get3A_121, %get3A_122] {strides = array<i32>} : memref<2x128xi32, #tpu.memory_space<vmem>>, vector<16xi32>,
    %add3A_124 = arith.addi %mul3A_119, %get3A_123 : vector<16xi32>
    %swap3A_125 = arith.constant 0 : i32
    %swap3A_126 = arith.index_cast %swap3A_125 : i32 to index
    %swap3A_127 = arith.constant 16 : index
    %swap3A_128 = tpu.vector_load %arg12[%swap3A_126, %swap3A_127] {strides = array<i32>} : memref<2x128xi32, #tpu.memory_space<vmem>>, vector<16xi32>,
    tpu.vector_store %arg12[%swap3A_126, %swap3A_127], %add3A_124 {strides = array<i32>} : memref<2x128xi32, #tpu.memory_space<vmem>>, vector<16xi32>,
    %mul3A_129 = arith.constant 10000 : i32
    %mul3A_130 = vector.broadcast %mul3A_129 : i32 to vector<16xi32>
    %mul3A_131 = arith.muli %get3A_112, %mul3A_130 : vector<16xi32>
    %add3A_132 = arith.addi %mul3A_131, %get3A_116 : vector<16xi32>
    %add3A_133 = vector.broadcast %mul3A_0 : i32 to vector<16xi32>
    %add3A_134 = arith.addi %add3A_132, %add3A_133 : vector<16xi32>
    %swap3A_135 = arith.constant 0 : i32
    %swap3A_136 = arith.index_cast %swap3A_135 : i32 to index
    %swap3A_137 = arith.constant 16 : index
    %swap3A_138 = tpu.vector_load %arg13[%swap3A_136, %swap3A_137] {strides = array<i32>} : memref<2x128xi32, #tpu.memory_space<vmem>>, vector<16xi32>,
    tpu.vector_store %arg13[%swap3A_136, %swap3A_137], %add3A_134 {strides = array<i32>} : memref<2x128xi32, #tpu.memory_space<vmem>>, vector<16xi32>,
    %get3A_139 = arith.constant 0 : i32
    %get3A_140 = arith.index_cast %get3A_139 : i32 to index
    %get3A_141 = arith.constant 16 : index
    %get3A_142 = tpu.vector_load %arg11[%get3A_140, %get3A_141] {strides = array<i32>} : memref<2x128xi32, #tpu.memory_space<vmem>>, vector<16xi32>,
    %swap3A_143 = arith.constant 0 : i32
    %swap3A_144 = arith.index_cast %swap3A_143 : i32 to index
    %swap3A_145 = arith.constant 16 : index
    %swap3A_146 = tpu.vector_load %arg14[%swap3A_144, %swap3A_145] {strides = array<i32>} : memref<2x128xi32, #tpu.memory_space<vmem>>, vector<16xi32>,
    tpu.vector_store %arg14[%swap3A_144, %swap3A_145], %get3A_142 {strides = array<i32>} : memref<2x128xi32, #tpu.memory_space<vmem>>, vector<16xi32>,
    %get3A_147 = arith.constant 0 : i32
    %get3A_148 = arith.index_cast %get3A_147 : i32 to index
    %get3A_149 = arith.constant 32 : index
    %get3A_150 = tpu.vector_load %arg9[%get3A_148, %get3A_149] {strides = array<i32>} : memref<2x128xi32, #tpu.memory_space<vmem>>, vector<16xi32>,
    %get3A_151 = arith.constant 0 : i32
    %get3A_152 = arith.index_cast %get3A_151 : i32 to index
    %get3A_153 = arith.constant 32 : index
    %get3A_154 = tpu.vector_load %arg10[%get3A_152, %get3A_153] {strides = array<i32>} : memref<2x128xi32, #tpu.memory_space<vmem>>, vector<16xi32>,
    %mul3A_155 = arith.constant 10000 : i32
    %mul3A_156 = vector.broadcast %mul3A_155 : i32 to vector<16xi32>
    %mul3A_157 = arith.muli %get3A_150, %mul3A_156 : vector<16xi32>
    %get3A_158 = arith.constant 0 : i32
    %get3A_159 = arith.index_cast %get3A_158 : i32 to index
    %get3A_160 = arith.constant 32 : index
    %get3A_161 = tpu.vector_load %arg11[%get3A_159, %get3A_160] {strides = array<i32>} : memref<2x128xi32, #tpu.memory_space<vmem>>, vector<16xi32>,
    %add3A_162 = arith.addi %mul3A_157, %get3A_161 : vector<16xi32>
    %swap3A_163 = arith.constant 0 : i32
    %swap3A_164 = arith.index_cast %swap3A_163 : i32 to index
    %swap3A_165 = arith.constant 32 : index
    %swap3A_166 = tpu.vector_load %arg12[%swap3A_164, %swap3A_165] {strides = array<i32>} : memref<2x128xi32, #tpu.memory_space<vmem>>, vector<16xi32>,
    tpu.vector_store %arg12[%swap3A_164, %swap3A_165], %add3A_162 {strides = array<i32>} : memref<2x128xi32, #tpu.memory_space<vmem>>, vector<16xi32>,
    %mul3A_167 = arith.constant 10000 : i32
    %mul3A_168 = vector.broadcast %mul3A_167 : i32 to vector<16xi32>
    %mul3A_169 = arith.muli %get3A_150, %mul3A_168 : vector<16xi32>
    %add3A_170 = arith.addi %mul3A_169, %get3A_154 : vector<16xi32>
    %add3A_171 = vector.broadcast %mul3A_0 : i32 to vector<16xi32>
    %add3A_172 = arith.addi %add3A_170, %add3A_171 : vector<16xi32>
    %swap3A_173 = arith.constant 0 : i32
    %swap3A_174 = arith.index_cast %swap3A_173 : i32 to index
    %swap3A_175 = arith.constant 32 : index
    %swap3A_176 = tpu.vector_load %arg13[%swap3A_174, %swap3A_175] {strides = array<i32>} : memref<2x128xi32, #tpu.memory_space<vmem>>, vector<16xi32>,
    tpu.vector_store %arg13[%swap3A_174, %swap3A_175], %add3A_172 {strides = array<i32>} : memref<2x128xi32, #tpu.memory_space<vmem>>, vector<16xi32>,
    %get3A_177 = arith.constant 0 : i32
    %get3A_178 = arith.index_cast %get3A_177 : i32 to index
    %get3A_179 = arith.constant 32 : index
    %get3A_180 = tpu.vector_load %arg11[%get3A_178, %get3A_179] {strides = array<i32>} : memref<2x128xi32, #tpu.memory_space<vmem>>, vector<16xi32>,
    %swap3A_181 = arith.constant 0 : i32
    %swap3A_182 = arith.index_cast %swap3A_181 : i32 to index
    %swap3A_183 = arith.constant 32 : index
    %swap3A_184 = tpu.vector_load %arg14[%swap3A_182, %swap3A_183] {strides = array<i32>} : memref<2x128xi32, #tpu.memory_space<vmem>>, vector<16xi32>,
    tpu.vector_store %arg14[%swap3A_182, %swap3A_183], %get3A_180 {strides = array<i32>} : memref<2x128xi32, #tpu.memory_space<vmem>>, vector<16xi32>,
    %get3A_185 = arith.constant 0 : i32
    %get3A_186 = arith.index_cast %get3A_185 : i32 to index
    %get3A_187 = arith.constant 48 : index
    %get3A_188 = tpu.vector_load %arg9[%get3A_186, %get3A_187] {strides = array<i32>} : memref<2x128xi32, #tpu.memory_space<vmem>>, vector<16xi32>,
    %get3A_189 = arith.constant 0 : i32
    %get3A_190 = arith.index_cast %get3A_189 : i32 to index
    %get3A_191 = arith.constant 48 : index
    %get3A_192 = tpu.vector_load %arg10[%get3A_190, %get3A_191] {strides = array<i32>} : memref<2x128xi32, #tpu.memory_space<vmem>>, vector<16xi32>,
    %mul3A_193 = arith.constant 10000 : i32
    %mul3A_194 = vector.broadcast %mul3A_193 : i32 to vector<16xi32>
    %mul3A_195 = arith.muli %get3A_188, %mul3A_194 : vector<16xi32>
    %get3A_196 = arith.constant 0 : i32
    %get3A_197 = arith.index_cast %get3A_196 : i32 to index
    %get3A_198 = arith.constant 48 : index
    %get3A_199 = tpu.vector_load %arg11[%get3A_197, %get3A_198] {strides = array<i32>} : memref<2x128xi32, #tpu.memory_space<vmem>>, vector<16xi32>,
    %add3A_200 = arith.addi %mul3A_195, %get3A_199 : vector<16xi32>
    %swap3A_201 = arith.constant 0 : i32
    %swap3A_202 = arith.index_cast %swap3A_201 : i32 to index
    %swap3A_203 = arith.constant 48 : index
    %swap3A_204 = tpu.vector_load %arg12[%swap3A_202, %swap3A_203] {strides = array<i32>} : memref<2x128xi32, #tpu.memory_space<vmem>>, vector<16xi32>,
    tpu.vector_store %arg12[%swap3A_202, %swap3A_203], %add3A_200 {strides = array<i32>} : memref<2x128xi32, #tpu.memory_space<vmem>>, vector<16xi32>,
    %mul3A_205 = arith.constant 10000 : i32
    %mul3A_206 = vector.broadcast %mul3A_205 : i32 to vector<16xi32>
    %mul3A_207 = arith.muli %get3A_188, %mul3A_206 : vector<16xi32>
    %add3A_208 = arith.addi %mul3A_207, %get3A_192 : vector<16xi32>
    %add3A_209 = vector.broadcast %mul3A_0 : i32 to vector<16xi32>
    %add3A_210 = arith.addi %add3A_208, %add3A_209 : vector<16xi32>
    %swap3A_211 = arith.constant 0 : i32
    %swap3A_212 = arith.index_cast %swap3A_211 : i32 to index
    %swap3A_213 = arith.constant 48 : index
    %swap3A_214 = tpu.vector_load %arg13[%swap3A_212, %swap3A_213] {strides = array<i32>} : memref<2x128xi32, #tpu.memory_space<vmem>>, vector<16xi32>,
    tpu.vector_store %arg13[%swap3A_212, %swap3A_213], %add3A_210 {strides = array<i32>} : memref<2x128xi32, #tpu.memory_space<vmem>>, vector<16xi32>,
    %get3A_215 = arith.constant 0 : i32
    %get3A_216 = arith.index_cast %get3A_215 : i32 to index
    %get3A_217 = arith.constant 48 : index
    %get3A_218 = tpu.vector_load %arg11[%get3A_216, %get3A_217] {strides = array<i32>} : memref<2x128xi32, #tpu.memory_space<vmem>>, vector<16xi32>,
    %swap3A_219 = arith.constant 0 : i32
    %swap3A_220 = arith.index_cast %swap3A_219 : i32 to index
    %swap3A_221 = arith.constant 48 : index
    %swap3A_222 = tpu.vector_load %arg14[%swap3A_220, %swap3A_221] {strides = array<i32>} : memref<2x128xi32, #tpu.memory_space<vmem>>, vector<16xi32>,
    tpu.vector_store %arg14[%swap3A_220, %swap3A_221], %get3A_218 {strides = array<i32>} : memref<2x128xi32, #tpu.memory_space<vmem>>, vector<16xi32>,
    %get3A_223 = arith.constant 0 : i32
    %get3A_224 = arith.index_cast %get3A_223 : i32 to index
    %get3A_225 = arith.constant 64 : index
    %get3A_226 = tpu.vector_load %arg9[%get3A_224, %get3A_225] {strides = array<i32>} : memref<2x128xi32, #tpu.memory_space<vmem>>, vector<16xi32>,
    %get3A_227 = arith.constant 0 : i32
    %get3A_228 = arith.index_cast %get3A_227 : i32 to index
    %get3A_229 = arith.constant 64 : index
    %get3A_230 = tpu.vector_load %arg10[%get3A_228, %get3A_229] {strides = array<i32>} : memref<2x128xi32, #tpu.memory_space<vmem>>, vector<16xi32>,
    %mul3A_231 = arith.constant 10000 : i32
    %mul3A_232 = vector.broadcast %mul3A_231 : i32 to vector<16xi32>
    %mul3A_233 = arith.muli %get3A_226, %mul3A_232 : vector<16xi32>
    %get3A_234 = arith.constant 0 : i32
    %get3A_235 = arith.index_cast %get3A_234 : i32 to index
    %get3A_236 = arith.constant 64 : index
    %get3A_237 = tpu.vector_load %arg11[%get3A_235, %get3A_236] {strides = array<i32>} : memref<2x128xi32, #tpu.memory_space<vmem>>, vector<16xi32>,
    %add3A_238 = arith.addi %mul3A_233, %get3A_237 : vector<16xi32>
    %swap3A_239 = arith.constant 0 : i32
    %swap3A_240 = arith.index_cast %swap3A_239 : i32 to index
    %swap3A_241 = arith.constant 64 : index
    %swap3A_242 = tpu.vector_load %arg12[%swap3A_240, %swap3A_241] {strides = array<i32>} : memref<2x128xi32, #tpu.memory_space<vmem>>, vector<16xi32>,
    tpu.vector_store %arg12[%swap3A_240, %swap3A_241], %add3A_238 {strides = array<i32>} : memref<2x128xi32, #tpu.memory_space<vmem>>, vector<16xi32>,
    %mul3A_243 = arith.constant 10000 : i32
    %mul3A_244 = vector.broadcast %mul3A_243 : i32 to vector<16xi32>
    %mul3A_245 = arith.muli %get3A_226, %mul3A_244 : vector<16xi32>
    %add3A_246 = arith.addi %mul3A_245, %get3A_230 : vector<16xi32>
    %add3A_247 = vector.broadcast %mul3A_0 : i32 to vector<16xi32>
    %add3A_248 = arith.addi %add3A_246, %add3A_247 : vector<16xi32>
    %swap3A_249 = arith.constant 0 : i32
    %swap3A_250 = arith.index_cast %swap3A_249 : i32 to index
    %swap3A_251 = arith.constant 64 : index
    %swap3A_252 = tpu.vector_load %arg13[%swap3A_250, %swap3A_251] {strides = array<i32>} : memref<2x128xi32, #tpu.memory_space<vmem>>, vector<16xi32>,
    tpu.vector_store %arg13[%swap3A_250, %swap3A_251], %add3A_248 {strides = array<i32>} : memref<2x128xi32, #tpu.memory_space<vmem>>, vector<16xi32>,
    %get3A_253 = arith.constant 0 : i32
    %get3A_254 = arith.index_cast %get3A_253 : i32 to index
    %get3A_255 = arith.constant 64 : index
    %get3A_256 = tpu.vector_load %arg11[%get3A_254, %get3A_255] {strides = array<i32>} : memref<2x128xi32, #tpu.memory_space<vmem>>, vector<16xi32>,
    %swap3A_257 = arith.constant 0 : i32
    %swap3A_258 = arith.index_cast %swap3A_257 : i32 to index
    %swap3A_259 = arith.constant 64 : index
    %swap3A_260 = tpu.vector_load %arg14[%swap3A_258, %swap3A_259] {strides = array<i32>} : memref<2x128xi32, #tpu.memory_space<vmem>>, vector<16xi32>,
    tpu.vector_store %arg14[%swap3A_258, %swap3A_259], %get3A_256 {strides = array<i32>} : memref<2x128xi32, #tpu.memory_space<vmem>>, vector<16xi32>,
    %get3A_261 = arith.constant 0 : i32
    %get3A_262 = arith.index_cast %get3A_261 : i32 to index
    %get3A_263 = arith.constant 80 : index
    %get3A_264 = tpu.vector_load %arg9[%get3A_262, %get3A_263] {strides = array<i32>} : memref<2x128xi32, #tpu.memory_space<vmem>>, vector<16xi32>,
    %get3A_265 = arith.constant 0 : i32
    %get3A_266 = arith.index_cast %get3A_265 : i32 to index
    %get3A_267 = arith.constant 80 : index
    %get3A_268 = tpu.vector_load %arg10[%get3A_266, %get3A_267] {strides = array<i32>} : memref<2x128xi32, #tpu.memory_space<vmem>>, vector<16xi32>,
    %mul3A_269 = arith.constant 10000 : i32
    %mul3A_270 = vector.broadcast %mul3A_269 : i32 to vector<16xi32>
    %mul3A_271 = arith.muli %get3A_264, %mul3A_270 : vector<16xi32>
    %get3A_272 = arith.constant 0 : i32
    %get3A_273 = arith.index_cast %get3A_272 : i32 to index
    %get3A_274 = arith.constant 80 : index
    %get3A_275 = tpu.vector_load %arg11[%get3A_273, %get3A_274] {strides = array<i32>} : memref<2x128xi32, #tpu.memory_space<vmem>>, vector<16xi32>,
    %add3A_276 = arith.addi %mul3A_271, %get3A_275 : vector<16xi32>
    %swap3A_277 = arith.constant 0 : i32
    %swap3A_278 = arith.index_cast %swap3A_277 : i32 to index
    %swap3A_279 = arith.constant 80 : index
    %swap3A_280 = tpu.vector_load %arg12[%swap3A_278, %swap3A_279] {strides = array<i32>} : memref<2x128xi32, #tpu.memory_space<vmem>>, vector<16xi32>,
    tpu.vector_store %arg12[%swap3A_278, %swap3A_279], %add3A_276 {strides = array<i32>} : memref<2x128xi32, #tpu.memory_space<vmem>>, vector<16xi32>,
    %mul3A_281 = arith.constant 10000 : i32
    %mul3A_282 = vector.broadcast %mul3A_281 : i32 to vector<16xi32>
    %mul3A_283 = arith.muli %get3A_264, %mul3A_282 : vector<16xi32>
    %add3A_284 = arith.addi %mul3A_283, %get3A_268 : vector<16xi32>
    %add3A_285 = vector.broadcast %mul3A_0 : i32 to vector<16xi32>
    %add3A_286 = arith.addi %add3A_284, %add3A_285 : vector<16xi32>
    %swap3A_287 = arith.constant 0 : i32
    %swap3A_288 = arith.index_cast %swap3A_287 : i32 to index
    %swap3A_289 = arith.constant 80 : index
    %swap3A_290 = tpu.vector_load %arg13[%swap3A_288, %swap3A_289] {strides = array<i32>} : memref<2x128xi32, #tpu.memory_space<vmem>>, vector<16xi32>,
    tpu.vector_store %arg13[%swap3A_288, %swap3A_289], %add3A_286 {strides = array<i32>} : memref<2x128xi32, #tpu.memory_space<vmem>>, vector<16xi32>,
    %get3A_291 = arith.constant 0 : i32
    %get3A_292 = arith.index_cast %get3A_291 : i32 to index
    %get3A_293 = arith.constant 80 : index
    %get3A_294 = tpu.vector_load %arg11[%get3A_292, %get3A_293] {strides = array<i32>} : memref<2x128xi32, #tpu.memory_space<vmem>>, vector<16xi32>,
    %swap3A_295 = arith.constant 0 : i32
    %swap3A_296 = arith.index_cast %swap3A_295 : i32 to index
    %swap3A_297 = arith.constant 80 : index
    %swap3A_298 = tpu.vector_load %arg14[%swap3A_296, %swap3A_297] {strides = array<i32>} : memref<2x128xi32, #tpu.memory_space<vmem>>, vector<16xi32>,
    tpu.vector_store %arg14[%swap3A_296, %swap3A_297], %get3A_294 {strides = array<i32>} : memref<2x128xi32, #tpu.memory_space<vmem>>, vector<16xi32>,
    %get3A_299 = arith.constant 0 : i32
    %get3A_300 = arith.index_cast %get3A_299 : i32 to index
    %get3A_301 = arith.constant 96 : index
    %get3A_302 = tpu.vector_load %arg9[%get3A_300, %get3A_301] {strides = array<i32>} : memref<2x128xi32, #tpu.memory_space<vmem>>, vector<16xi32>,
    %get3A_303 = arith.constant 0 : i32
    %get3A_304 = arith.index_cast %get3A_303 : i32 to index
    %get3A_305 = arith.constant 96 : index
    %get3A_306 = tpu.vector_load %arg10[%get3A_304, %get3A_305] {strides = array<i32>} : memref<2x128xi32, #tpu.memory_space<vmem>>, vector<16xi32>,
    %mul3A_307 = arith.constant 10000 : i32
    %mul3A_308 = vector.broadcast %mul3A_307 : i32 to vector<16xi32>
    %mul3A_309 = arith.muli %get3A_302, %mul3A_308 : vector<16xi32>
    %get3A_310 = arith.constant 0 : i32
    %get3A_311 = arith.index_cast %get3A_310 : i32 to index
    %get3A_312 = arith.constant 96 : index
    %get3A_313 = tpu.vector_load %arg11[%get3A_311, %get3A_312] {strides = array<i32>} : memref<2x128xi32, #tpu.memory_space<vmem>>, vector<16xi32>,
    %add3A_314 = arith.addi %mul3A_309, %get3A_313 : vector<16xi32>
    %swap3A_315 = arith.constant 0 : i32
    %swap3A_316 = arith.index_cast %swap3A_315 : i32 to index
    %swap3A_317 = arith.constant 96 : index
    %swap3A_318 = tpu.vector_load %arg12[%swap3A_316, %swap3A_317] {strides = array<i32>} : memref<2x128xi32, #tpu.memory_space<vmem>>, vector<16xi32>,
    tpu.vector_store %arg12[%swap3A_316, %swap3A_317], %add3A_314 {strides = array<i32>} : memref<2x128xi32, #tpu.memory_space<vmem>>, vector<16xi32>,
    %mul3A_319 = arith.constant 10000 : i32
    %mul3A_320 = vector.broadcast %mul3A_319 : i32 to vector<16xi32>
    %mul3A_321 = arith.muli %get3A_302, %mul3A_320 : vector<16xi32>
    %add3A_322 = arith.addi %mul3A_321, %get3A_306 : vector<16xi32>
    %add3A_323 = vector.broadcast %mul3A_0 : i32 to vector<16xi32>
    %add3A_324 = arith.addi %add3A_322, %add3A_323 : vector<16xi32>
    %swap3A_325 = arith.constant 0 : i32
    %swap3A_326 = arith.index_cast %swap3A_325 : i32 to index
    %swap3A_327 = arith.constant 96 : index
    %swap3A_328 = tpu.vector_load %arg13[%swap3A_326, %swap3A_327] {strides = array<i32>} : memref<2x128xi32, #tpu.memory_space<vmem>>, vector<16xi32>,
    tpu.vector_store %arg13[%swap3A_326, %swap3A_327], %add3A_324 {strides = array<i32>} : memref<2x128xi32, #tpu.memory_space<vmem>>, vector<16xi32>,
    %get3A_329 = arith.constant 0 : i32
    %get3A_330 = arith.index_cast %get3A_329 : i32 to index
    %get3A_331 = arith.constant 96 : index
    %get3A_332 = tpu.vector_load %arg11[%get3A_330, %get3A_331] {strides = array<i32>} : memref<2x128xi32, #tpu.memory_space<vmem>>, vector<16xi32>,
    %swap3A_333 = arith.constant 0 : i32
    %swap3A_334 = arith.index_cast %swap3A_333 : i32 to index
    %swap3A_335 = arith.constant 96 : index
    %swap3A_336 = tpu.vector_load %arg14[%swap3A_334, %swap3A_335] {strides = array<i32>} : memref<2x128xi32, #tpu.memory_space<vmem>>, vector<16xi32>,
    tpu.vector_store %arg14[%swap3A_334, %swap3A_335], %get3A_332 {strides = array<i32>} : memref<2x128xi32, #tpu.memory_space<vmem>>, vector<16xi32>,
    %get3A_337 = arith.constant 0 : i32
    %get3A_338 = arith.index_cast %get3A_337 : i32 to index
    %get3A_339 = arith.constant 112 : index
    %get3A_340 = tpu.vector_load %arg9[%get3A_338, %get3A_339] {strides = array<i32>} : memref<2x128xi32, #tpu.memory_space<vmem>>, vector<16xi32>,
    %get3A_341 = arith.constant 0 : i32
    %get3A_342 = arith.index_cast %get3A_341 : i32 to index
    %get3A_343 = arith.constant 112 : index
    %get3A_344 = tpu.vector_load %arg10[%get3A_342, %get3A_343] {strides = array<i32>} : memref<2x128xi32, #tpu.memory_space<vmem>>, vector<16xi32>,
    %mul3A_345 = arith.constant 10000 : i32
    %mul3A_346 = vector.broadcast %mul3A_345 : i32 to vector<16xi32>
    %mul3A_347 = arith.muli %get3A_340, %mul3A_346 : vector<16xi32>
    %get3A_348 = arith.constant 0 : i32
    %get3A_349 = arith.index_cast %get3A_348 : i32 to index
    %get3A_350 = arith.constant 112 : index
    %get3A_351 = tpu.vector_load %arg11[%get3A_349, %get3A_350] {strides = array<i32>} : memref<2x128xi32, #tpu.memory_space<vmem>>, vector<16xi32>,
    %add3A_352 = arith.addi %mul3A_347, %get3A_351 : vector<16xi32>
    %swap3A_353 = arith.constant 0 : i32
    %swap3A_354 = arith.index_cast %swap3A_353 : i32 to index
    %swap3A_355 = arith.constant 112 : index
    %swap3A_356 = tpu.vector_load %arg12[%swap3A_354, %swap3A_355] {strides = array<i32>} : memref<2x128xi32, #tpu.memory_space<vmem>>, vector<16xi32>,
    tpu.vector_store %arg12[%swap3A_354, %swap3A_355], %add3A_352 {strides = array<i32>} : memref<2x128xi32, #tpu.memory_space<vmem>>, vector<16xi32>,
    %mul3A_357 = arith.constant 10000 : i32
    %mul3A_358 = vector.broadcast %mul3A_357 : i32 to vector<16xi32>
    %mul3A_359 = arith.muli %get3A_340, %mul3A_358 : vector<16xi32>
    %add3A_360 = arith.addi %mul3A_359, %get3A_344 : vector<16xi32>
    %add3A_361 = vector.broadcast %mul3A_0 : i32 to vector<16xi32>
    %add3A_362 = arith.addi %add3A_360, %add3A_361 : vector<16xi32>
    %swap3A_363 = arith.constant 0 : i32
    %swap3A_364 = arith.index_cast %swap3A_363 : i32 to index
    %swap3A_365 = arith.constant 112 : index
    %swap3A_366 = tpu.vector_load %arg13[%swap3A_364, %swap3A_365] {strides = array<i32>} : memref<2x128xi32, #tpu.memory_space<vmem>>, vector<16xi32>,
    tpu.vector_store %arg13[%swap3A_364, %swap3A_365], %add3A_362 {strides = array<i32>} : memref<2x128xi32, #tpu.memory_space<vmem>>, vector<16xi32>,
    %get3A_367 = arith.constant 0 : i32
    %get3A_368 = arith.index_cast %get3A_367 : i32 to index
    %get3A_369 = arith.constant 112 : index
    %get3A_370 = tpu.vector_load %arg11[%get3A_368, %get3A_369] {strides = array<i32>} : memref<2x128xi32, #tpu.memory_space<vmem>>, vector<16xi32>,
    %swap3A_371 = arith.constant 0 : i32
    %swap3A_372 = arith.index_cast %swap3A_371 : i32 to index
    %swap3A_373 = arith.constant 112 : index
    %swap3A_374 = tpu.vector_load %arg14[%swap3A_372, %swap3A_373] {strides = array<i32>} : memref<2x128xi32, #tpu.memory_space<vmem>>, vector<16xi32>,
    tpu.vector_store %arg14[%swap3A_372, %swap3A_373], %get3A_370 {strides = array<i32>} : memref<2x128xi32, #tpu.memory_space<vmem>>, vector<16xi32>,
    %dma_start3A_375 = arith.constant 0 : i32
    %dma_start3A_376 = arith.constant 0 : i32
    %dma_start3A_377 = arith.constant 0 : i32
    %dma_start3A_378 = tpu.memref_slice %arg15[%dma_start3A_376, %dma_start3A_377] : memref<2x128xf32, #tpu.memory_space<vmem>> -> memref<1x128xf32, #tpu.memory_space<vmem>>
    %dma_start3A_379 = tpu.memref_squeeze %dma_start3A_378 : memref<1x128xf32, #tpu.memory_space<vmem>> -> memref<128xf32, #tpu.memory_space<vmem>>
    %dma_start3A_380 = arith.constant 0 : i32
    %dma_start3A_381 = tpu.memref_slice %arg12[%dma_start3A_375, %dma_start3A_380] : memref<2x128xi32, #tpu.memory_space<vmem>> -> memref<1x128xi32, #tpu.memory_space<vmem>>
    %dma_start3A_382 = tpu.memref_squeeze %dma_start3A_381 : memref<1x128xi32, #tpu.memory_space<vmem>> -> memref<128xi32, #tpu.memory_space<vmem>>
    %dma_start3A_383 = arith.constant 0 : i32
    %dma_start3A_384 = tpu.memref_slice %arg6[%dma_start3A_383] : memref<256000xf32, #tpu.memory_space<hbm>> -> memref<256000xf32, #tpu.memory_space<hbm>>
    tpu.enqueue_indirect_dma source(%dma_start3A_384 : memref<256000xf32, #tpu.memory_space<hbm>>) target(%dma_start3A_379 : memref<128xf32, #tpu.memory_space<vmem>>) offsets(%dma_start3A_382 : memref<128xi32, #tpu.memory_space<vmem>>) semaphore(%arg19 : memref<!tpu.dma_semaphore, #tpu.memory_space<semaphore_mem>>)
    %dma_start3A_385 = arith.constant 0 : i32
    %dma_start3A_386 = arith.constant 0 : i32
    %dma_start3A_387 = arith.constant 0 : i32
    %dma_start3A_388 = arith.constant 0 : i32
    %dma_start3A_389 = tpu.memref_slice %arg16[%dma_start3A_386, %dma_start3A_387, %dma_start3A_388] : memref<2x128x128xf32, #tpu.memory_space<vmem>> -> memref<1x128x128xf32, #tpu.memory_space<vmem>>
    %dma_start3A_390 = tpu.memref_squeeze %dma_start3A_389 : memref<1x128x128xf32, #tpu.memory_space<vmem>> -> memref<128x128xf32, #tpu.memory_space<vmem>>
    %dma_start3A_391 = arith.constant 0 : i32
    %dma_start3A_392 = tpu.memref_slice %arg13[%dma_start3A_385, %dma_start3A_391] : memref<2x128xi32, #tpu.memory_space<vmem>> -> memref<1x128xi32, #tpu.memory_space<vmem>>
    %dma_start3A_393 = tpu.memref_squeeze %dma_start3A_392 : memref<1x128xi32, #tpu.memory_space<vmem>> -> memref<128xi32, #tpu.memory_space<vmem>>
    %dma_start3A_394 = arith.constant 0 : i32
    %dma_start3A_395 = arith.constant 0 : i32
    %dma_start3A_396 = tpu.memref_slice %arg2[%dma_start3A_394, %dma_start3A_395] : memref<500000x128xf32, #tpu.memory_space<hbm>> -> memref<500000x128xf32, #tpu.memory_space<hbm>>
    tpu.enqueue_indirect_dma source(%dma_start3A_396 : memref<500000x128xf32, #tpu.memory_space<hbm>>) target(%dma_start3A_390 : memref<128x128xf32, #tpu.memory_space<vmem>>) offsets(%dma_start3A_393 : memref<128xi32, #tpu.memory_space<vmem>>) semaphore(%arg20 : memref<!tpu.dma_semaphore, #tpu.memory_space<semaphore_mem>>)
    %add3A_397 = arith.constant 128 : i32
    %add3A_398 = arith.addi %mul3A_2, %add3A_397 : i32
    %dma_start3A_399 = arith.constant 1 : i32
    %dma_start3A_400 = arith.constant 0 : i32
    %dma_start3A_401 = tpu.memref_slice %arg9[%dma_start3A_399, %dma_start3A_400] : memref<2x128xi32, #tpu.memory_space<vmem>> -> memref<1x128xi32, #tpu.memory_space<vmem>>
    %dma_start3A_402 = tpu.memref_squeeze %dma_start3A_401 : memref<1x128xi32, #tpu.memory_space<vmem>> -> memref<128xi32, #tpu.memory_space<vmem>>
    %dma_start3A_403 = tpu.memref_slice %arg5[%add3A_398] : memref<163840xi32, #tpu.memory_space<hbm>> -> memref<128xi32, #tpu.memory_space<hbm>>
    %dma_start3A_404 = arith.constant 0 : i32
    %dma_start3A_405 = tpu.memref_slice %arg9[%dma_start3A_399, %dma_start3A_404] : memref<2x128xi32, #tpu.memory_space<vmem>> -> memref<1x128xi32, #tpu.memory_space<vmem>>
    %dma_start3A_406 = tpu.memref_squeeze %dma_start3A_405 : memref<1x128xi32, #tpu.memory_space<vmem>> -> memref<128xi32, #tpu.memory_space<vmem>>
    %dma_start3A_407 = tpu.memref_slice %arg5[%add3A_398] : memref<163840xi32, #tpu.memory_space<hbm>> -> memref<128xi32, #tpu.memory_space<hbm>>
    tpu.enqueue_dma source(%dma_start3A_407 : memref<128xi32, #tpu.memory_space<hbm>>) target(%dma_start3A_406 : memref<128xi32, #tpu.memory_space<vmem>>) target_semaphore(%arg18 : memref<!tpu.dma_semaphore, #tpu.memory_space<semaphore_mem>>)
    %dma_start3A_408 = arith.constant 1 : i32
    %dma_start3A_409 = arith.constant 0 : i32
    %dma_start3A_410 = tpu.memref_slice %arg11[%dma_start3A_408, %dma_start3A_409] : memref<2x128xi32, #tpu.memory_space<vmem>> -> memref<1x128xi32, #tpu.memory_space<vmem>>
    %dma_start3A_411 = tpu.memref_squeeze %dma_start3A_410 : memref<1x128xi32, #tpu.memory_space<vmem>> -> memref<128xi32, #tpu.memory_space<vmem>>
    %dma_start3A_412 = tpu.memref_slice %arg4[%add3A_398] : memref<163840xi32, #tpu.memory_space<hbm>> -> memref<128xi32, #tpu.memory_space<hbm>>
    %dma_start3A_413 = arith.constant 0 : i32
    %dma_start3A_414 = tpu.memref_slice %arg11[%dma_start3A_408, %dma_start3A_413] : memref<2x128xi32, #tpu.memory_space<vmem>> -> memref<1x128xi32, #tpu.memory_space<vmem>>
    %dma_start3A_415 = tpu.memref_squeeze %dma_start3A_414 : memref<1x128xi32, #tpu.memory_space<vmem>> -> memref<128xi32, #tpu.memory_space<vmem>>
    %dma_start3A_416 = tpu.memref_slice %arg4[%add3A_398] : memref<163840xi32, #tpu.memory_space<hbm>> -> memref<128xi32, #tpu.memory_space<hbm>>
    tpu.enqueue_dma source(%dma_start3A_416 : memref<128xi32, #tpu.memory_space<hbm>>) target(%dma_start3A_415 : memref<128xi32, #tpu.memory_space<vmem>>) target_semaphore(%arg18 : memref<!tpu.dma_semaphore, #tpu.memory_space<semaphore_mem>>)
    %dma_start3A_417 = arith.constant 1 : i32
    %dma_start3A_418 = arith.constant 0 : i32
    %dma_start3A_419 = tpu.memref_slice %arg10[%dma_start3A_417, %dma_start3A_418] : memref<2x128xi32, #tpu.memory_space<vmem>> -> memref<1x128xi32, #tpu.memory_space<vmem>>
    %dma_start3A_420 = tpu.memref_squeeze %dma_start3A_419 : memref<1x128xi32, #tpu.memory_space<vmem>> -> memref<128xi32, #tpu.memory_space<vmem>>
    %dma_start3A_421 = tpu.memref_slice %arg3[%add3A_398] : memref<163840xi32, #tpu.memory_space<hbm>> -> memref<128xi32, #tpu.memory_space<hbm>>
    %dma_start3A_422 = arith.constant 0 : i32
    %dma_start3A_423 = tpu.memref_slice %arg10[%dma_start3A_417, %dma_start3A_422] : memref<2x128xi32, #tpu.memory_space<vmem>> -> memref<1x128xi32, #tpu.memory_space<vmem>>
    %dma_start3A_424 = tpu.memref_squeeze %dma_start3A_423 : memref<1x128xi32, #tpu.memory_space<vmem>> -> memref<128xi32, #tpu.memory_space<vmem>>
    %dma_start3A_425 = tpu.memref_slice %arg3[%add3A_398] : memref<163840xi32, #tpu.memory_space<hbm>> -> memref<128xi32, #tpu.memory_space<hbm>>
    tpu.enqueue_dma source(%dma_start3A_425 : memref<128xi32, #tpu.memory_space<hbm>>) target(%dma_start3A_424 : memref<128xi32, #tpu.memory_space<vmem>>) target_semaphore(%arg18 : memref<!tpu.dma_semaphore, #tpu.memory_space<semaphore_mem>>)
    %scan3A = arith.constant 0 : i32
    %scan3A_426 = arith.constant 0 : i32
    %scan3A_427 = arith.constant 80 : i32
    %scan3A_428 = arith.addi %scan3A_426, %scan3A_427 : i32
    %scan3A_429 = arith.constant 1 : i32
    scf.for %scan3A_466 = %scan3A_426 to %scan3A_428 step %scan3A_429  : i32 {
      %rem3A = arith.constant 2 : i32
      %rem3A_467 = arith.remsi %scan3A_466, %rem3A : i32
      %add3A_468 = arith.constant 1 : i32
      %add3A_469 = arith.addi %scan3A_466, %add3A_468 : i32
      %rem3A_470 = arith.constant 2 : i32
      %rem3A_471 = arith.remsi %add3A_469, %rem3A_470 : i32
      %add3A_472 = arith.constant 1 : i32
      %add3A_473 = arith.addi %scan3A_466, %add3A_472 : i32
      %lt3A = arith.constant 80 : i32
      %lt3A_474 = arith.cmpi slt, %add3A_473, %lt3A : i32
      %convert_element_type3A = arith.extui %lt3A_474 : i1 to i32
      %cond3A = arith.constant 0 : i32
      %cond3A_475 = arith.cmpi ne, %convert_element_type3A, %cond3A : i32
      scf.if %cond3A_475 {
        %ge3A = arith.constant 1 : i32
        %ge3A_510 = arith.cmpi sge, %scan3A_466, %ge3A : i32
        %convert_element_type3A_511 = arith.extui %ge3A_510 : i1 to i32
        %cond3A_512 = arith.constant 0 : i32
        %cond3A_513 = arith.cmpi ne, %convert_element_type3A_511, %cond3A_512 : i32
        scf.if %cond3A_513 {
          %dma_wait3A_817 = arith.constant 0 : i32
          %dma_wait3A_818 = arith.constant 0 : i32
          %dma_wait3A_819 = tpu.memref_slice %arg16[%rem3A_471, %dma_wait3A_817, %dma_wait3A_818] : memref<2x128x128xf32, #tpu.memory_space<vmem>> -> memref<1x128x128xf32, #tpu.memory_space<vmem>>
          %dma_wait3A_820 = tpu.memref_squeeze %dma_wait3A_819 : memref<1x128x128xf32, #tpu.memory_space<vmem>> -> memref<128x128xf32, #tpu.memory_space<vmem>>
          %dma_wait3A_821 = arith.constant 0 : i32
          %dma_wait3A_822 = tpu.memref_slice %arg14[%rem3A_471, %dma_wait3A_821] : memref<2x128xi32, #tpu.memory_space<vmem>> -> memref<1x128xi32, #tpu.memory_space<vmem>>
          %dma_wait3A_823 = tpu.memref_squeeze %dma_wait3A_822 : memref<1x128xi32, #tpu.memory_space<vmem>> -> memref<128xi32, #tpu.memory_space<vmem>>
          %dma_wait3A_824 = arith.constant 0 : i32
          %dma_wait3A_825 = arith.constant 0 : i32
          %dma_wait3A_826 = tpu.memref_slice %arg8[%dma_wait3A_824, %dma_wait3A_825] : memref<10064x128xf32, #tpu.memory_space<vmem_shared>> -> memref<10064x128xf32, #tpu.memory_space<vmem_shared>>
          tpu.wait_indirect_dma semaphore(%arg21 : memref<!tpu.dma_semaphore, #tpu.memory_space<semaphore_mem>>) src(%dma_wait3A_820 : memref<128x128xf32, #tpu.memory_space<vmem>>) dst(%dma_wait3A_826 : memref<10064x128xf32, #tpu.memory_space<vmem_shared>>)
        } else {
        }
        %dma_wait3A_514 = arith.constant 0 : i32
        %dma_wait3A_515 = tpu.memref_slice %arg9[%rem3A_471, %dma_wait3A_514] : memref<2x128xi32, #tpu.memory_space<vmem>> -> memref<1x128xi32, #tpu.memory_space<vmem>>
        %dma_wait3A_516 = tpu.memref_squeeze %dma_wait3A_515 : memref<1x128xi32, #tpu.memory_space<vmem>> -> memref<128xi32, #tpu.memory_space<vmem>>
        %dma_wait3A_517 = arith.constant 0 : i32
        %dma_wait3A_518 = tpu.memref_slice %arg5[%dma_wait3A_517] : memref<163840xi32, #tpu.memory_space<hbm>> -> memref<128xi32, #tpu.memory_space<hbm>>
        %dma_wait3A_519 = arith.constant 0 : i32
        %dma_wait3A_520 = tpu.memref_slice %arg9[%rem3A_471, %dma_wait3A_519] : memref<2x128xi32, #tpu.memory_space<vmem>> -> memref<1x128xi32, #tpu.memory_space<vmem>>
        %dma_wait3A_521 = tpu.memref_squeeze %dma_wait3A_520 : memref<1x128xi32, #tpu.memory_space<vmem>> -> memref<128xi32, #tpu.memory_space<vmem>>
        %dma_wait3A_522 = arith.constant 0 : i32
        %dma_wait3A_523 = tpu.memref_slice %arg5[%dma_wait3A_522] : memref<163840xi32, #tpu.memory_space<hbm>> -> memref<128xi32, #tpu.memory_space<hbm>>
        tpu.wait_dma2 semaphore(%arg18 : memref<!tpu.dma_semaphore, #tpu.memory_space<semaphore_mem>>) src(%dma_wait3A_523 : memref<128xi32, #tpu.memory_space<hbm>>) dst(%dma_wait3A_521 : memref<128xi32, #tpu.memory_space<vmem>>)
        %dma_wait3A_524 = arith.constant 0 : i32
        %dma_wait3A_525 = tpu.memref_slice %arg11[%rem3A_471, %dma_wait3A_524] : memref<2x128xi32, #tpu.memory_space<vmem>> -> memref<1x128xi32, #tpu.memory_space<vmem>>
        %dma_wait3A_526 = tpu.memref_squeeze %dma_wait3A_525 : memref<1x128xi32, #tpu.memory_space<vmem>> -> memref<128xi32, #tpu.memory_space<vmem>>
        %dma_wait3A_527 = arith.constant 0 : i32
        %dma_wait3A_528 = tpu.memref_slice %arg4[%dma_wait3A_527] : memref<163840xi32, #tpu.memory_space<hbm>> -> memref<128xi32, #tpu.memory_space<hbm>>
        %dma_wait3A_529 = arith.constant 0 : i32
        %dma_wait3A_530 = tpu.memref_slice %arg11[%rem3A_471, %dma_wait3A_529] : memref<2x128xi32, #tpu.memory_space<vmem>> -> memref<1x128xi32, #tpu.memory_space<vmem>>
        %dma_wait3A_531 = tpu.memref_squeeze %dma_wait3A_530 : memref<1x128xi32, #tpu.memory_space<vmem>> -> memref<128xi32, #tpu.memory_space<vmem>>
        %dma_wait3A_532 = arith.constant 0 : i32
        %dma_wait3A_533 = tpu.memref_slice %arg4[%dma_wait3A_532] : memref<163840xi32, #tpu.memory_space<hbm>> -> memref<128xi32, #tpu.memory_space<hbm>>
        tpu.wait_dma2 semaphore(%arg18 : memref<!tpu.dma_semaphore, #tpu.memory_space<semaphore_mem>>) src(%dma_wait3A_533 : memref<128xi32, #tpu.memory_space<hbm>>) dst(%dma_wait3A_531 : memref<128xi32, #tpu.memory_space<vmem>>)
        %dma_wait3A_534 = arith.constant 0 : i32
        %dma_wait3A_535 = tpu.memref_slice %arg10[%rem3A_471, %dma_wait3A_534] : memref<2x128xi32, #tpu.memory_space<vmem>> -> memref<1x128xi32, #tpu.memory_space<vmem>>
        %dma_wait3A_536 = tpu.memref_squeeze %dma_wait3A_535 : memref<1x128xi32, #tpu.memory_space<vmem>> -> memref<128xi32, #tpu.memory_space<vmem>>
        %dma_wait3A_537 = arith.constant 0 : i32
        %dma_wait3A_538 = tpu.memref_slice %arg3[%dma_wait3A_537] : memref<163840xi32, #tpu.memory_space<hbm>> -> memref<128xi32, #tpu.memory_space<hbm>>
        %dma_wait3A_539 = arith.constant 0 : i32
        %dma_wait3A_540 = tpu.memref_slice %arg10[%rem3A_471, %dma_wait3A_539] : memref<2x128xi32, #tpu.memory_space<vmem>> -> memref<1x128xi32, #tpu.memory_space<vmem>>
        %dma_wait3A_541 = tpu.memref_squeeze %dma_wait3A_540 : memref<1x128xi32, #tpu.memory_space<vmem>> -> memref<128xi32, #tpu.memory_space<vmem>>
        %dma_wait3A_542 = arith.constant 0 : i32
        %dma_wait3A_543 = tpu.memref_slice %arg3[%dma_wait3A_542] : memref<163840xi32, #tpu.memory_space<hbm>> -> memref<128xi32, #tpu.memory_space<hbm>>
        tpu.wait_dma2 semaphore(%arg18 : memref<!tpu.dma_semaphore, #tpu.memory_space<semaphore_mem>>) src(%dma_wait3A_543 : memref<128xi32, #tpu.memory_space<hbm>>) dst(%dma_wait3A_541 : memref<128xi32, #tpu.memory_space<vmem>>)
        %get3A_544 = arith.index_cast %rem3A_471 : i32 to index
        %get3A_545 = arith.constant 0 : index
        %get3A_546 = tpu.vector_load %arg9[%get3A_544, %get3A_545] {strides = array<i32>} : memref<2x128xi32, #tpu.memory_space<vmem>>, vector<16xi32>,
        %get3A_547 = arith.index_cast %rem3A_471 : i32 to index
        %get3A_548 = arith.constant 0 : index
        %get3A_549 = tpu.vector_load %arg10[%get3A_547, %get3A_548] {strides = array<i32>} : memref<2x128xi32, #tpu.memory_space<vmem>>, vector<16xi32>,
        %mul3A_550 = arith.constant 10000 : i32
        %mul3A_551 = vector.broadcast %mul3A_550 : i32 to vector<16xi32>
        %mul3A_552 = arith.muli %get3A_546, %mul3A_551 : vector<16xi32>
        %get3A_553 = arith.index_cast %rem3A_471 : i32 to index
        %get3A_554 = arith.constant 0 : index
        %get3A_555 = tpu.vector_load %arg11[%get3A_553, %get3A_554] {strides = array<i32>} : memref<2x128xi32, #tpu.memory_space<vmem>>, vector<16xi32>,
        %add3A_556 = arith.addi %mul3A_552, %get3A_555 : vector<16xi32>
        %swap3A_557 = arith.index_cast %rem3A_471 : i32 to index
        %swap3A_558 = arith.constant 0 : index
        %swap3A_559 = tpu.vector_load %arg12[%swap3A_557, %swap3A_558] {strides = array<i32>} : memref<2x128xi32, #tpu.memory_space<vmem>>, vector<16xi32>,
        tpu.vector_store %arg12[%swap3A_557, %swap3A_558], %add3A_556 {strides = array<i32>} : memref<2x128xi32, #tpu.memory_space<vmem>>, vector<16xi32>,
        %mul3A_560 = arith.constant 10000 : i32
        %mul3A_561 = vector.broadcast %mul3A_560 : i32 to vector<16xi32>
        %mul3A_562 = arith.muli %get3A_546, %mul3A_561 : vector<16xi32>
        %add3A_563 = arith.addi %mul3A_562, %get3A_549 : vector<16xi32>
        %add3A_564 = vector.broadcast %mul3A_0 : i32 to vector<16xi32>
        %add3A_565 = arith.addi %add3A_563, %add3A_564 : vector<16xi32>
        %swap3A_566 = arith.index_cast %rem3A_471 : i32 to index
        %swap3A_567 = arith.constant 0 : index
        %swap3A_568 = tpu.vector_load %arg13[%swap3A_566, %swap3A_567] {strides = array<i32>} : memref<2x128xi32, #tpu.memory_space<vmem>>, vector<16xi32>,
        tpu.vector_store %arg13[%swap3A_566, %swap3A_567], %add3A_565 {strides = array<i32>} : memref<2x128xi32, #tpu.memory_space<vmem>>, vector<16xi32>,
        %get3A_569 = arith.index_cast %rem3A_471 : i32 to index
        %get3A_570 = arith.constant 0 : index
        %get3A_571 = tpu.vector_load %arg11[%get3A_569, %get3A_570] {strides = array<i32>} : memref<2x128xi32, #tpu.memory_space<vmem>>, vector<16xi32>,
        %swap3A_572 = arith.index_cast %rem3A_471 : i32 to index
        %swap3A_573 = arith.constant 0 : index
        %swap3A_574 = tpu.vector_load %arg14[%swap3A_572, %swap3A_573] {strides = array<i32>} : memref<2x128xi32, #tpu.memory_space<vmem>>, vector<16xi32>,
        tpu.vector_store %arg14[%swap3A_572, %swap3A_573], %get3A_571 {strides = array<i32>} : memref<2x128xi32, #tpu.memory_space<vmem>>, vector<16xi32>,
        %get3A_575 = arith.index_cast %rem3A_471 : i32 to index
        %get3A_576 = arith.constant 16 : index
        %get3A_577 = tpu.vector_load %arg9[%get3A_575, %get3A_576] {strides = array<i32>} : memref<2x128xi32, #tpu.memory_space<vmem>>, vector<16xi32>,
        %get3A_578 = arith.index_cast %rem3A_471 : i32 to index
        %get3A_579 = arith.constant 16 : index
        %get3A_580 = tpu.vector_load %arg10[%get3A_578, %get3A_579] {strides = array<i32>} : memref<2x128xi32, #tpu.memory_space<vmem>>, vector<16xi32>,
        %mul3A_581 = arith.constant 10000 : i32
        %mul3A_582 = vector.broadcast %mul3A_581 : i32 to vector<16xi32>
        %mul3A_583 = arith.muli %get3A_577, %mul3A_582 : vector<16xi32>
        %get3A_584 = arith.index_cast %rem3A_471 : i32 to index
        %get3A_585 = arith.constant 16 : index
        %get3A_586 = tpu.vector_load %arg11[%get3A_584, %get3A_585] {strides = array<i32>} : memref<2x128xi32, #tpu.memory_space<vmem>>, vector<16xi32>,
        %add3A_587 = arith.addi %mul3A_583, %get3A_586 : vector<16xi32>
        %swap3A_588 = arith.index_cast %rem3A_471 : i32 to index
        %swap3A_589 = arith.constant 16 : index
        %swap3A_590 = tpu.vector_load %arg12[%swap3A_588, %swap3A_589] {strides = array<i32>} : memref<2x128xi32, #tpu.memory_space<vmem>>, vector<16xi32>,
        tpu.vector_store %arg12[%swap3A_588, %swap3A_589], %add3A_587 {strides = array<i32>} : memref<2x128xi32, #tpu.memory_space<vmem>>, vector<16xi32>,
        %mul3A_591 = arith.constant 10000 : i32
        %mul3A_592 = vector.broadcast %mul3A_591 : i32 to vector<16xi32>
        %mul3A_593 = arith.muli %get3A_577, %mul3A_592 : vector<16xi32>
        %add3A_594 = arith.addi %mul3A_593, %get3A_580 : vector<16xi32>
        %add3A_595 = vector.broadcast %mul3A_0 : i32 to vector<16xi32>
        %add3A_596 = arith.addi %add3A_594, %add3A_595 : vector<16xi32>
        %swap3A_597 = arith.index_cast %rem3A_471 : i32 to index
        %swap3A_598 = arith.constant 16 : index
        %swap3A_599 = tpu.vector_load %arg13[%swap3A_597, %swap3A_598] {strides = array<i32>} : memref<2x128xi32, #tpu.memory_space<vmem>>, vector<16xi32>,
        tpu.vector_store %arg13[%swap3A_597, %swap3A_598], %add3A_596 {strides = array<i32>} : memref<2x128xi32, #tpu.memory_space<vmem>>, vector<16xi32>,
        %get3A_600 = arith.index_cast %rem3A_471 : i32 to index
        %get3A_601 = arith.constant 16 : index
        %get3A_602 = tpu.vector_load %arg11[%get3A_600, %get3A_601] {strides = array<i32>} : memref<2x128xi32, #tpu.memory_space<vmem>>, vector<16xi32>,
        %swap3A_603 = arith.index_cast %rem3A_471 : i32 to index
        %swap3A_604 = arith.constant 16 : index
        %swap3A_605 = tpu.vector_load %arg14[%swap3A_603, %swap3A_604] {strides = array<i32>} : memref<2x128xi32, #tpu.memory_space<vmem>>, vector<16xi32>,
        tpu.vector_store %arg14[%swap3A_603, %swap3A_604], %get3A_602 {strides = array<i32>} : memref<2x128xi32, #tpu.memory_space<vmem>>, vector<16xi32>,
        %get3A_606 = arith.index_cast %rem3A_471 : i32 to index
        %get3A_607 = arith.constant 32 : index
        %get3A_608 = tpu.vector_load %arg9[%get3A_606, %get3A_607] {strides = array<i32>} : memref<2x128xi32, #tpu.memory_space<vmem>>, vector<16xi32>,
        %get3A_609 = arith.index_cast %rem3A_471 : i32 to index
        %get3A_610 = arith.constant 32 : index
        %get3A_611 = tpu.vector_load %arg10[%get3A_609, %get3A_610] {strides = array<i32>} : memref<2x128xi32, #tpu.memory_space<vmem>>, vector<16xi32>,
        %mul3A_612 = arith.constant 10000 : i32
        %mul3A_613 = vector.broadcast %mul3A_612 : i32 to vector<16xi32>
        %mul3A_614 = arith.muli %get3A_608, %mul3A_613 : vector<16xi32>
        %get3A_615 = arith.index_cast %rem3A_471 : i32 to index
        %get3A_616 = arith.constant 32 : index
        %get3A_617 = tpu.vector_load %arg11[%get3A_615, %get3A_616] {strides = array<i32>} : memref<2x128xi32, #tpu.memory_space<vmem>>, vector<16xi32>,
        %add3A_618 = arith.addi %mul3A_614, %get3A_617 : vector<16xi32>
        %swap3A_619 = arith.index_cast %rem3A_471 : i32 to index
        %swap3A_620 = arith.constant 32 : index
        %swap3A_621 = tpu.vector_load %arg12[%swap3A_619, %swap3A_620] {strides = array<i32>} : memref<2x128xi32, #tpu.memory_space<vmem>>, vector<16xi32>,
        tpu.vector_store %arg12[%swap3A_619, %swap3A_620], %add3A_618 {strides = array<i32>} : memref<2x128xi32, #tpu.memory_space<vmem>>, vector<16xi32>,
        %mul3A_622 = arith.constant 10000 : i32
        %mul3A_623 = vector.broadcast %mul3A_622 : i32 to vector<16xi32>
        %mul3A_624 = arith.muli %get3A_608, %mul3A_623 : vector<16xi32>
        %add3A_625 = arith.addi %mul3A_624, %get3A_611 : vector<16xi32>
        %add3A_626 = vector.broadcast %mul3A_0 : i32 to vector<16xi32>
        %add3A_627 = arith.addi %add3A_625, %add3A_626 : vector<16xi32>
        %swap3A_628 = arith.index_cast %rem3A_471 : i32 to index
        %swap3A_629 = arith.constant 32 : index
        %swap3A_630 = tpu.vector_load %arg13[%swap3A_628, %swap3A_629] {strides = array<i32>} : memref<2x128xi32, #tpu.memory_space<vmem>>, vector<16xi32>,
        tpu.vector_store %arg13[%swap3A_628, %swap3A_629], %add3A_627 {strides = array<i32>} : memref<2x128xi32, #tpu.memory_space<vmem>>, vector<16xi32>,
        %get3A_631 = arith.index_cast %rem3A_471 : i32 to index
        %get3A_632 = arith.constant 32 : index
        %get3A_633 = tpu.vector_load %arg11[%get3A_631, %get3A_632] {strides = array<i32>} : memref<2x128xi32, #tpu.memory_space<vmem>>, vector<16xi32>,
        %swap3A_634 = arith.index_cast %rem3A_471 : i32 to index
        %swap3A_635 = arith.constant 32 : index
        %swap3A_636 = tpu.vector_load %arg14[%swap3A_634, %swap3A_635] {strides = array<i32>} : memref<2x128xi32, #tpu.memory_space<vmem>>, vector<16xi32>,
        tpu.vector_store %arg14[%swap3A_634, %swap3A_635], %get3A_633 {strides = array<i32>} : memref<2x128xi32, #tpu.memory_space<vmem>>, vector<16xi32>,
        %get3A_637 = arith.index_cast %rem3A_471 : i32 to index
        %get3A_638 = arith.constant 48 : index
        %get3A_639 = tpu.vector_load %arg9[%get3A_637, %get3A_638] {strides = array<i32>} : memref<2x128xi32, #tpu.memory_space<vmem>>, vector<16xi32>,
        %get3A_640 = arith.index_cast %rem3A_471 : i32 to index
        %get3A_641 = arith.constant 48 : index
        %get3A_642 = tpu.vector_load %arg10[%get3A_640, %get3A_641] {strides = array<i32>} : memref<2x128xi32, #tpu.memory_space<vmem>>, vector<16xi32>,
        %mul3A_643 = arith.constant 10000 : i32
        %mul3A_644 = vector.broadcast %mul3A_643 : i32 to vector<16xi32>
        %mul3A_645 = arith.muli %get3A_639, %mul3A_644 : vector<16xi32>
        %get3A_646 = arith.index_cast %rem3A_471 : i32 to index
        %get3A_647 = arith.constant 48 : index
        %get3A_648 = tpu.vector_load %arg11[%get3A_646, %get3A_647] {strides = array<i32>} : memref<2x128xi32, #tpu.memory_space<vmem>>, vector<16xi32>,
        %add3A_649 = arith.addi %mul3A_645, %get3A_648 : vector<16xi32>
        %swap3A_650 = arith.index_cast %rem3A_471 : i32 to index
        %swap3A_651 = arith.constant 48 : index
        %swap3A_652 = tpu.vector_load %arg12[%swap3A_650, %swap3A_651] {strides = array<i32>} : memref<2x128xi32, #tpu.memory_space<vmem>>, vector<16xi32>,
        tpu.vector_store %arg12[%swap3A_650, %swap3A_651], %add3A_649 {strides = array<i32>} : memref<2x128xi32, #tpu.memory_space<vmem>>, vector<16xi32>,
        %mul3A_653 = arith.constant 10000 : i32
        %mul3A_654 = vector.broadcast %mul3A_653 : i32 to vector<16xi32>
        %mul3A_655 = arith.muli %get3A_639, %mul3A_654 : vector<16xi32>
        %add3A_656 = arith.addi %mul3A_655, %get3A_642 : vector<16xi32>
        %add3A_657 = vector.broadcast %mul3A_0 : i32 to vector<16xi32>
        %add3A_658 = arith.addi %add3A_656, %add3A_657 : vector<16xi32>
        %swap3A_659 = arith.index_cast %rem3A_471 : i32 to index
        %swap3A_660 = arith.constant 48 : index
        %swap3A_661 = tpu.vector_load %arg13[%swap3A_659, %swap3A_660] {strides = array<i32>} : memref<2x128xi32, #tpu.memory_space<vmem>>, vector<16xi32>,
        tpu.vector_store %arg13[%swap3A_659, %swap3A_660], %add3A_658 {strides = array<i32>} : memref<2x128xi32, #tpu.memory_space<vmem>>, vector<16xi32>,
        %get3A_662 = arith.index_cast %rem3A_471 : i32 to index
        %get3A_663 = arith.constant 48 : index
        %get3A_664 = tpu.vector_load %arg11[%get3A_662, %get3A_663] {strides = array<i32>} : memref<2x128xi32, #tpu.memory_space<vmem>>, vector<16xi32>,
        %swap3A_665 = arith.index_cast %rem3A_471 : i32 to index
        %swap3A_666 = arith.constant 48 : index
        %swap3A_667 = tpu.vector_load %arg14[%swap3A_665, %swap3A_666] {strides = array<i32>} : memref<2x128xi32, #tpu.memory_space<vmem>>, vector<16xi32>,
        tpu.vector_store %arg14[%swap3A_665, %swap3A_666], %get3A_664 {strides = array<i32>} : memref<2x128xi32, #tpu.memory_space<vmem>>, vector<16xi32>,
        %get3A_668 = arith.index_cast %rem3A_471 : i32 to index
        %get3A_669 = arith.constant 64 : index
        %get3A_670 = tpu.vector_load %arg9[%get3A_668, %get3A_669] {strides = array<i32>} : memref<2x128xi32, #tpu.memory_space<vmem>>, vector<16xi32>,
        %get3A_671 = arith.index_cast %rem3A_471 : i32 to index
        %get3A_672 = arith.constant 64 : index
        %get3A_673 = tpu.vector_load %arg10[%get3A_671, %get3A_672] {strides = array<i32>} : memref<2x128xi32, #tpu.memory_space<vmem>>, vector<16xi32>,
        %mul3A_674 = arith.constant 10000 : i32
        %mul3A_675 = vector.broadcast %mul3A_674 : i32 to vector<16xi32>
        %mul3A_676 = arith.muli %get3A_670, %mul3A_675 : vector<16xi32>
        %get3A_677 = arith.index_cast %rem3A_471 : i32 to index
        %get3A_678 = arith.constant 64 : index
        %get3A_679 = tpu.vector_load %arg11[%get3A_677, %get3A_678] {strides = array<i32>} : memref<2x128xi32, #tpu.memory_space<vmem>>, vector<16xi32>,
        %add3A_680 = arith.addi %mul3A_676, %get3A_679 : vector<16xi32>
        %swap3A_681 = arith.index_cast %rem3A_471 : i32 to index
        %swap3A_682 = arith.constant 64 : index
        %swap3A_683 = tpu.vector_load %arg12[%swap3A_681, %swap3A_682] {strides = array<i32>} : memref<2x128xi32, #tpu.memory_space<vmem>>, vector<16xi32>,
        tpu.vector_store %arg12[%swap3A_681, %swap3A_682], %add3A_680 {strides = array<i32>} : memref<2x128xi32, #tpu.memory_space<vmem>>, vector<16xi32>,
        %mul3A_684 = arith.constant 10000 : i32
        %mul3A_685 = vector.broadcast %mul3A_684 : i32 to vector<16xi32>
        %mul3A_686 = arith.muli %get3A_670, %mul3A_685 : vector<16xi32>
        %add3A_687 = arith.addi %mul3A_686, %get3A_673 : vector<16xi32>
        %add3A_688 = vector.broadcast %mul3A_0 : i32 to vector<16xi32>
        %add3A_689 = arith.addi %add3A_687, %add3A_688 : vector<16xi32>
        %swap3A_690 = arith.index_cast %rem3A_471 : i32 to index
        %swap3A_691 = arith.constant 64 : index
        %swap3A_692 = tpu.vector_load %arg13[%swap3A_690, %swap3A_691] {strides = array<i32>} : memref<2x128xi32, #tpu.memory_space<vmem>>, vector<16xi32>,
        tpu.vector_store %arg13[%swap3A_690, %swap3A_691], %add3A_689 {strides = array<i32>} : memref<2x128xi32, #tpu.memory_space<vmem>>, vector<16xi32>,
        %get3A_693 = arith.index_cast %rem3A_471 : i32 to index
        %get3A_694 = arith.constant 64 : index
        %get3A_695 = tpu.vector_load %arg11[%get3A_693, %get3A_694] {strides = array<i32>} : memref<2x128xi32, #tpu.memory_space<vmem>>, vector<16xi32>,
        %swap3A_696 = arith.index_cast %rem3A_471 : i32 to index
        %swap3A_697 = arith.constant 64 : index
        %swap3A_698 = tpu.vector_load %arg14[%swap3A_696, %swap3A_697] {strides = array<i32>} : memref<2x128xi32, #tpu.memory_space<vmem>>, vector<16xi32>,
        tpu.vector_store %arg14[%swap3A_696, %swap3A_697], %get3A_695 {strides = array<i32>} : memref<2x128xi32, #tpu.memory_space<vmem>>, vector<16xi32>,
        %get3A_699 = arith.index_cast %rem3A_471 : i32 to index
        %get3A_700 = arith.constant 80 : index
        %get3A_701 = tpu.vector_load %arg9[%get3A_699, %get3A_700] {strides = array<i32>} : memref<2x128xi32, #tpu.memory_space<vmem>>, vector<16xi32>,
        %get3A_702 = arith.index_cast %rem3A_471 : i32 to index
        %get3A_703 = arith.constant 80 : index
        %get3A_704 = tpu.vector_load %arg10[%get3A_702, %get3A_703] {strides = array<i32>} : memref<2x128xi32, #tpu.memory_space<vmem>>, vector<16xi32>,
        %mul3A_705 = arith.constant 10000 : i32
        %mul3A_706 = vector.broadcast %mul3A_705 : i32 to vector<16xi32>
        %mul3A_707 = arith.muli %get3A_701, %mul3A_706 : vector<16xi32>
        %get3A_708 = arith.index_cast %rem3A_471 : i32 to index
        %get3A_709 = arith.constant 80 : index
        %get3A_710 = tpu.vector_load %arg11[%get3A_708, %get3A_709] {strides = array<i32>} : memref<2x128xi32, #tpu.memory_space<vmem>>, vector<16xi32>,
        %add3A_711 = arith.addi %mul3A_707, %get3A_710 : vector<16xi32>
        %swap3A_712 = arith.index_cast %rem3A_471 : i32 to index
        %swap3A_713 = arith.constant 80 : index
        %swap3A_714 = tpu.vector_load %arg12[%swap3A_712, %swap3A_713] {strides = array<i32>} : memref<2x128xi32, #tpu.memory_space<vmem>>, vector<16xi32>,
        tpu.vector_store %arg12[%swap3A_712, %swap3A_713], %add3A_711 {strides = array<i32>} : memref<2x128xi32, #tpu.memory_space<vmem>>, vector<16xi32>,
        %mul3A_715 = arith.constant 10000 : i32
        %mul3A_716 = vector.broadcast %mul3A_715 : i32 to vector<16xi32>
        %mul3A_717 = arith.muli %get3A_701, %mul3A_716 : vector<16xi32>
        %add3A_718 = arith.addi %mul3A_717, %get3A_704 : vector<16xi32>
        %add3A_719 = vector.broadcast %mul3A_0 : i32 to vector<16xi32>
        %add3A_720 = arith.addi %add3A_718, %add3A_719 : vector<16xi32>
        %swap3A_721 = arith.index_cast %rem3A_471 : i32 to index
        %swap3A_722 = arith.constant 80 : index
        %swap3A_723 = tpu.vector_load %arg13[%swap3A_721, %swap3A_722] {strides = array<i32>} : memref<2x128xi32, #tpu.memory_space<vmem>>, vector<16xi32>,
        tpu.vector_store %arg13[%swap3A_721, %swap3A_722], %add3A_720 {strides = array<i32>} : memref<2x128xi32, #tpu.memory_space<vmem>>, vector<16xi32>,
        %get3A_724 = arith.index_cast %rem3A_471 : i32 to index
        %get3A_725 = arith.constant 80 : index
        %get3A_726 = tpu.vector_load %arg11[%get3A_724, %get3A_725] {strides = array<i32>} : memref<2x128xi32, #tpu.memory_space<vmem>>, vector<16xi32>,
        %swap3A_727 = arith.index_cast %rem3A_471 : i32 to index
        %swap3A_728 = arith.constant 80 : index
        %swap3A_729 = tpu.vector_load %arg14[%swap3A_727, %swap3A_728] {strides = array<i32>} : memref<2x128xi32, #tpu.memory_space<vmem>>, vector<16xi32>,
        tpu.vector_store %arg14[%swap3A_727, %swap3A_728], %get3A_726 {strides = array<i32>} : memref<2x128xi32, #tpu.memory_space<vmem>>, vector<16xi32>,
        %get3A_730 = arith.index_cast %rem3A_471 : i32 to index
        %get3A_731 = arith.constant 96 : index
        %get3A_732 = tpu.vector_load %arg9[%get3A_730, %get3A_731] {strides = array<i32>} : memref<2x128xi32, #tpu.memory_space<vmem>>, vector<16xi32>,
        %get3A_733 = arith.index_cast %rem3A_471 : i32 to index
        %get3A_734 = arith.constant 96 : index
        %get3A_735 = tpu.vector_load %arg10[%get3A_733, %get3A_734] {strides = array<i32>} : memref<2x128xi32, #tpu.memory_space<vmem>>, vector<16xi32>,
        %mul3A_736 = arith.constant 10000 : i32
        %mul3A_737 = vector.broadcast %mul3A_736 : i32 to vector<16xi32>
        %mul3A_738 = arith.muli %get3A_732, %mul3A_737 : vector<16xi32>
        %get3A_739 = arith.index_cast %rem3A_471 : i32 to index
        %get3A_740 = arith.constant 96 : index
        %get3A_741 = tpu.vector_load %arg11[%get3A_739, %get3A_740] {strides = array<i32>} : memref<2x128xi32, #tpu.memory_space<vmem>>, vector<16xi32>,
        %add3A_742 = arith.addi %mul3A_738, %get3A_741 : vector<16xi32>
        %swap3A_743 = arith.index_cast %rem3A_471 : i32 to index
        %swap3A_744 = arith.constant 96 : index
        %swap3A_745 = tpu.vector_load %arg12[%swap3A_743, %swap3A_744] {strides = array<i32>} : memref<2x128xi32, #tpu.memory_space<vmem>>, vector<16xi32>,
        tpu.vector_store %arg12[%swap3A_743, %swap3A_744], %add3A_742 {strides = array<i32>} : memref<2x128xi32, #tpu.memory_space<vmem>>, vector<16xi32>,
        %mul3A_746 = arith.constant 10000 : i32
        %mul3A_747 = vector.broadcast %mul3A_746 : i32 to vector<16xi32>
        %mul3A_748 = arith.muli %get3A_732, %mul3A_747 : vector<16xi32>
        %add3A_749 = arith.addi %mul3A_748, %get3A_735 : vector<16xi32>
        %add3A_750 = vector.broadcast %mul3A_0 : i32 to vector<16xi32>
        %add3A_751 = arith.addi %add3A_749, %add3A_750 : vector<16xi32>
        %swap3A_752 = arith.index_cast %rem3A_471 : i32 to index
        %swap3A_753 = arith.constant 96 : index
        %swap3A_754 = tpu.vector_load %arg13[%swap3A_752, %swap3A_753] {strides = array<i32>} : memref<2x128xi32, #tpu.memory_space<vmem>>, vector<16xi32>,
        tpu.vector_store %arg13[%swap3A_752, %swap3A_753], %add3A_751 {strides = array<i32>} : memref<2x128xi32, #tpu.memory_space<vmem>>, vector<16xi32>,
        %get3A_755 = arith.index_cast %rem3A_471 : i32 to index
        %get3A_756 = arith.constant 96 : index
        %get3A_757 = tpu.vector_load %arg11[%get3A_755, %get3A_756] {strides = array<i32>} : memref<2x128xi32, #tpu.memory_space<vmem>>, vector<16xi32>,
        %swap3A_758 = arith.index_cast %rem3A_471 : i32 to index
        %swap3A_759 = arith.constant 96 : index
        %swap3A_760 = tpu.vector_load %arg14[%swap3A_758, %swap3A_759] {strides = array<i32>} : memref<2x128xi32, #tpu.memory_space<vmem>>, vector<16xi32>,
        tpu.vector_store %arg14[%swap3A_758, %swap3A_759], %get3A_757 {strides = array<i32>} : memref<2x128xi32, #tpu.memory_space<vmem>>, vector<16xi32>,
        %get3A_761 = arith.index_cast %rem3A_471 : i32 to index
        %get3A_762 = arith.constant 112 : index
        %get3A_763 = tpu.vector_load %arg9[%get3A_761, %get3A_762] {strides = array<i32>} : memref<2x128xi32, #tpu.memory_space<vmem>>, vector<16xi32>,
        %get3A_764 = arith.index_cast %rem3A_471 : i32 to index
        %get3A_765 = arith.constant 112 : index
        %get3A_766 = tpu.vector_load %arg10[%get3A_764, %get3A_765] {strides = array<i32>} : memref<2x128xi32, #tpu.memory_space<vmem>>, vector<16xi32>,
        %mul3A_767 = arith.constant 10000 : i32
        %mul3A_768 = vector.broadcast %mul3A_767 : i32 to vector<16xi32>
        %mul3A_769 = arith.muli %get3A_763, %mul3A_768 : vector<16xi32>
        %get3A_770 = arith.index_cast %rem3A_471 : i32 to index
        %get3A_771 = arith.constant 112 : index
        %get3A_772 = tpu.vector_load %arg11[%get3A_770, %get3A_771] {strides = array<i32>} : memref<2x128xi32, #tpu.memory_space<vmem>>, vector<16xi32>,
        %add3A_773 = arith.addi %mul3A_769, %get3A_772 : vector<16xi32>
        %swap3A_774 = arith.index_cast %rem3A_471 : i32 to index
        %swap3A_775 = arith.constant 112 : index
        %swap3A_776 = tpu.vector_load %arg12[%swap3A_774, %swap3A_775] {strides = array<i32>} : memref<2x128xi32, #tpu.memory_space<vmem>>, vector<16xi32>,
        tpu.vector_store %arg12[%swap3A_774, %swap3A_775], %add3A_773 {strides = array<i32>} : memref<2x128xi32, #tpu.memory_space<vmem>>, vector<16xi32>,
        %mul3A_777 = arith.constant 10000 : i32
        %mul3A_778 = vector.broadcast %mul3A_777 : i32 to vector<16xi32>
        %mul3A_779 = arith.muli %get3A_763, %mul3A_778 : vector<16xi32>
        %add3A_780 = arith.addi %mul3A_779, %get3A_766 : vector<16xi32>
        %add3A_781 = vector.broadcast %mul3A_0 : i32 to vector<16xi32>
        %add3A_782 = arith.addi %add3A_780, %add3A_781 : vector<16xi32>
        %swap3A_783 = arith.index_cast %rem3A_471 : i32 to index
        %swap3A_784 = arith.constant 112 : index
        %swap3A_785 = tpu.vector_load %arg13[%swap3A_783, %swap3A_784] {strides = array<i32>} : memref<2x128xi32, #tpu.memory_space<vmem>>, vector<16xi32>,
        tpu.vector_store %arg13[%swap3A_783, %swap3A_784], %add3A_782 {strides = array<i32>} : memref<2x128xi32, #tpu.memory_space<vmem>>, vector<16xi32>,
        %get3A_786 = arith.index_cast %rem3A_471 : i32 to index
        %get3A_787 = arith.constant 112 : index
        %get3A_788 = tpu.vector_load %arg11[%get3A_786, %get3A_787] {strides = array<i32>} : memref<2x128xi32, #tpu.memory_space<vmem>>, vector<16xi32>,
        %swap3A_789 = arith.index_cast %rem3A_471 : i32 to index
        %swap3A_790 = arith.constant 112 : index
        %swap3A_791 = tpu.vector_load %arg14[%swap3A_789, %swap3A_790] {strides = array<i32>} : memref<2x128xi32, #tpu.memory_space<vmem>>, vector<16xi32>,
        tpu.vector_store %arg14[%swap3A_789, %swap3A_790], %get3A_788 {strides = array<i32>} : memref<2x128xi32, #tpu.memory_space<vmem>>, vector<16xi32>,
        %dma_start3A_792 = arith.constant 0 : i32
        %dma_start3A_793 = tpu.memref_slice %arg15[%rem3A_471, %dma_start3A_792] : memref<2x128xf32, #tpu.memory_space<vmem>> -> memref<1x128xf32, #tpu.memory_space<vmem>>
        %dma_start3A_794 = tpu.memref_squeeze %dma_start3A_793 : memref<1x128xf32, #tpu.memory_space<vmem>> -> memref<128xf32, #tpu.memory_space<vmem>>
        %dma_start3A_795 = arith.constant 0 : i32
        %dma_start3A_796 = tpu.memref_slice %arg12[%rem3A_471, %dma_start3A_795] : memref<2x128xi32, #tpu.memory_space<vmem>> -> memref<1x128xi32, #tpu.memory_space<vmem>>
        %dma_start3A_797 = tpu.memref_squeeze %dma_start3A_796 : memref<1x128xi32, #tpu.memory_space<vmem>> -> memref<128xi32, #tpu.memory_space<vmem>>
        %dma_start3A_798 = arith.constant 0 : i32
        %dma_start3A_799 = tpu.memref_slice %arg6[%dma_start3A_798] : memref<256000xf32, #tpu.memory_space<hbm>> -> memref<256000xf32, #tpu.memory_space<hbm>>
        tpu.enqueue_indirect_dma source(%dma_start3A_799 : memref<256000xf32, #tpu.memory_space<hbm>>) target(%dma_start3A_794 : memref<128xf32, #tpu.memory_space<vmem>>) offsets(%dma_start3A_797 : memref<128xi32, #tpu.memory_space<vmem>>) semaphore(%arg19 : memref<!tpu.dma_semaphore, #tpu.memory_space<semaphore_mem>>)
        %dma_start3A_800 = arith.constant 0 : i32
        %dma_start3A_801 = arith.constant 0 : i32
        %dma_start3A_802 = tpu.memref_slice %arg16[%rem3A_471, %dma_start3A_800, %dma_start3A_801] : memref<2x128x128xf32, #tpu.memory_space<vmem>> -> memref<1x128x128xf32, #tpu.memory_space<vmem>>
        %dma_start3A_803 = tpu.memref_squeeze %dma_start3A_802 : memref<1x128x128xf32, #tpu.memory_space<vmem>> -> memref<128x128xf32, #tpu.memory_space<vmem>>
        %dma_start3A_804 = arith.constant 0 : i32
        %dma_start3A_805 = tpu.memref_slice %arg13[%rem3A_471, %dma_start3A_804] : memref<2x128xi32, #tpu.memory_space<vmem>> -> memref<1x128xi32, #tpu.memory_space<vmem>>
        %dma_start3A_806 = tpu.memref_squeeze %dma_start3A_805 : memref<1x128xi32, #tpu.memory_space<vmem>> -> memref<128xi32, #tpu.memory_space<vmem>>
        %dma_start3A_807 = arith.constant 0 : i32
        %dma_start3A_808 = arith.constant 0 : i32
        %dma_start3A_809 = tpu.memref_slice %arg2[%dma_start3A_807, %dma_start3A_808] : memref<500000x128xf32, #tpu.memory_space<hbm>> -> memref<500000x128xf32, #tpu.memory_space<hbm>>
        tpu.enqueue_indirect_dma source(%dma_start3A_809 : memref<500000x128xf32, #tpu.memory_space<hbm>>) target(%dma_start3A_803 : memref<128x128xf32, #tpu.memory_space<vmem>>) offsets(%dma_start3A_806 : memref<128xi32, #tpu.memory_space<vmem>>) semaphore(%arg20 : memref<!tpu.dma_semaphore, #tpu.memory_space<semaphore_mem>>)
        %add3A_810 = arith.constant 2 : i32
        %add3A_811 = arith.addi %scan3A_466, %add3A_810 : i32
        %lt3A_812 = arith.constant 80 : i32
        %lt3A_813 = arith.cmpi slt, %add3A_811, %lt3A_812 : i32
        %convert_element_type3A_814 = arith.extui %lt3A_813 : i1 to i32
        %cond3A_815 = arith.constant 0 : i32
        %cond3A_816 = arith.cmpi ne, %convert_element_type3A_814, %cond3A_815 : i32
        scf.if %cond3A_816 {
          %add3A_817 = arith.constant 2 : i32
          %add3A_818 = arith.addi %scan3A_466, %add3A_817 : i32
          %mul3A_819 = arith.constant 128 : i32
          %mul3A_820 = arith.muli %add3A_818, %mul3A_819 : i32
          %add3A_821 = arith.addi %mul3A_2, %mul3A_820 : i32
          %dma_start3A_822 = arith.constant 0 : i32
          %dma_start3A_823 = tpu.memref_slice %arg9[%rem3A_467, %dma_start3A_822] : memref<2x128xi32, #tpu.memory_space<vmem>> -> memref<1x128xi32, #tpu.memory_space<vmem>>
          %dma_start3A_824 = tpu.memref_squeeze %dma_start3A_823 : memref<1x128xi32, #tpu.memory_space<vmem>> -> memref<128xi32, #tpu.memory_space<vmem>>
          %dma_start3A_825 = tpu.memref_slice %arg5[%add3A_821] : memref<163840xi32, #tpu.memory_space<hbm>> -> memref<128xi32, #tpu.memory_space<hbm>>
          %dma_start3A_826 = arith.constant 0 : i32
          %dma_start3A_827 = tpu.memref_slice %arg9[%rem3A_467, %dma_start3A_826] : memref<2x128xi32, #tpu.memory_space<vmem>> -> memref<1x128xi32, #tpu.memory_space<vmem>>
          %dma_start3A_828 = tpu.memref_squeeze %dma_start3A_827 : memref<1x128xi32, #tpu.memory_space<vmem>> -> memref<128xi32, #tpu.memory_space<vmem>>
          %dma_start3A_829 = tpu.memref_slice %arg5[%add3A_821] : memref<163840xi32, #tpu.memory_space<hbm>> -> memref<128xi32, #tpu.memory_space<hbm>>
          tpu.enqueue_dma source(%dma_start3A_829 : memref<128xi32, #tpu.memory_space<hbm>>) target(%dma_start3A_828 : memref<128xi32, #tpu.memory_space<vmem>>) target_semaphore(%arg18 : memref<!tpu.dma_semaphore, #tpu.memory_space<semaphore_mem>>)
          %dma_start3A_830 = arith.constant 0 : i32
          %dma_start3A_831 = tpu.memref_slice %arg11[%rem3A_467, %dma_start3A_830] : memref<2x128xi32, #tpu.memory_space<vmem>> -> memref<1x128xi32, #tpu.memory_space<vmem>>
          %dma_start3A_832 = tpu.memref_squeeze %dma_start3A_831 : memref<1x128xi32, #tpu.memory_space<vmem>> -> memref<128xi32, #tpu.memory_space<vmem>>
          %dma_start3A_833 = tpu.memref_slice %arg4[%add3A_821] : memref<163840xi32, #tpu.memory_space<hbm>> -> memref<128xi32, #tpu.memory_space<hbm>>
          %dma_start3A_834 = arith.constant 0 : i32
          %dma_start3A_835 = tpu.memref_slice %arg11[%rem3A_467, %dma_start3A_834] : memref<2x128xi32, #tpu.memory_space<vmem>> -> memref<1x128xi32, #tpu.memory_space<vmem>>
          %dma_start3A_836 = tpu.memref_squeeze %dma_start3A_835 : memref<1x128xi32, #tpu.memory_space<vmem>> -> memref<128xi32, #tpu.memory_space<vmem>>
          %dma_start3A_837 = tpu.memref_slice %arg4[%add3A_821] : memref<163840xi32, #tpu.memory_space<hbm>> -> memref<128xi32, #tpu.memory_space<hbm>>
          tpu.enqueue_dma source(%dma_start3A_837 : memref<128xi32, #tpu.memory_space<hbm>>) target(%dma_start3A_836 : memref<128xi32, #tpu.memory_space<vmem>>) target_semaphore(%arg18 : memref<!tpu.dma_semaphore, #tpu.memory_space<semaphore_mem>>)
          %dma_start3A_838 = arith.constant 0 : i32
          %dma_start3A_839 = tpu.memref_slice %arg10[%rem3A_467, %dma_start3A_838] : memref<2x128xi32, #tpu.memory_space<vmem>> -> memref<1x128xi32, #tpu.memory_space<vmem>>
          %dma_start3A_840 = tpu.memref_squeeze %dma_start3A_839 : memref<1x128xi32, #tpu.memory_space<vmem>> -> memref<128xi32, #tpu.memory_space<vmem>>
          %dma_start3A_841 = tpu.memref_slice %arg3[%add3A_821] : memref<163840xi32, #tpu.memory_space<hbm>> -> memref<128xi32, #tpu.memory_space<hbm>>
          %dma_start3A_842 = arith.constant 0 : i32
          %dma_start3A_843 = tpu.memref_slice %arg10[%rem3A_467, %dma_start3A_842] : memref<2x128xi32, #tpu.memory_space<vmem>> -> memref<1x128xi32, #tpu.memory_space<vmem>>
          %dma_start3A_844 = tpu.memref_squeeze %dma_start3A_843 : memref<1x128xi32, #tpu.memory_space<vmem>> -> memref<128xi32, #tpu.memory_space<vmem>>
          %dma_start3A_845 = tpu.memref_slice %arg3[%add3A_821] : memref<163840xi32, #tpu.memory_space<hbm>> -> memref<128xi32, #tpu.memory_space<hbm>>
          tpu.enqueue_dma source(%dma_start3A_845 : memref<128xi32, #tpu.memory_space<hbm>>) target(%dma_start3A_844 : memref<128xi32, #tpu.memory_space<vmem>>) target_semaphore(%arg18 : memref<!tpu.dma_semaphore, #tpu.memory_space<semaphore_mem>>)
        } else {
        }
      } else {
      }
      %dma_wait3A_476 = arith.constant 0 : i32
      %dma_wait3A_477 = tpu.memref_slice %arg15[%rem3A_467, %dma_wait3A_476] : memref<2x128xf32, #tpu.memory_space<vmem>> -> memref<1x128xf32, #tpu.memory_space<vmem>>
      %dma_wait3A_478 = tpu.memref_squeeze %dma_wait3A_477 : memref<1x128xf32, #tpu.memory_space<vmem>> -> memref<128xf32, #tpu.memory_space<vmem>>
      %dma_wait3A_479 = arith.constant 0 : i32
      %dma_wait3A_480 = tpu.memref_slice %arg12[%rem3A_467, %dma_wait3A_479] : memref<2x128xi32, #tpu.memory_space<vmem>> -> memref<1x128xi32, #tpu.memory_space<vmem>>
      %dma_wait3A_481 = tpu.memref_squeeze %dma_wait3A_480 : memref<1x128xi32, #tpu.memory_space<vmem>> -> memref<128xi32, #tpu.memory_space<vmem>>
      %dma_wait3A_482 = arith.constant 0 : i32
      %dma_wait3A_483 = tpu.memref_slice %arg6[%dma_wait3A_482] : memref<256000xf32, #tpu.memory_space<hbm>> -> memref<256000xf32, #tpu.memory_space<hbm>>
      tpu.wait_indirect_dma semaphore(%arg19 : memref<!tpu.dma_semaphore, #tpu.memory_space<semaphore_mem>>) src(%dma_wait3A_483 : memref<256000xf32, #tpu.memory_space<hbm>>) dst(%dma_wait3A_478 : memref<128xf32, #tpu.memory_space<vmem>>)
      %dma_wait3A_484 = arith.constant 0 : i32
      %dma_wait3A_485 = arith.constant 0 : i32
      %dma_wait3A_486 = tpu.memref_slice %arg16[%rem3A_467, %dma_wait3A_484, %dma_wait3A_485] : memref<2x128x128xf32, #tpu.memory_space<vmem>> -> memref<1x128x128xf32, #tpu.memory_space<vmem>>
      %dma_wait3A_487 = tpu.memref_squeeze %dma_wait3A_486 : memref<1x128x128xf32, #tpu.memory_space<vmem>> -> memref<128x128xf32, #tpu.memory_space<vmem>>
      %dma_wait3A_488 = arith.constant 0 : i32
      %dma_wait3A_489 = tpu.memref_slice %arg13[%rem3A_467, %dma_wait3A_488] : memref<2x128xi32, #tpu.memory_space<vmem>> -> memref<1x128xi32, #tpu.memory_space<vmem>>
      %dma_wait3A_490 = tpu.memref_squeeze %dma_wait3A_489 : memref<1x128xi32, #tpu.memory_space<vmem>> -> memref<128xi32, #tpu.memory_space<vmem>>
      %dma_wait3A_491 = arith.constant 0 : i32
      %dma_wait3A_492 = arith.constant 0 : i32
      %dma_wait3A_493 = tpu.memref_slice %arg2[%dma_wait3A_491, %dma_wait3A_492] : memref<500000x128xf32, #tpu.memory_space<hbm>> -> memref<500000x128xf32, #tpu.memory_space<hbm>>
      tpu.wait_indirect_dma semaphore(%arg20 : memref<!tpu.dma_semaphore, #tpu.memory_space<semaphore_mem>>) src(%dma_wait3A_493 : memref<500000x128xf32, #tpu.memory_space<hbm>>) dst(%dma_wait3A_487 : memref<128x128xf32, #tpu.memory_space<vmem>>)
      %scan3A_494 = arith.constant 0 : i32
      %scan3A_495 = arith.constant 0 : i32
      %scan3A_496 = arith.constant 128 : i32
      %scan3A_497 = arith.addi %scan3A_495, %scan3A_496 : i32
      %scan3A_498 = arith.constant 1 : i32
      scf.for %scan3A_510 = %scan3A_495 to %scan3A_497 step %scan3A_498  : i32 {
        %broadcast_in_dim3A = arith.constant 0 : i32
        %broadcast_in_dim3A_511 = vector.broadcast %broadcast_in_dim3A : i32 to vector<16xi32>
        %add3A_512 = vector.broadcast %rem3A_467 : i32 to vector<16xi32>
        %add3A_513 = arith.addi %broadcast_in_dim3A_511, %add3A_512 : vector<16xi32>
        %broadcast_in_dim3A_514 = arith.constant 0 : i32
        %broadcast_in_dim3A_515 = vector.broadcast %broadcast_in_dim3A_514 : i32 to vector<16xi32>
        %add3A_516 = vector.broadcast %scan3A_510 : i32 to vector<16xi32>
        %add3A_517 = arith.addi %broadcast_in_dim3A_515, %add3A_516 : vector<16xi32>
        %gather3A = tpu.vector_load_idx %arg15[%add3A_513, %add3A_517] : memref<2x128xf32, #tpu.memory_space<vmem>>[vector<16xi32>, vector<16xi32>], vector<16xf32>,
        %get3A_518 = arith.index_cast %rem3A_467 : i32 to index
        %get3A_519 = arith.index_cast %scan3A_510 : i32 to index
        %get3A_520 = arith.constant 0 : index
        %get3A_521 = tpu.vector_load %arg16[%get3A_518, %get3A_519, %get3A_520] {strides = array<i32>} : memref<2x128x128xf32, #tpu.memory_space<vmem>>, vector<16xf32>,
        %mul3A_522 = arith.mulf %get3A_521, %gather3A : vector<16xf32>
        %swap3A_523 = arith.index_cast %rem3A_467 : i32 to index
        %swap3A_524 = arith.index_cast %scan3A_510 : i32 to index
        %swap3A_525 = arith.constant 0 : index
        %swap3A_526 = tpu.vector_load %arg16[%swap3A_523, %swap3A_524, %swap3A_525] {strides = array<i32>} : memref<2x128x128xf32, #tpu.memory_space<vmem>>, vector<16xf32>,
        tpu.vector_store %arg16[%swap3A_523, %swap3A_524, %swap3A_525], %mul3A_522 {strides = array<i32>} : memref<2x128x128xf32, #tpu.memory_space<vmem>>, vector<16xf32>,
        %get3A_527 = arith.index_cast %rem3A_467 : i32 to index
        %get3A_528 = arith.index_cast %scan3A_510 : i32 to index
        %get3A_529 = arith.constant 16 : index
        %get3A_530 = tpu.vector_load %arg16[%get3A_527, %get3A_528, %get3A_529] {strides = array<i32>} : memref<2x128x128xf32, #tpu.memory_space<vmem>>, vector<16xf32>,
        %mul3A_531 = arith.mulf %get3A_530, %gather3A : vector<16xf32>
        %swap3A_532 = arith.index_cast %rem3A_467 : i32 to index
        %swap3A_533 = arith.index_cast %scan3A_510 : i32 to index
        %swap3A_534 = arith.constant 16 : index
        %swap3A_535 = tpu.vector_load %arg16[%swap3A_532, %swap3A_533, %swap3A_534] {strides = array<i32>} : memref<2x128x128xf32, #tpu.memory_space<vmem>>, vector<16xf32>,
        tpu.vector_store %arg16[%swap3A_532, %swap3A_533, %swap3A_534], %mul3A_531 {strides = array<i32>} : memref<2x128x128xf32, #tpu.memory_space<vmem>>, vector<16xf32>,
        %get3A_536 = arith.index_cast %rem3A_467 : i32 to index
        %get3A_537 = arith.index_cast %scan3A_510 : i32 to index
        %get3A_538 = arith.constant 32 : index
        %get3A_539 = tpu.vector_load %arg16[%get3A_536, %get3A_537, %get3A_538] {strides = array<i32>} : memref<2x128x128xf32, #tpu.memory_space<vmem>>, vector<16xf32>,
        %mul3A_540 = arith.mulf %get3A_539, %gather3A : vector<16xf32>
        %swap3A_541 = arith.index_cast %rem3A_467 : i32 to index
        %swap3A_542 = arith.index_cast %scan3A_510 : i32 to index
        %swap3A_543 = arith.constant 32 : index
        %swap3A_544 = tpu.vector_load %arg16[%swap3A_541, %swap3A_542, %swap3A_543] {strides = array<i32>} : memref<2x128x128xf32, #tpu.memory_space<vmem>>, vector<16xf32>,
        tpu.vector_store %arg16[%swap3A_541, %swap3A_542, %swap3A_543], %mul3A_540 {strides = array<i32>} : memref<2x128x128xf32, #tpu.memory_space<vmem>>, vector<16xf32>,
        %get3A_545 = arith.index_cast %rem3A_467 : i32 to index
        %get3A_546 = arith.index_cast %scan3A_510 : i32 to index
        %get3A_547 = arith.constant 48 : index
        %get3A_548 = tpu.vector_load %arg16[%get3A_545, %get3A_546, %get3A_547] {strides = array<i32>} : memref<2x128x128xf32, #tpu.memory_space<vmem>>, vector<16xf32>,
        %mul3A_549 = arith.mulf %get3A_548, %gather3A : vector<16xf32>
        %swap3A_550 = arith.index_cast %rem3A_467 : i32 to index
        %swap3A_551 = arith.index_cast %scan3A_510 : i32 to index
        %swap3A_552 = arith.constant 48 : index
        %swap3A_553 = tpu.vector_load %arg16[%swap3A_550, %swap3A_551, %swap3A_552] {strides = array<i32>} : memref<2x128x128xf32, #tpu.memory_space<vmem>>, vector<16xf32>,
        tpu.vector_store %arg16[%swap3A_550, %swap3A_551, %swap3A_552], %mul3A_549 {strides = array<i32>} : memref<2x128x128xf32, #tpu.memory_space<vmem>>, vector<16xf32>,
        %get3A_554 = arith.index_cast %rem3A_467 : i32 to index
        %get3A_555 = arith.index_cast %scan3A_510 : i32 to index
        %get3A_556 = arith.constant 64 : index
        %get3A_557 = tpu.vector_load %arg16[%get3A_554, %get3A_555, %get3A_556] {strides = array<i32>} : memref<2x128x128xf32, #tpu.memory_space<vmem>>, vector<16xf32>,
        %mul3A_558 = arith.mulf %get3A_557, %gather3A : vector<16xf32>
        %swap3A_559 = arith.index_cast %rem3A_467 : i32 to index
        %swap3A_560 = arith.index_cast %scan3A_510 : i32 to index
        %swap3A_561 = arith.constant 64 : index
        %swap3A_562 = tpu.vector_load %arg16[%swap3A_559, %swap3A_560, %swap3A_561] {strides = array<i32>} : memref<2x128x128xf32, #tpu.memory_space<vmem>>, vector<16xf32>,
        tpu.vector_store %arg16[%swap3A_559, %swap3A_560, %swap3A_561], %mul3A_558 {strides = array<i32>} : memref<2x128x128xf32, #tpu.memory_space<vmem>>, vector<16xf32>,
        %get3A_563 = arith.index_cast %rem3A_467 : i32 to index
        %get3A_564 = arith.index_cast %scan3A_510 : i32 to index
        %get3A_565 = arith.constant 80 : index
        %get3A_566 = tpu.vector_load %arg16[%get3A_563, %get3A_564, %get3A_565] {strides = array<i32>} : memref<2x128x128xf32, #tpu.memory_space<vmem>>, vector<16xf32>,
        %mul3A_567 = arith.mulf %get3A_566, %gather3A : vector<16xf32>
        %swap3A_568 = arith.index_cast %rem3A_467 : i32 to index
        %swap3A_569 = arith.index_cast %scan3A_510 : i32 to index
        %swap3A_570 = arith.constant 80 : index
        %swap3A_571 = tpu.vector_load %arg16[%swap3A_568, %swap3A_569, %swap3A_570] {strides = array<i32>} : memref<2x128x128xf32, #tpu.memory_space<vmem>>, vector<16xf32>,
        tpu.vector_store %arg16[%swap3A_568, %swap3A_569, %swap3A_570], %mul3A_567 {strides = array<i32>} : memref<2x128x128xf32, #tpu.memory_space<vmem>>, vector<16xf32>,
        %get3A_572 = arith.index_cast %rem3A_467 : i32 to index
        %get3A_573 = arith.index_cast %scan3A_510 : i32 to index
        %get3A_574 = arith.constant 96 : index
        %get3A_575 = tpu.vector_load %arg16[%get3A_572, %get3A_573, %get3A_574] {strides = array<i32>} : memref<2x128x128xf32, #tpu.memory_space<vmem>>, vector<16xf32>,
        %mul3A_576 = arith.mulf %get3A_575, %gather3A : vector<16xf32>
        %swap3A_577 = arith.index_cast %rem3A_467 : i32 to index
        %swap3A_578 = arith.index_cast %scan3A_510 : i32 to index
        %swap3A_579 = arith.constant 96 : index
        %swap3A_580 = tpu.vector_load %arg16[%swap3A_577, %swap3A_578, %swap3A_579] {strides = array<i32>} : memref<2x128x128xf32, #tpu.memory_space<vmem>>, vector<16xf32>,
        tpu.vector_store %arg16[%swap3A_577, %swap3A_578, %swap3A_579], %mul3A_576 {strides = array<i32>} : memref<2x128x128xf32, #tpu.memory_space<vmem>>, vector<16xf32>,
        %get3A_581 = arith.index_cast %rem3A_467 : i32 to index
        %get3A_582 = arith.index_cast %scan3A_510 : i32 to index
        %get3A_583 = arith.constant 112 : index
        %get3A_584 = tpu.vector_load %arg16[%get3A_581, %get3A_582, %get3A_583] {strides = array<i32>} : memref<2x128x128xf32, #tpu.memory_space<vmem>>, vector<16xf32>,
        %mul3A_585 = arith.mulf %get3A_584, %gather3A : vector<16xf32>
        %swap3A_586 = arith.index_cast %rem3A_467 : i32 to index
        %swap3A_587 = arith.index_cast %scan3A_510 : i32 to index
        %swap3A_588 = arith.constant 112 : index
        %swap3A_589 = tpu.vector_load %arg16[%swap3A_586, %swap3A_587, %swap3A_588] {strides = array<i32>} : memref<2x128x128xf32, #tpu.memory_space<vmem>>, vector<16xf32>,
        tpu.vector_store %arg16[%swap3A_586, %swap3A_587, %swap3A_588], %mul3A_585 {strides = array<i32>} : memref<2x128x128xf32, #tpu.memory_space<vmem>>, vector<16xf32>,
      }
      %scan3A_499 = arith.constant 128 : i32
      %dma_start3A_500 = arith.constant 0 : i32
      %dma_start3A_501 = arith.constant 0 : i32
      %dma_start3A_502 = tpu.memref_slice %arg16[%rem3A_467, %dma_start3A_500, %dma_start3A_501] : memref<2x128x128xf32, #tpu.memory_space<vmem>> -> memref<1x128x128xf32, #tpu.memory_space<vmem>>
      %dma_start3A_503 = tpu.memref_squeeze %dma_start3A_502 : memref<1x128x128xf32, #tpu.memory_space<vmem>> -> memref<128x128xf32, #tpu.memory_space<vmem>>
      %dma_start3A_504 = arith.constant 0 : i32
      %dma_start3A_505 = tpu.memref_slice %arg14[%rem3A_467, %dma_start3A_504] : memref<2x128xi32, #tpu.memory_space<vmem>> -> memref<1x128xi32, #tpu.memory_space<vmem>>
      %dma_start3A_506 = tpu.memref_squeeze %dma_start3A_505 : memref<1x128xi32, #tpu.memory_space<vmem>> -> memref<128xi32, #tpu.memory_space<vmem>>
      %dma_start3A_507 = arith.constant 0 : i32
      %dma_start3A_508 = arith.constant 0 : i32
      %dma_start3A_509 = tpu.memref_slice %arg8[%dma_start3A_507, %dma_start3A_508] : memref<10064x128xf32, #tpu.memory_space<vmem_shared>> -> memref<10064x128xf32, #tpu.memory_space<vmem_shared>>
      tpu.enqueue_indirect_dma source(%dma_start3A_503 : memref<128x128xf32, #tpu.memory_space<vmem>>) target(%dma_start3A_509 : memref<10064x128xf32, #tpu.memory_space<vmem_shared>>) offsets(%dma_start3A_506 : memref<128xi32, #tpu.memory_space<vmem>>) semaphore(%arg21 : memref<!tpu.dma_semaphore, #tpu.memory_space<semaphore_mem>>) {add = true}
    }
    %scan3A_430 = arith.constant 80 : i32
    %dma_wait3A_431 = arith.constant 0 : i32
    %dma_wait3A_432 = arith.constant 0 : i32
    %dma_wait3A_433 = arith.constant 0 : i32
    %dma_wait3A_434 = arith.constant 0 : i32
    %dma_wait3A_435 = tpu.memref_slice %arg16[%dma_wait3A_431, %dma_wait3A_433, %dma_wait3A_434] : memref<2x128x128xf32, #tpu.memory_space<vmem>> -> memref<1x128x128xf32, #tpu.memory_space<vmem>>
    %dma_wait3A_436 = tpu.memref_squeeze %dma_wait3A_435 : memref<1x128x128xf32, #tpu.memory_space<vmem>> -> memref<128x128xf32, #tpu.memory_space<vmem>>
    %dma_wait3A_437 = arith.constant 0 : i32
    %dma_wait3A_438 = tpu.memref_slice %arg14[%dma_wait3A_432, %dma_wait3A_437] : memref<2x128xi32, #tpu.memory_space<vmem>> -> memref<1x128xi32, #tpu.memory_space<vmem>>
    %dma_wait3A_439 = tpu.memref_squeeze %dma_wait3A_438 : memref<1x128xi32, #tpu.memory_space<vmem>> -> memref<128xi32, #tpu.memory_space<vmem>>
    %dma_wait3A_440 = arith.constant 0 : i32
    %dma_wait3A_441 = arith.constant 0 : i32
    %dma_wait3A_442 = tpu.memref_slice %arg8[%dma_wait3A_440, %dma_wait3A_441] : memref<10064x128xf32, #tpu.memory_space<vmem_shared>> -> memref<10064x128xf32, #tpu.memory_space<vmem_shared>>
    tpu.wait_indirect_dma semaphore(%arg21 : memref<!tpu.dma_semaphore, #tpu.memory_space<semaphore_mem>>) src(%dma_wait3A_436 : memref<128x128xf32, #tpu.memory_space<vmem>>) dst(%dma_wait3A_442 : memref<10064x128xf32, #tpu.memory_space<vmem_shared>>)
    %dma_wait3A_443 = arith.constant 1 : i32
    %dma_wait3A_444 = arith.constant 1 : i32
    %dma_wait3A_445 = arith.constant 0 : i32
    %dma_wait3A_446 = arith.constant 0 : i32
    %dma_wait3A_447 = tpu.memref_slice %arg16[%dma_wait3A_443, %dma_wait3A_445, %dma_wait3A_446] : memref<2x128x128xf32, #tpu.memory_space<vmem>> -> memref<1x128x128xf32, #tpu.memory_space<vmem>>
    %dma_wait3A_448 = tpu.memref_squeeze %dma_wait3A_447 : memref<1x128x128xf32, #tpu.memory_space<vmem>> -> memref<128x128xf32, #tpu.memory_space<vmem>>
    %dma_wait3A_449 = arith.constant 0 : i32
    %dma_wait3A_450 = tpu.memref_slice %arg14[%dma_wait3A_444, %dma_wait3A_449] : memref<2x128xi32, #tpu.memory_space<vmem>> -> memref<1x128xi32, #tpu.memory_space<vmem>>
    %dma_wait3A_451 = tpu.memref_squeeze %dma_wait3A_450 : memref<1x128xi32, #tpu.memory_space<vmem>> -> memref<128xi32, #tpu.memory_space<vmem>>
    %dma_wait3A_452 = arith.constant 0 : i32
    %dma_wait3A_453 = arith.constant 0 : i32
    %dma_wait3A_454 = tpu.memref_slice %arg8[%dma_wait3A_452, %dma_wait3A_453] : memref<10064x128xf32, #tpu.memory_space<vmem_shared>> -> memref<10064x128xf32, #tpu.memory_space<vmem_shared>>
    tpu.wait_indirect_dma semaphore(%arg21 : memref<!tpu.dma_semaphore, #tpu.memory_space<semaphore_mem>>) src(%dma_wait3A_448 : memref<128x128xf32, #tpu.memory_space<vmem>>) dst(%dma_wait3A_454 : memref<10064x128xf32, #tpu.memory_space<vmem_shared>>)
    %barrier3A_455 = arith.constant 0 : index
    tpu.barrier barrier_id(%barrier3A_455)
    %while3A_456 = arith.constant 0 : i32
    %while3A_457 = arith.constant 0 : i32
    %while3A_458 = arith.subi %select_n3A, %while3A_457 : i32
    %while3A_459 = arith.addi %while3A_457, %while3A_458 : i32
    %while3A_460 = arith.constant 1 : i32
    %while3A_461 = arith.divsi %while3A_458, %while3A_460 : i32
    %while3A_462 = arith.muli %while3A_461, %while3A_460 : i32
    %while3A_463 = arith.addi %while3A_457, %while3A_462 : i32
    %while3A_464 = arith.constant 1 : i32
    scf.for %while3A_466 = %while3A_457 to %while3A_463 step %while3A_464  : i32 {
      %mul3A_467 = arith.constant 640 : i32
      %mul3A_468 = arith.muli %arg1, %mul3A_467 : i32
      %mul3A_469 = arith.constant 40 : i32
      %mul3A_470 = arith.muli %while3A_466, %mul3A_469 : i32
      %add3A_471 = arith.addi %mul3A_468, %mul3A_470 : i32
      "tpu.region"() ({
        %run_scoped3A = tpu.sem_alloc : memref<!tpu.dma_semaphore, #tpu.memory_space<semaphore_mem>>
        %dma_start3A_481 = arith.constant 0 : i32
        %dma_start3A_482 = tpu.memref_slice %arg8[%add3A_471, %dma_start3A_481] : memref<10064x128xf32, #tpu.memory_space<vmem_shared>> -> memref<40x128xf32, #tpu.memory_space<vmem_shared>>
        %dma_start3A_483 = arith.constant 0 : i32
        %dma_start3A_484 = tpu.memref_slice %arg8[%add3A_471, %dma_start3A_483] : memref<10064x128xf32, #tpu.memory_space<vmem_shared>> -> memref<40x128xf32, #tpu.memory_space<vmem_shared>>
        tpu.enqueue_dma source(%dma_start3A_484 : memref<40x128xf32, #tpu.memory_space<vmem_shared>>) target(%arg17 : memref<40x128xf32, #tpu.memory_space<vmem>>) target_semaphore(%run_scoped3A : memref<!tpu.dma_semaphore, #tpu.memory_space<semaphore_mem>>)
        %dma_wait3A_485 = arith.constant 0 : i32
        %dma_wait3A_486 = tpu.memref_slice %arg8[%add3A_471, %dma_wait3A_485] : memref<10064x128xf32, #tpu.memory_space<vmem_shared>> -> memref<40x128xf32, #tpu.memory_space<vmem_shared>>
        %dma_wait3A_487 = arith.constant 0 : i32
        %dma_wait3A_488 = tpu.memref_slice %arg8[%add3A_471, %dma_wait3A_487] : memref<10064x128xf32, #tpu.memory_space<vmem_shared>> -> memref<40x128xf32, #tpu.memory_space<vmem_shared>>
        tpu.wait_dma2 semaphore(%run_scoped3A : memref<!tpu.dma_semaphore, #tpu.memory_space<semaphore_mem>>) src(%dma_wait3A_488 : memref<40x128xf32, #tpu.memory_space<vmem_shared>>) dst(%arg17 : memref<40x128xf32, #tpu.memory_space<vmem>>)
        tpu.yield
      }) : () -> ()
      %scan3A_472 = arith.constant 0 : i32
      %scan3A_473 = arith.constant 0 : i32
      %scan3A_474 = arith.constant 40 : i32
      %scan3A_475 = arith.addi %scan3A_473, %scan3A_474 : i32
      %scan3A_476 = arith.constant 1 : i32
      scf.for %scan3A_481 = %scan3A_473 to %scan3A_475 step %scan3A_476  : i32 {
        %get3A_482 = arith.index_cast %scan3A_481 : i32 to index
        %get3A_483 = arith.constant 0 : index
        %get3A_484 = tpu.vector_load %arg17[%get3A_482, %get3A_483] {strides = array<i32>} : memref<40x128xf32, #tpu.memory_space<vmem>>, vector<16xf32>,
        %max3A = arith.constant 0.000000e+00 : f32
        %max3A_485 = vector.broadcast %max3A : f32 to vector<16xf32>
        %max3A_486 = arith.maximumf %get3A_484, %max3A_485 : vector<16xf32>
        %swap3A_487 = arith.index_cast %scan3A_481 : i32 to index
        %swap3A_488 = arith.constant 0 : index
        %swap3A_489 = tpu.vector_load %arg17[%swap3A_487, %swap3A_488] {strides = array<i32>} : memref<40x128xf32, #tpu.memory_space<vmem>>, vector<16xf32>,
        tpu.vector_store %arg17[%swap3A_487, %swap3A_488], %max3A_486 {strides = array<i32>} : memref<40x128xf32, #tpu.memory_space<vmem>>, vector<16xf32>,
        %get3A_490 = arith.index_cast %scan3A_481 : i32 to index
        %get3A_491 = arith.constant 16 : index
        %get3A_492 = tpu.vector_load %arg17[%get3A_490, %get3A_491] {strides = array<i32>} : memref<40x128xf32, #tpu.memory_space<vmem>>, vector<16xf32>,
        %max3A_493 = arith.constant 0.000000e+00 : f32
        %max3A_494 = vector.broadcast %max3A_493 : f32 to vector<16xf32>
        %max3A_495 = arith.maximumf %get3A_492, %max3A_494 : vector<16xf32>
        %swap3A_496 = arith.index_cast %scan3A_481 : i32 to index
        %swap3A_497 = arith.constant 16 : index
        %swap3A_498 = tpu.vector_load %arg17[%swap3A_496, %swap3A_497] {strides = array<i32>} : memref<40x128xf32, #tpu.memory_space<vmem>>, vector<16xf32>,
        tpu.vector_store %arg17[%swap3A_496, %swap3A_497], %max3A_495 {strides = array<i32>} : memref<40x128xf32, #tpu.memory_space<vmem>>, vector<16xf32>,
        %get3A_499 = arith.index_cast %scan3A_481 : i32 to index
        %get3A_500 = arith.constant 32 : index
        %get3A_501 = tpu.vector_load %arg17[%get3A_499, %get3A_500] {strides = array<i32>} : memref<40x128xf32, #tpu.memory_space<vmem>>, vector<16xf32>,
        %max3A_502 = arith.constant 0.000000e+00 : f32
        %max3A_503 = vector.broadcast %max3A_502 : f32 to vector<16xf32>
        %max3A_504 = arith.maximumf %get3A_501, %max3A_503 : vector<16xf32>
        %swap3A_505 = arith.index_cast %scan3A_481 : i32 to index
        %swap3A_506 = arith.constant 32 : index
        %swap3A_507 = tpu.vector_load %arg17[%swap3A_505, %swap3A_506] {strides = array<i32>} : memref<40x128xf32, #tpu.memory_space<vmem>>, vector<16xf32>,
        tpu.vector_store %arg17[%swap3A_505, %swap3A_506], %max3A_504 {strides = array<i32>} : memref<40x128xf32, #tpu.memory_space<vmem>>, vector<16xf32>,
        %get3A_508 = arith.index_cast %scan3A_481 : i32 to index
        %get3A_509 = arith.constant 48 : index
        %get3A_510 = tpu.vector_load %arg17[%get3A_508, %get3A_509] {strides = array<i32>} : memref<40x128xf32, #tpu.memory_space<vmem>>, vector<16xf32>,
        %max3A_511 = arith.constant 0.000000e+00 : f32
        %max3A_512 = vector.broadcast %max3A_511 : f32 to vector<16xf32>
        %max3A_513 = arith.maximumf %get3A_510, %max3A_512 : vector<16xf32>
        %swap3A_514 = arith.index_cast %scan3A_481 : i32 to index
        %swap3A_515 = arith.constant 48 : index
        %swap3A_516 = tpu.vector_load %arg17[%swap3A_514, %swap3A_515] {strides = array<i32>} : memref<40x128xf32, #tpu.memory_space<vmem>>, vector<16xf32>,
        tpu.vector_store %arg17[%swap3A_514, %swap3A_515], %max3A_513 {strides = array<i32>} : memref<40x128xf32, #tpu.memory_space<vmem>>, vector<16xf32>,
        %get3A_517 = arith.index_cast %scan3A_481 : i32 to index
        %get3A_518 = arith.constant 64 : index
        %get3A_519 = tpu.vector_load %arg17[%get3A_517, %get3A_518] {strides = array<i32>} : memref<40x128xf32, #tpu.memory_space<vmem>>, vector<16xf32>,
        %max3A_520 = arith.constant 0.000000e+00 : f32
        %max3A_521 = vector.broadcast %max3A_520 : f32 to vector<16xf32>
        %max3A_522 = arith.maximumf %get3A_519, %max3A_521 : vector<16xf32>
        %swap3A_523 = arith.index_cast %scan3A_481 : i32 to index
        %swap3A_524 = arith.constant 64 : index
        %swap3A_525 = tpu.vector_load %arg17[%swap3A_523, %swap3A_524] {strides = array<i32>} : memref<40x128xf32, #tpu.memory_space<vmem>>, vector<16xf32>,
        tpu.vector_store %arg17[%swap3A_523, %swap3A_524], %max3A_522 {strides = array<i32>} : memref<40x128xf32, #tpu.memory_space<vmem>>, vector<16xf32>,
        %get3A_526 = arith.index_cast %scan3A_481 : i32 to index
        %get3A_527 = arith.constant 80 : index
        %get3A_528 = tpu.vector_load %arg17[%get3A_526, %get3A_527] {strides = array<i32>} : memref<40x128xf32, #tpu.memory_space<vmem>>, vector<16xf32>,
        %max3A_529 = arith.constant 0.000000e+00 : f32
        %max3A_530 = vector.broadcast %max3A_529 : f32 to vector<16xf32>
        %max3A_531 = arith.maximumf %get3A_528, %max3A_530 : vector<16xf32>
        %swap3A_532 = arith.index_cast %scan3A_481 : i32 to index
        %swap3A_533 = arith.constant 80 : index
        %swap3A_534 = tpu.vector_load %arg17[%swap3A_532, %swap3A_533] {strides = array<i32>} : memref<40x128xf32, #tpu.memory_space<vmem>>, vector<16xf32>,
        tpu.vector_store %arg17[%swap3A_532, %swap3A_533], %max3A_531 {strides = array<i32>} : memref<40x128xf32, #tpu.memory_space<vmem>>, vector<16xf32>,
        %get3A_535 = arith.index_cast %scan3A_481 : i32 to index
        %get3A_536 = arith.constant 96 : index
        %get3A_537 = tpu.vector_load %arg17[%get3A_535, %get3A_536] {strides = array<i32>} : memref<40x128xf32, #tpu.memory_space<vmem>>, vector<16xf32>,
        %max3A_538 = arith.constant 0.000000e+00 : f32
        %max3A_539 = vector.broadcast %max3A_538 : f32 to vector<16xf32>
        %max3A_540 = arith.maximumf %get3A_537, %max3A_539 : vector<16xf32>
        %swap3A_541 = arith.index_cast %scan3A_481 : i32 to index
        %swap3A_542 = arith.constant 96 : index
        %swap3A_543 = tpu.vector_load %arg17[%swap3A_541, %swap3A_542] {strides = array<i32>} : memref<40x128xf32, #tpu.memory_space<vmem>>, vector<16xf32>,
        tpu.vector_store %arg17[%swap3A_541, %swap3A_542], %max3A_540 {strides = array<i32>} : memref<40x128xf32, #tpu.memory_space<vmem>>, vector<16xf32>,
        %get3A_544 = arith.index_cast %scan3A_481 : i32 to index
        %get3A_545 = arith.constant 112 : index
        %get3A_546 = tpu.vector_load %arg17[%get3A_544, %get3A_545] {strides = array<i32>} : memref<40x128xf32, #tpu.memory_space<vmem>>, vector<16xf32>,
        %max3A_547 = arith.constant 0.000000e+00 : f32
        %max3A_548 = vector.broadcast %max3A_547 : f32 to vector<16xf32>
        %max3A_549 = arith.maximumf %get3A_546, %max3A_548 : vector<16xf32>
        %swap3A_550 = arith.index_cast %scan3A_481 : i32 to index
        %swap3A_551 = arith.constant 112 : index
        %swap3A_552 = tpu.vector_load %arg17[%swap3A_550, %swap3A_551] {strides = array<i32>} : memref<40x128xf32, #tpu.memory_space<vmem>>, vector<16xf32>,
        tpu.vector_store %arg17[%swap3A_550, %swap3A_551], %max3A_549 {strides = array<i32>} : memref<40x128xf32, #tpu.memory_space<vmem>>, vector<16xf32>,
      }
      %scan3A_477 = arith.constant 40 : i32
      %mul3A_478 = arith.constant 10000 : i32
      %mul3A_479 = arith.muli %arg0, %mul3A_478 : i32
      %add3A_480 = arith.addi %mul3A_479, %add3A_471 : i32
      "tpu.region"() ({
        %run_scoped3A = tpu.sem_alloc : memref<!tpu.dma_semaphore, #tpu.memory_space<semaphore_mem>>
        %dma_start3A_481 = arith.constant 0 : i32
        %dma_start3A_482 = tpu.memref_slice %arg7[%add3A_480, %dma_start3A_481] : memref<20000x128xf32, #tpu.memory_space<hbm>> -> memref<40x128xf32, #tpu.memory_space<hbm>>
        %dma_start3A_483 = arith.constant 0 : i32
        %dma_start3A_484 = tpu.memref_slice %arg7[%add3A_480, %dma_start3A_483] : memref<20000x128xf32, #tpu.memory_space<hbm>> -> memref<40x128xf32, #tpu.memory_space<hbm>>
        tpu.enqueue_dma source(%arg17 : memref<40x128xf32, #tpu.memory_space<vmem>>) target(%dma_start3A_484 : memref<40x128xf32, #tpu.memory_space<hbm>>) target_semaphore(%run_scoped3A : memref<!tpu.dma_semaphore, #tpu.memory_space<semaphore_mem>>)
        %dma_wait3A_485 = arith.constant 0 : i32
        %dma_wait3A_486 = tpu.memref_slice %arg7[%add3A_480, %dma_wait3A_485] : memref<20000x128xf32, #tpu.memory_space<hbm>> -> memref<40x128xf32, #tpu.memory_space<hbm>>
        %dma_wait3A_487 = arith.constant 0 : i32
        %dma_wait3A_488 = tpu.memref_slice %arg7[%add3A_480, %dma_wait3A_487] : memref<20000x128xf32, #tpu.memory_space<hbm>> -> memref<40x128xf32, #tpu.memory_space<hbm>>
        tpu.wait_dma2 semaphore(%run_scoped3A : memref<!tpu.dma_semaphore, #tpu.memory_space<semaphore_mem>>) src(%arg17 : memref<40x128xf32, #tpu.memory_space<vmem>>) dst(%dma_wait3A_488 : memref<40x128xf32, #tpu.memory_space<hbm>>)
        tpu.yield
      }) : () -> ()
    }
    %while3A_465 = arith.constant 1 : i32
    scf.for %while3A_466 = %while3A_463 to %while3A_459 step %while3A_465  : i32 {
      %mul3A_467 = arith.constant 640 : i32
      %mul3A_468 = arith.muli %arg1, %mul3A_467 : i32
      %mul3A_469 = arith.constant 40 : i32
      %mul3A_470 = arith.muli %while3A_466, %mul3A_469 : i32
      %add3A_471 = arith.addi %mul3A_468, %mul3A_470 : i32
      "tpu.region"() ({
        %run_scoped3A = tpu.sem_alloc : memref<!tpu.dma_semaphore, #tpu.memory_space<semaphore_mem>>
        %dma_start3A_481 = arith.constant 0 : i32
        %dma_start3A_482 = tpu.memref_slice %arg8[%add3A_471, %dma_start3A_481] : memref<10064x128xf32, #tpu.memory_space<vmem_shared>> -> memref<40x128xf32, #tpu.memory_space<vmem_shared>>
        %dma_start3A_483 = arith.constant 0 : i32
        %dma_start3A_484 = tpu.memref_slice %arg8[%add3A_471, %dma_start3A_483] : memref<10064x128xf32, #tpu.memory_space<vmem_shared>> -> memref<40x128xf32, #tpu.memory_space<vmem_shared>>
        tpu.enqueue_dma source(%dma_start3A_484 : memref<40x128xf32, #tpu.memory_space<vmem_shared>>) target(%arg17 : memref<40x128xf32, #tpu.memory_space<vmem>>) target_semaphore(%run_scoped3A : memref<!tpu.dma_semaphore, #tpu.memory_space<semaphore_mem>>)
        %dma_wait3A_485 = arith.constant 0 : i32
        %dma_wait3A_486 = tpu.memref_slice %arg8[%add3A_471, %dma_wait3A_485] : memref<10064x128xf32, #tpu.memory_space<vmem_shared>> -> memref<40x128xf32, #tpu.memory_space<vmem_shared>>
        %dma_wait3A_487 = arith.constant 0 : i32
        %dma_wait3A_488 = tpu.memref_slice %arg8[%add3A_471, %dma_wait3A_487] : memref<10064x128xf32, #tpu.memory_space<vmem_shared>> -> memref<40x128xf32, #tpu.memory_space<vmem_shared>>
        tpu.wait_dma2 semaphore(%run_scoped3A : memref<!tpu.dma_semaphore, #tpu.memory_space<semaphore_mem>>) src(%dma_wait3A_488 : memref<40x128xf32, #tpu.memory_space<vmem_shared>>) dst(%arg17 : memref<40x128xf32, #tpu.memory_space<vmem>>)
        tpu.yield
      }) : () -> ()
      %scan3A_472 = arith.constant 0 : i32
      %scan3A_473 = arith.constant 0 : i32
      %scan3A_474 = arith.constant 40 : i32
      %scan3A_475 = arith.addi %scan3A_473, %scan3A_474 : i32
      %scan3A_476 = arith.constant 1 : i32
      scf.for %scan3A_481 = %scan3A_473 to %scan3A_475 step %scan3A_476  : i32 {
        %get3A_482 = arith.index_cast %scan3A_481 : i32 to index
        %get3A_483 = arith.constant 0 : index
        %get3A_484 = tpu.vector_load %arg17[%get3A_482, %get3A_483] {strides = array<i32>} : memref<40x128xf32, #tpu.memory_space<vmem>>, vector<16xf32>,
        %max3A = arith.constant 0.000000e+00 : f32
        %max3A_485 = vector.broadcast %max3A : f32 to vector<16xf32>
        %max3A_486 = arith.maximumf %get3A_484, %max3A_485 : vector<16xf32>
        %swap3A_487 = arith.index_cast %scan3A_481 : i32 to index
        %swap3A_488 = arith.constant 0 : index
        %swap3A_489 = tpu.vector_load %arg17[%swap3A_487, %swap3A_488] {strides = array<i32>} : memref<40x128xf32, #tpu.memory_space<vmem>>, vector<16xf32>,
        tpu.vector_store %arg17[%swap3A_487, %swap3A_488], %max3A_486 {strides = array<i32>} : memref<40x128xf32, #tpu.memory_space<vmem>>, vector<16xf32>,
        %get3A_490 = arith.index_cast %scan3A_481 : i32 to index
        %get3A_491 = arith.constant 16 : index
        %get3A_492 = tpu.vector_load %arg17[%get3A_490, %get3A_491] {strides = array<i32>} : memref<40x128xf32, #tpu.memory_space<vmem>>, vector<16xf32>,
        %max3A_493 = arith.constant 0.000000e+00 : f32
        %max3A_494 = vector.broadcast %max3A_493 : f32 to vector<16xf32>
        %max3A_495 = arith.maximumf %get3A_492, %max3A_494 : vector<16xf32>
        %swap3A_496 = arith.index_cast %scan3A_481 : i32 to index
        %swap3A_497 = arith.constant 16 : index
        %swap3A_498 = tpu.vector_load %arg17[%swap3A_496, %swap3A_497] {strides = array<i32>} : memref<40x128xf32, #tpu.memory_space<vmem>>, vector<16xf32>,
        tpu.vector_store %arg17[%swap3A_496, %swap3A_497], %max3A_495 {strides = array<i32>} : memref<40x128xf32, #tpu.memory_space<vmem>>, vector<16xf32>,
        %get3A_499 = arith.index_cast %scan3A_481 : i32 to index
        %get3A_500 = arith.constant 32 : index
        %get3A_501 = tpu.vector_load %arg17[%get3A_499, %get3A_500] {strides = array<i32>} : memref<40x128xf32, #tpu.memory_space<vmem>>, vector<16xf32>,
        %max3A_502 = arith.constant 0.000000e+00 : f32
        %max3A_503 = vector.broadcast %max3A_502 : f32 to vector<16xf32>
        %max3A_504 = arith.maximumf %get3A_501, %max3A_503 : vector<16xf32>
        %swap3A_505 = arith.index_cast %scan3A_481 : i32 to index
        %swap3A_506 = arith.constant 32 : index
        %swap3A_507 = tpu.vector_load %arg17[%swap3A_505, %swap3A_506] {strides = array<i32>} : memref<40x128xf32, #tpu.memory_space<vmem>>, vector<16xf32>,
        tpu.vector_store %arg17[%swap3A_505, %swap3A_506], %max3A_504 {strides = array<i32>} : memref<40x128xf32, #tpu.memory_space<vmem>>, vector<16xf32>,
        %get3A_508 = arith.index_cast %scan3A_481 : i32 to index
        %get3A_509 = arith.constant 48 : index
        %get3A_510 = tpu.vector_load %arg17[%get3A_508, %get3A_509] {strides = array<i32>} : memref<40x128xf32, #tpu.memory_space<vmem>>, vector<16xf32>,
        %max3A_511 = arith.constant 0.000000e+00 : f32
        %max3A_512 = vector.broadcast %max3A_511 : f32 to vector<16xf32>
        %max3A_513 = arith.maximumf %get3A_510, %max3A_512 : vector<16xf32>
        %swap3A_514 = arith.index_cast %scan3A_481 : i32 to index
        %swap3A_515 = arith.constant 48 : index
        %swap3A_516 = tpu.vector_load %arg17[%swap3A_514, %swap3A_515] {strides = array<i32>} : memref<40x128xf32, #tpu.memory_space<vmem>>, vector<16xf32>,
        tpu.vector_store %arg17[%swap3A_514, %swap3A_515], %max3A_513 {strides = array<i32>} : memref<40x128xf32, #tpu.memory_space<vmem>>, vector<16xf32>,
        %get3A_517 = arith.index_cast %scan3A_481 : i32 to index
        %get3A_518 = arith.constant 64 : index
        %get3A_519 = tpu.vector_load %arg17[%get3A_517, %get3A_518] {strides = array<i32>} : memref<40x128xf32, #tpu.memory_space<vmem>>, vector<16xf32>,
        %max3A_520 = arith.constant 0.000000e+00 : f32
        %max3A_521 = vector.broadcast %max3A_520 : f32 to vector<16xf32>
        %max3A_522 = arith.maximumf %get3A_519, %max3A_521 : vector<16xf32>
        %swap3A_523 = arith.index_cast %scan3A_481 : i32 to index
        %swap3A_524 = arith.constant 64 : index
        %swap3A_525 = tpu.vector_load %arg17[%swap3A_523, %swap3A_524] {strides = array<i32>} : memref<40x128xf32, #tpu.memory_space<vmem>>, vector<16xf32>,
        tpu.vector_store %arg17[%swap3A_523, %swap3A_524], %max3A_522 {strides = array<i32>} : memref<40x128xf32, #tpu.memory_space<vmem>>, vector<16xf32>,
        %get3A_526 = arith.index_cast %scan3A_481 : i32 to index
        %get3A_527 = arith.constant 80 : index
        %get3A_528 = tpu.vector_load %arg17[%get3A_526, %get3A_527] {strides = array<i32>} : memref<40x128xf32, #tpu.memory_space<vmem>>, vector<16xf32>,
        %max3A_529 = arith.constant 0.000000e+00 : f32
        %max3A_530 = vector.broadcast %max3A_529 : f32 to vector<16xf32>
        %max3A_531 = arith.maximumf %get3A_528, %max3A_530 : vector<16xf32>
        %swap3A_532 = arith.index_cast %scan3A_481 : i32 to index
        %swap3A_533 = arith.constant 80 : index
        %swap3A_534 = tpu.vector_load %arg17[%swap3A_532, %swap3A_533] {strides = array<i32>} : memref<40x128xf32, #tpu.memory_space<vmem>>, vector<16xf32>,
        tpu.vector_store %arg17[%swap3A_532, %swap3A_533], %max3A_531 {strides = array<i32>} : memref<40x128xf32, #tpu.memory_space<vmem>>, vector<16xf32>,
        %get3A_535 = arith.index_cast %scan3A_481 : i32 to index
        %get3A_536 = arith.constant 96 : index
        %get3A_537 = tpu.vector_load %arg17[%get3A_535, %get3A_536] {strides = array<i32>} : memref<40x128xf32, #tpu.memory_space<vmem>>, vector<16xf32>,
        %max3A_538 = arith.constant 0.000000e+00 : f32
        %max3A_539 = vector.broadcast %max3A_538 : f32 to vector<16xf32>
        %max3A_540 = arith.maximumf %get3A_537, %max3A_539 : vector<16xf32>
        %swap3A_541 = arith.index_cast %scan3A_481 : i32 to index
        %swap3A_542 = arith.constant 96 : index
        %swap3A_543 = tpu.vector_load %arg17[%swap3A_541, %swap3A_542] {strides = array<i32>} : memref<40x128xf32, #tpu.memory_space<vmem>>, vector<16xf32>,
        tpu.vector_store %arg17[%swap3A_541, %swap3A_542], %max3A_540 {strides = array<i32>} : memref<40x128xf32, #tpu.memory_space<vmem>>, vector<16xf32>,
        %get3A_544 = arith.index_cast %scan3A_481 : i32 to index
        %get3A_545 = arith.constant 112 : index
        %get3A_546 = tpu.vector_load %arg17[%get3A_544, %get3A_545] {strides = array<i32>} : memref<40x128xf32, #tpu.memory_space<vmem>>, vector<16xf32>,
        %max3A_547 = arith.constant 0.000000e+00 : f32
        %max3A_548 = vector.broadcast %max3A_547 : f32 to vector<16xf32>
        %max3A_549 = arith.maximumf %get3A_546, %max3A_548 : vector<16xf32>
        %swap3A_550 = arith.index_cast %scan3A_481 : i32 to index
        %swap3A_551 = arith.constant 112 : index
        %swap3A_552 = tpu.vector_load %arg17[%swap3A_550, %swap3A_551] {strides = array<i32>} : memref<40x128xf32, #tpu.memory_space<vmem>>, vector<16xf32>,
        tpu.vector_store %arg17[%swap3A_550, %swap3A_551], %max3A_549 {strides = array<i32>} : memref<40x128xf32, #tpu.memory_space<vmem>>, vector<16xf32>,
      }
      %scan3A_477 = arith.constant 40 : i32
      %mul3A_478 = arith.constant 10000 : i32
      %mul3A_479 = arith.muli %arg0, %mul3A_478 : i32
      %add3A_480 = arith.addi %mul3A_479, %add3A_471 : i32
      "tpu.region"() ({
        %run_scoped3A = tpu.sem_alloc : memref<!tpu.dma_semaphore, #tpu.memory_space<semaphore_mem>>
        %dma_start3A_481 = arith.constant 0 : i32
        %dma_start3A_482 = tpu.memref_slice %arg7[%add3A_480, %dma_start3A_481] : memref<20000x128xf32, #tpu.memory_space<hbm>> -> memref<40x128xf32, #tpu.memory_space<hbm>>
        %dma_start3A_483 = arith.constant 0 : i32
        %dma_start3A_484 = tpu.memref_slice %arg7[%add3A_480, %dma_start3A_483] : memref<20000x128xf32, #tpu.memory_space<hbm>> -> memref<40x128xf32, #tpu.memory_space<hbm>>
        tpu.enqueue_dma source(%arg17 : memref<40x128xf32, #tpu.memory_space<vmem>>) target(%dma_start3A_484 : memref<40x128xf32, #tpu.memory_space<hbm>>) target_semaphore(%run_scoped3A : memref<!tpu.dma_semaphore, #tpu.memory_space<semaphore_mem>>)
        %dma_wait3A_485 = arith.constant 0 : i32
        %dma_wait3A_486 = tpu.memref_slice %arg7[%add3A_480, %dma_wait3A_485] : memref<20000x128xf32, #tpu.memory_space<hbm>> -> memref<40x128xf32, #tpu.memory_space<hbm>>
        %dma_wait3A_487 = arith.constant 0 : i32
        %dma_wait3A_488 = tpu.memref_slice %arg7[%add3A_480, %dma_wait3A_487] : memref<20000x128xf32, #tpu.memory_space<hbm>> -> memref<40x128xf32, #tpu.memory_space<hbm>>
        tpu.wait_dma2 semaphore(%run_scoped3A : memref<!tpu.dma_semaphore, #tpu.memory_space<semaphore_mem>>) src(%arg17 : memref<40x128xf32, #tpu.memory_space<vmem>>) dst(%dma_wait3A_488 : memref<40x128xf32, #tpu.memory_space<hbm>>)
        tpu.yield
      }) : () -> ()
    }
    return
  }
}

module attributes {stable_mosaic.version = 14 : i64} {
  func.func @_mm_body(%arg0: i32, %arg1: i32, %arg2: i32, %arg3: memref<2000x256xf32, #tpu.memory_space<vmem>>, %arg4: memref<1x256x128xf32, #tpu.memory_space<vmem>>, %arg5: memref<2000x128xf32, #tpu.memory_space<vmem>>) attributes {dimension_semantics = [#tpu.dimension_semantics<arbitrary>, #tpu.dimension_semantics<arbitrary>, #tpu.dimension_semantics<arbitrary>], iteration_bounds = array<i64: 5, 25, 2>, scalar_prefetch = 0 : i64, scratch_operands = 0 : i64, tpu.core_type = #tpu.core_type<tc>, window_params = [{transform_indices = @transform_0, window_bounds = array<i64: 2000, 256>}, {transform_indices = @transform_1, window_bounds = array<i64: 1, 256, 128>}, {transform_indices = @transform_2, window_bounds = array<i64: 2000, 128>}]} {
    %get3A = arith.constant 0 : index
    %get3A_0 = arith.constant 0 : index
    %get3A_1 = vector.load %arg3[%get3A, %get3A_0] : memref<2000x256xf32, #tpu.memory_space<vmem>>, vector<2000x256xf32>
    %get3A_2 = arith.constant 0 : index
    %get3A_3 = arith.constant 0 : index
    %get3A_4 = arith.constant 0 : index
    %get3A_5 = vector.load %arg4[%get3A_2, %get3A_3, %get3A_4] : memref<1x256x128xf32, #tpu.memory_space<vmem>>, vector<1x256x128xf32>
    %get3A_6 = vector.shape_cast %get3A_5 : vector<1x256x128xf32> to vector<256x128xf32>
    %dot_general3A = arith.constant dense<0.000000e+00> : vector<2000x128xf32>
    %dot_general3A_7 = tpu.matmul %get3A_1, %get3A_6, %dot_general3A {dimension_numbers = #tpu.dot_dimension_numbers<[1], [0], [0], [1], [0, 0, 1, 1], [], []>, transpose_lhs_hint = false} : vector<2000x256xf32>, vector<256x128xf32>, vector<2000x128xf32> -> vector<2000x128xf32>
    %swap3A = arith.constant 0 : index
    %swap3A_8 = arith.constant 0 : index
    %swap3A_9 = vector.load %arg5[%swap3A, %swap3A_8] : memref<2000x128xf32, #tpu.memory_space<vmem>>, vector<2000x128xf32>
    tpu.vector_store %arg5[%swap3A, %swap3A_8], %dot_general3A_7 {strides = array<i32>} : memref<2000x128xf32, #tpu.memory_space<vmem>>, vector<2000x128xf32>,
    return
  }
  func.func @transform_0(%arg0: i32, %arg1: i32, %arg2: i32) -> (i32, i32) {
    %c0_i32 = arith.constant 0 : i32
    %c0_i32_0 = arith.constant 0 : i32
    return %arg0, %c0_i32 : i32, i32
  }
  func.func @transform_1(%arg0: i32, %arg1: i32, %arg2: i32) -> (i32, i32, i32) {
    %c0_i32 = arith.constant 0 : i32
    %c0_i32_0 = arith.constant 0 : i32
    return %arg1, %c0_i32, %arg2 : i32, i32, i32
  }
  func.func @transform_2(%arg0: i32, %arg1: i32, %arg2: i32) -> (i32, i32) {
    %mul3A = arith.constant 25 : i32
    %mul3A_0 = arith.muli %arg2, %mul3A : i32
    %mul3A_1 = arith.constant 5 : i32
    %mul3A_2 = arith.muli %mul3A_0, %mul3A_1 : i32
    %mul3A_3 = arith.constant 5 : i32
    %mul3A_4 = arith.muli %arg1, %mul3A_3 : i32
    %add3A = arith.addi %mul3A_2, %mul3A_4 : i32
    %add3A_5 = arith.addi %add3A, %arg0 : i32
    %c0_i32 = arith.constant 0 : i32
    %c0_i32_6 = arith.constant 0 : i32
    return %add3A_5, %c0_i32 : i32, i32
  }
}

</mosaic_0001>

<sc_bundles>
// kernel: kernel.12.cloned.1.call-start
scs
__scs_entry_jumppad:
0x0: {  	(pc) =	sbr.rel $0x88, $3  }
0x1: {  	(tag) =	ssettag $0x0;
	lr =	simm.s32 $0x1  }
0x2: {  	[smem:$0x3F9B] =	sst lr;
	_ =	strace $0xD0000000  }
0x3: {  	_ = 	snop  }
0x4: {  	_ = 	snop  }
0x5: {  	_ = 	snop  }
0x6: {  	_ = 	snop  }
0x7: {  	_ = 	snop  }
__scs_overlays_trampoline_lowered:
0x8: {  	[smem:$0x3FAA] =	sst s0  }
0x9: {  	[smem:$0x3FAB] =	sst s1  }
0xa: {  	[smem:$0x3FAC] =	sst s2  }
0xb: {  	[smem:$0x3FAD] =	sst s3  }
0xc: {  	[smem:$0x3FAE] =	sst s4  }
0xd: {  	[smem:$0x3FAF] =	sst s5  }
0xe: {  	[smem:$0x3FB0] =	sst s6  }
0xf: {  	[smem:$0x3FB1] =	sst s7  }
0x10: {  	[smem:$0x3FB2] =	sst s8  }
0x11: {  	[smem:$0x3FB3] =	sst s9;
	s0 =	simm.s32 @!p0 $0x0  }
0x12: {  	s1 =	sld [smem:$0x3F99];
	s0 =	simm.s32 @p0 $0x1  }
0x13: {  	[smem:$0x3FB4] =	sst s0;
	s0 =	simm.s32 @!p1 $0x0  }
0x14: {  	s2 =	sld [smem:$0x3F98];
	s0 =	simm.s32 @p1 $0x1  }
0x15: {  	[smem:$0x3FB5] =	sst s0;
	s0 =	simm.s32 @!p2 $0x0  }
0x16: {  	s3 =	sld [smem:$0x3FDB];
	s0 =	simm.s32 @p2 $0x1  }
0x17: {  	s4 =	simm.s32 $0x1BF5;
	[smem:$0x3FB7] =	sst s0  }
0x18: {  	s0 =	sld [smem:$0x3F9A];
	_ =	swait.ge [sflag:s4], $0x0  }
0x19: {  	s7 =	sld [smem:$0x3F9B]  }
0x1a: {  	s8 =	sadd.s32 $0xFFFFE003, lr  }
0x1b: {  	s9 =	sadd.s32 $0xFFFFFEF7, lr;
	s5 =	simm.s32 $0xFFFFFFFF;
	p2 =	slt.u32 s8, $0xFFFFF086  }
0x1c: {  	p1 =	slt.u32 s9, $0xF7A;
	s5 =	simm.s32 @!p2 $0x0  }
0x1d: {  	s5 =	simm.s32 @p1 $0x1;
	p0 =	seq.s32 s7, s2  }
0x1e: {  	s7 =	smul.u32 @!p0 $0xF7A, s2;
	p2 =	seq.s32 @!p0 s5, $0x0  }
0x1f: {  	s9 =	smul.u32 $0xF7A, s1;
	s8 =	simm.s32 @!p0 $0x1BF5;
	p2 =	por !p2, p0  }
0x20: {  	[sflag:s8] =	ssyncset.s32 @!p0 $0xFFFFF086;
	s6 =	sadd.s32 @!p0 s3, s7;
	s7 =	simm.s32 @!p0 $0x108  }
0x21: {  	s3 =	sadd.s32 s3, s9;
	s6 =	sadd.s32 @!p0 $0x88, s6;
	s7 =	simm.s32 @p2 $0x1082  }
0x22: {  	[simem:s7], [sflag:s8] =	dma.local @!p0 [hbm:s6], $0xF7A  }
0x23: {  	s9 =	sor.u32 $0xD0000000, s2;
	s6 =	simm.s32 $0x108;
	_ =	swait.ge @!p0 [sflag:s8], $0x0  }
0x24: {  	s3 =	sadd.s32 $0x88, s3;
	s6 =	simm.s32 @!p1 $0x1082;
	[sflag:s4] =	ssyncset.s32 $0xFFFFF086  }
0x25: {  	[simem:s6], [sflag:s4] =	dma.local [hbm:s3], $0xF7A  }
0x26: {  	[smem:$0x3F9B] =	sst s1;
	(tag) =	ssettag s2;
	_ =	strace s9  }
0x27: {  	s1 =	sld [smem:$0x3FAB]  }
0x28: {  	s2 =	sld [smem:$0x3FAC]  }
0x29: {  	s4 =	sld [smem:$0x3FAE]  }
0x2a: {  	p0 =	seq.s32 s5, $0x0;
	s5 =	sld [smem:$0x3FAF]  }
0x2b: {  	s6 =	sld [smem:$0x3FB0]  }
0x2c: {  	s7 =	sld [smem:$0x3FB1]  }
0x2d: {  	s3 =	simm.s32 $0x108;
	s8 =	sld [smem:$0x3FB2]  }
0x2e: {  	s3 =	simm.s32 @!p0 $0x1082;
	s9 =	sld [smem:$0x3FB3]  }
0x2f: {  	lr =	sadd.s32 s0, s3;
	s0 =	sld [smem:$0x3FAA]  }
0x30: {  	s3 =	sld [smem:$0x3FAD]  }
0x31: {  	[smem:$0x3FB6] =	sst s10  }
0x32: {  	s10 =	sld [smem:$0x3FB4];
	_ =	sdelay $0x3  }
0x33: {  	p0 =	seq.s32 s10, $0x1;
	s10 =	sld [smem:$0x3FB6];
	_ =	sdelay $0x3  }
0x34: {  	[smem:$0x3FB6] =	sst s10  }
0x35: {  	s10 =	sld [smem:$0x3FB5];
	_ =	sdelay $0x3  }
0x36: {  	p1 =	seq.s32 s10, $0x1;
	s10 =	sld [smem:$0x3FB6];
	_ =	sdelay $0x3  }
0x37: {  	[smem:$0x3FB6] =	sst s10  }
0x38: {  	s10 =	sld [smem:$0x3FB7]  }
0x39: {  	_ = 	snop;
	(pc) =	sbr.ind lr, $3  }
0x3a: {  	_ = 	snop  }
0x3b: {  	_ = 	snop  }
0x3c: {  	p2 =	seq.s32 s10, $0x1;
	s10 =	sld [smem:$0x3FB6]  }
0x3d: {  	_ =	shalt  }
0x3e: {  	_ =	shalt  }
0x3f: {  	_ =	shalt  }
0x40: {  	_ =	shalt  }
0x41: {  	_ =	shalt  }
0x42: {  	_ =	shalt  }
0x43: {  	_ =	shalt  }
0x44: {  	_ =	shalt  }
0x45: {  	_ =	shalt  }
0x46: {  	_ =	shalt  }
0x47: {  	_ =	shalt  }
0x48: {  	_ =	shalt  }
0x49: {  	_ =	shalt  }
0x4a: {  	_ =	shalt  }
0x4b: {  	_ =	shalt  }
0x4c: {  	_ =	shalt  }
0x4d: {  	_ =	shalt  }
0x4e: {  	_ =	shalt  }
0x4f: {  	_ =	shalt  }
0x50: {  	_ =	shalt  }
0x51: {  	_ =	shalt  }
0x52: {  	_ =	shalt  }
0x53: {  	_ =	shalt  }
0x54: {  	_ =	shalt  }
0x55: {  	_ =	shalt  }
0x56: {  	_ =	shalt  }
0x57: {  	_ =	shalt  }
0x58: {  	_ =	shalt  }
0x59: {  	_ =	shalt  }
0x5a: {  	_ =	shalt  }
0x5b: {  	_ =	shalt  }
0x5c: {  	_ =	shalt  }
0x5d: {  	_ =	shalt  }
0x5e: {  	_ =	shalt  }
0x5f: {  	_ =	shalt  }
0x60: {  	_ =	shalt  }
0x61: {  	_ =	shalt  }
0x62: {  	_ =	shalt  }
0x63: {  	_ =	shalt  }
0x64: {  	_ =	shalt  }
0x65: {  	_ =	shalt  }
0x66: {  	_ =	shalt  }
0x67: {  	_ =	shalt  }
0x68: {  	_ =	shalt  }
0x69: {  	_ =	shalt  }
0x6a: {  	_ =	shalt  }
0x6b: {  	_ =	shalt  }
0x6c: {  	_ =	shalt  }
0x6d: {  	_ =	shalt  }
0x6e: {  	_ =	shalt  }
0x6f: {  	_ =	shalt  }
0x70: {  	_ =	shalt  }
0x71: {  	_ =	shalt  }
0x72: {  	_ =	shalt  }
0x73: {  	_ =	shalt  }
0x74: {  	_ =	shalt  }
0x75: {  	_ =	shalt  }
0x76: {  	_ =	shalt  }
0x77: {  	_ =	shalt  }
0x78: {  	_ =	shalt  }
0x79: {  	_ =	shalt  }
0x7a: {  	_ =	shalt  }
0x7b: {  	_ =	shalt  }
0x7c: {  	_ =	shalt  }
0x7d: {  	_ =	shalt  }
0x7e: {  	_ =	shalt  }
0x7f: {  	_ =	shalt  }
0x80: {  	_ =	shalt  }
0x81: {  	_ =	shalt  }
0x82: {  	_ =	shalt  }
0x83: {  	_ =	shalt  }
0x84: {  	_ =	shalt  }
0x85: {  	_ =	shalt  }
0x86: {  	_ =	shalt  }
0x87: {  	_ =	shalt  }
.Lfunc_end0:
.L_simem_size_0:
called_computation.2_lowered:
.L_overlay_start_0:
0x88: {  	s2 =	sld [smem:$0x3FD9]  }
0x89: {  	s3 =	sld [smem:$0x3FFE];
	_ =	sdelay $0x1  }
0x8a: {  	s1 =	srdreg.scid  }
0x8b: {  	s0 =	sand.u32 $0x1, s1  }
0x8c: {  	s17 =	sshll.u32 s0, $0xA;
	s2 =	sadd.s32 s3, s2  }
0x8d: {  	s2 =	sadd.s32 s2, s17  }
0x8e: {  	[smem:$0x3FC2] =	sst s2  }
0x8f: {  	_ = 	snop  }
0x90: {  	s2 =	sld [smem:$0x3FD0];
	(tm) =	ssettm $0x1  }
0x91: {  	s18 =	sld [smem:$0x3FFB];
	_ =	sdelay $0x3  }
0x92: {  	_ =	strace s18  }
0x93: {  	s3 =	sld [smem:$0x3FFC];
	_ =	sdelay $0x3  }
0x94: {  	_ =	strace s3  }
0x95: {  	s3 =	sld [smem:$0x3FFD];
	_ =	sdelay $0x3  }
0x96: {  	_ =	strace s3  }
0x97: {  	_ =	strace $0x8FFFFFFF  }
0x98: {  	s19 =	sld [smem:$0x3FDB];
	_ =	sdelay $0x1  }
0x99: {  	s4 =	simm.s32 $_scs_section_size  }
0x9a: {  	s5 =	simm.s32 $_size__tile_overlayer_lowered;
	s6 =	simm.s32 $_tile_overlayer_lowered  }
0x9b: {  	s22 =	simm.s32 $0x1BFF;
	s21 =	sshll.u32 s6, $0x1;
	s3 =	sadd.s32 s4, s19  }
0x9c: {  	s7 =	simm.s32 $0x0;
	s20 =	sshll.u32 s5, $0x1;
	s5 =	sadd.s32 s21, s3  }
0x9d: {  	[timem:s7], [sflag:s22] =	dma.local [hbm:s5], s20  }
0x9e: {  	_ =	swait.ge [sflag:s22], s20  }
0x9f: {  	s4 =	ssub.s32 $0x0, s20;
	[sflag:s22] =	ssyncset.done $0x0  }
0xa0: {  	[sflag:s22] =	ssyncadd.s32 s4;
	_ =	sdelay $0x1  }
0xa1: {  	s23 =	simm.s32 $0x1B8B  }
0xa2: {  	_ =	swait.ge [sflag:s23], $0x1  }
0xa3: {  	[sflag:s23] =	ssyncset.done $0x0  }
0xa4: {  	s25 =	simm.s32 $0x1B8E;
	s24 =	sld [smem:$0x3FFE];
	[sflag:s23] =	ssyncadd.s32 $0xFFFFFFFF  }
0xa5: {  	s26 =	simm.s32 $execute0_lowered;
	[smem:$0x3FD2] =	sst s25  }
0xa6: {  	s5 =	sshll.u32 s26, $0x1;
	_ =	strace $0x8000004C;
	[dreg:$0x1] =	wrdreg $0xFFFFFFFF  }
0xa7: {  	s28 =	simm.s32 $_size_execute0_lowered;
	s3 =	sadd.s32 s3, s5;
	[dreg:$0x0] =	wrdreg $0x0  }
0xa8: {  	s5 =	sshll.u32 s28, $0x1;
	[dreg:$0x2] =	wrdreg s3  }
0xa9: {  	[dreg:$0x3] =	wrdreg s5  }
0xaa: {  	[dreg:$0x4] =	wrdreg $0xC0  }
0xab: {  	_ =	task [dreg:s7], $0x5FFFF  }
0xac: {  	[dreg:$0x1] =	wrdreg $0xFFFFFFFF  }
0xad: {  	[dreg:$0x0] =	wrdreg $0x60  }
0xae: {  	[dreg:$0x2] =	wrdreg s24  }
0xaf: {  	[dreg:$0x3] =	wrdreg s2  }
0xb0: {  	[dreg:$0x4] =	wrdreg $0x9  }
0xb1: {  	_ =	task.clear_ibuf [dreg:s7], $0x5FFFF;
	_ =	strace $0x9000004C  }
0xb2: {  	s29 =	simm.s32 $0x9;
	_ =	strace $0x8000004E  }
0xb3: {  	_ =	swait.ge [sflag:s29], $0x1  }
0xb4: {  	[sflag:s29] =	ssyncadd.s32 $0xFFFFFFFF  }
0xb5: {  	_ =	strace $0x9000004E  }
0xb6: {  	_ =	sfence  }
0xb7: {  	s30 =	sld [smem:$0x0];
	_ =	sdelay $0x2  }
0xb8: {  	s31 =	sshll.u32 s1, $0xD;
	s1 =	sshrl.u32 s1, $0x2  }
0xb9: {  	s3 =	sand.u32 $0x4000, s31;
	s1 =	sadd.s32 s1, s30  }
0xba: {  	s0 =	sor.u32 s3, s0;
	s1 =	sshll.u32 s1, $0x11  }
0xbb: {  	s0 =	sor.u32 s1, s0  }
0xbc: {  	s0 =	sadd.s32 $0x8F2B, s0  }
0xbd: {  	[sflag:s0] =	ssyncadd.remote.s32 $0x1  }
0xbe: {  	_ =	sfence.sel $0xFFFF  }
0xbf: {  	[dreg:$0x0] =	wrdreg $0xFFFFFFFF;
	(pc) =	sbr.abs _section_cstart, $3  }
0xc0: {  	[dreg:$0x1] =	wrdreg $0xFFFFFFFF  }
0xc1: {  	_ =	task.clear_ibuf [dreg:s7], $0x2FFFF;
	_ =	strace $0x9FFFFFFF  }
0xc2: {  	(tm) =	ssettm $0x7FFFFFFF  }
0xc3: {  	_ =	shalt  }
tec
execute0_lowered:
.L_overlay_start_1:
0x0: {  	(tag) =	ssettag $0x1  }
0x1: {  	s0 =	rddreg [dreg:$0x0]  }
0x2: {  	s1 =	rddreg [dreg:$0x1];
	s2 =	simm.s32 $0x0  }
0x3: {  	s3 =	srdreg.scid;
	s6 =	stileid.u32;
	s18 =	simm.s32 $0x10500  }
0x4: {  	s19 =	simm.s32 $0x2;
	s21 =	simm.s32 $0x200;
	[smem:$0x7FF] =	sst s2  }
0x5: {  	s4 =	sadd.s32 $0x7B9600, s0;
	s3 =	sand.u32 $0x1, s3;
	s5 =	sadd.s32 $0x80BC00, s0  }
0x6: {  	s7 =	sshll.u32 s6, $0xC;
	s6 =	sadd.s32 $0x809C00, s0;
	s8 =	sshll.u32 s3, $0xB  }
0x7: {  	_ =	strace $0x8000004D;
	s3 =	ssub.s32 $0x2, s3;
	s7 =	sor.u32 s8, s7  }
0x8: {  	s8 =	sadd.s32 $0x807C00, s0;
	s0 =	sadd.s32 $0x807800, s0;
	s10 =	sshrl.u32 s7, $0x3  }
0x9: {  	s9 =	sshrl.u32 s3, $0x1;
	[dreg:$0x3] =	wrdreg s0;
	s23 =	sadd.s32 s5, s10  }
0xa: {  	s22 =	ssub.s32 s3, s9;
	s24 =	sadd.s32 s6, s10;
	[dreg:$0x4] =	wrdreg s23  }
0xb: {  	v0 =	vlaneseq.u32;
	s25 =	sadd.s32 s8, s10;
	s26 =	sor.u32 $0x8, s10;
	[dreg:$0x5] =	wrdreg s24  }
.Ltmp0:
0xc: {  	v1 =	vor.u32 $0x10, v0;
	v2 =	vor.u32 $0x20, v0;
	v3 =	vor.u32 $0x30, v0;
	s0 =	smax.u32 s22, $0x1;
	[dreg:$0x6] =	wrdreg s25;
	(pc) =	sbr.rel .LBB2_1-.Ltmp0, $4  }
0xd: {  	s31 =	simm.s32 $0x180;
	v4 =	vor.u32 $0x40, v0;
	v5 =	vor.u32 $0x50, v0;
	v6 =	vor.u32 $0x60, v0;
	s28 =	sadd.s32 s5, s26;
	[dreg:$0xa] =	wrdreg s0  }
0xe: {  	s29 =	simm.s32 $0x1;
	v7 =	vor.u32 $0x70, v0;
	v8 =	vor.u32 $0x80, v0;
	v9 =	vor.u32 $0x90, v0;
	s30 =	sadd.s32 s6, s26;
	[dreg:$0x7] =	wrdreg s28  }
0xf: {  	v10 =	vor.u32 $0xA0, v0;
	v11 =	vor.u32 $0xB0, v0;
	v12 =	vor.u32 $0xC0, v0;
	s16 =	sor.u32 $0x80, s7;
	s3 =	sadd.s32 s8, s26;
	[dreg:$0x8] =	wrdreg s30  }
0x10: {  	v13 =	vor.u32 $0xD0, v0;
	v14 =	vor.u32 $0xE0, v0;
	v15 =	vor.u32 $0xF0, v0;
	s22 =	simm.s32 $0x40;
	s0 =	simm.s32 $0x0;
	[dreg:$0x9] =	wrdreg s3  }
.LBB2_9:
0x11: {  	s0 =	sadd.s32 $0x1, s0;
	s3 =	rddreg [dreg:$0xa]  }
0x12: {  	p0 =	sne.s32 s0, s3  }
.Ltmp1:
0x13: {  	_ = 	snop;
	(pc) =	sbr.rel @!p0 .LBB2_10-.Ltmp1, $1  }
0x14: {  	_ =	sdelay $0x3  }
.LBB2_1:
0x15: {  	s3 =	rddreg [dreg:$0x3]  }
0x16: {  	[tilespmem:s18], [sflag:$0x2] =	stream.linear.gather [hbm4b:s3+s2], $0x1800, $0x38;
	[tilespmem:$0x11E00] =	vst v63  }
0x17: {  	_ =	swait.ge [sflag:s19], $0x1800  }
0x18: {  	[sflag:s19] =	ssyncset.done $0x0  }
0x19: {  	s24 =	rddreg [dreg:$0x4];
	[sflag:s19] =	ssyncadd.s32 $0xFFFFE800  }
0x1a: {  	[tilespmem:s2], [sflag:$0x2] =	stream.linear.gather [hbm4b:s24+s2], $0x40, $0x38;
	[tilespmem:$0x11E00] =	vst v63  }
0x1b: {  	_ =	swait.ge [sflag:s19], $0x40  }
0x1c: {  	[sflag:s19] =	ssyncset.done $0x0  }
0x1d: {  	s9 =	simm.s32 $0x100;
	s25 =	rddreg [dreg:$0x5];
	[sflag:s19] =	ssyncadd.s32 $0xFFFFFFC0  }
0x1e: {  	[tilespmem:s9], [sflag:$0x2] =	stream.linear.gather [hbm4b:s25+s2], $0x40, $0x38;
	[tilespmem:$0x11E00] =	vst v63  }
0x1f: {  	_ =	swait.ge [sflag:s19], $0x40  }
0x20: {  	[sflag:s19] =	ssyncset.done $0x0  }
0x21: {  	s26 =	rddreg [dreg:$0x6];
	[sflag:s19] =	ssyncadd.s32 $0xFFFFFFC0  }
0x22: {  	[tilespmem:s21], [sflag:$0x2] =	stream.linear.gather [hbm4b:s26+s2], $0x40, $0x38;
	[tilespmem:$0x11E00] =	vst v63  }
0x23: {  	_ =	swait.ge [sflag:s19], $0x40  }
0x24: {  	[sflag:s19] =	ssyncset.done $0x0  }
0x25: {  	[sflag:s19] =	ssyncadd.s32 $0xFFFFFFC0  }
0x26: {  	v16 =	vld [tilespmem:$0x0]  }
0x27: {  	v17 =	vld [tilespmem:$0x100]  }
0x28: {  	v18 =	vld [tilespmem:$0x10]  }
0x29: {  	v19 =	vld [tilespmem:$0x110]  }
0x2a: {  	v20 =	vld [tilespmem:$0x20]  }
0x2b: {  	v21 =	vld [tilespmem:$0x120];
	v16 =	vadd.s32 $0x2710, v16  }
0x2c: {  	[tilespmem:$0x300] =	vst v16;
	v16 =	vadd.s32 $0x2710, v17;
	v17 =	vld [tilespmem:$0x30]  }
0x2d: {  	v58 =	vld [tilespmem:$0x130];
	[tilespmem:$0x400] =	vst v16;
	v16 =	vadd.s32 $0x2710, v18  }
0x2e: {  	[tilespmem:$0x310] =	vst v16;
	v16 =	vadd.s32 $0x2710, v19  }
0x2f: {  	[tilespmem:$0x410] =	vst v16;
	v16 =	vadd.s32 $0x2710, v20  }
0x30: {  	[tilespmem:$0x320] =	vst v16;
	v16 =	vadd.s32 $0x2710, v21  }
0x31: {  	[tilespmem:$0x420] =	vst v16;
	v16 =	vadd.s32 $0x2710, v17  }
0x32: {  	[tilespmem:$0x330] =	vst v16;
	v16 =	vadd.s32 $0x2710, v58  }
0x33: {  	s28 =	simm.s32 $0x500;
	[tilespmem:$0x430] =	vst v16  }
0x34: {  	[tilespmem:s28], [sflag:$0x1] =	stream.indirect.gather [hbm4b:s4+s22], $0x80, s2, s22, $0xb8;
	[tilespmem:$0x11E00] =	vst v63  }
0x35: {  	s30 =	simm.s32 $0x8500  }
0x36: {  	[tilespmem:s30], [sflag:$0x1] =	stream.indirect.gather [hbm4b:s4+s22], $0x80, s9, s22, $0xb8;
	[tilespmem:$0x11E00] =	vst v63  }
0x37: {  	s10 =	simm.s32 $0x300;
	s11 =	simm.s32 $0x4500  }
0x38: {  	[tilespmem:s11], [sflag:$0x1] =	stream.indirect.gather [hbm4b:s4+s22], $0x80, s10, s22, $0xb8;
	[tilespmem:$0x11E00] =	vst v63  }
0x39: {  	s12 =	simm.s32 $0x400;
	s13 =	simm.s32 $0xC500  }
0x3a: {  	[tilespmem:s13], [sflag:$0x1] =	stream.indirect.gather [hbm4b:s4+s22], $0x80, s12, s22, $0xb8;
	[tilespmem:$0x11E00] =	vst v63  }
0x3b: {  	s15 =	simm.s32 $0x80;
	s14 =	rddreg [dreg:$0x7]  }
0x3c: {  	[tilespmem:s15], [sflag:$0x2] =	stream.linear.gather [hbm4b:s14+s2], $0x40, $0x38;
	[tilespmem:$0x11E00] =	vst v63  }
0x3d: {  	_ =	swait.ge [sflag:s19], $0x40  }
0x3e: {  	[sflag:s19] =	ssyncset.done $0x0  }
0x3f: {  	s17 =	rddreg [dreg:$0x8];
	[sflag:s19] =	ssyncadd.s32 $0xFFFFFFC0  }
0x40: {  	[tilespmem:s31], [sflag:$0x2] =	stream.linear.gather [hbm4b:s17+s2], $0x40, $0x38;
	[tilespmem:$0x11E00] =	vst v63  }
0x41: {  	_ =	swait.ge [sflag:s19], $0x40  }
0x42: {  	[sflag:s19] =	ssyncset.done $0x0  }
0x43: {  	s10 =	simm.s32 $0x280;
	s20 =	rddreg [dreg:$0x9];
	[sflag:s19] =	ssyncadd.s32 $0xFFFFFFC0  }
0x44: {  	[tilespmem:s10], [sflag:$0x2] =	stream.linear.gather [hbm4b:s20+s2], $0x40, $0x38;
	[tilespmem:$0x11E00] =	vst v63  }
0x45: {  	_ =	swait.ge [sflag:s19], $0x40  }
0x46: {  	[sflag:s19] =	ssyncset.done $0x0  }
0x47: {  	[sflag:s19] =	ssyncadd.s32 $0xFFFFFFC0  }
0x48: {  	v16 =	vld [tilespmem:$0x80]  }
0x49: {  	v17 =	vld [tilespmem:$0x180]  }
0x4a: {  	v59 =	vld [tilespmem:$0x90]  }
0x4b: {  	v60 =	vld [tilespmem:$0x190]  }
0x4c: {  	v61 =	vld [tilespmem:$0xA0]  }
0x4d: {  	v62 =	vld [tilespmem:$0x1A0];
	v16 =	vadd.s32 $0x2710, v16  }
0x4e: {  	[tilespmem:$0x380] =	vst v16;
	v16 =	vadd.s32 $0x2710, v17;
	v17 =	vld [tilespmem:$0xB0]  }
0x4f: {  	v63 =	vld [tilespmem:$0x1B0];
	[tilespmem:$0x480] =	vst v16;
	v16 =	vadd.s32 $0x2710, v59  }
0x50: {  	[tilespmem:$0x390] =	vst v16;
	v16 =	vadd.s32 $0x2710, v60  }
0x51: {  	[tilespmem:$0x490] =	vst v16;
	v16 =	vadd.s32 $0x2710, v61  }
0x52: {  	[tilespmem:$0x3A0] =	vst v16;
	v16 =	vadd.s32 $0x2710, v62  }
0x53: {  	[tilespmem:$0x4A0] =	vst v16;
	v16 =	vadd.s32 $0x2710, v17  }
0x54: {  	[tilespmem:$0x3B0] =	vst v16;
	v16 =	vadd.s32 $0x2710, v63  }
0x55: {  	s23 =	simm.s32 $0x2500;
	[tilespmem:$0x4B0] =	vst v16  }
0x56: {  	[tilespmem:s23], [sflag:$0x1] =	stream.indirect.gather [hbm4b:s4+s22], $0x80, s15, s22, $0xb8;
	[tilespmem:$0x11E00] =	vst v63  }
0x57: {  	s24 =	simm.s32 $0xA500  }
0x58: {  	[tilespmem:s24], [sflag:$0x1] =	stream.indirect.gather [hbm4b:s4+s22], $0x80, s31, s22, $0xb8;
	[tilespmem:$0x11E00] =	vst v63  }
.Ltmp2:
0x59: {  	_ = 	snop;
	(pc) =	sbr.rel .LBB2_2-.Ltmp2, $4  }
0x5a: {  	p0 =	por $0x0, $0x0;
	s25 =	simm.s32 $0x380;
	s26 =	simm.s32 $0x6500  }
0x5b: {  	[tilespmem:s26], [sflag:$0x1] =	stream.indirect.gather [hbm4b:s4+s22], $0x80, s25, s22, $0xb8;
	[tilespmem:$0x11E00] =	vst v63  }
0x5c: {  	s3 =	simm.s32 $0x0;
	s28 =	simm.s32 $0x480;
	s30 =	simm.s32 $0xE500  }
0x5d: {  	[tilespmem:s30], [sflag:$0x1] =	stream.indirect.gather [hbm4b:s4+s22], $0x80, s28, s22, $0xb8;
	[tilespmem:$0x11E00] =	vst v63  }
.LBB2_8:
0x5e: {  	s3 =	sadd.s32 $0x1, s3  }
0x5f: {  	p1 =	sne.s32 s3, $0x20  }
.Ltmp3:
0x60: {  	_ = 	snop;
	(pc) =	sbr.rel @!p1 .LBB2_9-.Ltmp3, $2  }
0x61: {  	_ =	sdelay $0x2  }
0x62: {  	p0 =	por !p0, !p0  }
.LBB2_2:
0x63: {  	_ =	swait.ge [sflag:s29], $0x2000  }
0x64: {  	[sflag:s29] =	ssyncset.done $0x0  }
0x65: {  	[sflag:s29] =	ssyncadd.s32 $0xFFFFE000  }
0x66: {  	_ =	swait.ge [sflag:s29], $0x2000  }
0x67: {  	[sflag:s29] =	ssyncset.done $0x0  }
0x68: {  	s9 =	simm.s32 $0x1;
	[sflag:s29] =	ssyncadd.s32 $0xFFFFE000  }
0x69: {  	s11 =	sand.u32 $0x1, s3;
	s9 =	simm.s32 @!p0 $0x0;
	_ =	swait.ge [sflag:s29], $0x2000  }
0x6a: {  	s23 =	sshll.u32 s11, $0x7;
	s24 =	sshll.u32 s11, $0xD;
	[sflag:s29] =	ssyncset.done $0x0  }
0x6b: {  	s11 =	simm.s32 $0x0;
	s10 =	sshll.u32 s9, $0xD;
	[sflag:s29] =	ssyncadd.s32 $0xFFFFE000  }
0x6c: {  	s28 =	sor.u32 $0x11D00, s23;
	s25 =	sor.u32 $0x8540, s10;
	_ =	swait.ge [sflag:s29], $0x2000  }
0x6d: {  	s26 =	sor.u32 $0x4570, s10;
	s9 =	sor.u32 $0xC570, s10;
	[sflag:s29] =	ssyncset.done $0x0  }
0x6e: {  	v16 =	vmov s23;
	s20 =	sor.u32 $0x540, s10;
	s10 =	simm.s32 $0x0;
	v17 =	vmov s28;
	[sflag:s29] =	ssyncadd.s32 $0xFFFFE000  }
.LBB2_3:
0x6f: {  	v21 =	vmov s26;
	_ =	sdelay $0x1  }
0x70: {  	s12 =	sadd.s32 $0x0, s10  }
0x71: {  	v18 =	vmov s12  }
0x72: {  	s13 =	simm.s32 $0x0;
	v18 =	vand.u32 $0x7F, v18  }
0x73: {  	v19 =	vadd.s32 v16, v18;
	v18 =	vld.idx.msk [tilespmem:v21+s13+$0x0 ss:$0x1], $0xffff  }
0x74: {  	v20 =	vld.idx.msk [tilespmem:v21+s13+$0xFFFFFFF0 ss:$0x1], $0xffff  }
0x75: {  	v23 =	vbroadcast v19, $0x0;
	v19 =	vld.idx.msk [tilespmem:v21+s13+$0xFFFFFFE0 ss:$0x1], $0xffff  }
0x76: {  	v26 =	vmov s20;
	v22 =	vld.idx.msk [tilespmem:v21+s13+$0xFFFFFFD0 ss:$0x1], $0xffff  }
0x77: {  	v30 =	vld.idx.msk [tilespmem:v21+s13+$0xFFFFFFC0 ss:$0x1], $0xffff  }
0x78: {  	v28 =	vld.idx.msk [tilespmem:v21+s13+$0xFFFFFFB0 ss:$0x1], $0xffff  }
0x79: {  	v24 =	vld.idx.msk [tilespmem:v21+s13+$0xFFFFFFA0 ss:$0x1], $0xffff  }
0x7a: {  	v27 =	vld.idx.msk [tilespmem:v21+s13+$0xFFFFFF90 ss:$0x1], $0xffff  }
0x7b: {  	v29 =	vld.idx.msk [tilespmem:v26+s13+$0x30 ss:$0x1], $0xffff  }
0x7c: {  	v23 =	vld.idx.msk [tilespmem:v23+s21+$0x0], $0xffff  }
0x7d: {  	v31 =	vld.idx.msk [tilespmem:v26+s13+$0x20 ss:$0x1], $0xffff  }
0x7e: {  	v32 =	vld.idx.msk [tilespmem:v26+s13+$0x10 ss:$0x1], $0xffff  }
0x7f: {  	v25 =	vmov s25;
	v33 =	vld.idx.msk [tilespmem:v26+s13+$0x0 ss:$0x1], $0xffff  }
0x80: {  	v35 =	vld.idx.msk [tilespmem:v26+s13+$0xFFFFFFF0 ss:$0x1], $0xffff  }
0x81: {  	v36 =	vld.idx.msk [tilespmem:v26+s13+$0xFFFFFFE0 ss:$0x1], $0xffff;
	v34 =	vshll.u32 v23, $0x8  }
0x82: {  	v37 =	vld.idx.msk [tilespmem:v26+s13+$0xFFFFFFD0 ss:$0x1], $0xffff;
	v23 =	vor.u32 v0, v34  }
0x83: {  	v38 =	vld.idx.msk [tilespmem:v26+s13+$0xFFFFFFC0 ss:$0x1], $0xffff  }
0x84: {  	v40 =	vld.idx.msk [tilespmem:v25+s13+$0xFFFFFFC0 ss:$0x1], $0xffff;
	v39 =	vor.u32 v1, v34  }
0x85: {  	v41 =	vld.idx.msk [tilespmem:v25+s13+$0xFFFFFFD0 ss:$0x1], $0xffff  }
0x86: {  	v43 =	vld.idx.msk [tilespmem:v25+s13+$0xFFFFFFE0 ss:$0x1], $0xffff;
	v42 =	vor.u32 v2, v34  }
0x87: {  	v23 =	vld.idx.msk [tilespmem:v23+s18+$0x0], $0xffff  }
0x88: {  	v45 =	vld.idx.msk [tilespmem:v25+s13+$0xFFFFFFF0 ss:$0x1], $0xffff;
	v44 =	vor.u32 v3, v34  }
0x89: {  	v39 =	vld.idx.msk [tilespmem:v39+s18+$0x0], $0xffff  }
0x8a: {  	v52 =	vld.idx.msk [tilespmem:v25+s13+$0x0 ss:$0x1], $0xffff;
	v38 =	vmul.f32 v40, v38;
	v46 =	vor.u32 v4, v34  }
0x8b: {  	v63 =	vld.idx.msk [tilespmem:v42+s18+$0x0], $0xffff  }
0x8c: {  	v54 =	vld.idx.msk [tilespmem:v25+s13+$0x10 ss:$0x1], $0xffff;
	v37 =	vmul.f32 v41, v37;
	v47 =	vor.u32 v5, v34;
	v38 =	vmul.f32 v38, v23  }
0x8d: {  	v36 =	vmul.f32 v43, v36;
	v48 =	vor.u32 v6, v34;
	v53 =	vld.idx.msk [tilespmem:v44+s18+$0x0], $0xffff  }
0x8e: {  	v56 =	vld.idx.msk [tilespmem:v25+s13+$0x20 ss:$0x1], $0xffff;
	v57 =	vor.u32 v7, v34;
	v37 =	vmul.f32 v37, v39;
	v38 =	vadd.f32 $0.0e+00, v38  }
0x8f: {  	v35 =	vmul.f32 v45, v35;
	v60 =	vor.u32 v8, v34;
	v55 =	vld.idx.msk [tilespmem:v46+s18+$0x0], $0xffff  }
0x90: {  	v59 =	vld.idx.msk [tilespmem:v25+s13+$0x30 ss:$0x1], $0xffff;
	v23 =	vmov s9;
	v36 =	vmul.f32 v36, v63;
	v37 =	vadd.f32 v37, v38  }
0x91: {  	v58 =	vld.idx.msk [tilespmem:v47+s18+$0x0], $0xffff  }
0x92: {  	v33 =	vmul.f32 v52, v33;
	v61 =	vld.idx.msk [tilespmem:v48+s18+$0x0], $0xffff;
	v35 =	vmul.f32 v35, v53;
	v36 =	vadd.f32 v36, v37  }
0x93: {  	v32 =	vmul.f32 v54, v32;
	v50 =	vor.u32 v10, v34;
	v48 =	vld.idx.msk [tilespmem:v57+s18+$0x0], $0xffff  }
0x94: {  	v51 =	vld.idx.msk [tilespmem:v60+s18+$0x0], $0xffff;
	v63 =	vor.u32 v9, v34;
	v33 =	vmul.f32 v33, v55;
	v35 =	vadd.f32 v35, v36  }
0x95: {  	v62 =	vld.idx.msk [tilespmem:v23+s13+$0xFFFFFF90 ss:$0x1], $0xffff  }
0x96: {  	v31 =	vmul.f32 v56, v31;
	v32 =	vmul.f32 v32, v58;
	v49 =	vld.idx.msk [tilespmem:v23+s13+$0xFFFFFFA0 ss:$0x1], $0xffff;
	v33 =	vadd.f32 v33, v35  }
0x97: {  	v29 =	vmul.f32 v59, v29;
	v52 =	vld.idx.msk [tilespmem:v23+s13+$0xFFFFFFB0 ss:$0x1], $0xffff  }
0x98: {  	v53 =	vor.u32 v11, v34;
	v31 =	vmul.f32 v31, v61;
	v58 =	vld.idx.msk [tilespmem:v50+s18+$0x0], $0xffff;
	v32 =	vadd.f32 v32, v33  }
0x99: {  	v56 =	vor.u32 v12, v34;
	v54 =	vld.idx.msk [tilespmem:v63+s18+$0x0], $0xffff  }
0x9a: {  	v57 =	vmul.f32 v29, v48;
	v55 =	vld.idx.msk [tilespmem:v23+s13+$0xFFFFFFC0 ss:$0x1], $0xffff;
	v27 =	vmul.f32 v62, v27;
	v31 =	vadd.f32 v31, v32  }
0x9b: {  	v59 =	vor.u32 v13, v34;
	v29 =	vld.idx.msk [tilespmem:v23+s13+$0xFFFFFFD0 ss:$0x1], $0xffff;
	v24 =	vmul.f32 v49, v24  }
0x9c: {  	v62 =	vmul.f32 v52, v28;
	v28 =	vld.idx.msk [tilespmem:v23+s13+$0xFFFFFFF0 ss:$0x1], $0xffff;
	v60 =	vmul.f32 v27, v51;
	v31 =	vadd.f32 v57, v31  }
0x9d: {  	v38 =	vor.u32 v14, v34;
	v33 =	vld.idx.msk [tilespmem:v53+s18+$0x0], $0xffff  }
0x9e: {  	s30 =	sadd.s32 $0x1, s10;
	v27 =	vld.idx.msk [tilespmem:v23+s13+$0xFFFFFFE0 ss:$0x1], $0xffff;
	v61 =	vmul.f32 v24, v54;
	v32 =	vadd.f32 v60, v31  }
0x9f: {  	v34 =	vor.u32 v15, v34;
	v63 =	vmov s30;
	v31 =	vld.idx.msk [tilespmem:v56+s18+$0x0], $0xffff  }
0xa0: {  	s14 =	simm.s32 $0x200;
	v37 =	vmul.f32 v55, v30;
	v30 =	vld.idx.msk [tilespmem:v23+s13+$0x0 ss:$0x1], $0xffff;
	v36 =	vmul.f32 v62, v58;
	v35 =	vadd.f32 v61, v32  }
0xa1: {  	s15 =	simm.s32 $0x400;
	s12 =	simm.s32 $0x1;
	v39 =	vand.u32 $0x7F, v63;
	v24 =	vimm.f32 $0.0e+00;
	s13 =	simm.s32 $0x0;
	v32 =	vld.idx.msk [tilespmem:v59+s18+$0x0], $0xffff  }
.LBB2_4:
0xa2: {  	p1 =	sne.s32 s15, $0x1E00;
	s17 =	sshra.s32 s14, $0x2;
	v35 =	vadd.f32 v36, v35;
	v33 =	vmul.f32 v37, v33;
	v22 =	vmul.f32 v29, v22;
	v29 =	vld.idx.msk [tilespmem:v38+s18+$0x0], $0xffff;
	s14 =	smov.u32 s15  }
0xa3: {  	v36 =	vadd.s32 v16, v39;
	v37 =	vld.idx.msk [tilespmem:v21+s17+$0x0 ss:$0x1], $0xffff  }
0xa4: {  	v27 =	vmul.f32 v27, v19;
	v33 =	vadd.f32 v33, v35;
	v22 =	vmul.f32 v22, v31;
	v31 =	vld.idx.msk [tilespmem:v34+s18+$0x0], $0xffff  }
0xa5: {  	v34 =	vbroadcast v36, $0x0;
	v35 =	vld.idx.msk [tilespmem:v21+s17+$0xFFFFFFF0 ss:$0x1], $0xffff  }
0xa6: {  	v20 =	vmul.f32 v28, v20;
	v27 =	vmul.f32 v27, v32;
	v19 =	vld.idx.msk [tilespmem:v21+s17+$0xFFFFFFE0 ss:$0x1], $0xffff;
	v33 =	vadd.f32 v22, v33  }
0xa7: {  	v22 =	vld.idx.msk [tilespmem:v21+s17+$0xFFFFFFD0 ss:$0x1], $0xffff  }
0xa8: {  	v32 =	vld.idx.msk [tilespmem:v21+s17+$0xFFFFFFC0 ss:$0x1], $0xffff;
	v27 =	vadd.f32 v27, v33;
	v33 =	vmul.f32 v20, v29;
	v29 =	vmul.f32 v30, v18  }
0xa9: {  	v18 =	vmov v37;
	v28 =	vld.idx.msk [tilespmem:v21+s17+$0xFFFFFFB0 ss:$0x1], $0xffff  }
0xaa: {  	v30 =	vld.idx.msk [tilespmem:v21+s17+$0xFFFFFFA0 ss:$0x1], $0xffff;
	v27 =	vadd.f32 v33, v27;
	v29 =	vmul.f32 v29, v31  }
0xab: {  	v20 =	vmov v35;
	v31 =	vld.idx.msk [tilespmem:v34+s21+$0x0], $0xffff  }
0xac: {  	v33 =	vld.idx.msk [tilespmem:v21+s17+$0xFFFFFF90 ss:$0x1], $0xffff;
	v27 =	vadd.f32 v29, v27  }
0xad: {  	v29 =	vld.idx.msk [tilespmem:v26+s17+$0x30 ss:$0x1], $0xffff  }
0xae: {  	v34 =	vld.idx.msk [tilespmem:v26+s17+$0x20 ss:$0x1], $0xffff;
	(xrf2) =	vadd.scan.msk.f32 $0xffff, v27  }
0xaf: {  	v27 =	vld.idx.msk [tilespmem:v26+s17+$0x10 ss:$0x1], $0xffff  }
0xb0: {  	v35 =	vld.idx.msk [tilespmem:v26+s17+$0x0 ss:$0x1], $0xffff  }
0xb1: {  	v36 =	vshll.u32 v31, $0x8;
	v31 =	vld.idx.msk [tilespmem:v26+s17+$0xFFFFFFF0 ss:$0x1], $0xffff  }
0xb2: {  	v37 =	vor.u32 v0, v36;
	v38 =	vld.idx.msk [tilespmem:v26+s17+$0xFFFFFFE0 ss:$0x1], $0xffff  }
0xb3: {  	v39 =	vld.idx.msk [tilespmem:v26+s17+$0xFFFFFFD0 ss:$0x1], $0xffff  }
0xb4: {  	v41 =	vor.u32 v1, v36;
	v40 =	vld.idx.msk [tilespmem:v26+s17+$0xFFFFFFC0 ss:$0x1], $0xffff  }
0xb5: {  	v42 =	vld.idx.msk [tilespmem:v25+s17+$0xFFFFFFC0 ss:$0x1], $0xffff  }
0xb6: {  	v44 =	vor.u32 v2, v36;
	v43 =	vld.idx.msk [tilespmem:v25+s17+$0xFFFFFFD0 ss:$0x1], $0xffff  }
0xb7: {  	v37 =	vld.idx.msk [tilespmem:v37+s18+$0x0], $0xffff  }
0xb8: {  	v46 =	vor.u32 v3, v36;
	v45 =	vld.idx.msk [tilespmem:v25+s17+$0xFFFFFFE0 ss:$0x1], $0xffff;
	v47, _, _ =	vpop (xrf2)  }
0xb9: {  	v48 =	vmov s13;
	s13 =	smov.u32 s12;
	v41 =	vld.idx.msk [tilespmem:v41+s18+$0x0], $0xffff;
	v47 =	vbroadcast v47, $0xF  }
0xba: {  	vm0 =	veq.s32 v48, v0;
	v50 =	vor.u32 v4, v36;
	v49 =	vld.idx.msk [tilespmem:v25+s17+$0xFFFFFFF0 ss:$0x1], $0xffff  }
0xbb: {  	v40 =	vmul.f32 v42, v40;
	v42 =	vld.idx.msk [tilespmem:v44+s18+$0x0], $0xffff;
	v24 =	vsel vm0, v47, v24  }
0xbc: {  	v47 =	vor.u32 v5, v36;
	v44 =	vld.idx.msk [tilespmem:v25+s17+$0x0 ss:$0x1], $0xffff  }
0xbd: {  	v39 =	vmul.f32 v43, v39;
	v37 =	vmul.f32 v40, v37;
	v40 =	vld.idx.msk [tilespmem:v46+s18+$0x0], $0xffff  }
0xbe: {  	v46 =	vor.u32 v6, v36;
	v43 =	vld.idx.msk [tilespmem:v25+s17+$0x10 ss:$0x1], $0xffff  }
0xbf: {  	v38 =	vmul.f32 v45, v38;
	v37 =	vadd.f32 $0.0e+00, v37;
	v39 =	vmul.f32 v39, v41;
	v41 =	vld.idx.msk [tilespmem:v50+s18+$0x0], $0xffff  }
0xc0: {  	v48 =	vor.u32 v7, v36;
	v45 =	vld.idx.msk [tilespmem:v25+s17+$0x20 ss:$0x1], $0xffff  }
0xc1: {  	v31 =	vmul.f32 v49, v31;
	v37 =	vadd.f32 v39, v37;
	v38 =	vmul.f32 v38, v42;
	v39 =	vld.idx.msk [tilespmem:v47+s18+$0x0], $0xffff  }
0xc2: {  	v47 =	vor.u32 v8, v36;
	v42 =	vld.idx.msk [tilespmem:v25+s17+$0x30 ss:$0x1], $0xffff  }
0xc3: {  	v35 =	vmul.f32 v44, v35;
	v37 =	vadd.f32 v38, v37;
	v31 =	vmul.f32 v31, v40;
	v38 =	vld.idx.msk [tilespmem:v46+s18+$0x0], $0xffff  }
0xc4: {  	v44 =	vor.u32 v9, v36;
	v40 =	vld.idx.msk [tilespmem:v23+s17+$0xFFFFFF90 ss:$0x1], $0xffff  }
0xc5: {  	v27 =	vmul.f32 v43, v27;
	v31 =	vadd.f32 v31, v37;
	v35 =	vmul.f32 v35, v41;
	v37 =	vld.idx.msk [tilespmem:v48+s18+$0x0], $0xffff  }
0xc6: {  	v43 =	vor.u32 v10, v36;
	v41 =	vld.idx.msk [tilespmem:v23+s17+$0xFFFFFFA0 ss:$0x1], $0xffff  }
0xc7: {  	v34 =	vmul.f32 v45, v34;
	v31 =	vadd.f32 v35, v31;
	v27 =	vmul.f32 v27, v39;
	v35 =	vld.idx.msk [tilespmem:v47+s18+$0x0], $0xffff  }
0xc8: {  	v45 =	vor.u32 v11, v36;
	v39 =	vld.idx.msk [tilespmem:v23+s17+$0xFFFFFFB0 ss:$0x1], $0xffff  }
0xc9: {  	v29 =	vmul.f32 v42, v29;
	v27 =	vadd.f32 v27, v31;
	v31 =	vmul.f32 v34, v38;
	v34 =	vld.idx.msk [tilespmem:v44+s18+$0x0], $0xffff  }
0xca: {  	v44 =	vor.u32 v12, v36;
	v42 =	vld.idx.msk [tilespmem:v23+s17+$0xFFFFFFC0 ss:$0x1], $0xffff  }
0xcb: {  	v33 =	vmul.f32 v40, v33;
	v27 =	vadd.f32 v31, v27;
	v31 =	vmul.f32 v29, v37;
	v37 =	vld.idx.msk [tilespmem:v43+s18+$0x0], $0xffff  }
0xcc: {  	v40 =	vor.u32 v13, v36;
	v29 =	vld.idx.msk [tilespmem:v23+s17+$0xFFFFFFD0 ss:$0x1], $0xffff  }
0xcd: {  	v30 =	vmul.f32 v41, v30;
	v31 =	vadd.f32 v31, v27;
	v35 =	vmul.f32 v33, v35;
	v33 =	vld.idx.msk [tilespmem:v45+s18+$0x0], $0xffff  }
.Ltmp4:
0xce: {  	s12 =	sadd.s32 $0x1, s12;
	v38 =	vor.u32 v14, v36;
	v27 =	vld.idx.msk [tilespmem:v23+s17+$0xFFFFFFE0 ss:$0x1], $0xffff;
	(pc) =	sbr.rel @p1 .LBB2_4-.Ltmp4, $4  }
0xcf: {  	s30 =	sadd.s32 s12, s10;
	v39 =	vmul.f32 v39, v28;
	v35 =	vadd.f32 v35, v31;
	v30 =	vmul.f32 v30, v34;
	v31 =	vld.idx.msk [tilespmem:v44+s18+$0x0], $0xffff  }
0xd0: {  	v41 =	vmov s30;
	v34 =	vor.u32 v15, v36;
	v28 =	vld.idx.msk [tilespmem:v23+s17+$0xFFFFFFF0 ss:$0x1], $0xffff  }
0xd1: {  	v35 =	vadd.f32 v30, v35;
	v36 =	vmul.f32 v39, v37;
	v37 =	vmul.f32 v42, v32;
	v32 =	vld.idx.msk [tilespmem:v40+s18+$0x0], $0xffff  }
0xd2: {  	s15 =	sadd.s32 $0x200, s15;
	v39 =	vand.u32 $0x7F, v41;
	v30 =	vld.idx.msk [tilespmem:v23+s17+$0x0 ss:$0x1], $0xffff  }
0xd3: {  	_ =	sdelay $0x3  }
0xd4: {  	s14 =	sshra.s32 s14, $0x2;
	v38 =	vld.idx.msk [tilespmem:v38+s18+$0x0], $0xffff  }
0xd5: {  	v39 =	vadd.s32 v16, v39;
	v40 =	vld.idx.msk [tilespmem:v21+s14+$0x0 ss:$0x1], $0xffff  }
0xd6: {  	v39 =	vbroadcast v39, $0x0;
	v41 =	vld.idx.msk [tilespmem:v21+s14+$0xFFFFFFF0 ss:$0x1], $0xffff  }
0xd7: {  	v42 =	vld.idx.msk [tilespmem:v21+s14+$0xFFFFFFE0 ss:$0x1], $0xffff  }
0xd8: {  	v43 =	vld.idx.msk [tilespmem:v21+s14+$0xFFFFFFD0 ss:$0x1], $0xffff  }
0xd9: {  	v44 =	vld.idx.msk [tilespmem:v21+s14+$0xFFFFFFC0 ss:$0x1], $0xffff  }
0xda: {  	v45 =	vld.idx.msk [tilespmem:v21+s14+$0xFFFFFFA0 ss:$0x1], $0xffff  }
0xdb: {  	v46 =	vld.idx.msk [tilespmem:v21+s14+$0xFFFFFF90 ss:$0x1], $0xffff  }
0xdc: {  	v39 =	vld.idx.msk [tilespmem:v39+s21+$0x0], $0xffff  }
0xdd: {  	v47 =	vld.idx.msk [tilespmem:v26+s14+$0x30 ss:$0x1], $0xffff  }
0xde: {  	v48 =	vld.idx.msk [tilespmem:v26+s14+$0x20 ss:$0x1], $0xffff  }
0xdf: {  	v49 =	vld.idx.msk [tilespmem:v26+s14+$0x10 ss:$0x1], $0xffff  }
0xe0: {  	v50 =	vld.idx.msk [tilespmem:v26+s14+$0xFFFFFFF0 ss:$0x1], $0xffff  }
0xe1: {  	v52 =	vld.idx.msk [tilespmem:v26+s14+$0xFFFFFFE0 ss:$0x1], $0xffff;
	v39 =	vshll.u32 v39, $0x8  }
0xe2: {  	v53 =	vld.idx.msk [tilespmem:v26+s14+$0xFFFFFFD0 ss:$0x1], $0xffff;
	v51 =	vor.u32 v0, v39  }
0xe3: {  	v54 =	vld.idx.msk [tilespmem:v26+s14+$0xFFFFFFC0 ss:$0x1], $0xffff  }
0xe4: {  	v56 =	vld.idx.msk [tilespmem:v25+s14+$0xFFFFFFC0 ss:$0x1], $0xffff;
	v55 =	vor.u32 v1, v39  }
0xe5: {  	v57 =	vld.idx.msk [tilespmem:v25+s14+$0xFFFFFFD0 ss:$0x1], $0xffff  }
0xe6: {  	v59 =	vld.idx.msk [tilespmem:v25+s14+$0xFFFFFFE0 ss:$0x1], $0xffff;
	v58 =	vor.u32 v2, v39  }
0xe7: {  	v60 =	vor.u32 v3, v39;
	v51 =	vld.idx.msk [tilespmem:v51+s18+$0x0], $0xffff  }
0xe8: {  	v61 =	vld.idx.msk [tilespmem:v25+s14+$0xFFFFFFF0 ss:$0x1], $0xffff  }
0xe9: {  	v55 =	vld.idx.msk [tilespmem:v55+s18+$0x0], $0xffff  }
0xea: {  	v26 =	vld.idx.msk [tilespmem:v26+s14+$0x0 ss:$0x1], $0xffff;
	v54 =	vmul.f32 v56, v54;
	v56 =	vor.u32 v4, v39  }
0xeb: {  	v58 =	vld.idx.msk [tilespmem:v58+s18+$0x0], $0xffff  }
0xec: {  	v53 =	vmul.f32 v57, v53;
	v57 =	vld.idx.msk [tilespmem:v60+s18+$0x0], $0xffff;
	v51 =	vmul.f32 v54, v51  }
0xed: {  	v60 =	vld.idx.msk [tilespmem:v25+s14+$0x0 ss:$0x1], $0xffff;
	v54 =	vor.u32 v5, v39  }
0xee: {  	v21 =	vld.idx.msk [tilespmem:v21+s14+$0xFFFFFFB0 ss:$0x1], $0xffff;
	v52 =	vmul.f32 v59, v52;
	v53 =	vmul.f32 v53, v55;
	v51 =	vadd.f32 $0.0e+00, v51  }
0xef: {  	v59 =	vor.u32 v6, v39;
	v62 =	vld.idx.msk [tilespmem:v56+s18+$0x0], $0xffff  }
0xf0: {  	v63 =	vor.u32 v7, v39;
	v55 =	vld.idx.msk [tilespmem:v25+s14+$0x10 ss:$0x1], $0xffff;
	v52 =	vmul.f32 v52, v58;
	v51 =	vadd.f32 v53, v51  }
0xf1: {  	v50 =	vmul.f32 v61, v50;
	v56 =	vld.idx.msk [tilespmem:v25+s14+$0x20 ss:$0x1], $0xffff  }
0xf2: {  	v26 =	vmul.f32 v60, v26;
	v60 =	vor.u32 v8, v39;
	v51 =	vadd.f32 v52, v51;
	v52 =	vld.idx.msk [tilespmem:v54+s18+$0x0], $0xffff  }
0xf3: {  	v50 =	vmul.f32 v50, v57;
	v25 =	vld.idx.msk [tilespmem:v25+s14+$0x30 ss:$0x1], $0xffff  }
0xf4: {  	v61 =	vld.idx.msk [tilespmem:v59+s18+$0x0], $0xffff;
	v26 =	vmul.f32 v26, v62  }
0xf5: {  	v63 =	vld.idx.msk [tilespmem:v63+s18+$0x0], $0xffff;
	v62 =	vor.u32 v9, v39;
	v49 =	vmul.f32 v55, v49;
	v50 =	vadd.f32 v50, v51  }
0xf6: {  	v58 =	vor.u32 v10, v39;
	v53 =	vld.idx.msk [tilespmem:v23+s14+$0xFFFFFF90 ss:$0x1], $0xffff  }
0xf7: {  	v48 =	vmul.f32 v56, v48;
	v54 =	vld.idx.msk [tilespmem:v60+s18+$0x0], $0xffff;
	v26 =	vadd.f32 v26, v50;
	v49 =	vmul.f32 v49, v52  }
0xf8: {  	v25 =	vmul.f32 v25, v47;
	v50 =	vld.idx.msk [tilespmem:v23+s14+$0xFFFFFFA0 ss:$0x1], $0xffff  }
0xf9: {  	v59 =	vor.u32 v11, v39;
	v48 =	vmul.f32 v48, v61;
	v61 =	vld.idx.msk [tilespmem:v23+s14+$0xFFFFFFB0 ss:$0x1], $0xffff;
	v26 =	vadd.f32 v49, v26  }
0xfa: {  	v60 =	vld.idx.msk [tilespmem:v62+s18+$0x0], $0xffff;
	v25 =	vmul.f32 v25, v63  }
0xfb: {  	v62 =	vor.u32 v12, v39;
	v63 =	vld.idx.msk [tilespmem:v58+s18+$0x0], $0xffff;
	v46 =	vmul.f32 v53, v46;
	v26 =	vadd.f32 v48, v26  }
0xfc: {  	v57 =	vor.u32 v13, v39;
	v51 =	vld.idx.msk [tilespmem:v23+s14+$0xFFFFFFC0 ss:$0x1], $0xffff  }
0xfd: {  	v56 =	vld.idx.msk [tilespmem:v23+s14+$0xFFFFFFD0 ss:$0x1], $0xffff;
	v46 =	vmul.f32 v46, v54;
	v45 =	vmul.f32 v50, v45;
	v25 =	vadd.f32 v25, v26  }
0xfe: {  	v58 =	vld.idx.msk [tilespmem:v59+s18+$0x0], $0xffff;
	v21 =	vmul.f32 v61, v21  }
0xff: {  	v59 =	vld.idx.msk [tilespmem:v23+s14+$0xFFFFFFE0 ss:$0x1], $0xffff;
	v45 =	vmul.f32 v45, v60;
	v60 =	vor.u32 v14, v39;
	v25 =	vadd.f32 v46, v25  }
0x100: {  	v33 =	vmul.f32 v37, v33;
	v61 =	vld.idx.msk [tilespmem:v62+s18+$0x0], $0xffff;
	v21 =	vmul.f32 v21, v63  }
0x101: {  	v37 =	vld.idx.msk [tilespmem:v57+s18+$0x0], $0xffff;
	v62 =	vmul.f32 v51, v44;
	v39 =	vor.u32 v15, v39;
	v25 =	vadd.f32 v45, v25  }
0x102: {  	v35 =	vadd.f32 v36, v35;
	v22 =	vmul.f32 v29, v22;
	v63 =	vld.idx.msk [tilespmem:v23+s14+$0xFFFFFFF0 ss:$0x1], $0xffff  }
0x103: {  	v52 =	vmul.f32 v56, v43;
	v49 =	vld.idx.msk [tilespmem:v23+s14+$0x0 ss:$0x1], $0xffff;
	v51 =	vmul.f32 v62, v58;
	v21 =	vadd.f32 v21, v25  }
0x104: {  	v19 =	vmul.f32 v27, v19;
	v33 =	vadd.f32 v33, v35;
	v22 =	vmul.f32 v22, v31;
	v53 =	vld.idx.msk [tilespmem:v60+s18+$0x0], $0xffff  }
0x105: {  	v54 =	vld.idx.msk [tilespmem:v34+s18+$0x0], $0xffff;
	v56 =	vmul.f32 v59, v42;
	v55 =	vmul.f32 v52, v61;
	v21 =	vadd.f32 v51, v21  }
0x106: {  	v20 =	vmul.f32 v28, v20;
	v19 =	vmul.f32 v19, v32;
	v22 =	vadd.f32 v22, v33;
	v57 =	vld.idx.msk [tilespmem:v39+s18+$0x0], $0xffff  }
0x107: {  	v58 =	vmul.f32 v56, v37;
	v59 =	vmul.f32 v63, v41;
	v21 =	vadd.f32 v55, v21  }
0x108: {  	v18 =	vmul.f32 v30, v18;
	v20 =	vmul.f32 v20, v38;
	v19 =	vadd.f32 v19, v22  }
0x109: {  	v23 =	vmul.f32 v49, v40;
	v60 =	vmul.f32 v59, v53;
	v21 =	vadd.f32 v58, v21  }
0x10a: {  	v19 =	vadd.f32 v20, v19;
	v18 =	vmul.f32 v18, v54  }
0x10b: {  	v62 =	vmul.f32 v23, v57;
	v61 =	vadd.f32 v60, v21  }
0x10c: {  	v18 =	vadd.f32 v18, v19  }
0x10d: {  	v19 =	vadd.f32 v62, v61  }
0x10e: {  	(xrf2) =	vadd.scan.msk.f32 $0xffff, v18  }
0x10f: {  	(xrf2) =	vadd.scan.msk.f32 $0xffff, v19;
	_ =	sdelay $0x7  }
0x110: {  	s30 =	sshll.u32 s11, $0x4;
	s11 =	sadd.s32 $0x1, s11  }
0x111: {  	p1 =	sne.s32 s11, $0x4;
	v18, _, _ =	vpop (xrf2)  }
.Ltmp5:
0x112: {  	v18 =	vbroadcast v18, $0xF;
	v19 =	vmov s13;
	v63, _, _ =	vpop (xrf2);
	(pc) =	sbr.rel @p1 .LBB2_3-.Ltmp5, $4  }
0x113: {  	vm0 =	veq.s32 v19, v0;
	v19 =	vmov s12;
	v20 =	vbroadcast v63, $0xF  }
0x114: {  	v18 =	vsel vm0, v18, v24;
	vm15 =	veq.s32 v19, v0  }
0x115: {  	s10 =	sadd.s32 $0x10, s10;
	s25 =	sadd.s32 $0x800, s25;
	s12 =	sand.u32 $0x3FFFFFF0, s30;
	v18 =	vsel vm15, v20, v18  }
0x116: {  	s26 =	sadd.s32 $0x800, s26;
	s9 =	sadd.s32 $0x800, s9;
	s20 =	sadd.s32 $0x800, s20;
	[tilespmem:v17+s12+$0x0 ss:$0x1] =	vst.idx.msk $0xffff, v18  }
0x117: {  	s9 =	sshll.u32 s3, $0x6  }
0x118: {  	s10 =	sor.u32 s7, s9  }
0x119: {  	p1 =	sgt.u32 s3, $0x1D;
	s10 =	sshrl.u32 s10, $0x3  }
.Ltmp6:
0x11a: {  	s10 =	sadd.s32 s1, s10;
	(pc) =	sbr.rel @p1 .LBB2_8-.Ltmp6, $4  }
0x11b: {  	[hbm4b:s10+s2] =	stream.linear.scatter [tilespmem:s28], [sflag:$0x2], $0x40, $0x38;
	[tilespmem:$0x11E00] =	vst v63  }
0x11c: {  	_ =	swait.ge [sflag:s19], $0x40  }
0x11d: {  	[sflag:s19] =	ssyncset.done $0x0  }
0x11e: {  	[sflag:s19] =	ssyncadd.s32 $0xFFFFFFC0  }
0x11f: {  	s9 =	sadd.s32 s9, s16  }
0x120: {  	s9 =	sshrl.u32 s9, $0x3  }
0x121: {  	s10 =	sadd.s32 s5, s9  }
0x122: {  	[tilespmem:s23], [sflag:$0x2] =	stream.linear.gather [hbm4b:s10+s2], $0x40, $0x38;
	[tilespmem:$0x11E00] =	vst v63  }
0x123: {  	_ =	swait.ge [sflag:s19], $0x40  }
0x124: {  	[sflag:s19] =	ssyncset.done $0x0  }
0x125: {  	s11 =	sadd.s32 s6, s9;
	s10 =	sor.u32 $0x100, s23;
	[sflag:s19] =	ssyncadd.s32 $0xFFFFFFC0  }
0x126: {  	[tilespmem:s10], [sflag:$0x2] =	stream.linear.gather [hbm4b:s11+s2], $0x40, $0x38;
	[tilespmem:$0x11E00] =	vst v63  }
0x127: {  	_ =	swait.ge [sflag:s19], $0x40  }
0x128: {  	[sflag:s19] =	ssyncset.done $0x0  }
0x129: {  	s14 =	sor.u32 $0x200, s23;
	s9 =	sadd.s32 s8, s9;
	[sflag:s19] =	ssyncadd.s32 $0xFFFFFFC0  }
0x12a: {  	[tilespmem:s14], [sflag:$0x2] =	stream.linear.gather [hbm4b:s9+s2], $0x40, $0x38;
	[tilespmem:$0x11E00] =	vst v63  }
0x12b: {  	_ =	swait.ge [sflag:s19], $0x40  }
0x12c: {  	[sflag:s19] =	ssyncset.done $0x0  }
0x12d: {  	[sflag:s19] =	ssyncadd.s32 $0xFFFFFFC0  }
0x12e: {  	v16 =	vld [tilespmem:s23+$0x0]  }
0x12f: {  	v17 =	vld [tilespmem:s23+$0x100];
	_ =	sdelay $0x3  }
0x130: {  	v16 =	vadd.s32 $0x2710, v16  }
0x131: {  	[tilespmem:s23+$0x300] =	vst v16;
	v16 =	vadd.s32 $0x2710, v17  }
0x132: {  	s15 =	sor.u32 $0x10, s23;
	[tilespmem:s23+$0x400] =	vst v16  }
0x133: {  	v16 =	vld [tilespmem:s15+$0x0];
	_ =	sdelay $0x4  }
0x134: {  	s17 =	sor.u32 $0x310, s23;
	v16 =	vadd.s32 $0x2710, v16  }
0x135: {  	s20 =	sor.u32 $0x110, s23;
	[tilespmem:s17+$0x0] =	vst v16  }
0x136: {  	v16 =	vld [tilespmem:s20+$0x0];
	_ =	sdelay $0x4  }
0x137: {  	s25 =	sor.u32 $0x410, s23;
	v16 =	vadd.s32 $0x2710, v16  }
0x138: {  	s26 =	sor.u32 $0x20, s23;
	[tilespmem:s25+$0x0] =	vst v16  }
0x139: {  	v16 =	vld [tilespmem:s26+$0x0];
	_ =	sdelay $0x4  }
0x13a: {  	s28 =	sor.u32 $0x320, s23;
	v16 =	vadd.s32 $0x2710, v16  }
0x13b: {  	s30 =	sor.u32 $0x120, s23;
	[tilespmem:s28+$0x0] =	vst v16  }
0x13c: {  	v16 =	vld [tilespmem:s30+$0x0];
	_ =	sdelay $0x4  }
0x13d: {  	s11 =	sor.u32 $0x420, s23;
	v16 =	vadd.s32 $0x2710, v16  }
0x13e: {  	s12 =	sor.u32 $0x30, s23;
	[tilespmem:s11+$0x0] =	vst v16  }
0x13f: {  	v16 =	vld [tilespmem:s12+$0x0];
	_ =	sdelay $0x4  }
0x140: {  	s13 =	sor.u32 $0x330, s23;
	v16 =	vadd.s32 $0x2710, v16  }
0x141: {  	s14 =	sor.u32 $0x130, s23;
	[tilespmem:s13+$0x0] =	vst v16  }
0x142: {  	v16 =	vld [tilespmem:s14+$0x0];
	_ =	sdelay $0x4  }
0x143: {  	s15 =	sor.u32 $0x430, s23;
	v16 =	vadd.s32 $0x2710, v16  }
0x144: {  	s17 =	sadd.s32 $0x500, s24;
	[tilespmem:s15+$0x0] =	vst v16  }
0x145: {  	[tilespmem:s17], [sflag:$0x1] =	stream.indirect.gather [hbm4b:s4+s22], $0x80, s23, s22, $0xb8;
	[tilespmem:$0x11E00] =	vst v63  }
0x146: {  	s20 =	sadd.s32 $0x8500, s24  }
0x147: {  	[tilespmem:s20], [sflag:$0x1] =	stream.indirect.gather [hbm4b:s4+s22], $0x80, s10, s22, $0xb8;
	[tilespmem:$0x11E00] =	vst v63  }
.Ltmp7:
0x148: {  	_ = 	snop;
	(pc) =	sbr.rel .LBB2_8-.Ltmp7, $4  }
0x149: {  	s25 =	sor.u32 $0x300, s23;
	s26 =	sadd.s32 $0x4500, s24  }
0x14a: {  	[tilespmem:s26], [sflag:$0x1] =	stream.indirect.gather [hbm4b:s4+s22], $0x80, s25, s22, $0xb8;
	[tilespmem:$0x11E00] =	vst v63  }
0x14b: {  	s28 =	sor.u32 $0x400, s23;
	s30 =	sadd.s32 $0xC500, s24  }
0x14c: {  	[tilespmem:s30], [sflag:$0x1] =	stream.indirect.gather [hbm4b:s4+s22], $0x80, s28, s22, $0xb8;
	[tilespmem:$0x11E00] =	vst v63  }
.LBB2_10:
0x14d: {  	_ =	sfence.sel $0x180000  }
0x14e: {  	[bflag:$0x0] =	sbarrier.arrive $0xFFFF  }
0x14f: {  	_ =	strace $0x9000004D  }
0x150: {  	s0 =	stileid.u32;
	[bflag:$0x2] =	sbarrier.arrive $0xFFFF  }
0x151: {  	p0 =	sne.s32 s0, $0x0;
	s0 =	rddreg [dreg:$0x2]  }
0x152: {  	s0 =	sadd.s32 @!p0 $0x100000, s0  }
0x153: {  	[sflag:s0] =	ssyncadd.tile.s32 @!p0 $0x1;
	_ =	shalt  }
.Lfunc_end2:
_tile_overlayer_lowered:
.L_overlay_start_2:
0x154: {  	(tag) =	ssettag $0x2  }
0x155: {  	s0 =	rddreg [dreg:$0x0];
	s2 =	stileid.u32  }
0x156: {  	s1 =	rddreg [dreg:$0x1];
	p0 =	sne.s32 s2, $0x0  }
0x157: {  	s3 =	rddreg [dreg:$0x2];
	[bflag:$0x3] =	sbarrier.arrive $0xFFFF;
	s2 =	simm.s32 @!p0 $0x1C02  }
0x158: {  	[timem:s3], [sflag:s2] =	dma.local @!p0 [hbm:s0], s1  }
0x159: {  	s0 =	simm.s32 @!p0 $0x2  }
0x15a: {  	_ =	swait.ge @!p0 [sflag:s0], s1  }
0x15b: {  	s1 =	ssub.s32 @!p0 $0x0, s1;
	[sflag:s0] =	ssyncset.done @!p0 $0x0  }
0x15c: {  	[sflag:s0] =	ssyncadd.s32 @!p0 s1  }
0x15d: {  	[bflag:$0x3] =	sbarrier.arrive $0xFFFF  }
0x15e: {  	_ =	shalt  }

// kernel: kernel.6.cloned.1.call-start
scs
__scs_entry_jumppad:
0x0: {  	(pc) =	sbr.rel $0x88, $3  }
0x1: {  	(tag) =	ssettag $0x0;
	lr =	simm.s32 $0x1  }
0x2: {  	[smem:$0x3F9B] =	sst lr;
	_ =	strace $0xD0000000  }
0x3: {  	_ = 	snop  }
0x4: {  	_ = 	snop  }
0x5: {  	_ = 	snop  }
0x6: {  	_ = 	snop  }
0x7: {  	_ = 	snop  }
__scs_overlays_trampoline_lowered:
0x8: {  	[smem:$0x3FAA] =	sst s0  }
0x9: {  	[smem:$0x3FAB] =	sst s1  }
0xa: {  	[smem:$0x3FAC] =	sst s2  }
0xb: {  	[smem:$0x3FAD] =	sst s3  }
0xc: {  	[smem:$0x3FAE] =	sst s4  }
0xd: {  	[smem:$0x3FAF] =	sst s5  }
0xe: {  	[smem:$0x3FB0] =	sst s6  }
0xf: {  	[smem:$0x3FB1] =	sst s7  }
0x10: {  	[smem:$0x3FB2] =	sst s8  }
0x11: {  	[smem:$0x3FB3] =	sst s9;
	s0 =	simm.s32 @!p0 $0x0  }
0x12: {  	s1 =	sld [smem:$0x3F99];
	s0 =	simm.s32 @p0 $0x1  }
0x13: {  	[smem:$0x3FB4] =	sst s0;
	s0 =	simm.s32 @!p1 $0x0  }
0x14: {  	s2 =	sld [smem:$0x3F98];
	s0 =	simm.s32 @p1 $0x1  }
0x15: {  	[smem:$0x3FB5] =	sst s0;
	s0 =	simm.s32 @!p2 $0x0  }
0x16: {  	s3 =	sld [smem:$0x3FDB];
	s0 =	simm.s32 @p2 $0x1  }
0x17: {  	s4 =	simm.s32 $0x1BF5;
	[smem:$0x3FB7] =	sst s0  }
0x18: {  	s0 =	sld [smem:$0x3F9A];
	_ =	swait.ge [sflag:s4], $0x0  }
0x19: {  	s7 =	sld [smem:$0x3F9B]  }
0x1a: {  	s8 =	sadd.s32 $0xFFFFE003, lr  }
0x1b: {  	s9 =	sadd.s32 $0xFFFFFEF7, lr;
	s5 =	simm.s32 $0xFFFFFFFF;
	p2 =	slt.u32 s8, $0xFFFFF086  }
0x1c: {  	p1 =	slt.u32 s9, $0xF7A;
	s5 =	simm.s32 @!p2 $0x0  }
0x1d: {  	s5 =	simm.s32 @p1 $0x1;
	p0 =	seq.s32 s7, s2  }
0x1e: {  	s7 =	smul.u32 @!p0 $0xF7A, s2;
	p2 =	seq.s32 @!p0 s5, $0x0  }
0x1f: {  	s9 =	smul.u32 $0xF7A, s1;
	s8 =	simm.s32 @!p0 $0x1BF5;
	p2 =	por !p2, p0  }
0x20: {  	[sflag:s8] =	ssyncset.s32 @!p0 $0xFFFFF086;
	s6 =	sadd.s32 @!p0 s3, s7;
	s7 =	simm.s32 @!p0 $0x108  }
0x21: {  	s3 =	sadd.s32 s3, s9;
	s6 =	sadd.s32 @!p0 $0x88, s6;
	s7 =	simm.s32 @p2 $0x1082  }
0x22: {  	[simem:s7], [sflag:s8] =	dma.local @!p0 [hbm:s6], $0xF7A  }
0x23: {  	s9 =	sor.u32 $0xD0000000, s2;
	s6 =	simm.s32 $0x108;
	_ =	swait.ge @!p0 [sflag:s8], $0x0  }
0x24: {  	s3 =	sadd.s32 $0x88, s3;
	s6 =	simm.s32 @!p1 $0x1082;
	[sflag:s4] =	ssyncset.s32 $0xFFFFF086  }
0x25: {  	[simem:s6], [sflag:s4] =	dma.local [hbm:s3], $0xF7A  }
0x26: {  	[smem:$0x3F9B] =	sst s1;
	(tag) =	ssettag s2;
	_ =	strace s9  }
0x27: {  	s1 =	sld [smem:$0x3FAB]  }
0x28: {  	s2 =	sld [smem:$0x3FAC]  }
0x29: {  	s4 =	sld [smem:$0x3FAE]  }
0x2a: {  	p0 =	seq.s32 s5, $0x0;
	s5 =	sld [smem:$0x3FAF]  }
0x2b: {  	s6 =	sld [smem:$0x3FB0]  }
0x2c: {  	s7 =	sld [smem:$0x3FB1]  }
0x2d: {  	s3 =	simm.s32 $0x108;
	s8 =	sld [smem:$0x3FB2]  }
0x2e: {  	s3 =	simm.s32 @!p0 $0x1082;
	s9 =	sld [smem:$0x3FB3]  }
0x2f: {  	lr =	sadd.s32 s0, s3;
	s0 =	sld [smem:$0x3FAA]  }
0x30: {  	s3 =	sld [smem:$0x3FAD]  }
0x31: {  	[smem:$0x3FB6] =	sst s10  }
0x32: {  	s10 =	sld [smem:$0x3FB4];
	_ =	sdelay $0x3  }
0x33: {  	p0 =	seq.s32 s10, $0x1;
	s10 =	sld [smem:$0x3FB6];
	_ =	sdelay $0x3  }
0x34: {  	[smem:$0x3FB6] =	sst s10  }
0x35: {  	s10 =	sld [smem:$0x3FB5];
	_ =	sdelay $0x3  }
0x36: {  	p1 =	seq.s32 s10, $0x1;
	s10 =	sld [smem:$0x3FB6];
	_ =	sdelay $0x3  }
0x37: {  	[smem:$0x3FB6] =	sst s10  }
0x38: {  	s10 =	sld [smem:$0x3FB7]  }
0x39: {  	_ = 	snop;
	(pc) =	sbr.ind lr, $3  }
0x3a: {  	_ = 	snop  }
0x3b: {  	_ = 	snop  }
0x3c: {  	p2 =	seq.s32 s10, $0x1;
	s10 =	sld [smem:$0x3FB6]  }
0x3d: {  	_ =	shalt  }
0x3e: {  	_ =	shalt  }
0x3f: {  	_ =	shalt  }
0x40: {  	_ =	shalt  }
0x41: {  	_ =	shalt  }
0x42: {  	_ =	shalt  }
0x43: {  	_ =	shalt  }
0x44: {  	_ =	shalt  }
0x45: {  	_ =	shalt  }
0x46: {  	_ =	shalt  }
0x47: {  	_ =	shalt  }
0x48: {  	_ =	shalt  }
0x49: {  	_ =	shalt  }
0x4a: {  	_ =	shalt  }
0x4b: {  	_ =	shalt  }
0x4c: {  	_ =	shalt  }
0x4d: {  	_ =	shalt  }
0x4e: {  	_ =	shalt  }
0x4f: {  	_ =	shalt  }
0x50: {  	_ =	shalt  }
0x51: {  	_ =	shalt  }
0x52: {  	_ =	shalt  }
0x53: {  	_ =	shalt  }
0x54: {  	_ =	shalt  }
0x55: {  	_ =	shalt  }
0x56: {  	_ =	shalt  }
0x57: {  	_ =	shalt  }
0x58: {  	_ =	shalt  }
0x59: {  	_ =	shalt  }
0x5a: {  	_ =	shalt  }
0x5b: {  	_ =	shalt  }
0x5c: {  	_ =	shalt  }
0x5d: {  	_ =	shalt  }
0x5e: {  	_ =	shalt  }
0x5f: {  	_ =	shalt  }
0x60: {  	_ =	shalt  }
0x61: {  	_ =	shalt  }
0x62: {  	_ =	shalt  }
0x63: {  	_ =	shalt  }
0x64: {  	_ =	shalt  }
0x65: {  	_ =	shalt  }
0x66: {  	_ =	shalt  }
0x67: {  	_ =	shalt  }
0x68: {  	_ =	shalt  }
0x69: {  	_ =	shalt  }
0x6a: {  	_ =	shalt  }
0x6b: {  	_ =	shalt  }
0x6c: {  	_ =	shalt  }
0x6d: {  	_ =	shalt  }
0x6e: {  	_ =	shalt  }
0x6f: {  	_ =	shalt  }
0x70: {  	_ =	shalt  }
0x71: {  	_ =	shalt  }
0x72: {  	_ =	shalt  }
0x73: {  	_ =	shalt  }
0x74: {  	_ =	shalt  }
0x75: {  	_ =	shalt  }
0x76: {  	_ =	shalt  }
0x77: {  	_ =	shalt  }
0x78: {  	_ =	shalt  }
0x79: {  	_ =	shalt  }
0x7a: {  	_ =	shalt  }
0x7b: {  	_ =	shalt  }
0x7c: {  	_ =	shalt  }
0x7d: {  	_ =	shalt  }
0x7e: {  	_ =	shalt  }
0x7f: {  	_ =	shalt  }
0x80: {  	_ =	shalt  }
0x81: {  	_ =	shalt  }
0x82: {  	_ =	shalt  }
0x83: {  	_ =	shalt  }
0x84: {  	_ =	shalt  }
0x85: {  	_ =	shalt  }
0x86: {  	_ =	shalt  }
0x87: {  	_ =	shalt  }
.Lfunc_end0:
.L_simem_size_0:
called_computation_lowered:
.L_overlay_start_0:
0x88: {  	s2 =	sld [smem:$0x3FD9]  }
0x89: {  	s3 =	sld [smem:$0x3FFE];
	_ =	sdelay $0x1  }
0x8a: {  	s1 =	srdreg.scid  }
0x8b: {  	s0 =	sand.u32 $0x1, s1  }
0x8c: {  	s16 =	sshll.u32 s0, $0xA;
	s2 =	sadd.s32 s3, s2  }
0x8d: {  	s2 =	sadd.s32 s2, s16  }
0x8e: {  	[smem:$0x3FC2] =	sst s2  }
0x8f: {  	_ = 	snop  }
0x90: {  	(tm) =	ssettm $0x1  }
0x91: {  	s17 =	sld [smem:$0x3FFB];
	_ =	sdelay $0x3  }
0x92: {  	_ =	strace s17  }
0x93: {  	s2 =	sld [smem:$0x3FFC];
	_ =	sdelay $0x3  }
0x94: {  	_ =	strace s2  }
0x95: {  	s2 =	sld [smem:$0x3FFD];
	_ =	sdelay $0x3  }
0x96: {  	_ =	strace s2  }
0x97: {  	_ =	strace $0x8FFFFFFF  }
0x98: {  	s18 =	sld [smem:$0x3FDB];
	_ =	sdelay $0x1  }
0x99: {  	s19 =	simm.s32 $_scs_section_size  }
0x9a: {  	s4 =	simm.s32 $_size__tile_overlayer_lowered;
	s5 =	simm.s32 $_tile_overlayer_lowered  }
0x9b: {  	s22 =	simm.s32 $0x1BFF;
	s21 =	sshll.u32 s5, $0x1;
	s2 =	sadd.s32 s19, s18  }
0x9c: {  	s6 =	simm.s32 $0x0;
	s20 =	sshll.u32 s4, $0x1;
	s4 =	sadd.s32 s21, s2  }
0x9d: {  	[timem:s6], [sflag:s22] =	dma.local [hbm:s4], s20  }
0x9e: {  	_ =	swait.ge [sflag:s22], s20  }
0x9f: {  	s3 =	ssub.s32 $0x0, s20;
	[sflag:s22] =	ssyncset.done $0x0  }
0xa0: {  	[sflag:s22] =	ssyncadd.s32 s3;
	_ =	sdelay $0x1  }
0xa1: {  	s23 =	simm.s32 $0x1B8B  }
0xa2: {  	_ =	swait.ge [sflag:s23], $0x1  }
0xa3: {  	[sflag:s23] =	ssyncset.done $0x0  }
0xa4: {  	s25 =	simm.s32 $0x1B8E;
	s24 =	sld [smem:$0x3FFE];
	[sflag:s23] =	ssyncadd.s32 $0xFFFFFFFF  }
0xa5: {  	s26 =	simm.s32 $execute0_lowered;
	[smem:$0x3FD2] =	sst s25  }
0xa6: {  	s4 =	sshll.u32 s26, $0x1;
	_ =	strace $0x80000046;
	[dreg:$0x1] =	wrdreg $0xFFFFFFFF  }
0xa7: {  	s28 =	simm.s32 $_size_execute0_lowered;
	s2 =	sadd.s32 s2, s4;
	[dreg:$0x0] =	wrdreg $0x0  }
0xa8: {  	s4 =	sshll.u32 s28, $0x1;
	[dreg:$0x2] =	wrdreg s2  }
0xa9: {  	[dreg:$0x3] =	wrdreg s4  }
0xaa: {  	[dreg:$0x4] =	wrdreg $0xC0  }
0xab: {  	_ =	task [dreg:s6], $0x5FFFF  }
0xac: {  	[dreg:$0x1] =	wrdreg $0xFFFFFFFF  }
0xad: {  	[dreg:$0x0] =	wrdreg $0x60  }
0xae: {  	[dreg:$0x2] =	wrdreg s24  }
0xaf: {  	[dreg:$0x3] =	wrdreg $0x0  }
0xb0: {  	[dreg:$0x4] =	wrdreg $0x9  }
0xb1: {  	_ =	task.clear_ibuf [dreg:s6], $0x5FFFF;
	_ =	strace $0x90000046  }
0xb2: {  	s29 =	simm.s32 $0x9;
	_ =	strace $0x80000048  }
0xb3: {  	_ =	swait.ge [sflag:s29], $0x1  }
0xb4: {  	[sflag:s29] =	ssyncadd.s32 $0xFFFFFFFF  }
0xb5: {  	_ =	strace $0x90000048  }
0xb6: {  	_ =	sfence  }
0xb7: {  	s30 =	sld [smem:$0x0];
	_ =	sdelay $0x2  }
0xb8: {  	s31 =	sshll.u32 s1, $0xD;
	s1 =	sshrl.u32 s1, $0x2  }
0xb9: {  	s3 =	sand.u32 $0x4000, s31;
	s1 =	sadd.s32 s1, s30  }
0xba: {  	s0 =	sor.u32 s3, s0;
	s1 =	sshll.u32 s1, $0x11  }
0xbb: {  	s0 =	sor.u32 s1, s0  }
0xbc: {  	s0 =	sadd.s32 $0x8F2B, s0  }
0xbd: {  	[sflag:s0] =	ssyncadd.remote.s32 $0x1  }
0xbe: {  	_ =	sfence.sel $0xFFFF  }
0xbf: {  	[dreg:$0x0] =	wrdreg $0xFFFFFFFF;
	(pc) =	sbr.abs _section_cstart, $3  }
0xc0: {  	[dreg:$0x1] =	wrdreg $0xFFFFFFFF  }
0xc1: {  	_ =	task.clear_ibuf [dreg:s6], $0x2FFFF;
	_ =	strace $0x9FFFFFFF  }
0xc2: {  	(tm) =	ssettm $0x7FFFFFFF  }
0xc3: {  	_ =	shalt  }
tec
execute0_lowered:
.L_overlay_start_1:
0x0: {  	(tag) =	ssettag $0x1  }
0x1: {  	s0 =	rddreg [dreg:$0x0]  }
0x2: {  	s2 =	rddreg [dreg:$0x1]  }
0x3: {  	s3 =	simm.s32 $0x0;
	s14 =	stileid.u32;
	s1 =	srdreg.scid  }
0x4: {  	s21 =	simm.s32 $0x4200;
	s22 =	simm.s32 $0x3;
	s29 =	simm.s32 $0x80  }
0x5: {  	s30 =	simm.s32 $0x4180;
	s31 =	simm.s32 $0x2;
	s5 =	smul.u32 $0x2800, s14  }
0x6: {  	[smem:$0x7FF] =	sst s3;
	s18 =	sadd.s32 $0xB600, s0;
	s6 =	smul.u32 $0xFA00, s14  }
0x7: {  	s1 =	sand.u32 $0x1, s1;
	s19 =	sadd.s32 $0x1600, s0;
	s10 =	smul.u32 $0x3E80, s14  }
0x8: {  	s4 =	sadd.s32 $0x10600, s0;
	s28 =	smul.u32 $0x500, s14;
	s23 =	ssub.s32 $0x2, s1  }
0x9: {  	_ =	strace $0x80000047;
	p0 =	sne.s32 s1, $0x0;
	s7 =	sshrl.u32 s23, $0x1  }
0xa: {  	s6 =	sshrl.u32 s6, $0x2;
	s8 =	sshrl.u32 s5, $0x3;
	s20 =	sadd.s32 s28, s18  }
0xb: {  	s0 =	ssub.s32 s23, s7;
	s5 =	sadd.s32 s6, s2;
	s24 =	sadd.s32 s19, s8  }
0xc: {  	s9 =	sor.u32 $0x10, s8;
	s25 =	sadd.s32 s18, s8;
	[dreg:$0x3] =	wrdreg s24  }
0xd: {  	[dreg:$0x4] =	wrdreg s25;
	s26 =	sadd.s32 s19, s9;
	s9 =	sadd.s32 s18, s9  }
.Ltmp0:
0xe: {  	s11 =	smax.u32 s0, $0x1;
	s12 =	sadd.s32 $0x7D0, s5;
	(pc) =	sbr.rel .LBB2_1-.Ltmp0, $4  }
0xf: {  	s13 =	sadd.s32 $0xFA0, s5;
	s14 =	sadd.s32 $0x1770, s5;
	s15 =	sadd.s32 $0x1F40, s5  }
0x10: {  	s16 =	sadd.s32 $0x2710, s5;
	s17 =	sadd.s32 $0x2EE0, s5;
	s0 =	sadd.s32 s28, s19  }
0x11: {  	s18 =	sadd.s32 $0x36B0, s5;
	s25 =	simm.s32 $0x1;
	[dreg:$0x5] =	wrdreg s26  }
0x12: {  	v0 =	vimm.f32 $0.0e+00;
	v1 =	vimm.f32 $1.000000000e+00;
	s26 =	sadd.s32 $0x20, s20;
	s24 =	sadd.s32 $0x20, s0;
	s0 =	simm.s32 $0x0  }
.LBB2_13:
0x13: {  	s0 =	sadd.s32 $0x1, s0  }
0x14: {  	p1 =	sne.s32 s0, s11  }
.Ltmp1:
0x15: {  	_ = 	snop;
	(pc) =	sbr.rel @!p1 .LBB2_14-.Ltmp1, $1  }
0x16: {  	_ =	sdelay $0x3  }
.LBB2_1:
0x17: {  	s1 =	simm.s32 $0x40;
	s19 =	simm.s32 $0x0  }
.LBB2_2:
0x18: {  	p1 =	sne.s32 s1, $0x1F00;
	[tilespmem:s19+$0x4200] =	vst v0;
	s19 =	smov.u32 s1;
	s1 =	sadd.s32 $0x40, s1  }
.Ltmp2:
0x19: {  	(pc) =	sbr.rel @p1 .LBB2_2-.Ltmp2, $2  }
0x1a: {  	_ =	sdelay $0x2  }
0x1b: {  	s19 =	sshra.s32 s19, $0x2  }
0x1c: {  	[tilespmem:s19+$0x4200] =	vst v0  }
0x1d: {  	[spmem:s5] =	stream.linear.scatter [tilespmem:s21], [sflag:$0x3], $0x7D0, $0x38;
	[tilespmem:$0x4A00] =	vst v63  }
0x1e: {  	_ =	swait.ge [sflag:s22], $0x7D0  }
0x1f: {  	[sflag:s22] =	ssyncset.done $0x0  }
0x20: {  	[sflag:s22] =	ssyncadd.s32 $0xFFFFF830  }
0x21: {  	[spmem:s12] =	stream.linear.scatter [tilespmem:s21], [sflag:$0x3], $0x7D0, $0x38;
	[tilespmem:$0x4A00] =	vst v63  }
0x22: {  	_ =	swait.ge [sflag:s22], $0x7D0  }
0x23: {  	[sflag:s22] =	ssyncset.done $0x0  }
0x24: {  	[sflag:s22] =	ssyncadd.s32 $0xFFFFF830  }
0x25: {  	[spmem:s13] =	stream.linear.scatter [tilespmem:s21], [sflag:$0x3], $0x7D0, $0x38;
	[tilespmem:$0x4A00] =	vst v63  }
0x26: {  	_ =	swait.ge [sflag:s22], $0x7D0  }
0x27: {  	[sflag:s22] =	ssyncset.done $0x0  }
0x28: {  	[sflag:s22] =	ssyncadd.s32 $0xFFFFF830  }
0x29: {  	[spmem:s14] =	stream.linear.scatter [tilespmem:s21], [sflag:$0x3], $0x7D0, $0x38;
	[tilespmem:$0x4A00] =	vst v63  }
0x2a: {  	_ =	swait.ge [sflag:s22], $0x7D0  }
0x2b: {  	[sflag:s22] =	ssyncset.done $0x0  }
0x2c: {  	[sflag:s22] =	ssyncadd.s32 $0xFFFFF830  }
0x2d: {  	[spmem:s15] =	stream.linear.scatter [tilespmem:s21], [sflag:$0x3], $0x7D0, $0x38;
	[tilespmem:$0x4A00] =	vst v63  }
0x2e: {  	_ =	swait.ge [sflag:s22], $0x7D0  }
0x2f: {  	[sflag:s22] =	ssyncset.done $0x0  }
0x30: {  	[sflag:s22] =	ssyncadd.s32 $0xFFFFF830  }
0x31: {  	[spmem:s16] =	stream.linear.scatter [tilespmem:s21], [sflag:$0x3], $0x7D0, $0x38;
	[tilespmem:$0x4A00] =	vst v63  }
0x32: {  	_ =	swait.ge [sflag:s22], $0x7D0  }
0x33: {  	[sflag:s22] =	ssyncset.done $0x0  }
0x34: {  	[sflag:s22] =	ssyncadd.s32 $0xFFFFF830  }
0x35: {  	[spmem:s17] =	stream.linear.scatter [tilespmem:s21], [sflag:$0x3], $0x7D0, $0x38;
	[tilespmem:$0x4A00] =	vst v63  }
0x36: {  	_ =	swait.ge [sflag:s22], $0x7D0  }
0x37: {  	[sflag:s22] =	ssyncset.done $0x0  }
0x38: {  	[sflag:s22] =	ssyncadd.s32 $0xFFFFF830  }
0x39: {  	[spmem:s18] =	stream.linear.scatter [tilespmem:s21], [sflag:$0x3], $0x7D0, $0x38;
	[tilespmem:$0x4A00] =	vst v63  }
0x3a: {  	_ =	swait.ge [sflag:s22], $0x7D0  }
0x3b: {  	[sflag:s22] =	ssyncset.done $0x0  }
0x3c: {  	[sflag:s22] =	ssyncadd.s32 $0xFFFFF830  }
0x3d: {  	[tilespmem:$0x4180] =	vst v1  }
0x3e: {  	[tilespmem:$0x4190] =	vst v1  }
0x3f: {  	[tilespmem:$0x41A0] =	vst v1  }
0x40: {  	[tilespmem:$0x41B0] =	vst v1  }
0x41: {  	[tilespmem:$0x41C0] =	vst v1  }
0x42: {  	[tilespmem:$0x41D0] =	vst v1  }
0x43: {  	[tilespmem:$0x41E0] =	vst v1  }
0x44: {  	[tilespmem:$0x41F0] =	vst v1  }
0x45: {  	[bflag:$0x0] =	sbarrier.arrive $0xFFFF  }
0x46: {  	s1 =	simm.s32 $0x0;
	s7 =	simm.s32 $0x3E80;
	s6 =	rddreg [dreg:$0x3]  }
0x47: {  	[tilespmem:s7], [sflag:$0x1] =	stream.linear.gather [hbm4b:s6+s1], $0x80, $0x38;
	[tilespmem:$0x4A00] =	vst v63  }
0x48: {  	s19 =	simm.s32 $0x3F80;
	s8 =	rddreg [dreg:$0x4]  }
0x49: {  	[tilespmem:s19], [sflag:$0x1] =	stream.linear.gather [hbm4b:s8+s1], $0x80, $0x38;
	[tilespmem:$0x4A00] =	vst v63  }
0x4a: {  	_ =	swait.ge [sflag:s25], $0x80  }
0x4b: {  	[sflag:s25] =	ssyncset.done $0x0  }
0x4c: {  	[sflag:s25] =	ssyncadd.s32 $0xFFFFFF80  }
0x4d: {  	_ =	swait.ge [sflag:s25], $0x80  }
0x4e: {  	[sflag:s25] =	ssyncset.done $0x0  }
0x4f: {  	[sflag:s25] =	ssyncadd.s32 $0xFFFFFF80  }
0x50: {  	v2 =	vld [tilespmem:$0x3E80]  }
0x51: {  	v3 =	vld [tilespmem:$0x3F80]  }
0x52: {  	v4 =	vld [tilespmem:$0x3E90]  }
0x53: {  	v5 =	vld [tilespmem:$0x3F90]  }
0x54: {  	v6 =	vld [tilespmem:$0x3EA0]  }
0x55: {  	v7 =	vld [tilespmem:$0x3FA0]  }
0x56: {  	v8 =	vld [tilespmem:$0x3EB0]  }
0x57: {  	v9 =	vld [tilespmem:$0x3FB0]  }
0x58: {  	v10 =	vld [tilespmem:$0x3EC0]  }
0x59: {  	v11 =	vld [tilespmem:$0x3FC0]  }
0x5a: {  	v12 =	vld [tilespmem:$0x3ED0]  }
0x5b: {  	v13 =	vld [tilespmem:$0x3FD0];
	v2 =	vmul.u32 $0x2710, v2  }
0x5c: {  	v14 =	vld [tilespmem:$0x3EE0];
	v4 =	vmul.u32 $0x2710, v4  }
0x5d: {  	v58 =	vld [tilespmem:$0x3EF0];
	v2 =	vadd.s32 v3, v2;
	v3 =	vmul.u32 $0x2710, v6  }
0x5e: {  	v60 =	vld [tilespmem:$0x3FE0];
	v59 =	vmul.u32 $0x2710, v8;
	[tilespmem:$0x4080] =	vst v2;
	v2 =	vadd.s32 v5, v4  }
0x5f: {  	v61 =	vld [tilespmem:$0x3FF0];
	[tilespmem:$0x4090] =	vst v2;
	v2 =	vadd.s32 v7, v3;
	v3 =	vmul.u32 $0x2710, v10  }
0x60: {  	v62 =	vmul.u32 $0x2710, v12;
	[tilespmem:$0x40A0] =	vst v2;
	v2 =	vadd.s32 v9, v59  }
0x61: {  	[tilespmem:$0x40B0] =	vst v2;
	v2 =	vadd.s32 v11, v3;
	v3 =	vmul.u32 $0x2710, v14  }
0x62: {  	v63 =	vmul.u32 $0x2710, v58;
	[tilespmem:$0x40C0] =	vst v2;
	v2 =	vadd.s32 v13, v62  }
0x63: {  	[tilespmem:$0x40D0] =	vst v2;
	v2 =	vadd.s32 v60, v3  }
.Ltmp3:
0x64: {  	[tilespmem:$0x40E0] =	vst v2;
	v2 =	vadd.s32 v61, v63;
	(pc) =	sbr.rel .LBB2_4-.Ltmp3, $4  }
0x65: {  	s23 =	simm.s32 $0x3F00;
	s28 =	simm.s32 $0x4000;
	s20 =	rddreg [dreg:$0x5];
	[tilespmem:$0x40F0] =	vst v2  }
0x66: {  	[tilespmem:s23], [sflag:$0x1] =	stream.linear.gather [hbm4b:s20+s1], $0x80, $0x38;
	[tilespmem:$0x4A00] =	vst v63  }
0x67: {  	s19 =	smov.u32 s26;
	s23 =	simm.s32 $0x80;
	s20 =	smov.u32 s24  }
0x68: {  	[tilespmem:s28], [sflag:$0x1] =	stream.linear.gather [hbm4b:s9+s1], $0x80, $0x38;
	[tilespmem:$0x4A00] =	vst v63  }
.LBB2_8:
0x69: {  	_ =	swait.ge [sflag:s25], $0x80  }
0x6a: {  	[sflag:s25] =	ssyncset.done $0x0  }
0x6b: {  	[sflag:s25] =	ssyncadd.s32 $0xFFFFFF80  }
0x6c: {  	_ =	swait.ge [sflag:s25], $0x80  }
0x6d: {  	[sflag:s25] =	ssyncset.done $0x0  }
0x6e: {  	s6 =	sand.u32 $0x80, s23;
	[sflag:s25] =	ssyncadd.s32 $0xFFFFFF80  }
0x6f: {  	v2 =	vld [tilespmem:s6+$0x3E80]  }
0x70: {  	v3 =	vld [tilespmem:s6+$0x3F80]  }
0x71: {  	v4 =	vld [tilespmem:s6+$0x3E90]  }
0x72: {  	v5 =	vld [tilespmem:s6+$0x3F90]  }
0x73: {  	v6 =	vld [tilespmem:s6+$0x3EA0]  }
0x74: {  	v7 =	vld [tilespmem:s6+$0x3FA0]  }
0x75: {  	v8 =	vld [tilespmem:s6+$0x3EB0]  }
0x76: {  	v9 =	vld [tilespmem:s6+$0x3FB0]  }
0x77: {  	v10 =	vld [tilespmem:s6+$0x3EC0]  }
0x78: {  	v11 =	vld [tilespmem:s6+$0x3FC0]  }
0x79: {  	v12 =	vld [tilespmem:s6+$0x3ED0]  }
0x7a: {  	v13 =	vld [tilespmem:s6+$0x3FD0];
	v2 =	vmul.u32 $0x2710, v2  }
0x7b: {  	v14 =	vld [tilespmem:s6+$0x3EE0];
	v4 =	vmul.u32 $0x2710, v4  }
0x7c: {  	v58 =	vld [tilespmem:s6+$0x3EF0];
	v2 =	vadd.s32 v3, v2;
	v3 =	vmul.u32 $0x2710, v6  }
0x7d: {  	v60 =	vld [tilespmem:s6+$0x3FE0];
	v59 =	vmul.u32 $0x2710, v8;
	[tilespmem:s6+$0x4080] =	vst v2;
	v2 =	vadd.s32 v5, v4  }
0x7e: {  	v61 =	vld [tilespmem:s6+$0x3FF0];
	[tilespmem:s6+$0x4090] =	vst v2;
	v2 =	vadd.s32 v7, v3;
	v3 =	vmul.u32 $0x2710, v10  }
0x7f: {  	v62 =	vmul.u32 $0x2710, v12;
	[tilespmem:s6+$0x40A0] =	vst v2;
	v2 =	vadd.s32 v9, v59  }
0x80: {  	[tilespmem:s6+$0x40B0] =	vst v2;
	v2 =	vadd.s32 v11, v3;
	v3 =	vmul.u32 $0x2710, v14  }
0x81: {  	v63 =	vmul.u32 $0x2710, v58;
	[tilespmem:s6+$0x40C0] =	vst v2;
	v2 =	vadd.s32 v13, v62  }
0x82: {  	p1 =	sgt.u32 s1, $0x4D;
	[tilespmem:s6+$0x40D0] =	vst v2;
	v2 =	vadd.s32 v60, v3  }
0x83: {  	s7 =	sshll.u32 @!p1 s28, $0x7;
	[tilespmem:s6+$0x40E0] =	vst v2;
	v2 =	vadd.s32 v61, v63  }
0x84: {  	s8 =	simm.s32 @!p1 $0x0;
	[tilespmem:s6+$0x40F0] =	vst v2;
	s6 =	sadd.s32 @!p1 $0x3E80, s7  }
0x85: {  	[tilespmem:s6], [sflag:$0x1] =	stream.linear.gather @!p1 [hbm4b:s20+s8], $0x80, $0x38;
	[tilespmem:$0x4A00] =	vst v63  }
0x86: {  	s1 =	sadd.s32 $0x1, s1;
	s6 =	sadd.s32 @!p1 $0x3F80, s7  }
0x87: {  	[tilespmem:s6], [sflag:$0x1] =	stream.linear.gather @!p1 [hbm4b:s19+s8], $0x80, $0x38;
	[tilespmem:$0x4A00] =	vst v63  }
0x88: {  	p1 =	sne.s32 s1, $0x50  }
.Ltmp4:
0x89: {  	_ = 	snop;
	(pc) =	sbr.rel @!p1 .LBB2_9-.Ltmp4, $4  }
0x8a: {  	_ = 	snop  }
0x8b: {  	s23 =	sadd.s32 $0x80, s23;
	s28 =	sshll.u32 s28, $0x7  }
0x8c: {  	s20 =	sadd.s32 $0x10, s20;
	s6 =	sadd.s32 $0x4080, s28;
	s19 =	sadd.s32 $0x10, s19  }
0x8d: {  	[spmem:s2] =	stream.indirect.scatter.add.f32 [tilespmem:s30], [sflag:$0x2], $0x1, s6, s29, $0xb8;
	[tilespmem:$0x4A00] =	vst v63  }
.LBB2_4:
0x8e: {  	p1 =	seq.s32 s1, $0x0  }
.Ltmp5:
0x8f: {  	_ = 	snop;
	(pc) =	sbr.rel @p1 .LBB2_8-.Ltmp5, $2  }
0x90: {  	_ =	sdelay $0x2  }
0x91: {  	s28 =	sand.u32 $0x1, s1  }
0x92: {  	p1 =	sne.s32 s1, $0x4F  }
.Ltmp6:
0x93: {  	_ = 	snop;
	(pc) =	sbr.rel @!p1 .LBB2_6-.Ltmp6, $1  }
0x94: {  	_ =	sdelay $0x3  }
.Ltmp7:
0x95: {  	(pc) =	sbr.rel .LBB2_8-.Ltmp7, $4  }
0x96: {  	_ = 	snop  }
0x97: {  	_ =	swait.ge [sflag:s31], $0x80  }
0x98: {  	[sflag:s31] =	ssyncset.done $0x0  }
0x99: {  	[sflag:s31] =	ssyncadd.s32 $0xFFFFFF80  }
.LBB2_6:
0x9a: {  	s1 =	sshll.u32 s28, $0x7  }
0x9b: {  	s1 =	sadd.s32 $0x4080, s1  }
0x9c: {  	[spmem:s2] =	stream.indirect.scatter.add.f32 [tilespmem:s30], [sflag:$0x2], $0x1, s1, s29, $0xb8;
	[tilespmem:$0x4A00] =	vst v63  }
.LBB2_9:
0x9d: {  	_ =	swait.ge [sflag:s31], $0x80  }
0x9e: {  	[sflag:s31] =	ssyncset.done $0x0  }
0x9f: {  	[sflag:s31] =	ssyncadd.s32 $0xFFFFFF80  }
.Ltmp8:
0xa0: {  	_ =	swait.ge [sflag:s31], $0x80;
	(pc) =	sbr.rel @p0 .LBB2_13-.Ltmp8, $4  }
0xa1: {  	[sflag:s31] =	ssyncset.done $0x0  }
0xa2: {  	[sflag:s31] =	ssyncadd.s32 $0xFFFFFF80  }
0xa3: {  	[bflag:$0x0] =	sbarrier.arrive $0xFFFF  }
0xa4: {  	s1 =	simm.s32 $0x0  }
.LBB2_10:
0xa5: {  	s6 =	smul.u32 $0x7D0, s1;
	_ =	sdelay $0x1  }
0xa6: {  	s19 =	sadd.s32 s10, s6  }
0xa7: {  	s6 =	sadd.s32 s19, s2  }
0xa8: {  	[tilespmem:s21], [sflag:$0x3] =	stream.linear.gather [spmem:s6], $0x7D0, $0x38;
	[tilespmem:$0x4A00] =	vst v63  }
0xa9: {  	_ =	swait.ge [sflag:s22], $0x7D0  }
0xaa: {  	[sflag:s22] =	ssyncset.done $0x0  }
0xab: {  	s20 =	simm.s32 $0x0;
	s23 =	simm.s32 $0x40;
	[sflag:s22] =	ssyncadd.s32 $0xFFFFF830  }
.LBB2_11:
0xac: {  	p1 =	sne.s32 s23, $0x1F00;
	v2 =	vld [tilespmem:s20+$0x4200];
	_ =	sdelay $0x4  }
0xad: {  	v2 =	vmax.f32 v2, $1.000000000e+00  }
0xae: {  	(erf) = vrcp.f32 v2;
	_ =	sdelay $0x5  }
.Ltmp9:
0xaf: {  	(pc) =	sbr.rel @p1 .LBB2_11-.Ltmp9, $3  }
0xb0: {  	_ =	sdelay $0x1  }
0xb1: {  	v2 =	vpop (erf)  }
0xb2: {  	[tilespmem:s20+$0x4200] =	vst v2;
	s20 =	sshra.s32 s23, $0x2;
	s23 =	sadd.s32 $0x40, s23  }
0xb3: {  	v2 =	vld [tilespmem:s20+$0x4200];
	_ =	sdelay $0x4  }
0xb4: {  	v2 =	vmax.f32 v2, $1.000000000e+00  }
0xb5: {  	(erf) = vrcp.f32 v2;
	_ =	sdelay $0x8  }
0xb6: {  	s6 =	sshrl.u32 s19, $0x3;
	s1 =	sadd.s32 $0x1, s1;
	v2 =	vpop (erf)  }
0xb7: {  	s6 =	sadd.s32 s4, s6;
	p1 =	sne.s32 s1, $0x8;
	[tilespmem:s20+$0x4200] =	vst v2  }
0xb8: {  	[hbm4b:s6+s3] =	stream.linear.scatter [tilespmem:s21], [sflag:$0x3], $0x7D0, $0x38;
	[tilespmem:$0x4A00] =	vst v63  }
.Ltmp10:
0xb9: {  	_ = 	snop;
	(pc) =	sbr.rel @p1 .LBB2_10-.Ltmp10, $4  }
.Ltmp11:
0xba: {  	_ = 	snop;
	(pc) =	sbr.rel @!p1 .LBB2_13-.Ltmp11, $4  }
0xbb: {  	_ =	swait.ge [sflag:s22], $0x7D0  }
0xbc: {  	[sflag:s22] =	ssyncset.done $0x0  }
0xbd: {  	[sflag:s22] =	ssyncadd.s32 $0xFFFFF830  }
0xbe: {  	_ = 	snop  }
.LBB2_14:
0xbf: {  	_ =	sfence.sel $0x180000  }
0xc0: {  	[bflag:$0x0] =	sbarrier.arrive $0xFFFF  }
0xc1: {  	_ =	strace $0x90000047  }
0xc2: {  	s0 =	stileid.u32;
	[bflag:$0x2] =	sbarrier.arrive $0xFFFF  }
0xc3: {  	p0 =	sne.s32 s0, $0x0;
	s0 =	rddreg [dreg:$0x2]  }
0xc4: {  	s0 =	sadd.s32 @!p0 $0x100000, s0  }
0xc5: {  	[sflag:s0] =	ssyncadd.tile.s32 @!p0 $0x1;
	_ =	shalt  }
.Lfunc_end2:
_tile_overlayer_lowered:
.L_overlay_start_2:
0xc6: {  	(tag) =	ssettag $0x2  }
0xc7: {  	s0 =	rddreg [dreg:$0x0];
	s2 =	stileid.u32  }
0xc8: {  	s1 =	rddreg [dreg:$0x1];
	p0 =	sne.s32 s2, $0x0  }
0xc9: {  	s3 =	rddreg [dreg:$0x2];
	[bflag:$0x3] =	sbarrier.arrive $0xFFFF;
	s2 =	simm.s32 @!p0 $0x1C03  }
0xca: {  	[timem:s3], [sflag:s2] =	dma.local @!p0 [hbm:s0], s1  }
0xcb: {  	s0 =	simm.s32 @!p0 $0x3  }
0xcc: {  	_ =	swait.ge @!p0 [sflag:s0], s1  }
0xcd: {  	s1 =	ssub.s32 @!p0 $0x0, s1;
	[sflag:s0] =	ssyncset.done @!p0 $0x0  }
0xce: {  	[sflag:s0] =	ssyncadd.s32 @!p0 s1  }
0xcf: {  	[bflag:$0x3] =	sbarrier.arrive $0xFFFF  }
0xd0: {  	_ =	shalt  }

// kernel: kernel.9.cloned.1.call-start
scs
__scs_entry_jumppad:
0x0: {  	(pc) =	sbr.rel $0x88, $3  }
0x1: {  	(tag) =	ssettag $0x0;
	lr =	simm.s32 $0x1  }
0x2: {  	[smem:$0x3F9B] =	sst lr;
	_ =	strace $0xD0000000  }
0x3: {  	_ = 	snop  }
0x4: {  	_ = 	snop  }
0x5: {  	_ = 	snop  }
0x6: {  	_ = 	snop  }
0x7: {  	_ = 	snop  }
__scs_overlays_trampoline_lowered:
0x8: {  	[smem:$0x3FAA] =	sst s0  }
0x9: {  	[smem:$0x3FAB] =	sst s1  }
0xa: {  	[smem:$0x3FAC] =	sst s2  }
0xb: {  	[smem:$0x3FAD] =	sst s3  }
0xc: {  	[smem:$0x3FAE] =	sst s4  }
0xd: {  	[smem:$0x3FAF] =	sst s5  }
0xe: {  	[smem:$0x3FB0] =	sst s6  }
0xf: {  	[smem:$0x3FB1] =	sst s7  }
0x10: {  	[smem:$0x3FB2] =	sst s8  }
0x11: {  	[smem:$0x3FB3] =	sst s9;
	s0 =	simm.s32 @!p0 $0x0  }
0x12: {  	s1 =	sld [smem:$0x3F99];
	s0 =	simm.s32 @p0 $0x1  }
0x13: {  	[smem:$0x3FB4] =	sst s0;
	s0 =	simm.s32 @!p1 $0x0  }
0x14: {  	s2 =	sld [smem:$0x3F98];
	s0 =	simm.s32 @p1 $0x1  }
0x15: {  	[smem:$0x3FB5] =	sst s0;
	s0 =	simm.s32 @!p2 $0x0  }
0x16: {  	s3 =	sld [smem:$0x3FDB];
	s0 =	simm.s32 @p2 $0x1  }
0x17: {  	s4 =	simm.s32 $0x1BF5;
	[smem:$0x3FB7] =	sst s0  }
0x18: {  	s0 =	sld [smem:$0x3F9A];
	_ =	swait.ge [sflag:s4], $0x0  }
0x19: {  	s7 =	sld [smem:$0x3F9B]  }
0x1a: {  	s8 =	sadd.s32 $0xFFFFE003, lr  }
0x1b: {  	s9 =	sadd.s32 $0xFFFFFEF7, lr;
	s5 =	simm.s32 $0xFFFFFFFF;
	p2 =	slt.u32 s8, $0xFFFFF086  }
0x1c: {  	p1 =	slt.u32 s9, $0xF7A;
	s5 =	simm.s32 @!p2 $0x0  }
0x1d: {  	s5 =	simm.s32 @p1 $0x1;
	p0 =	seq.s32 s7, s2  }
0x1e: {  	s7 =	smul.u32 @!p0 $0xF7A, s2;
	p2 =	seq.s32 @!p0 s5, $0x0  }
0x1f: {  	s9 =	smul.u32 $0xF7A, s1;
	s8 =	simm.s32 @!p0 $0x1BF5;
	p2 =	por !p2, p0  }
0x20: {  	[sflag:s8] =	ssyncset.s32 @!p0 $0xFFFFF086;
	s6 =	sadd.s32 @!p0 s3, s7;
	s7 =	simm.s32 @!p0 $0x108  }
0x21: {  	s3 =	sadd.s32 s3, s9;
	s6 =	sadd.s32 @!p0 $0x88, s6;
	s7 =	simm.s32 @p2 $0x1082  }
0x22: {  	[simem:s7], [sflag:s8] =	dma.local @!p0 [hbm:s6], $0xF7A  }
0x23: {  	s9 =	sor.u32 $0xD0000000, s2;
	s6 =	simm.s32 $0x108;
	_ =	swait.ge @!p0 [sflag:s8], $0x0  }
0x24: {  	s3 =	sadd.s32 $0x88, s3;
	s6 =	simm.s32 @!p1 $0x1082;
	[sflag:s4] =	ssyncset.s32 $0xFFFFF086  }
0x25: {  	[simem:s6], [sflag:s4] =	dma.local [hbm:s3], $0xF7A  }
0x26: {  	[smem:$0x3F9B] =	sst s1;
	(tag) =	ssettag s2;
	_ =	strace s9  }
0x27: {  	s1 =	sld [smem:$0x3FAB]  }
0x28: {  	s2 =	sld [smem:$0x3FAC]  }
0x29: {  	s4 =	sld [smem:$0x3FAE]  }
0x2a: {  	p0 =	seq.s32 s5, $0x0;
	s5 =	sld [smem:$0x3FAF]  }
0x2b: {  	s6 =	sld [smem:$0x3FB0]  }
0x2c: {  	s7 =	sld [smem:$0x3FB1]  }
0x2d: {  	s3 =	simm.s32 $0x108;
	s8 =	sld [smem:$0x3FB2]  }
0x2e: {  	s3 =	simm.s32 @!p0 $0x1082;
	s9 =	sld [smem:$0x3FB3]  }
0x2f: {  	lr =	sadd.s32 s0, s3;
	s0 =	sld [smem:$0x3FAA]  }
0x30: {  	s3 =	sld [smem:$0x3FAD]  }
0x31: {  	[smem:$0x3FB6] =	sst s10  }
0x32: {  	s10 =	sld [smem:$0x3FB4];
	_ =	sdelay $0x3  }
0x33: {  	p0 =	seq.s32 s10, $0x1;
	s10 =	sld [smem:$0x3FB6];
	_ =	sdelay $0x3  }
0x34: {  	[smem:$0x3FB6] =	sst s10  }
0x35: {  	s10 =	sld [smem:$0x3FB5];
	_ =	sdelay $0x3  }
0x36: {  	p1 =	seq.s32 s10, $0x1;
	s10 =	sld [smem:$0x3FB6];
	_ =	sdelay $0x3  }
0x37: {  	[smem:$0x3FB6] =	sst s10  }
0x38: {  	s10 =	sld [smem:$0x3FB7]  }
0x39: {  	_ = 	snop;
	(pc) =	sbr.ind lr, $3  }
0x3a: {  	_ = 	snop  }
0x3b: {  	_ = 	snop  }
0x3c: {  	p2 =	seq.s32 s10, $0x1;
	s10 =	sld [smem:$0x3FB6]  }
0x3d: {  	_ =	shalt  }
0x3e: {  	_ =	shalt  }
0x3f: {  	_ =	shalt  }
0x40: {  	_ =	shalt  }
0x41: {  	_ =	shalt  }
0x42: {  	_ =	shalt  }
0x43: {  	_ =	shalt  }
0x44: {  	_ =	shalt  }
0x45: {  	_ =	shalt  }
0x46: {  	_ =	shalt  }
0x47: {  	_ =	shalt  }
0x48: {  	_ =	shalt  }
0x49: {  	_ =	shalt  }
0x4a: {  	_ =	shalt  }
0x4b: {  	_ =	shalt  }
0x4c: {  	_ =	shalt  }
0x4d: {  	_ =	shalt  }
0x4e: {  	_ =	shalt  }
0x4f: {  	_ =	shalt  }
0x50: {  	_ =	shalt  }
0x51: {  	_ =	shalt  }
0x52: {  	_ =	shalt  }
0x53: {  	_ =	shalt  }
0x54: {  	_ =	shalt  }
0x55: {  	_ =	shalt  }
0x56: {  	_ =	shalt  }
0x57: {  	_ =	shalt  }
0x58: {  	_ =	shalt  }
0x59: {  	_ =	shalt  }
0x5a: {  	_ =	shalt  }
0x5b: {  	_ =	shalt  }
0x5c: {  	_ =	shalt  }
0x5d: {  	_ =	shalt  }
0x5e: {  	_ =	shalt  }
0x5f: {  	_ =	shalt  }
0x60: {  	_ =	shalt  }
0x61: {  	_ =	shalt  }
0x62: {  	_ =	shalt  }
0x63: {  	_ =	shalt  }
0x64: {  	_ =	shalt  }
0x65: {  	_ =	shalt  }
0x66: {  	_ =	shalt  }
0x67: {  	_ =	shalt  }
0x68: {  	_ =	shalt  }
0x69: {  	_ =	shalt  }
0x6a: {  	_ =	shalt  }
0x6b: {  	_ =	shalt  }
0x6c: {  	_ =	shalt  }
0x6d: {  	_ =	shalt  }
0x6e: {  	_ =	shalt  }
0x6f: {  	_ =	shalt  }
0x70: {  	_ =	shalt  }
0x71: {  	_ =	shalt  }
0x72: {  	_ =	shalt  }
0x73: {  	_ =	shalt  }
0x74: {  	_ =	shalt  }
0x75: {  	_ =	shalt  }
0x76: {  	_ =	shalt  }
0x77: {  	_ =	shalt  }
0x78: {  	_ =	shalt  }
0x79: {  	_ =	shalt  }
0x7a: {  	_ =	shalt  }
0x7b: {  	_ =	shalt  }
0x7c: {  	_ =	shalt  }
0x7d: {  	_ =	shalt  }
0x7e: {  	_ =	shalt  }
0x7f: {  	_ =	shalt  }
0x80: {  	_ =	shalt  }
0x81: {  	_ =	shalt  }
0x82: {  	_ =	shalt  }
0x83: {  	_ =	shalt  }
0x84: {  	_ =	shalt  }
0x85: {  	_ =	shalt  }
0x86: {  	_ =	shalt  }
0x87: {  	_ =	shalt  }
.Lfunc_end0:
.L_simem_size_0:
called_computation.1_lowered:
.L_overlay_start_0:
0x88: {  	s2 =	sld [smem:$0x3FD9]  }
0x89: {  	s3 =	sld [smem:$0x3FFE];
	_ =	sdelay $0x1  }
0x8a: {  	s1 =	srdreg.scid  }
0x8b: {  	s0 =	sand.u32 $0x1, s1  }
0x8c: {  	s16 =	sshll.u32 s0, $0xA;
	s2 =	sadd.s32 s3, s2  }
0x8d: {  	s2 =	sadd.s32 s2, s16  }
0x8e: {  	[smem:$0x3FC2] =	sst s2  }
0x8f: {  	_ = 	snop  }
0x90: {  	(tm) =	ssettm $0x1  }
0x91: {  	s17 =	sld [smem:$0x3FFB];
	_ =	sdelay $0x3  }
0x92: {  	_ =	strace s17  }
0x93: {  	s2 =	sld [smem:$0x3FFC];
	_ =	sdelay $0x3  }
0x94: {  	_ =	strace s2  }
0x95: {  	s2 =	sld [smem:$0x3FFD];
	_ =	sdelay $0x3  }
0x96: {  	_ =	strace s2  }
0x97: {  	_ =	strace $0x8FFFFFFF  }
0x98: {  	s18 =	sld [smem:$0x3FDB];
	_ =	sdelay $0x1  }
0x99: {  	s19 =	simm.s32 $_scs_section_size  }
0x9a: {  	s4 =	simm.s32 $_size__tile_overlayer_lowered;
	s5 =	simm.s32 $_tile_overlayer_lowered  }
0x9b: {  	s22 =	simm.s32 $0x1BFF;
	s21 =	sshll.u32 s5, $0x1;
	s2 =	sadd.s32 s19, s18  }
0x9c: {  	s6 =	simm.s32 $0x0;
	s20 =	sshll.u32 s4, $0x1;
	s4 =	sadd.s32 s21, s2  }
0x9d: {  	[timem:s6], [sflag:s22] =	dma.local [hbm:s4], s20  }
0x9e: {  	_ =	swait.ge [sflag:s22], s20  }
0x9f: {  	s3 =	ssub.s32 $0x0, s20;
	[sflag:s22] =	ssyncset.done $0x0  }
0xa0: {  	[sflag:s22] =	ssyncadd.s32 s3;
	_ =	sdelay $0x1  }
0xa1: {  	s23 =	simm.s32 $0x1B8B  }
0xa2: {  	_ =	swait.ge [sflag:s23], $0x1  }
0xa3: {  	[sflag:s23] =	ssyncset.done $0x0  }
0xa4: {  	s25 =	simm.s32 $0x1B8E;
	s24 =	sld [smem:$0x3FFE];
	[sflag:s23] =	ssyncadd.s32 $0xFFFFFFFF  }
0xa5: {  	s26 =	simm.s32 $execute0_lowered;
	[smem:$0x3FD2] =	sst s25  }
0xa6: {  	s4 =	sshll.u32 s26, $0x1;
	_ =	strace $0x80000049;
	[dreg:$0x1] =	wrdreg $0xFFFFFFFF  }
0xa7: {  	s28 =	simm.s32 $_size_execute0_lowered;
	s2 =	sadd.s32 s2, s4;
	[dreg:$0x0] =	wrdreg $0x0  }
0xa8: {  	s4 =	sshll.u32 s28, $0x1;
	[dreg:$0x2] =	wrdreg s2  }
0xa9: {  	[dreg:$0x3] =	wrdreg s4  }
0xaa: {  	[dreg:$0x4] =	wrdreg $0xC0  }
0xab: {  	_ =	task [dreg:s6], $0x5FFFF  }
0xac: {  	[dreg:$0x1] =	wrdreg $0xFFFFFFFF  }
0xad: {  	[dreg:$0x0] =	wrdreg $0x60  }
0xae: {  	[dreg:$0x2] =	wrdreg s24  }
0xaf: {  	[dreg:$0x3] =	wrdreg $0x0  }
0xb0: {  	[dreg:$0x4] =	wrdreg $0x9  }
0xb1: {  	_ =	task.clear_ibuf [dreg:s6], $0x5FFFF;
	_ =	strace $0x90000049  }
0xb2: {  	s29 =	simm.s32 $0x9;
	_ =	strace $0x8000004B  }
0xb3: {  	_ =	swait.ge [sflag:s29], $0x1  }
0xb4: {  	[sflag:s29] =	ssyncadd.s32 $0xFFFFFFFF  }
0xb5: {  	_ =	strace $0x9000004B  }
0xb6: {  	_ =	sfence  }
0xb7: {  	s30 =	sld [smem:$0x0];
	_ =	sdelay $0x2  }
0xb8: {  	s31 =	sshll.u32 s1, $0xD;
	s1 =	sshrl.u32 s1, $0x2  }
0xb9: {  	s3 =	sand.u32 $0x4000, s31;
	s1 =	sadd.s32 s1, s30  }
0xba: {  	s0 =	sor.u32 s3, s0;
	s1 =	sshll.u32 s1, $0x11  }
0xbb: {  	s0 =	sor.u32 s1, s0  }
0xbc: {  	s0 =	sadd.s32 $0x8F2B, s0  }
0xbd: {  	[sflag:s0] =	ssyncadd.remote.s32 $0x1  }
0xbe: {  	_ =	sfence.sel $0xFFFF  }
0xbf: {  	[dreg:$0x0] =	wrdreg $0xFFFFFFFF;
	(pc) =	sbr.abs _section_cstart, $3  }
0xc0: {  	[dreg:$0x1] =	wrdreg $0xFFFFFFFF  }
0xc1: {  	_ =	task.clear_ibuf [dreg:s6], $0x2FFFF;
	_ =	strace $0x9FFFFFFF  }
0xc2: {  	(tm) =	ssettm $0x7FFFFFFF  }
0xc3: {  	_ =	shalt  }
tec
execute0_lowered:
.L_overlay_start_1:
0x0: {  	(tag) =	ssettag $0x1  }
0x1: {  	s0 =	rddreg [dreg:$0x0]  }
0x2: {  	s1 =	rddreg [dreg:$0x1]  }
0x3: {  	s2 =	simm.s32 $0x0;
	s5 =	srdreg.scid;
	s16 =	stileid.u32  }
0x4: {  	s29 =	simm.s32 $0x1;
	s30 =	simm.s32 $0x80;
	[smem:$0x7FF] =	sst s2  }
0x5: {  	s3 =	sadd.s32 $0x18400, s0;
	s4 =	sadd.s32 $0x6600, s0;
	s12 =	smul.u32 $0x2800, s16  }
0x6: {  	s6 =	sadd.s32 $0xB600, s0;
	s7 =	sadd.s32 $0x1600, s0;
	s11 =	smul.u32 $0x280, s16  }
0x7: {  	s5 =	sand.u32 $0x1, s5;
	p0 =	seq.s32 s16, $0xF;
	s16 =	smul.u32 $0x50000, s16  }
0x8: {  	s8 =	sadd.s32 $0x10600, s0;
	s9 =	sadd.s32 $0x7B9600, s0;
	s13 =	smul.u32 $0x3D090, s5  }
0x9: {  	s28 =	simm.s32 $0x0;
	_ =	strace $0x8000004A;
	s24 =	smul.u32 $0x3D0900, s5  }
0xa: {  	s10 =	ssub.s32 $0x2, s5;
	s19 =	smul.u32 $0x2710, s5;
	s5 =	simm.s32 $0x2  }
0xb: {  	s21 =	sshrl.u32 s10, $0x1;
	s14 =	sshrl.u32 s12, $0x3;
	s18 =	sor.u32 $0x100, s12  }
0xc: {  	s31 =	sshrl.u32 s16, $0x2;
	s0 =	ssub.s32 s10, s21;
	s10 =	simm.s32 $0xA  }
0xd: {  	s15 =	sadd.s32 s7, s14;
	s22 =	sadd.s32 s6, s14;
	s23 =	sadd.s32 s4, s14  }
0xe: {  	s14 =	sor.u32 $0x10, s14;
	s26 =	sadd.s32 s24, s3;
	[dreg:$0x3] =	wrdreg s15  }
0xf: {  	s21 =	sadd.s32 s31, s1;
	s24 =	simm.s32 $0x5;
	[dreg:$0x4] =	wrdreg s22  }
0x10: {  	s10 =	simm.s32 @!p0 $0x10;
	[dreg:$0x5] =	wrdreg s23;
	s17 =	sadd.s32 s7, s14  }
0x11: {  	s25 =	sadd.s32 s6, s14;
	s14 =	sadd.s32 s4, s14;
	s12 =	sadd.s32 s12, s26  }
0x12: {  	s20 =	smax.u32 s0, $0x1;
	s23 =	simm.s32 $0x1C180;
	[dreg:$0x6] =	wrdreg s17  }
0x13: {  	s0 =	simm.s32 $0x14080;
	s26 =	simm.s32 $0x4;
	[dreg:$0x7] =	wrdreg s25  }
0x14: {  	v0 =	vmov s13;
	[dreg:$0x8] =	wrdreg s14;
	s22 =	sadd.s32 $0x3A9800, s12;
	s25 =	simm.s32 $0x3  }
.LBB2_1:
0x15: {  	[tilespmem:s23], [sflag:$0x5] =	stream.linear.gather [hbm4b:s22+s2], $0x1400, $0x38;
	[tilespmem:$0x1D580] =	vst v63  }
0x16: {  	p0 =	sne.s32 s10, $0x1;
	_ =	swait.ge [sflag:s24], $0x1400  }
.Ltmp0:
0x17: {  	[sflag:s24] =	ssyncset.done $0x0;
	(pc) =	sbr.rel @!p0 .LBB2_3-.Ltmp0, $4  }
0x18: {  	[sflag:s24] =	ssyncadd.s32 $0xFFFFEC00  }
0x19: {  	[spmem:s21] =	stream.linear.scatter [tilespmem:s23], [sflag:$0x5], $0x1400, $0x38;
	[tilespmem:$0x1D580] =	vst v63  }
0x1a: {  	s12 =	sadd.s32 $0xFFFFFFFF, s10;
	_ =	swait.ge [sflag:s24], $0x1400  }
0x1b: {  	s13 =	smov.u32 s21;
	s14 =	smov.u32 s22;
	[sflag:s24] =	ssyncset.done $0x0  }
.LBB2_2:
0x1c: {  	[sflag:s24] =	ssyncadd.s32 $0xFFFFEC00;
	s13 =	sadd.s32 $0x1400, s13;
	s14 =	sadd.s32 $0x280, s14  }
0x1d: {  	[tilespmem:s23], [sflag:$0x5] =	stream.linear.gather [hbm4b:s14+s2], $0x1400, $0x38;
	[tilespmem:$0x1D580] =	vst v63  }
0x1e: {  	p0 =	sne.s32 s12, $0x1;
	s12 =	sadd.s32 $0xFFFFFFFF, s12;
	_ =	swait.ge [sflag:s24], $0x1400  }
.Ltmp1:
0x1f: {  	[sflag:s24] =	ssyncset.done $0x0;
	(pc) =	sbr.rel @p0 .LBB2_2-.Ltmp1, $4  }
0x20: {  	[sflag:s24] =	ssyncadd.s32 $0xFFFFEC00  }
0x21: {  	[spmem:s13] =	stream.linear.scatter [tilespmem:s23], [sflag:$0x5], $0x1400, $0x38;
	[tilespmem:$0x1D580] =	vst v63  }
0x22: {  	_ =	swait.ge [sflag:s24], $0x1400  }
0x23: {  	[sflag:s24] =	ssyncset.done $0x0  }
.LBB2_3:
0x24: {  	[sflag:s24] =	ssyncadd.s32 $0xFFFFEC00  }
0x25: {  	[bflag:$0x0] =	sbarrier.arrive $0xFFFF  }
0x26: {  	s31 =	simm.s32 $0x0;
	s13 =	simm.s32 $0x13A80;
	s12 =	rddreg [dreg:$0x3]  }
0x27: {  	[tilespmem:s13], [sflag:$0x1] =	stream.linear.gather [hbm4b:s12+s31], $0x80, $0x38;
	[tilespmem:$0x1D580] =	vst v63  }
0x28: {  	s15 =	simm.s32 $0x13C80;
	s14 =	rddreg [dreg:$0x4]  }
0x29: {  	[tilespmem:s15], [sflag:$0x1] =	stream.linear.gather [hbm4b:s14+s31], $0x80, $0x38;
	[tilespmem:$0x1D580] =	vst v63  }
0x2a: {  	s17 =	simm.s32 $0x13B80;
	s16 =	rddreg [dreg:$0x5]  }
0x2b: {  	[tilespmem:s17], [sflag:$0x1] =	stream.linear.gather [hbm4b:s16+s31], $0x80, $0x38;
	[tilespmem:$0x1D580] =	vst v63  }
0x2c: {  	_ =	swait.ge [sflag:s29], $0x80  }
0x2d: {  	[sflag:s29] =	ssyncset.done $0x0  }
0x2e: {  	[sflag:s29] =	ssyncadd.s32 $0xFFFFFF80  }
0x2f: {  	_ =	swait.ge [sflag:s29], $0x80  }
0x30: {  	[sflag:s29] =	ssyncset.done $0x0  }
0x31: {  	[sflag:s29] =	ssyncadd.s32 $0xFFFFFF80  }
0x32: {  	_ =	swait.ge [sflag:s29], $0x80  }
0x33: {  	[sflag:s29] =	ssyncset.done $0x0  }
0x34: {  	[sflag:s29] =	ssyncadd.s32 $0xFFFFFF80  }
0x35: {  	v1 =	vld [tilespmem:$0x13A80]  }
0x36: {  	v2 =	vld [tilespmem:$0x13B80]  }
0x37: {  	v3 =	vld [tilespmem:$0x13C80]  }
0x38: {  	v4 =	vld [tilespmem:$0x13C80]  }
0x39: {  	v5 =	vld [tilespmem:$0x13A90]  }
0x3a: {  	v6 =	vld [tilespmem:$0x13B90]  }
0x3b: {  	v7 =	vld [tilespmem:$0x13C90]  }
0x3c: {  	v8 =	vld [tilespmem:$0x13C90]  }
0x3d: {  	v9 =	vld [tilespmem:$0x13AA0]  }
0x3e: {  	v10 =	vld [tilespmem:$0x13BA0]  }
0x3f: {  	v11 =	vld [tilespmem:$0x13CA0]  }
0x40: {  	v12 =	vld [tilespmem:$0x13CA0]  }
0x41: {  	v13 =	vld [tilespmem:$0x13AB0]  }
0x42: {  	v53 =	vld [tilespmem:$0x13CD0]  }
0x43: {  	v14 =	vld [tilespmem:$0x13BB0]  }
0x44: {  	v58 =	vld [tilespmem:$0x13CE0];
	[tilespmem:$0x13F80] =	vst v4  }
0x45: {  	v15 =	vld [tilespmem:$0x13CB0];
	v1 =	vmul.u32 $0x2710, v1;
	[tilespmem:$0x13F90] =	vst v8  }
0x46: {  	v42 =	vld [tilespmem:$0x13BC0];
	v2 =	vadd.s32 v0, v2;
	[tilespmem:$0x13FA0] =	vst v12  }
0x47: {  	v44 =	vld [tilespmem:$0x13CC0];
	[tilespmem:$0x13FD0] =	vst v53;
	v3 =	vadd.s32 v1, v3;
	v1 =	vadd.s32 v1, v2  }
0x48: {  	v43 =	vmul.u32 $0x2710, v9;
	[tilespmem:$0x13E80] =	vst v1;
	v1 =	vld [tilespmem:$0x13AC0]  }
0x49: {  	v47 =	vld [tilespmem:$0x13AD0];
	[tilespmem:$0x13FE0] =	vst v58  }
0x4a: {  	v46 =	vadd.s32 v0, v10;
	v2 =	vmul.u32 $0x2710, v5;
	v45 =	vadd.s32 v43, v11;
	[tilespmem:$0x13D80] =	vst v3;
	v3 =	vld [tilespmem:$0x13CB0]  }
0x4b: {  	v49 =	vld [tilespmem:$0x13BD0];
	v41 =	vadd.s32 v0, v6;
	v48 =	vmul.u32 $0x2710, v13;
	v4 =	vadd.s32 v43, v46;
	[tilespmem:$0x13DA0] =	vst v45  }
0x4c: {  	v50 =	vld [tilespmem:$0x13CD0];
	[tilespmem:$0x13EA0] =	vst v4;
	v40 =	vadd.s32 v2, v7;
	v2 =	vadd.s32 v2, v41  }
0x4d: {  	v51 =	vadd.s32 v48, v15;
	[tilespmem:$0x13E90] =	vst v2;
	v2 =	vld [tilespmem:$0x13CC0];
	v1 =	vmul.u32 $0x2710, v1  }
0x4e: {  	v54 =	vld [tilespmem:$0x13AE0];
	[tilespmem:$0x13DB0] =	vst v51  }
0x4f: {  	v55 =	vld [tilespmem:$0x13BE0];
	v56 =	vadd.s32 v0, v42;
	[tilespmem:$0x13FB0] =	vst v3;
	v3 =	vadd.s32 v1, v44  }
0x50: {  	v57 =	vld [tilespmem:$0x13CE0];
	v1 =	vadd.s32 v1, v56;
	[tilespmem:$0x13DC0] =	vst v3;
	v3 =	vmul.u32 $0x2710, v47  }
0x51: {  	[tilespmem:$0x13EC0] =	vst v1;
	v1 =	vld [tilespmem:$0x13AF0]  }
0x52: {  	v60 =	vld [tilespmem:$0x13BF0];
	v59 =	vadd.s32 v0, v49;
	[tilespmem:$0x13FC0] =	vst v2;
	v2 =	vadd.s32 v3, v50  }
0x53: {  	v61 =	vld [tilespmem:$0x13CF0];
	[tilespmem:$0x13DD0] =	vst v2;
	v2 =	vadd.s32 v3, v59;
	v3 =	vmul.u32 $0x2710, v54  }
0x54: {  	[tilespmem:$0x13D90] =	vst v40  }
0x55: {  	v52 =	vadd.s32 v0, v14;
	v62 =	vadd.s32 v0, v55;
	[tilespmem:$0x13ED0] =	vst v2;
	v2 =	vadd.s32 v3, v57  }
0x56: {  	v7 =	vadd.s32 v48, v52;
	v1 =	vmul.u32 $0x2710, v1;
	[tilespmem:$0x13DE0] =	vst v2;
	v2 =	vadd.s32 v3, v62;
	v3 =	vld [tilespmem:$0x13CF0]  }
0x57: {  	[tilespmem:$0x13EB0] =	vst v7  }
0x58: {  	v63 =	vadd.s32 v0, v60;
	[tilespmem:$0x13EE0] =	vst v2;
	v2 =	vadd.s32 v1, v61  }
0x59: {  	v1 =	vadd.s32 v1, v63;
	[tilespmem:$0x13DF0] =	vst v2  }
0x5a: {  	[tilespmem:$0x13EF0] =	vst v1  }
0x5b: {  	s13 =	simm.s32 $0x13D80;
	[tilespmem:$0x13FF0] =	vst v3  }
0x5c: {  	[tilespmem:s0], [sflag:$0x2] =	stream.indirect.gather [hbm4b:s8+s30], $0x1, s13, s30, $0xb8;
	[tilespmem:$0x1D580] =	vst v63  }
0x5d: {  	s14 =	simm.s32 $0x13E80;
	s15 =	simm.s32 $0x14180  }
0x5e: {  	[tilespmem:s15], [sflag:$0x3] =	stream.indirect.gather [hbm4b:s3+s30], $0x80, s14, s30, $0xb8;
	[tilespmem:$0x1D580] =	vst v63  }
0x5f: {  	s17 =	simm.s32 $0x13B00;
	s16 =	rddreg [dreg:$0x6]  }
0x60: {  	[tilespmem:s17], [sflag:$0x1] =	stream.linear.gather [hbm4b:s16+s31], $0x80, $0x38;
	[tilespmem:$0x1D580] =	vst v63  }
0x61: {  	s14 =	rddreg [dreg:$0x7];
	s15 =	simm.s32 $0x13D00  }
0x62: {  	[tilespmem:s15], [sflag:$0x1] =	stream.linear.gather [hbm4b:s14+s31], $0x80, $0x38;
	[tilespmem:$0x1D580] =	vst v63  }
0x63: {  	p0 =	por $0x0, $0x0;
	s16 =	rddreg [dreg:$0x8];
	s17 =	simm.s32 $0x13C00  }
0x64: {  	[tilespmem:s17], [sflag:$0x1] =	stream.linear.gather [hbm4b:s16+s31], $0x80, $0x38;
	[tilespmem:$0x1D580] =	vst v63  }
.LBB2_4:
0x65: {  	p1 =	seq.s32 s31, $0x0  }
.Ltmp2:
0x66: {  	_ = 	snop;
	(pc) =	sbr.rel @p1 .LBB2_7-.Ltmp2, $2  }
0x67: {  	_ =	sdelay $0x2  }
0x68: {  	s13 =	sand.u32 $0x1, s31;
	s12 =	sadd.s32 $0x1, s31  }
0x69: {  	p1 =	seq.s32 s31, $0x4F  }
.Ltmp3:
0x6a: {  	_ = 	snop;
	(pc) =	sbr.rel @p1 .LBB2_8-.Ltmp3, $1  }
0x6b: {  	_ =	sdelay $0x3  }
0x6c: {  	_ =	swait.ge [sflag:s26], $0x4000  }
0x6d: {  	[sflag:s26] =	ssyncset.done $0x0  }
0x6e: {  	[sflag:s26] =	ssyncadd.s32 $0xFFFFC000  }
.LBB2_7:
0x6f: {  	_ =	swait.ge [sflag:s29], $0x80  }
0x70: {  	[sflag:s29] =	ssyncset.done $0x0  }
0x71: {  	[sflag:s29] =	ssyncadd.s32 $0xFFFFFF80  }
0x72: {  	_ =	swait.ge [sflag:s29], $0x80  }
0x73: {  	[sflag:s29] =	ssyncset.done $0x0  }
0x74: {  	[sflag:s29] =	ssyncadd.s32 $0xFFFFFF80  }
0x75: {  	_ =	swait.ge [sflag:s29], $0x80  }
0x76: {  	s14 =	sand.u32 $0x1, s12;
	[sflag:s29] =	ssyncset.done $0x0  }
0x77: {  	s15 =	sshll.u32 s14, $0x7;
	[sflag:s29] =	ssyncadd.s32 $0xFFFFFF80  }
0x78: {  	v1 =	vld [tilespmem:s15+$0x13A80]  }
0x79: {  	v2 =	vld [tilespmem:s15+$0x13B80]  }
0x7a: {  	v3 =	vld [tilespmem:s15+$0x13C80]  }
0x7b: {  	v4 =	vld [tilespmem:s15+$0x13A90]  }
0x7c: {  	v5 =	vld [tilespmem:s15+$0x13B90]  }
0x7d: {  	v6 =	vld [tilespmem:s15+$0x13C90]  }
0x7e: {  	v7 =	vld [tilespmem:s15+$0x13AA0]  }
0x7f: {  	v44 =	vld [tilespmem:s15+$0x13CA0]  }
0x80: {  	v46 =	vld [tilespmem:s15+$0x13CB0]  }
0x81: {  	v9 =	vld [tilespmem:s15+$0x13BA0]  }
0x82: {  	v50 =	vld [tilespmem:s15+$0x13CC0];
	[tilespmem:s15+$0x13F80] =	vst v3  }
0x83: {  	v45 =	vld [tilespmem:s15+$0x13BB0];
	v1 =	vmul.u32 $0x2710, v1;
	[tilespmem:s15+$0x13F90] =	vst v6  }
0x84: {  	v54 =	vld [tilespmem:s15+$0x13CD0];
	v2 =	vadd.s32 v0, v2;
	[tilespmem:s15+$0x13FA0] =	vst v44  }
0x85: {  	v58 =	vld [tilespmem:s15+$0x13CE0];
	[tilespmem:s15+$0x13FB0] =	vst v46;
	v8 =	vadd.s32 v1, v3;
	v1 =	vadd.s32 v1, v2;
	v2 =	vmul.u32 $0x2710, v4  }
0x86: {  	v5 =	vadd.s32 v0, v5;
	[tilespmem:s15+$0x13E80] =	vst v1;
	v1 =	vld [tilespmem:s15+$0x13AB0]  }
0x87: {  	v62 =	vld [tilespmem:s15+$0x13CF0];
	[tilespmem:s15+$0x13FC0] =	vst v50;
	v3 =	vadd.s32 v2, v6;
	v2 =	vadd.s32 v2, v5  }
0x88: {  	[tilespmem:s15+$0x13E90] =	vst v2;
	v2 =	vld [tilespmem:s15+$0x13AC0]  }
0x89: {  	v49 =	vld [tilespmem:s15+$0x13BC0];
	[tilespmem:s15+$0x13D90] =	vst v3;
	v3 =	vmul.u32 $0x2710, v7  }
0x8a: {  	v48 =	vadd.s32 v0, v9;
	[tilespmem:s15+$0x13FD0] =	vst v54  }
0x8b: {  	[tilespmem:s15+$0x13FE0] =	vst v58;
	v47 =	vadd.s32 v3, v44;
	v3 =	vadd.s32 v3, v48;
	v1 =	vmul.u32 $0x2710, v1  }
0x8c: {  	v52 =	vadd.s32 v0, v45;
	[tilespmem:s15+$0x13EA0] =	vst v3;
	v3 =	vld [tilespmem:s15+$0x13AD0]  }
0x8d: {  	v53 =	vld [tilespmem:s15+$0x13BD0];
	[tilespmem:s15+$0x13FF0] =	vst v62;
	v51 =	vadd.s32 v1, v46;
	v1 =	vadd.s32 v1, v52;
	v2 =	vmul.u32 $0x2710, v2  }
0x8e: {  	v56 =	vadd.s32 v0, v49;
	[tilespmem:s15+$0x13EB0] =	vst v1;
	v1 =	vld [tilespmem:s15+$0x13AE0]  }
0x8f: {  	v57 =	vld [tilespmem:s15+$0x13BE0];
	[tilespmem:s15+$0x13D80] =	vst v8;
	v55 =	vadd.s32 v2, v50;
	v2 =	vadd.s32 v2, v56  }
0x90: {  	[tilespmem:s15+$0x13EC0] =	vst v2;
	v2 =	vld [tilespmem:s15+$0x13AF0]  }
0x91: {  	[tilespmem:s15+$0x13DA0] =	vst v47;
	v3 =	vmul.u32 $0x2710, v3  }
0x92: {  	v61 =	vld [tilespmem:s15+$0x13BF0];
	[tilespmem:s15+$0x13DB0] =	vst v51  }
0x93: {  	v60 =	vadd.s32 v0, v53;
	[tilespmem:s15+$0x13DC0] =	vst v55;
	v59 =	vadd.s32 v3, v54;
	v1 =	vmul.u32 $0x2710, v1  }
0x94: {  	v3 =	vadd.s32 v3, v60;
	[tilespmem:s15+$0x13DD0] =	vst v59  }
0x95: {  	v63 =	vadd.s32 v0, v57;
	[tilespmem:s15+$0x13ED0] =	vst v3;
	v3 =	vadd.s32 v1, v58;
	v2 =	vmul.u32 $0x2710, v2  }
0x96: {  	v1 =	vadd.s32 v1, v63;
	[tilespmem:s15+$0x13DE0] =	vst v3  }
0x97: {  	[tilespmem:s15+$0x13EE0] =	vst v1;
	v3 =	vadd.s32 v0, v61;
	v1 =	vadd.s32 v2, v62  }
0x98: {  	[tilespmem:s15+$0x13DF0] =	vst v1;
	v1 =	vadd.s32 v2, v3  }
0x99: {  	s14 =	sshll.u32 s14, $0xE;
	s16 =	sadd.s32 $0x13D80, s15;
	s17 =	sadd.s32 $0x14080, s15;
	[tilespmem:s15+$0x13EF0] =	vst v1  }
0x9a: {  	[tilespmem:s17], [sflag:$0x2] =	stream.indirect.gather [hbm4b:s8+s30], $0x1, s16, s30, $0xb8;
	[tilespmem:$0x1D580] =	vst v63  }
0x9b: {  	p1 =	sgt.u32 s31, $0x4D;
	s14 =	sadd.s32 $0x14180, s14;
	s15 =	sadd.s32 $0x13E80, s15  }
0x9c: {  	[tilespmem:s14], [sflag:$0x3] =	stream.indirect.gather [hbm4b:s3+s30], $0x80, s15, s30, $0xb8;
	[tilespmem:$0x1D580] =	vst v63  }
0x9d: {  	s14 =	sshll.u32 @!p1 s31, $0x7  }
0x9e: {  	s14 =	sadd.s32 @!p1 s14, s18  }
0x9f: {  	s15 =	sshll.u32 @!p1 s13, $0x7;
	s14 =	sshrl.u32 @!p1 s14, $0x3  }
0xa0: {  	s31 =	simm.s32 @!p1 $0x0;
	s16 =	sadd.s32 @!p1 $0x13A80, s15;
	s17 =	sadd.s32 @!p1 s7, s14  }
0xa1: {  	[tilespmem:s16], [sflag:$0x1] =	stream.linear.gather @!p1 [hbm4b:s17+s31], $0x80, $0x38;
	[tilespmem:$0x1D580] =	vst v63  }
0xa2: {  	s16 =	sadd.s32 @!p1 $0x13C80, s15;
	s17 =	sadd.s32 @!p1 s6, s14  }
0xa3: {  	[tilespmem:s16], [sflag:$0x1] =	stream.linear.gather @!p1 [hbm4b:s17+s31], $0x80, $0x38;
	[tilespmem:$0x1D580] =	vst v63  }
0xa4: {  	s15 =	sadd.s32 @!p1 $0x13B80, s15;
	s14 =	sadd.s32 @!p1 s4, s14  }
0xa5: {  	[tilespmem:s15], [sflag:$0x1] =	stream.linear.gather @!p1 [hbm4b:s14+s31], $0x80, $0x38;
	[tilespmem:$0x1D580] =	vst v63  }
.LBB2_8:
0xa6: {  	s14 =	simm.s32 $0x0  }
0xa7: {  	_ =	swait.ge [sflag:s5], $0x80;
	s31 =	sshll.u32 s13, $0x7;
	v2 =	vmov s14  }
0xa8: {  	[sflag:s5] =	ssyncset.done $0x0;
	v1 =	vmov s31;
	v2 =	vand.u32 $0x7F, v2  }
0xa9: {  	s14 =	simm.s32 $0x1;
	[sflag:s5] =	ssyncadd.s32 $0xFFFFFF80;
	v2 =	vadd.s32 v1, v2  }
0xaa: {  	s14 =	simm.s32 @!p0 $0x0;
	_ =	swait.ge [sflag:s25], $0x4000;
	v2 =	vbroadcast v2, $0x0  }
0xab: {  	s14 =	sshll.u32 s14, $0xE;
	[sflag:s25] =	ssyncset.done $0x0  }
0xac: {  	s14 =	sadd.s32 $0x141C0, s14;
	[sflag:s25] =	ssyncadd.s32 $0xFFFFC000  }
0xad: {  	v6 =	vld [tilespmem:s14+$0x30]  }
0xae: {  	v9 =	vld [tilespmem:s14+$0x10]  }
0xaf: {  	v7 =	vld [tilespmem:s14+$0xFFFFFFC0]  }
0xb0: {  	v3 =	vld.idx.msk [tilespmem:v2+s0+$0x0], $0xffff  }
0xb1: {  	v12 =	vld [tilespmem:s14+$0xFFFFFFE0]  }
0xb2: {  	v4 =	vld [tilespmem:s14+$0x20]  }
0xb3: {  	v5 =	vld [tilespmem:s14+$0xFFFFFFD0]  }
0xb4: {  	v2 =	vld [tilespmem:s14+$0xFFFFFFF0]  }
0xb5: {  	v10 =	vmul.f32 v6, v3;
	v6 =	vld [tilespmem:s14+$0x0]  }
0xb6: {  	s17 =	sshll.u32 s13, $0xE;
	s15 =	simm.s32 $0x1;
	v8 =	vmul.f32 v7, v3  }
0xb7: {  	s16 =	simm.s32 $0x2;
	s13 =	sadd.s32 $0x14180, s17;
	v11 =	vmov s15;
	s15 =	smov.u32 s14;
	v7 =	vmul.f32 v12, v3;
	v9 =	vmul.f32 v9, v3  }
.LBB2_9:
0xb8: {  	p1 =	sne.s32 s16, $0x7F  }
0xb9: {  	v11 =	vand.u32 $0x7F, v11;
	v5 =	vmul.f32 v5, v3;
	v4 =	vmul.f32 v4, v3;
	[tilespmem:s14+$0x30] =	vst v10;
	s15 =	sadd.s32 $0x80, s15;
	s17 =	smov.u32 s16;
	s16 =	sadd.s32 $0x1, s16  }
0xba: {  	v10 =	vadd.s32 v1, v11;
	[tilespmem:s14+$0xFFFFFFC0] =	vst v8;
	v8 =	vmul.f32 v2, v3;
	v3 =	vmul.f32 v6, v3  }
0xbb: {  	v6 =	vbroadcast v10, $0x0;
	[tilespmem:s14+$0x10] =	vst v9  }
0xbc: {  	[tilespmem:s14+$0xFFFFFFE0] =	vst v7  }
0xbd: {  	v2 =	vld [tilespmem:s15+$0xFFFFFFF0];
	[tilespmem:s14+$0xFFFFFFF0] =	vst v8  }
0xbe: {  	v7 =	vld [tilespmem:s15+$0x30];
	[tilespmem:s14+$0x0] =	vst v3  }
0xbf: {  	v9 =	vld [tilespmem:s15+$0x10];
	[tilespmem:s14+$0x20] =	vst v4  }
0xc0: {  	v8 =	vld [tilespmem:s15+$0xFFFFFFC0];
	[tilespmem:s14+$0xFFFFFFD0] =	vst v5;
	s14 =	smov.u32 s15  }
0xc1: {  	v3 =	vld.idx.msk [tilespmem:v6+s0+$0x0], $0xffff  }
0xc2: {  	v12 =	vld [tilespmem:s15+$0xFFFFFFE0]  }
0xc3: {  	v4 =	vld [tilespmem:s15+$0x20]  }
.Ltmp4:
0xc4: {  	v5 =	vld [tilespmem:s15+$0xFFFFFFD0];
	(pc) =	sbr.rel @p1 .LBB2_9-.Ltmp4, $3  }
0xc5: {  	v6 =	vld [tilespmem:s15+$0x0];
	_ =	sdelay $0x1  }
0xc6: {  	v8 =	vmul.f32 v8, v3;
	v10 =	vmul.f32 v7, v3  }
0xc7: {  	v11 =	vmov s17;
	v9 =	vmul.f32 v9, v3;
	v7 =	vmul.f32 v12, v3  }
0xc8: {  	[tilespmem:s14+$0x30] =	vst v10;
	v58 =	vand.u32 $0x7F, v11  }
0xc9: {  	[tilespmem:s14+$0xFFFFFFC0] =	vst v8;
	v1 =	vadd.s32 v1, v58  }
0xca: {  	v2 =	vmul.f32 v2, v3;
	[tilespmem:s14+$0x10] =	vst v9;
	v1 =	vbroadcast v1, $0x0  }
0xcb: {  	s15 =	sadd.s32 $0x80, s15;
	[tilespmem:s14+$0xFFFFFFE0] =	vst v7;
	v6 =	vmul.f32 v6, v3  }
0xcc: {  	v4 =	vmul.f32 v4, v3;
	v3 =	vmul.f32 v5, v3;
	v7 =	vld [tilespmem:s15+$0xFFFFFFF0];
	[tilespmem:s14+$0xFFFFFFF0] =	vst v2  }
0xcd: {  	v2 =	vld [tilespmem:s15+$0x30];
	[tilespmem:s14+$0x0] =	vst v6  }
0xce: {  	v60 =	vld [tilespmem:s15+$0xFFFFFFC0];
	[tilespmem:s14+$0xFFFFFFD0] =	vst v3  }
0xcf: {  	v59 =	vld [tilespmem:s15+$0x10];
	[tilespmem:s14+$0x20] =	vst v4  }
0xd0: {  	v1 =	vld.idx.msk [tilespmem:v1+s0+$0x0], $0xffff;
	_ =	sdelay $0x2  }
0xd1: {  	v6 =	vld [tilespmem:s15+$0x0]  }
0xd2: {  	v3 =	vld [tilespmem:s15+$0xFFFFFFE0]  }
0xd3: {  	v2 =	vmul.f32 v2, v1  }
0xd4: {  	v61 =	vld [tilespmem:s15+$0x20];
	v4 =	vmul.f32 v60, v1  }
0xd5: {  	v62 =	vld [tilespmem:s15+$0xFFFFFFD0];
	v5 =	vmul.f32 v59, v1;
	[tilespmem:s15+$0x30] =	vst v2  }
0xd6: {  	v63 =	vmul.f32 v6, v1;
	[tilespmem:s15+$0xFFFFFFC0] =	vst v4  }
0xd7: {  	v2 =	vmul.f32 v3, v1;
	[tilespmem:s15+$0x10] =	vst v5  }
0xd8: {  	p1 =	sne.s32 s12, $0x50;
	v3 =	vmul.f32 v7, v1;
	[tilespmem:s15+$0x0] =	vst v63  }
.Ltmp5:
0xd9: {  	[tilespmem:s15+$0xFFFFFFE0] =	vst v2;
	v2 =	vmul.f32 v61, v1;
	(pc) =	sbr.rel @p1 .LBB2_4-.Ltmp5, $4  }
0xda: {  	[tilespmem:s15+$0xFFFFFFF0] =	vst v3;
	v1 =	vmul.f32 v62, v1  }
0xdb: {  	[tilespmem:s15+$0x20] =	vst v2  }
0xdc: {  	s17 =	sadd.s32 $0x13F80, s31;
	p0 =	por !p0, !p0;
	s31 =	smov.u32 s12;
	[tilespmem:s15+$0xFFFFFFD0] =	vst v1  }
0xdd: {  	[spmem:s1] =	stream.indirect.scatter.add.f32 [tilespmem:s13], [sflag:$0x4], $0x80, s17, s30, $0xb8;
	[tilespmem:$0x1D580] =	vst v63  }
0xde: {  	_ =	swait.ge [sflag:s26], $0x4000  }
0xdf: {  	[sflag:s26] =	ssyncset.done $0x0  }
0xe0: {  	[sflag:s26] =	ssyncadd.s32 $0xFFFFC000  }
0xe1: {  	_ =	swait.ge [sflag:s26], $0x4000  }
0xe2: {  	[sflag:s26] =	ssyncset.done $0x0  }
0xe3: {  	[sflag:s26] =	ssyncadd.s32 $0xFFFFC000  }
0xe4: {  	s12 =	simm.s32 $0x0;
	[bflag:$0x0] =	sbarrier.arrive $0xFFFF  }
.LBB2_12:
0xe5: {  	s13 =	smul.u32 $0x28, s12;
	_ =	sdelay $0x1  }
0xe6: {  	s13 =	sadd.s32 s11, s13  }
0xe7: {  	s14 =	sshll.u32 s13, $0x9  }
0xe8: {  	s14 =	sshra.s32 s14, $0x2  }
0xe9: {  	s14 =	sadd.s32 s14, s1  }
0xea: {  	[tilespmem:s23], [sflag:$0x5] =	stream.linear.gather [spmem:s14], $0x1400, $0x38;
	[tilespmem:$0x1D580] =	vst v63  }
0xeb: {  	_ =	swait.ge [sflag:s24], $0x1400  }
0xec: {  	[sflag:s24] =	ssyncset.done $0x0  }
0xed: {  	s14 =	simm.s32 $0x0;
	[sflag:s24] =	ssyncadd.s32 $0xFFFFEC00  }
0xee: {  	v3 =	vld [tilespmem:s14+$0x1C180]  }
0xef: {  	v5 =	vld [tilespmem:s14+$0x1C190]  }
0xf0: {  	v4 =	vld [tilespmem:s14+$0x1C1A0]  }
0xf1: {  	v2 =	vld [tilespmem:s14+$0x1C1B0]  }
0xf2: {  	v1 =	vld [tilespmem:s14+$0x1C1C0]  }
0xf3: {  	v6 =	vmax.f32 v3, $0.0e+00;
	v3 =	vld [tilespmem:s14+$0x1C1D0]  }
0xf4: {  	s15 =	simm.s32 $0x200;
	[tilespmem:s14+$0x1C180] =	vst v6;
	v6 =	vmax.f32 v5, $0.0e+00;
	v5 =	vld [tilespmem:s14+$0x1C1E0]  }
.LBB2_13:
0xf5: {  	s16 =	sshra.s32 s15, $0x2;
	p0 =	sne.s32 s15, $0x4E00;
	[tilespmem:s14+$0x1C190] =	vst v6;
	v4 =	vmax.f32 v4, $0.0e+00;
	v6 =	vld [tilespmem:s14+$0x1C1F0]  }
0xf6: {  	v7 =	vld [tilespmem:s16+$0x1C180];
	[tilespmem:s14+$0x1C1A0] =	vst v4;
	v2 =	vmax.f32 v2, $0.0e+00  }
0xf7: {  	v8 =	vld [tilespmem:s16+$0x1C190];
	[tilespmem:s14+$0x1C1B0] =	vst v2;
	v1 =	vmax.f32 v1, $0.0e+00  }
.Ltmp6:
0xf8: {  	v4 =	vld [tilespmem:s16+$0x1C1A0];
	[tilespmem:s14+$0x1C1C0] =	vst v1;
	v1 =	vmax.f32 v3, $0.0e+00;
	(pc) =	sbr.rel @p0 .LBB2_13-.Ltmp6, $4  }
0xf9: {  	v2 =	vld [tilespmem:s16+$0x1C1B0];
	[tilespmem:s14+$0x1C1D0] =	vst v1;
	v3 =	vmax.f32 v5, $0.0e+00  }
0xfa: {  	v1 =	vld [tilespmem:s16+$0x1C1C0];
	[tilespmem:s14+$0x1C1E0] =	vst v3;
	v5 =	vmax.f32 v6, $0.0e+00  }
0xfb: {  	v6 =	vmax.f32 v7, $0.0e+00;
	v3 =	vld [tilespmem:s16+$0x1C1D0];
	[tilespmem:s14+$0x1C1F0] =	vst v5;
	s14 =	smov.u32 s16  }
0xfc: {  	s15 =	sadd.s32 $0x200, s15;
	[tilespmem:s14+$0x1C180] =	vst v6;
	v6 =	vmax.f32 v8, $0.0e+00;
	v5 =	vld [tilespmem:s14+$0x1C1E0]  }
0xfd: {  	[tilespmem:s14+$0x1C190] =	vst v6;
	v4 =	vmax.f32 v4, $0.0e+00;
	v63 =	vld [tilespmem:s14+$0x1C1F0]  }
0xfe: {  	[tilespmem:s14+$0x1C1A0] =	vst v4;
	v2 =	vmax.f32 v2, $0.0e+00  }
0xff: {  	[tilespmem:s14+$0x1C1B0] =	vst v2;
	v1 =	vmax.f32 v1, $0.0e+00  }
0x100: {  	[tilespmem:s14+$0x1C1C0] =	vst v1;
	v1 =	vmax.f32 v3, $0.0e+00  }
0x101: {  	s13 =	sadd.s32 s19, s13;
	s12 =	sadd.s32 $0x1, s12;
	[tilespmem:s14+$0x1C1D0] =	vst v1;
	v1 =	vmax.f32 v5, $0.0e+00  }
0x102: {  	s13 =	sshll.u32 s13, $0x4;
	p0 =	sne.s32 s12, s10;
	[tilespmem:s14+$0x1C1E0] =	vst v1;
	v1 =	vmax.f32 v63, $0.0e+00  }
.Ltmp7:
0x103: {  	s13 =	sadd.s32 s9, s13;
	[tilespmem:s14+$0x1C1F0] =	vst v1;
	(pc) =	sbr.rel @p0 .LBB2_12-.Ltmp7, $4  }
0x104: {  	[hbm4b:s13+s2] =	stream.linear.scatter [tilespmem:s23], [sflag:$0x5], $0x1400, $0x38;
	[tilespmem:$0x1D580] =	vst v63  }
0x105: {  	_ =	swait.ge [sflag:s24], $0x1400  }
0x106: {  	[sflag:s24] =	ssyncset.done $0x0  }
0x107: {  	[sflag:s24] =	ssyncadd.s32 $0xFFFFEC00  }
0x108: {  	s28 =	sadd.s32 $0x1, s28  }
0x109: {  	p0 =	sne.s32 s28, s20  }
.Ltmp8:
0x10a: {  	_ = 	snop;
	(pc) =	sbr.rel @p0 .LBB2_1-.Ltmp8, $1  }
0x10b: {  	_ =	sdelay $0x3  }
0x10c: {  	_ =	sfence.sel $0x180000  }
0x10d: {  	[bflag:$0x0] =	sbarrier.arrive $0xFFFF  }
0x10e: {  	_ =	strace $0x9000004A  }
0x10f: {  	s0 =	stileid.u32;
	[bflag:$0x2] =	sbarrier.arrive $0xFFFF  }
0x110: {  	p0 =	sne.s32 s0, $0x0;
	s0 =	rddreg [dreg:$0x2]  }
0x111: {  	s0 =	sadd.s32 @!p0 $0x100000, s0  }
0x112: {  	[sflag:s0] =	ssyncadd.tile.s32 @!p0 $0x1;
	_ =	shalt  }
.Lfunc_end2:
_tile_overlayer_lowered:
.L_overlay_start_2:
0x113: {  	(tag) =	ssettag $0x2  }
0x114: {  	s0 =	rddreg [dreg:$0x0];
	s2 =	stileid.u32  }
0x115: {  	s1 =	rddreg [dreg:$0x1];
	p0 =	sne.s32 s2, $0x0  }
0x116: {  	s3 =	rddreg [dreg:$0x2];
	[bflag:$0x3] =	sbarrier.arrive $0xFFFF;
	s2 =	simm.s32 @!p0 $0x1C05  }
0x117: {  	[timem:s3], [sflag:s2] =	dma.local @!p0 [hbm:s0], s1  }
0x118: {  	s0 =	simm.s32 @!p0 $0x5  }
0x119: {  	_ =	swait.ge @!p0 [sflag:s0], s1  }
0x11a: {  	s1 =	ssub.s32 @!p0 $0x0, s1;
	[sflag:s0] =	ssyncset.done @!p0 $0x0  }
0x11b: {  	[sflag:s0] =	ssyncadd.s32 @!p0 s1  }
0x11c: {  	[bflag:$0x3] =	sbarrier.arrive $0xFFFF  }
0x11d: {  	_ =	shalt  }

</sc_bundles>
